<compile_context>
chip_gen: v7x
topology: tpu7x:2x2x1
jax: 0.10.2.dev20260603
libtpu: 0.0.44.dev20260713+nightly
codegen_flags: <defaults>
</compile_context>

<pallas_src>
import functools

import jax
import jax.numpy as jnp
from jax import lax
from jax.experimental import pallas as pl
from jax.experimental.pallas import tpu as pltpu
from jax.experimental.pallas import tpu_sc as plsc

D = 128
NC = 2
NS = 16
CHUNK = 128

_MESH = plsc.VectorSubcoreMesh(
    core_axis_name="c", subcore_axis_name="s", num_cores=NC, num_subcores=NS
)

_F_CORE0 = 0.85



@functools.lru_cache(maxsize=None)
def _make_deg_kernel(chunks_per_tile: int, n_pad: int):
    rows_per_tile = n_pad // NS

    @functools.partial(
        pl.kernel,
        out_type=jax.ShapeDtypeStruct((NC, n_pad, D), jnp.float32),
        mesh=_MESH,
        scratch_types=[
            pltpu.VMEM((8, CHUNK), jnp.int32),
            pltpu.VMEM((8, CHUNK), jnp.int32),
            pltpu.VMEM((CHUNK, D), jnp.float32),
            pltpu.VMEM((CHUNK, D), jnp.float32),
            pltpu.VMEM_SHARED((n_pad, D), jnp.float32),
            pltpu.SemaphoreType.DMA,
        ],
    )
    def deg_kernel(src_hbm, dst_hbm, e0_hbm, e1_hbm, zeros_hbm, out_hbm,
                   src_v, dst_v, e0_v, e1_v, acc, ssem):
        c = lax.axis_index("c")
        s = lax.axis_index("s")
        base = (c * NS + s) * chunks_per_tile
        pltpu.sync_copy(e0_hbm, e0_v)
        pltpu.sync_copy(e1_hbm, e1_v)
        r0 = s * rows_per_tile
        pltpu.sync_copy(zeros_hbm.at[pl.ds(r0, rows_per_tile)],
                        acc.at[pl.ds(r0, rows_per_tile)])
        plsc.subcore_barrier()

        @pl.loop(0, chunks_per_tile // 8)
        def _(g):
            pltpu.sync_copy(src_hbm.at[pl.ds(base + g * 8, 8)], src_v)
            pltpu.sync_copy(dst_hbm.at[pl.ds(base + g * 8, 8)], dst_v)
            descs = []
            for j in range(8):
                descs.append(
                    pltpu.async_copy(e0_v, acc.at[src_v.at[j]], ssem, add=True))
                descs.append(
                    pltpu.async_copy(e1_v, acc.at[dst_v.at[j]], ssem, add=True))
            for d in descs:
                d.wait()

        plsc.subcore_barrier()
        pltpu.sync_copy(acc.at[pl.ds(r0, rows_per_tile)],
                        out_hbm.at[c, pl.ds(r0, rows_per_tile)])

    return deg_kernel


@functools.lru_cache(maxsize=None)
def _make_edge_kernel(cpt0: int, cpt1: int, n_pad: int):
    rows_per_tile = n_pad // NS
    group = 8

    @functools.partial(
        pl.kernel,
        out_type=jax.ShapeDtypeStruct((NC, n_pad, D), jnp.float32),
        mesh=_MESH,
        scratch_types=[
            pltpu.VMEM((group, CHUNK), jnp.int32),
            pltpu.VMEM((group, CHUNK), jnp.int32),
            pltpu.VMEM((CHUNK, D), jnp.float32),
            pltpu.VMEM((CHUNK, D), jnp.float32),
            pltpu.VMEM_SHARED((n_pad, D), jnp.float32),
            pltpu.SemaphoreType.DMA,
            pltpu.SemaphoreType.DMA,
            pltpu.SemaphoreType.DMA,
            pltpu.SemaphoreType.DMA,
        ],
    )
    def edge_kernel(hws_hbm, src_hbm, dst_hbm, zeros_hbm, out_hbm,
                    sidx, didx, rows_a, rows_b, acc, ga, gb, sa, sb):
        c = lax.axis_index("c")
        s = lax.axis_index("s")
        base = jnp.where(c == 0, s * cpt0, NS * cpt0 + s * cpt1)
        n_groups = jnp.where(c == 0, cpt0 // group, cpt1 // group)
        r0 = s * rows_per_tile
        pltpu.sync_copy(zeros_hbm.at[pl.ds(r0, rows_per_tile)],
                        acc.at[pl.ds(r0, rows_per_tile)])
        plsc.subcore_barrier()

        bufs = (rows_a, rows_b)
        gsems = (ga, gb)
        ssems = (sa, sb)

        @pl.loop(0, n_groups)
        def _(g):
            pltpu.sync_copy(src_hbm.at[pl.ds(base + g * group, group)], sidx)
            pltpu.sync_copy(dst_hbm.at[pl.ds(base + g * group, group)], didx)
            gd = [None, None]
            sd = [None, None]
            gd[0] = pltpu.async_copy(hws_hbm.at[sidx.at[0]], rows_a, ga)
            for j in range(group):
                p = j & 1
                o = 1 - p
                gd[p].wait()
                sd[p] = pltpu.async_copy(
                    bufs[p], acc.at[didx.at[j]], ssems[p], add=True)
                if j + 1 < group:
                    if sd[o] is not None:
                        sd[o].wait()
                    gd[o] = pltpu.async_copy(
                        hws_hbm.at[sidx.at[j + 1]], bufs[o], gsems[o])
            sd[0].wait()
            sd[1].wait()

        plsc.subcore_barrier()
        pltpu.sync_copy(acc.at[pl.ds(r0, rows_per_tile)],
                        out_hbm.at[c, pl.ds(r0, rows_per_tile)])

    return edge_kernel



def _norm_col(parts, which):
    deg = parts[0] + parts[1]
    d = deg[:, which:which + 1]
    return jnp.where(d > 0, lax.rsqrt(jnp.maximum(d, 1.0)), 0.0)


def _stage_first_body(x_ref, w_ref, parts_ref, o_ref):
    ns = _norm_col(parts_ref[...], 0)
    xw = jnp.dot(x_ref[...], w_ref[...], preferred_element_type=jnp.float32,
                 precision=lax.Precision.HIGHEST)
    o_ref[...] = xw * ns


def _stage_mid_body(p_ref, parts_ref, b_ref, w_ref, o_ref):
    parts = parts_ref[...]
    nd = _norm_col(parts, 1)
    ns = _norm_col(parts, 0)
    agg = p_ref[0] + p_ref[1]
    h = jnp.maximum(agg * nd + b_ref[...], 0.0)
    hw = jnp.dot(h, w_ref[...], preferred_element_type=jnp.float32,
                 precision=lax.Precision.HIGHEST)
    o_ref[...] = hw * ns


def _stage_final_body(p_ref, parts_ref, b_ref, o_ref):
    nd = _norm_col(parts_ref[...], 1)
    agg = p_ref[0] + p_ref[1]
    o_ref[...] = agg * nd + b_ref[...]


@functools.lru_cache(maxsize=None)
def _make_tc_kernels(n_pad: int):
    f32 = jnp.float32
    grid = 8
    blk = n_pad // grid
    out = jax.ShapeDtypeStruct((n_pad, D), f32)
    x_spec = pl.BlockSpec((blk, D), lambda i: (i, 0))
    p_spec = pl.BlockSpec((2, blk, D), lambda i: (0, i, 0))
    parts_spec = pl.BlockSpec((2, blk, D), lambda i: (0, i, 0))
    w_spec = pl.BlockSpec((D, D), lambda i: (0, 0))
    b_spec = pl.BlockSpec((1, D), lambda i: (0, 0))
    o_spec = pl.BlockSpec((blk, D), lambda i: (i, 0))
    first = pl.pallas_call(
        _stage_first_body, grid=(grid,), out_shape=out,
        in_specs=[x_spec, w_spec, parts_spec], out_specs=o_spec)
    mid = pl.pallas_call(
        _stage_mid_body, grid=(grid,), out_shape=out,
        in_specs=[p_spec, parts_spec, b_spec, w_spec], out_specs=o_spec)
    final = pl.pallas_call(
        _stage_final_body, grid=(grid,), out_shape=out,
        in_specs=[p_spec, parts_spec, b_spec], out_specs=o_spec)
    return first, mid, final



def kernel(x, edge_index, W1, b1, W2, b2, W3, b3):
    n = x.shape[0]
    e = edge_index.shape[1]
    n_classes = W3.shape[1]
    tiles = NC * NS
    total_cpt = -(-e // (NS * CHUNK * 16)) * 16
    e_pad = NS * total_cpt * CHUNK
    cpt0 = (int(total_cpt * _F_CORE0) // 8) * 8
    cpt1 = total_cpt - cpt0
    n_pad = -(-(n + 1) // (NS * 8)) * NS * 8

    src = edge_index[0].astype(jnp.int32)
    dst = edge_index[1].astype(jnp.int32)
    fill = jnp.full((e_pad - e,), n, dtype=jnp.int32)
    src2d = jnp.concatenate([src, fill]).reshape(-1, CHUNK)
    dst2d = jnp.concatenate([dst, fill]).reshape(-1, CHUNK)

    x_p = jnp.zeros((n_pad, D), jnp.float32).at[:n, : x.shape[1]].set(x)
    zeros_d = jnp.zeros((n_pad, D), jnp.float32)
    lane = lax.broadcasted_iota(jnp.int32, (CHUNK, D), 1)
    e0 = (lane == 0).astype(jnp.float32)
    e1 = (lane == 1).astype(jnp.float32)
    W3p = jnp.zeros((D, D), jnp.float32).at[: W3.shape[0], :n_classes].set(W3)
    b3p = jnp.zeros((D,), jnp.float32).at[:n_classes].set(b3)

    deg = _make_deg_kernel(total_cpt // 2, n_pad)(src2d, dst2d, e0, e1, zeros_d)
    edge = _make_edge_kernel(cpt0, cpt1, n_pad)
    first, mid, final = _make_tc_kernels(n_pad)

    hws1 = first(x_p, W1, deg)
    p1 = edge(hws1, src2d, dst2d, zeros_d)
    hws2 = mid(p1, deg, b1.reshape(1, D), W2)
    p2 = edge(hws2, src2d, dst2d, zeros_d)
    hws3 = mid(p2, deg, b2.reshape(1, D), W3p)
    p3 = edge(hws3, src2d, dst2d, zeros_d)
    out = final(p3, deg, b3p.reshape(1, D))
    return out[:n, :n_classes]

# --- scband reference (transcript-rebuilt; emitter-appended) ---
"""Pipeline reference for scband-gcn-32607391711820 (READ-ONLY COPY).

The authoritative reference and input builder live on the scoring server;
editing this copy changes nothing except your own understanding.
"""

import jax, jax.numpy as jnp
import numpy as np

N_NODES = 10000
N_EDGES = 320000
D_IN = 128
D_HID = 128
N_CLASSES = 47


def setup_inputs(seed: int = 0) -> dict:
    key = jax.random.key(seed)
    ks = jax.random.split(key, 10)
    x = jax.random.normal(ks[0], (N_NODES, D_IN), dtype=jnp.float32)
    edge_index = jax.random.randint(ks[1], (2, N_EDGES), 0, N_NODES)
    W1 = jax.random.normal(ks[2], (D_IN, D_HID), dtype=jnp.float32) * (1.0 / np.sqrt(D_IN))
    b1 = jnp.zeros((D_HID,), dtype=jnp.float32)
    W2 = jax.random.normal(ks[3], (D_HID, D_HID), dtype=jnp.float32) * (1.0 / np.sqrt(D_HID))
    b2 = jnp.zeros((D_HID,), dtype=jnp.float32)
    W3 = jax.random.normal(ks[4], (D_HID, N_CLASSES), dtype=jnp.float32) * (1.0 / np.sqrt(D_HID))
    b3 = jnp.zeros((N_CLASSES,), dtype=jnp.float32)
    return {"x": x, "edge_index": edge_index, "W1": W1, "b1": b1, "W2": W2, "b2": b2, "W3": W3, "b3": b3}


def reference(x, edge_index, W1, b1, W2, b2, W3, b3):
    # 3-layer GCN; each DGL GraphConv uses symmetric normalization:
    #   H' = D_dst^{-1/2} A D_src^{-1/2} H W + b
    # Dropout is identity in eval mode.
    N = x.shape[0]
    src = edge_index[0]
    dst = edge_index[1]
    ones = jnp.ones((src.shape[0],), dtype=jnp.float32)
    deg_out = jax.ops.segment_sum(ones, src, num_segments=N)
    deg_in = jax.ops.segment_sum(ones, dst, num_segments=N)
    norm_src = jnp.where(deg_out > 0, jax.lax.rsqrt(jnp.maximum(deg_out, 1.0)), 0.0)
    norm_dst = jnp.where(deg_in > 0, jax.lax.rsqrt(jnp.maximum(deg_in, 1.0)), 0.0)
    ns_e = norm_src[src]
    nd_n = norm_dst[:, None]

    def graph_conv(h, W, b):
        h = h @ W
        m = h[src] * ns_e[:, None]
        agg = jax.ops.segment_sum(m, dst, num_segments=N)
        return agg * nd_n + b

    h = jax.nn.relu(graph_conv(x, W1, b1))
    h = jax.nn.relu(graph_conv(h, W2, b2))
    h = graph_conv(h, W3, b3)
    return h

if __name__ == "__main__":
    import jax
    _d = setup_inputs()
    print(jax.jit(kernel)(*tuple(_d.values())))

</pallas_src>

<mosaic_0001>
#map = affine_map<(d0, d1) -> (0, 0)>
#map1 = affine_map<(d0, d1) -> (0, 0, 0)>
module attributes {stable_mosaic.version = 14 : i64} {
  func.func @edge_kernel(%arg0: i32, %arg1: i32, %arg2: memref<10112x128xf32, #tpu.memory_space<hbm>>, %arg3: memref<2560x128xi32, #tpu.memory_space<hbm>>, %arg4: memref<2560x128xi32, #tpu.memory_space<hbm>>, %arg5: memref<10112x128xf32, #tpu.memory_space<hbm>>, %arg6: memref<2x10112x128xf32, #tpu.memory_space<hbm>>, %arg7: memref<8x128xi32, #tpu.memory_space<vmem>>, %arg8: memref<8x128xi32, #tpu.memory_space<vmem>>, %arg9: memref<128x128xf32, #tpu.memory_space<vmem>>, %arg10: memref<128x128xf32, #tpu.memory_space<vmem>>, %arg11: memref<10112x128xf32, #tpu.memory_space<vmem_shared>>, %arg12: memref<!tpu.dma_semaphore, #tpu.memory_space<semaphore_mem>>, %arg13: memref<!tpu.dma_semaphore, #tpu.memory_space<semaphore_mem>>, %arg14: memref<!tpu.dma_semaphore, #tpu.memory_space<semaphore_mem>>, %arg15: memref<!tpu.dma_semaphore, #tpu.memory_space<semaphore_mem>>) attributes {dimension_semantics = [#tpu.dimension_semantics<core_parallel>, #tpu.dimension_semantics<subcore_parallel>], iteration_bounds = array<i64: 2, 16>, scalar_prefetch = 0 : i64, scratch_operands = 9 : i64, tpu.core_type = #tpu.core_type<sc_vector_subcore>, window_params = [{transform_indices = #map}, {transform_indices = #map}, {transform_indices = #map}, {transform_indices = #map}, {transform_indices = #map1}]} {
    %eq3A = arith.constant 0 : i32
    %eq3A_0 = arith.cmpi eq, %arg0, %eq3A : i32
    %mul3A = arith.constant 136 : i32
    %mul3A_1 = arith.muli %arg1, %mul3A : i32
    %mul3A_2 = arith.constant 24 : i32
    %mul3A_3 = arith.muli %arg1, %mul3A_2 : i32
    %add3A = arith.constant 2176 : i32
    %add3A_4 = arith.addi %add3A, %mul3A_3 : i32
    %select_n3A = arith.select %eq3A_0, %mul3A_1, %add3A_4 : i32
    %eq3A_5 = arith.constant 0 : i32
    %eq3A_6 = arith.cmpi eq, %arg0, %eq3A_5 : i32
    %jit3A = arith.constant 17 : i32
    %jit3A_7 = arith.constant 3 : i32
    %select_n3A_8 = arith.select %eq3A_6, %jit3A, %jit3A_7 : i32
    %mul3A_9 = arith.constant 632 : i32
    %mul3A_10 = arith.muli %arg1, %mul3A_9 : i32
    "tpu.region"() ({
      %run_scoped3A = tpu.sem_alloc : memref<!tpu.dma_semaphore, #tpu.memory_space<semaphore_mem>>
      %dma_start3A = arith.constant 0 : i32
      %dma_start3A_28 = tpu.memref_slice %arg11[%mul3A_10, %dma_start3A] : memref<10112x128xf32, #tpu.memory_space<vmem_shared>> -> memref<632x128xf32, #tpu.memory_space<vmem_shared>>
      %dma_start3A_29 = arith.constant 0 : i32
      %dma_start3A_30 = tpu.memref_slice %arg5[%mul3A_10, %dma_start3A_29] : memref<10112x128xf32, #tpu.memory_space<hbm>> -> memref<632x128xf32, #tpu.memory_space<hbm>>
      tpu.enqueue_dma source(%dma_start3A_30 : memref<632x128xf32, #tpu.memory_space<hbm>>) target(%dma_start3A_28 : memref<632x128xf32, #tpu.memory_space<vmem_shared>>) target_semaphore(%run_scoped3A : memref<!tpu.dma_semaphore, #tpu.memory_space<semaphore_mem>>)
      %dma_wait3A = arith.constant 0 : i32
      %dma_wait3A_31 = tpu.memref_slice %arg11[%mul3A_10, %dma_wait3A] : memref<10112x128xf32, #tpu.memory_space<vmem_shared>> -> memref<632x128xf32, #tpu.memory_space<vmem_shared>>
      %dma_wait3A_32 = arith.constant 0 : i32
      %dma_wait3A_33 = tpu.memref_slice %arg5[%mul3A_10, %dma_wait3A_32] : memref<10112x128xf32, #tpu.memory_space<hbm>> -> memref<632x128xf32, #tpu.memory_space<hbm>>
      tpu.wait_dma2 semaphore(%run_scoped3A : memref<!tpu.dma_semaphore, #tpu.memory_space<semaphore_mem>>) src(%dma_wait3A_33 : memref<632x128xf32, #tpu.memory_space<hbm>>) dst(%dma_wait3A_31 : memref<632x128xf32, #tpu.memory_space<vmem_shared>>)
      tpu.yield
    }) : () -> ()
    %barrier3A = arith.constant 0 : index
    tpu.barrier barrier_id(%barrier3A)
    %sub3A = arith.constant 0 : i32
    %sub3A_11 = arith.subi %select_n3A_8, %sub3A : i32
    %sub3A_12 = arith.constant 1 : i32
    %sub3A_13 = arith.constant 1 : i32
    %sub3A_14 = arith.subi %sub3A_12, %sub3A_13 : i32
    %add3A_15 = arith.addi %sub3A_11, %sub3A_14 : i32
    %div3A = arith.constant 1 : i32
    %div3A_16 = arith.divsi %add3A_15, %div3A : i32
    %while3A = arith.constant 1 : i32
    %while3A_17 = arith.constant 0 : i32
    %while3A_18 = arith.constant 0 : i32
    %while3A_19 = arith.subi %div3A_16, %while3A_18 : i32
    %while3A_20 = arith.addi %while3A_18, %while3A_19 : i32
    %while3A_21 = arith.constant 1 : i32
    %while3A_22 = arith.divsi %while3A_19, %while3A_21 : i32
    %while3A_23 = arith.muli %while3A_22, %while3A_21 : i32
    %while3A_24 = arith.addi %while3A_18, %while3A_23 : i32
    %while3A_25 = arith.constant 1 : i32
    scf.for %while3A_28 = %while3A_18 to %while3A_24 step %while3A_25  : i32 {
      %mul3A_29 = arith.muli %while3A_28, %while3A : i32
      %add3A_30 = arith.addi %while3A_17, %mul3A_29 : i32
      %mul3A_31 = arith.constant 8 : i32
      %mul3A_32 = arith.muli %add3A_30, %mul3A_31 : i32
      %add3A_33 = arith.addi %select_n3A, %mul3A_32 : i32
      "tpu.region"() ({
        %run_scoped3A = tpu.sem_alloc : memref<!tpu.dma_semaphore, #tpu.memory_space<semaphore_mem>>
        %dma_start3A_259 = arith.constant 0 : i32
        %dma_start3A_260 = tpu.memref_slice %arg3[%add3A_33, %dma_start3A_259] : memref<2560x128xi32, #tpu.memory_space<hbm>> -> memref<8x128xi32, #tpu.memory_space<hbm>>
        %dma_start3A_261 = arith.constant 0 : i32
        %dma_start3A_262 = tpu.memref_slice %arg3[%add3A_33, %dma_start3A_261] : memref<2560x128xi32, #tpu.memory_space<hbm>> -> memref<8x128xi32, #tpu.memory_space<hbm>>
        tpu.enqueue_dma source(%dma_start3A_262 : memref<8x128xi32, #tpu.memory_space<hbm>>) target(%arg7 : memref<8x128xi32, #tpu.memory_space<vmem>>) target_semaphore(%run_scoped3A : memref<!tpu.dma_semaphore, #tpu.memory_space<semaphore_mem>>)
        %dma_wait3A_263 = arith.constant 0 : i32
        %dma_wait3A_264 = tpu.memref_slice %arg3[%add3A_33, %dma_wait3A_263] : memref<2560x128xi32, #tpu.memory_space<hbm>> -> memref<8x128xi32, #tpu.memory_space<hbm>>
        %dma_wait3A_265 = arith.constant 0 : i32
        %dma_wait3A_266 = tpu.memref_slice %arg3[%add3A_33, %dma_wait3A_265] : memref<2560x128xi32, #tpu.memory_space<hbm>> -> memref<8x128xi32, #tpu.memory_space<hbm>>
        tpu.wait_dma2 semaphore(%run_scoped3A : memref<!tpu.dma_semaphore, #tpu.memory_space<semaphore_mem>>) src(%dma_wait3A_266 : memref<8x128xi32, #tpu.memory_space<hbm>>) dst(%arg7 : memref<8x128xi32, #tpu.memory_space<vmem>>)
        tpu.yield
      }) : () -> ()
      %mul3A_34 = arith.constant 8 : i32
      %mul3A_35 = arith.muli %add3A_30, %mul3A_34 : i32
      %add3A_36 = arith.addi %select_n3A, %mul3A_35 : i32
      "tpu.region"() ({
        %run_scoped3A = tpu.sem_alloc : memref<!tpu.dma_semaphore, #tpu.memory_space<semaphore_mem>>
        %dma_start3A_259 = arith.constant 0 : i32
        %dma_start3A_260 = tpu.memref_slice %arg4[%add3A_36, %dma_start3A_259] : memref<2560x128xi32, #tpu.memory_space<hbm>> -> memref<8x128xi32, #tpu.memory_space<hbm>>
        %dma_start3A_261 = arith.constant 0 : i32
        %dma_start3A_262 = tpu.memref_slice %arg4[%add3A_36, %dma_start3A_261] : memref<2560x128xi32, #tpu.memory_space<hbm>> -> memref<8x128xi32, #tpu.memory_space<hbm>>
        tpu.enqueue_dma source(%dma_start3A_262 : memref<8x128xi32, #tpu.memory_space<hbm>>) target(%arg8 : memref<8x128xi32, #tpu.memory_space<vmem>>) target_semaphore(%run_scoped3A : memref<!tpu.dma_semaphore, #tpu.memory_space<semaphore_mem>>)
        %dma_wait3A_263 = arith.constant 0 : i32
        %dma_wait3A_264 = tpu.memref_slice %arg4[%add3A_36, %dma_wait3A_263] : memref<2560x128xi32, #tpu.memory_space<hbm>> -> memref<8x128xi32, #tpu.memory_space<hbm>>
        %dma_wait3A_265 = arith.constant 0 : i32
        %dma_wait3A_266 = tpu.memref_slice %arg4[%add3A_36, %dma_wait3A_265] : memref<2560x128xi32, #tpu.memory_space<hbm>> -> memref<8x128xi32, #tpu.memory_space<hbm>>
        tpu.wait_dma2 semaphore(%run_scoped3A : memref<!tpu.dma_semaphore, #tpu.memory_space<semaphore_mem>>) src(%dma_wait3A_266 : memref<8x128xi32, #tpu.memory_space<hbm>>) dst(%arg8 : memref<8x128xi32, #tpu.memory_space<vmem>>)
        tpu.yield
      }) : () -> ()
      %dma_start3A = arith.constant 0 : i32
      %dma_start3A_37 = arith.constant 0 : i32
      %dma_start3A_38 = tpu.memref_slice %arg7[%dma_start3A, %dma_start3A_37] : memref<8x128xi32, #tpu.memory_space<vmem>> -> memref<1x128xi32, #tpu.memory_space<vmem>>
      %dma_start3A_39 = tpu.memref_squeeze %dma_start3A_38 : memref<1x128xi32, #tpu.memory_space<vmem>> -> memref<128xi32, #tpu.memory_space<vmem>>
      %dma_start3A_40 = arith.constant 0 : i32
      %dma_start3A_41 = arith.constant 0 : i32
      %dma_start3A_42 = tpu.memref_slice %arg2[%dma_start3A_40, %dma_start3A_41] : memref<10112x128xf32, #tpu.memory_space<hbm>> -> memref<10112x128xf32, #tpu.memory_space<hbm>>
      tpu.enqueue_indirect_dma source(%dma_start3A_42 : memref<10112x128xf32, #tpu.memory_space<hbm>>) target(%arg9 : memref<128x128xf32, #tpu.memory_space<vmem>>) offsets(%dma_start3A_39 : memref<128xi32, #tpu.memory_space<vmem>>) semaphore(%arg12 : memref<!tpu.dma_semaphore, #tpu.memory_space<semaphore_mem>>)
      %dma_wait3A = arith.constant 0 : i32
      %dma_wait3A_43 = arith.constant 0 : i32
      %dma_wait3A_44 = tpu.memref_slice %arg7[%dma_wait3A, %dma_wait3A_43] : memref<8x128xi32, #tpu.memory_space<vmem>> -> memref<1x128xi32, #tpu.memory_space<vmem>>
      %dma_wait3A_45 = tpu.memref_squeeze %dma_wait3A_44 : memref<1x128xi32, #tpu.memory_space<vmem>> -> memref<128xi32, #tpu.memory_space<vmem>>
      %dma_wait3A_46 = arith.constant 0 : i32
      %dma_wait3A_47 = arith.constant 0 : i32
      %dma_wait3A_48 = tpu.memref_slice %arg2[%dma_wait3A_46, %dma_wait3A_47] : memref<10112x128xf32, #tpu.memory_space<hbm>> -> memref<10112x128xf32, #tpu.memory_space<hbm>>
      tpu.wait_indirect_dma semaphore(%arg12 : memref<!tpu.dma_semaphore, #tpu.memory_space<semaphore_mem>>) src(%dma_wait3A_48 : memref<10112x128xf32, #tpu.memory_space<hbm>>) dst(%arg9 : memref<128x128xf32, #tpu.memory_space<vmem>>)
      %dma_start3A_49 = arith.constant 0 : i32
      %dma_start3A_50 = arith.constant 0 : i32
      %dma_start3A_51 = tpu.memref_slice %arg8[%dma_start3A_49, %dma_start3A_50] : memref<8x128xi32, #tpu.memory_space<vmem>> -> memref<1x128xi32, #tpu.memory_space<vmem>>
      %dma_start3A_52 = tpu.memref_squeeze %dma_start3A_51 : memref<1x128xi32, #tpu.memory_space<vmem>> -> memref<128xi32, #tpu.memory_space<vmem>>
      %dma_start3A_53 = arith.constant 0 : i32
      %dma_start3A_54 = arith.constant 0 : i32
      %dma_start3A_55 = tpu.memref_slice %arg11[%dma_start3A_53, %dma_start3A_54] : memref<10112x128xf32, #tpu.memory_space<vmem_shared>> -> memref<10112x128xf32, #tpu.memory_space<vmem_shared>>
      tpu.enqueue_indirect_dma source(%arg9 : memref<128x128xf32, #tpu.memory_space<vmem>>) target(%dma_start3A_55 : memref<10112x128xf32, #tpu.memory_space<vmem_shared>>) offsets(%dma_start3A_52 : memref<128xi32, #tpu.memory_space<vmem>>) semaphore(%arg14 : memref<!tpu.dma_semaphore, #tpu.memory_space<semaphore_mem>>) {add = true}
      %dma_start3A_56 = arith.constant 1 : i32
      %dma_start3A_57 = arith.constant 0 : i32
      %dma_start3A_58 = tpu.memref_slice %arg7[%dma_start3A_56, %dma_start3A_57] : memref<8x128xi32, #tpu.memory_space<vmem>> -> memref<1x128xi32, #tpu.memory_space<vmem>>
      %dma_start3A_59 = tpu.memref_squeeze %dma_start3A_58 : memref<1x128xi32, #tpu.memory_space<vmem>> -> memref<128xi32, #tpu.memory_space<vmem>>
      %dma_start3A_60 = arith.constant 0 : i32
      %dma_start3A_61 = arith.constant 0 : i32
      %dma_start3A_62 = tpu.memref_slice %arg2[%dma_start3A_60, %dma_start3A_61] : memref<10112x128xf32, #tpu.memory_space<hbm>> -> memref<10112x128xf32, #tpu.memory_space<hbm>>
      tpu.enqueue_indirect_dma source(%dma_start3A_62 : memref<10112x128xf32, #tpu.memory_space<hbm>>) target(%arg10 : memref<128x128xf32, #tpu.memory_space<vmem>>) offsets(%dma_start3A_59 : memref<128xi32, #tpu.memory_space<vmem>>) semaphore(%arg13 : memref<!tpu.dma_semaphore, #tpu.memory_space<semaphore_mem>>)
      %dma_wait3A_63 = arith.constant 1 : i32
      %dma_wait3A_64 = arith.constant 0 : i32
      %dma_wait3A_65 = tpu.memref_slice %arg7[%dma_wait3A_63, %dma_wait3A_64] : memref<8x128xi32, #tpu.memory_space<vmem>> -> memref<1x128xi32, #tpu.memory_space<vmem>>
      %dma_wait3A_66 = tpu.memref_squeeze %dma_wait3A_65 : memref<1x128xi32, #tpu.memory_space<vmem>> -> memref<128xi32, #tpu.memory_space<vmem>>
      %dma_wait3A_67 = arith.constant 0 : i32
      %dma_wait3A_68 = arith.constant 0 : i32
      %dma_wait3A_69 = tpu.memref_slice %arg2[%dma_wait3A_67, %dma_wait3A_68] : memref<10112x128xf32, #tpu.memory_space<hbm>> -> memref<10112x128xf32, #tpu.memory_space<hbm>>
      tpu.wait_indirect_dma semaphore(%arg13 : memref<!tpu.dma_semaphore, #tpu.memory_space<semaphore_mem>>) src(%dma_wait3A_69 : memref<10112x128xf32, #tpu.memory_space<hbm>>) dst(%arg10 : memref<128x128xf32, #tpu.memory_space<vmem>>)
      %dma_start3A_70 = arith.constant 1 : i32
      %dma_start3A_71 = arith.constant 0 : i32
      %dma_start3A_72 = tpu.memref_slice %arg8[%dma_start3A_70, %dma_start3A_71] : memref<8x128xi32, #tpu.memory_space<vmem>> -> memref<1x128xi32, #tpu.memory_space<vmem>>
      %dma_start3A_73 = tpu.memref_squeeze %dma_start3A_72 : memref<1x128xi32, #tpu.memory_space<vmem>> -> memref<128xi32, #tpu.memory_space<vmem>>
      %dma_start3A_74 = arith.constant 0 : i32
      %dma_start3A_75 = arith.constant 0 : i32
      %dma_start3A_76 = tpu.memref_slice %arg11[%dma_start3A_74, %dma_start3A_75] : memref<10112x128xf32, #tpu.memory_space<vmem_shared>> -> memref<10112x128xf32, #tpu.memory_space<vmem_shared>>
      tpu.enqueue_indirect_dma source(%arg10 : memref<128x128xf32, #tpu.memory_space<vmem>>) target(%dma_start3A_76 : memref<10112x128xf32, #tpu.memory_space<vmem_shared>>) offsets(%dma_start3A_73 : memref<128xi32, #tpu.memory_space<vmem>>) semaphore(%arg15 : memref<!tpu.dma_semaphore, #tpu.memory_space<semaphore_mem>>) {add = true}
      %dma_wait3A_77 = arith.constant 0 : i32
      %dma_wait3A_78 = arith.constant 0 : i32
      %dma_wait3A_79 = tpu.memref_slice %arg8[%dma_wait3A_77, %dma_wait3A_78] : memref<8x128xi32, #tpu.memory_space<vmem>> -> memref<1x128xi32, #tpu.memory_space<vmem>>
      %dma_wait3A_80 = tpu.memref_squeeze %dma_wait3A_79 : memref<1x128xi32, #tpu.memory_space<vmem>> -> memref<128xi32, #tpu.memory_space<vmem>>
      %dma_wait3A_81 = arith.constant 0 : i32
      %dma_wait3A_82 = arith.constant 0 : i32
      %dma_wait3A_83 = tpu.memref_slice %arg11[%dma_wait3A_81, %dma_wait3A_82] : memref<10112x128xf32, #tpu.memory_space<vmem_shared>> -> memref<10112x128xf32, #tpu.memory_space<vmem_shared>>
      tpu.wait_indirect_dma semaphore(%arg14 : memref<!tpu.dma_semaphore, #tpu.memory_space<semaphore_mem>>) src(%arg9 : memref<128x128xf32, #tpu.memory_space<vmem>>) dst(%dma_wait3A_83 : memref<10112x128xf32, #tpu.memory_space<vmem_shared>>)
      %dma_start3A_84 = arith.constant 2 : i32
      %dma_start3A_85 = arith.constant 0 : i32
      %dma_start3A_86 = tpu.memref_slice %arg7[%dma_start3A_84, %dma_start3A_85] : memref<8x128xi32, #tpu.memory_space<vmem>> -> memref<1x128xi32, #tpu.memory_space<vmem>>
      %dma_start3A_87 = tpu.memref_squeeze %dma_start3A_86 : memref<1x128xi32, #tpu.memory_space<vmem>> -> memref<128xi32, #tpu.memory_space<vmem>>
      %dma_start3A_88 = arith.constant 0 : i32
      %dma_start3A_89 = arith.constant 0 : i32
      %dma_start3A_90 = tpu.memref_slice %arg2[%dma_start3A_88, %dma_start3A_89] : memref<10112x128xf32, #tpu.memory_space<hbm>> -> memref<10112x128xf32, #tpu.memory_space<hbm>>
      tpu.enqueue_indirect_dma source(%dma_start3A_90 : memref<10112x128xf32, #tpu.memory_space<hbm>>) target(%arg9 : memref<128x128xf32, #tpu.memory_space<vmem>>) offsets(%dma_start3A_87 : memref<128xi32, #tpu.memory_space<vmem>>) semaphore(%arg12 : memref<!tpu.dma_semaphore, #tpu.memory_space<semaphore_mem>>)
      %dma_wait3A_91 = arith.constant 2 : i32
      %dma_wait3A_92 = arith.constant 0 : i32
      %dma_wait3A_93 = tpu.memref_slice %arg7[%dma_wait3A_91, %dma_wait3A_92] : memref<8x128xi32, #tpu.memory_space<vmem>> -> memref<1x128xi32, #tpu.memory_space<vmem>>
      %dma_wait3A_94 = tpu.memref_squeeze %dma_wait3A_93 : memref<1x128xi32, #tpu.memory_space<vmem>> -> memref<128xi32, #tpu.memory_space<vmem>>
      %dma_wait3A_95 = arith.constant 0 : i32
      %dma_wait3A_96 = arith.constant 0 : i32
      %dma_wait3A_97 = tpu.memref_slice %arg2[%dma_wait3A_95, %dma_wait3A_96] : memref<10112x128xf32, #tpu.memory_space<hbm>> -> memref<10112x128xf32, #tpu.memory_space<hbm>>
      tpu.wait_indirect_dma semaphore(%arg12 : memref<!tpu.dma_semaphore, #tpu.memory_space<semaphore_mem>>) src(%dma_wait3A_97 : memref<10112x128xf32, #tpu.memory_space<hbm>>) dst(%arg9 : memref<128x128xf32, #tpu.memory_space<vmem>>)
      %dma_start3A_98 = arith.constant 2 : i32
      %dma_start3A_99 = arith.constant 0 : i32
      %dma_start3A_100 = tpu.memref_slice %arg8[%dma_start3A_98, %dma_start3A_99] : memref<8x128xi32, #tpu.memory_space<vmem>> -> memref<1x128xi32, #tpu.memory_space<vmem>>
      %dma_start3A_101 = tpu.memref_squeeze %dma_start3A_100 : memref<1x128xi32, #tpu.memory_space<vmem>> -> memref<128xi32, #tpu.memory_space<vmem>>
      %dma_start3A_102 = arith.constant 0 : i32
      %dma_start3A_103 = arith.constant 0 : i32
      %dma_start3A_104 = tpu.memref_slice %arg11[%dma_start3A_102, %dma_start3A_103] : memref<10112x128xf32, #tpu.memory_space<vmem_shared>> -> memref<10112x128xf32, #tpu.memory_space<vmem_shared>>
      tpu.enqueue_indirect_dma source(%arg9 : memref<128x128xf32, #tpu.memory_space<vmem>>) target(%dma_start3A_104 : memref<10112x128xf32, #tpu.memory_space<vmem_shared>>) offsets(%dma_start3A_101 : memref<128xi32, #tpu.memory_space<vmem>>) semaphore(%arg14 : memref<!tpu.dma_semaphore, #tpu.memory_space<semaphore_mem>>) {add = true}
      %dma_wait3A_105 = arith.constant 1 : i32
      %dma_wait3A_106 = arith.constant 0 : i32
      %dma_wait3A_107 = tpu.memref_slice %arg8[%dma_wait3A_105, %dma_wait3A_106] : memref<8x128xi32, #tpu.memory_space<vmem>> -> memref<1x128xi32, #tpu.memory_space<vmem>>
      %dma_wait3A_108 = tpu.memref_squeeze %dma_wait3A_107 : memref<1x128xi32, #tpu.memory_space<vmem>> -> memref<128xi32, #tpu.memory_space<vmem>>
      %dma_wait3A_109 = arith.constant 0 : i32
      %dma_wait3A_110 = arith.constant 0 : i32
      %dma_wait3A_111 = tpu.memref_slice %arg11[%dma_wait3A_109, %dma_wait3A_110] : memref<10112x128xf32, #tpu.memory_space<vmem_shared>> -> memref<10112x128xf32, #tpu.memory_space<vmem_shared>>
      tpu.wait_indirect_dma semaphore(%arg15 : memref<!tpu.dma_semaphore, #tpu.memory_space<semaphore_mem>>) src(%arg10 : memref<128x128xf32, #tpu.memory_space<vmem>>) dst(%dma_wait3A_111 : memref<10112x128xf32, #tpu.memory_space<vmem_shared>>)
      %dma_start3A_112 = arith.constant 3 : i32
      %dma_start3A_113 = arith.constant 0 : i32
      %dma_start3A_114 = tpu.memref_slice %arg7[%dma_start3A_112, %dma_start3A_113] : memref<8x128xi32, #tpu.memory_space<vmem>> -> memref<1x128xi32, #tpu.memory_space<vmem>>
      %dma_start3A_115 = tpu.memref_squeeze %dma_start3A_114 : memref<1x128xi32, #tpu.memory_space<vmem>> -> memref<128xi32, #tpu.memory_space<vmem>>
      %dma_start3A_116 = arith.constant 0 : i32
      %dma_start3A_117 = arith.constant 0 : i32
      %dma_start3A_118 = tpu.memref_slice %arg2[%dma_start3A_116, %dma_start3A_117] : memref<10112x128xf32, #tpu.memory_space<hbm>> -> memref<10112x128xf32, #tpu.memory_space<hbm>>
      tpu.enqueue_indirect_dma source(%dma_start3A_118 : memref<10112x128xf32, #tpu.memory_space<hbm>>) target(%arg10 : memref<128x128xf32, #tpu.memory_space<vmem>>) offsets(%dma_start3A_115 : memref<128xi32, #tpu.memory_space<vmem>>) semaphore(%arg13 : memref<!tpu.dma_semaphore, #tpu.memory_space<semaphore_mem>>)
      %dma_wait3A_119 = arith.constant 3 : i32
      %dma_wait3A_120 = arith.constant 0 : i32
      %dma_wait3A_121 = tpu.memref_slice %arg7[%dma_wait3A_119, %dma_wait3A_120] : memref<8x128xi32, #tpu.memory_space<vmem>> -> memref<1x128xi32, #tpu.memory_space<vmem>>
      %dma_wait3A_122 = tpu.memref_squeeze %dma_wait3A_121 : memref<1x128xi32, #tpu.memory_space<vmem>> -> memref<128xi32, #tpu.memory_space<vmem>>
      %dma_wait3A_123 = arith.constant 0 : i32
      %dma_wait3A_124 = arith.constant 0 : i32
      %dma_wait3A_125 = tpu.memref_slice %arg2[%dma_wait3A_123, %dma_wait3A_124] : memref<10112x128xf32, #tpu.memory_space<hbm>> -> memref<10112x128xf32, #tpu.memory_space<hbm>>
      tpu.wait_indirect_dma semaphore(%arg13 : memref<!tpu.dma_semaphore, #tpu.memory_space<semaphore_mem>>) src(%dma_wait3A_125 : memref<10112x128xf32, #tpu.memory_space<hbm>>) dst(%arg10 : memref<128x128xf32, #tpu.memory_space<vmem>>)
      %dma_start3A_126 = arith.constant 3 : i32
      %dma_start3A_127 = arith.constant 0 : i32
      %dma_start3A_128 = tpu.memref_slice %arg8[%dma_start3A_126, %dma_start3A_127] : memref<8x128xi32, #tpu.memory_space<vmem>> -> memref<1x128xi32, #tpu.memory_space<vmem>>
      %dma_start3A_129 = tpu.memref_squeeze %dma_start3A_128 : memref<1x128xi32, #tpu.memory_space<vmem>> -> memref<128xi32, #tpu.memory_space<vmem>>
      %dma_start3A_130 = arith.constant 0 : i32
      %dma_start3A_131 = arith.constant 0 : i32
      %dma_start3A_132 = tpu.memref_slice %arg11[%dma_start3A_130, %dma_start3A_131] : memref<10112x128xf32, #tpu.memory_space<vmem_shared>> -> memref<10112x128xf32, #tpu.memory_space<vmem_shared>>
      tpu.enqueue_indirect_dma source(%arg10 : memref<128x128xf32, #tpu.memory_space<vmem>>) target(%dma_start3A_132 : memref<10112x128xf32, #tpu.memory_space<vmem_shared>>) offsets(%dma_start3A_129 : memref<128xi32, #tpu.memory_space<vmem>>) semaphore(%arg15 : memref<!tpu.dma_semaphore, #tpu.memory_space<semaphore_mem>>) {add = true}
      %dma_wait3A_133 = arith.constant 2 : i32
      %dma_wait3A_134 = arith.constant 0 : i32
      %dma_wait3A_135 = tpu.memref_slice %arg8[%dma_wait3A_133, %dma_wait3A_134] : memref<8x128xi32, #tpu.memory_space<vmem>> -> memref<1x128xi32, #tpu.memory_space<vmem>>
      %dma_wait3A_136 = tpu.memref_squeeze %dma_wait3A_135 : memref<1x128xi32, #tpu.memory_space<vmem>> -> memref<128xi32, #tpu.memory_space<vmem>>
      %dma_wait3A_137 = arith.constant 0 : i32
      %dma_wait3A_138 = arith.constant 0 : i32
      %dma_wait3A_139 = tpu.memref_slice %arg11[%dma_wait3A_137, %dma_wait3A_138] : memref<10112x128xf32, #tpu.memory_space<vmem_shared>> -> memref<10112x128xf32, #tpu.memory_space<vmem_shared>>
      tpu.wait_indirect_dma semaphore(%arg14 : memref<!tpu.dma_semaphore, #tpu.memory_space<semaphore_mem>>) src(%arg9 : memref<128x128xf32, #tpu.memory_space<vmem>>) dst(%dma_wait3A_139 : memref<10112x128xf32, #tpu.memory_space<vmem_shared>>)
      %dma_start3A_140 = arith.constant 4 : i32
      %dma_start3A_141 = arith.constant 0 : i32
      %dma_start3A_142 = tpu.memref_slice %arg7[%dma_start3A_140, %dma_start3A_141] : memref<8x128xi32, #tpu.memory_space<vmem>> -> memref<1x128xi32, #tpu.memory_space<vmem>>
      %dma_start3A_143 = tpu.memref_squeeze %dma_start3A_142 : memref<1x128xi32, #tpu.memory_space<vmem>> -> memref<128xi32, #tpu.memory_space<vmem>>
      %dma_start3A_144 = arith.constant 0 : i32
      %dma_start3A_145 = arith.constant 0 : i32
      %dma_start3A_146 = tpu.memref_slice %arg2[%dma_start3A_144, %dma_start3A_145] : memref<10112x128xf32, #tpu.memory_space<hbm>> -> memref<10112x128xf32, #tpu.memory_space<hbm>>
      tpu.enqueue_indirect_dma source(%dma_start3A_146 : memref<10112x128xf32, #tpu.memory_space<hbm>>) target(%arg9 : memref<128x128xf32, #tpu.memory_space<vmem>>) offsets(%dma_start3A_143 : memref<128xi32, #tpu.memory_space<vmem>>) semaphore(%arg12 : memref<!tpu.dma_semaphore, #tpu.memory_space<semaphore_mem>>)
      %dma_wait3A_147 = arith.constant 4 : i32
      %dma_wait3A_148 = arith.constant 0 : i32
      %dma_wait3A_149 = tpu.memref_slice %arg7[%dma_wait3A_147, %dma_wait3A_148] : memref<8x128xi32, #tpu.memory_space<vmem>> -> memref<1x128xi32, #tpu.memory_space<vmem>>
      %dma_wait3A_150 = tpu.memref_squeeze %dma_wait3A_149 : memref<1x128xi32, #tpu.memory_space<vmem>> -> memref<128xi32, #tpu.memory_space<vmem>>
      %dma_wait3A_151 = arith.constant 0 : i32
      %dma_wait3A_152 = arith.constant 0 : i32
      %dma_wait3A_153 = tpu.memref_slice %arg2[%dma_wait3A_151, %dma_wait3A_152] : memref<10112x128xf32, #tpu.memory_space<hbm>> -> memref<10112x128xf32, #tpu.memory_space<hbm>>
      tpu.wait_indirect_dma semaphore(%arg12 : memref<!tpu.dma_semaphore, #tpu.memory_space<semaphore_mem>>) src(%dma_wait3A_153 : memref<10112x128xf32, #tpu.memory_space<hbm>>) dst(%arg9 : memref<128x128xf32, #tpu.memory_space<vmem>>)
      %dma_start3A_154 = arith.constant 4 : i32
      %dma_start3A_155 = arith.constant 0 : i32
      %dma_start3A_156 = tpu.memref_slice %arg8[%dma_start3A_154, %dma_start3A_155] : memref<8x128xi32, #tpu.memory_space<vmem>> -> memref<1x128xi32, #tpu.memory_space<vmem>>
      %dma_start3A_157 = tpu.memref_squeeze %dma_start3A_156 : memref<1x128xi32, #tpu.memory_space<vmem>> -> memref<128xi32, #tpu.memory_space<vmem>>
      %dma_start3A_158 = arith.constant 0 : i32
      %dma_start3A_159 = arith.constant 0 : i32
      %dma_start3A_160 = tpu.memref_slice %arg11[%dma_start3A_158, %dma_start3A_159] : memref<10112x128xf32, #tpu.memory_space<vmem_shared>> -> memref<10112x128xf32, #tpu.memory_space<vmem_shared>>
      tpu.enqueue_indirect_dma source(%arg9 : memref<128x128xf32, #tpu.memory_space<vmem>>) target(%dma_start3A_160 : memref<10112x128xf32, #tpu.memory_space<vmem_shared>>) offsets(%dma_start3A_157 : memref<128xi32, #tpu.memory_space<vmem>>) semaphore(%arg14 : memref<!tpu.dma_semaphore, #tpu.memory_space<semaphore_mem>>) {add = true}
      %dma_wait3A_161 = arith.constant 3 : i32
      %dma_wait3A_162 = arith.constant 0 : i32
      %dma_wait3A_163 = tpu.memref_slice %arg8[%dma_wait3A_161, %dma_wait3A_162] : memref<8x128xi32, #tpu.memory_space<vmem>> -> memref<1x128xi32, #tpu.memory_space<vmem>>
      %dma_wait3A_164 = tpu.memref_squeeze %dma_wait3A_163 : memref<1x128xi32, #tpu.memory_space<vmem>> -> memref<128xi32, #tpu.memory_space<vmem>>
      %dma_wait3A_165 = arith.constant 0 : i32
      %dma_wait3A_166 = arith.constant 0 : i32
      %dma_wait3A_167 = tpu.memref_slice %arg11[%dma_wait3A_165, %dma_wait3A_166] : memref<10112x128xf32, #tpu.memory_space<vmem_shared>> -> memref<10112x128xf32, #tpu.memory_space<vmem_shared>>
      tpu.wait_indirect_dma semaphore(%arg15 : memref<!tpu.dma_semaphore, #tpu.memory_space<semaphore_mem>>) src(%arg10 : memref<128x128xf32, #tpu.memory_space<vmem>>) dst(%dma_wait3A_167 : memref<10112x128xf32, #tpu.memory_space<vmem_shared>>)
      %dma_start3A_168 = arith.constant 5 : i32
      %dma_start3A_169 = arith.constant 0 : i32
      %dma_start3A_170 = tpu.memref_slice %arg7[%dma_start3A_168, %dma_start3A_169] : memref<8x128xi32, #tpu.memory_space<vmem>> -> memref<1x128xi32, #tpu.memory_space<vmem>>
      %dma_start3A_171 = tpu.memref_squeeze %dma_start3A_170 : memref<1x128xi32, #tpu.memory_space<vmem>> -> memref<128xi32, #tpu.memory_space<vmem>>
      %dma_start3A_172 = arith.constant 0 : i32
      %dma_start3A_173 = arith.constant 0 : i32
      %dma_start3A_174 = tpu.memref_slice %arg2[%dma_start3A_172, %dma_start3A_173] : memref<10112x128xf32, #tpu.memory_space<hbm>> -> memref<10112x128xf32, #tpu.memory_space<hbm>>
      tpu.enqueue_indirect_dma source(%dma_start3A_174 : memref<10112x128xf32, #tpu.memory_space<hbm>>) target(%arg10 : memref<128x128xf32, #tpu.memory_space<vmem>>) offsets(%dma_start3A_171 : memref<128xi32, #tpu.memory_space<vmem>>) semaphore(%arg13 : memref<!tpu.dma_semaphore, #tpu.memory_space<semaphore_mem>>)
      %dma_wait3A_175 = arith.constant 5 : i32
      %dma_wait3A_176 = arith.constant 0 : i32
      %dma_wait3A_177 = tpu.memref_slice %arg7[%dma_wait3A_175, %dma_wait3A_176] : memref<8x128xi32, #tpu.memory_space<vmem>> -> memref<1x128xi32, #tpu.memory_space<vmem>>
      %dma_wait3A_178 = tpu.memref_squeeze %dma_wait3A_177 : memref<1x128xi32, #tpu.memory_space<vmem>> -> memref<128xi32, #tpu.memory_space<vmem>>
      %dma_wait3A_179 = arith.constant 0 : i32
      %dma_wait3A_180 = arith.constant 0 : i32
      %dma_wait3A_181 = tpu.memref_slice %arg2[%dma_wait3A_179, %dma_wait3A_180] : memref<10112x128xf32, #tpu.memory_space<hbm>> -> memref<10112x128xf32, #tpu.memory_space<hbm>>
      tpu.wait_indirect_dma semaphore(%arg13 : memref<!tpu.dma_semaphore, #tpu.memory_space<semaphore_mem>>) src(%dma_wait3A_181 : memref<10112x128xf32, #tpu.memory_space<hbm>>) dst(%arg10 : memref<128x128xf32, #tpu.memory_space<vmem>>)
      %dma_start3A_182 = arith.constant 5 : i32
      %dma_start3A_183 = arith.constant 0 : i32
      %dma_start3A_184 = tpu.memref_slice %arg8[%dma_start3A_182, %dma_start3A_183] : memref<8x128xi32, #tpu.memory_space<vmem>> -> memref<1x128xi32, #tpu.memory_space<vmem>>
      %dma_start3A_185 = tpu.memref_squeeze %dma_start3A_184 : memref<1x128xi32, #tpu.memory_space<vmem>> -> memref<128xi32, #tpu.memory_space<vmem>>
      %dma_start3A_186 = arith.constant 0 : i32
      %dma_start3A_187 = arith.constant 0 : i32
      %dma_start3A_188 = tpu.memref_slice %arg11[%dma_start3A_186, %dma_start3A_187] : memref<10112x128xf32, #tpu.memory_space<vmem_shared>> -> memref<10112x128xf32, #tpu.memory_space<vmem_shared>>
      tpu.enqueue_indirect_dma source(%arg10 : memref<128x128xf32, #tpu.memory_space<vmem>>) target(%dma_start3A_188 : memref<10112x128xf32, #tpu.memory_space<vmem_shared>>) offsets(%dma_start3A_185 : memref<128xi32, #tpu.memory_space<vmem>>) semaphore(%arg15 : memref<!tpu.dma_semaphore, #tpu.memory_space<semaphore_mem>>) {add = true}
      %dma_wait3A_189 = arith.constant 4 : i32
      %dma_wait3A_190 = arith.constant 0 : i32
      %dma_wait3A_191 = tpu.memref_slice %arg8[%dma_wait3A_189, %dma_wait3A_190] : memref<8x128xi32, #tpu.memory_space<vmem>> -> memref<1x128xi32, #tpu.memory_space<vmem>>
      %dma_wait3A_192 = tpu.memref_squeeze %dma_wait3A_191 : memref<1x128xi32, #tpu.memory_space<vmem>> -> memref<128xi32, #tpu.memory_space<vmem>>
      %dma_wait3A_193 = arith.constant 0 : i32
      %dma_wait3A_194 = arith.constant 0 : i32
      %dma_wait3A_195 = tpu.memref_slice %arg11[%dma_wait3A_193, %dma_wait3A_194] : memref<10112x128xf32, #tpu.memory_space<vmem_shared>> -> memref<10112x128xf32, #tpu.memory_space<vmem_shared>>
      tpu.wait_indirect_dma semaphore(%arg14 : memref<!tpu.dma_semaphore, #tpu.memory_space<semaphore_mem>>) src(%arg9 : memref<128x128xf32, #tpu.memory_space<vmem>>) dst(%dma_wait3A_195 : memref<10112x128xf32, #tpu.memory_space<vmem_shared>>)
      %dma_start3A_196 = arith.constant 6 : i32
      %dma_start3A_197 = arith.constant 0 : i32
      %dma_start3A_198 = tpu.memref_slice %arg7[%dma_start3A_196, %dma_start3A_197] : memref<8x128xi32, #tpu.memory_space<vmem>> -> memref<1x128xi32, #tpu.memory_space<vmem>>
      %dma_start3A_199 = tpu.memref_squeeze %dma_start3A_198 : memref<1x128xi32, #tpu.memory_space<vmem>> -> memref<128xi32, #tpu.memory_space<vmem>>
      %dma_start3A_200 = arith.constant 0 : i32
      %dma_start3A_201 = arith.constant 0 : i32
      %dma_start3A_202 = tpu.memref_slice %arg2[%dma_start3A_200, %dma_start3A_201] : memref<10112x128xf32, #tpu.memory_space<hbm>> -> memref<10112x128xf32, #tpu.memory_space<hbm>>
      tpu.enqueue_indirect_dma source(%dma_start3A_202 : memref<10112x128xf32, #tpu.memory_space<hbm>>) target(%arg9 : memref<128x128xf32, #tpu.memory_space<vmem>>) offsets(%dma_start3A_199 : memref<128xi32, #tpu.memory_space<vmem>>) semaphore(%arg12 : memref<!tpu.dma_semaphore, #tpu.memory_space<semaphore_mem>>)
      %dma_wait3A_203 = arith.constant 6 : i32
      %dma_wait3A_204 = arith.constant 0 : i32
      %dma_wait3A_205 = tpu.memref_slice %arg7[%dma_wait3A_203, %dma_wait3A_204] : memref<8x128xi32, #tpu.memory_space<vmem>> -> memref<1x128xi32, #tpu.memory_space<vmem>>
      %dma_wait3A_206 = tpu.memref_squeeze %dma_wait3A_205 : memref<1x128xi32, #tpu.memory_space<vmem>> -> memref<128xi32, #tpu.memory_space<vmem>>
      %dma_wait3A_207 = arith.constant 0 : i32
      %dma_wait3A_208 = arith.constant 0 : i32
      %dma_wait3A_209 = tpu.memref_slice %arg2[%dma_wait3A_207, %dma_wait3A_208] : memref<10112x128xf32, #tpu.memory_space<hbm>> -> memref<10112x128xf32, #tpu.memory_space<hbm>>
      tpu.wait_indirect_dma semaphore(%arg12 : memref<!tpu.dma_semaphore, #tpu.memory_space<semaphore_mem>>) src(%dma_wait3A_209 : memref<10112x128xf32, #tpu.memory_space<hbm>>) dst(%arg9 : memref<128x128xf32, #tpu.memory_space<vmem>>)
      %dma_start3A_210 = arith.constant 6 : i32
      %dma_start3A_211 = arith.constant 0 : i32
      %dma_start3A_212 = tpu.memref_slice %arg8[%dma_start3A_210, %dma_start3A_211] : memref<8x128xi32, #tpu.memory_space<vmem>> -> memref<1x128xi32, #tpu.memory_space<vmem>>
      %dma_start3A_213 = tpu.memref_squeeze %dma_start3A_212 : memref<1x128xi32, #tpu.memory_space<vmem>> -> memref<128xi32, #tpu.memory_space<vmem>>
      %dma_start3A_214 = arith.constant 0 : i32
      %dma_start3A_215 = arith.constant 0 : i32
      %dma_start3A_216 = tpu.memref_slice %arg11[%dma_start3A_214, %dma_start3A_215] : memref<10112x128xf32, #tpu.memory_space<vmem_shared>> -> memref<10112x128xf32, #tpu.memory_space<vmem_shared>>
      tpu.enqueue_indirect_dma source(%arg9 : memref<128x128xf32, #tpu.memory_space<vmem>>) target(%dma_start3A_216 : memref<10112x128xf32, #tpu.memory_space<vmem_shared>>) offsets(%dma_start3A_213 : memref<128xi32, #tpu.memory_space<vmem>>) semaphore(%arg14 : memref<!tpu.dma_semaphore, #tpu.memory_space<semaphore_mem>>) {add = true}
      %dma_wait3A_217 = arith.constant 5 : i32
      %dma_wait3A_218 = arith.constant 0 : i32
      %dma_wait3A_219 = tpu.memref_slice %arg8[%dma_wait3A_217, %dma_wait3A_218] : memref<8x128xi32, #tpu.memory_space<vmem>> -> memref<1x128xi32, #tpu.memory_space<vmem>>
      %dma_wait3A_220 = tpu.memref_squeeze %dma_wait3A_219 : memref<1x128xi32, #tpu.memory_space<vmem>> -> memref<128xi32, #tpu.memory_space<vmem>>
      %dma_wait3A_221 = arith.constant 0 : i32
      %dma_wait3A_222 = arith.constant 0 : i32
      %dma_wait3A_223 = tpu.memref_slice %arg11[%dma_wait3A_221, %dma_wait3A_222] : memref<10112x128xf32, #tpu.memory_space<vmem_shared>> -> memref<10112x128xf32, #tpu.memory_space<vmem_shared>>
      tpu.wait_indirect_dma semaphore(%arg15 : memref<!tpu.dma_semaphore, #tpu.memory_space<semaphore_mem>>) src(%arg10 : memref<128x128xf32, #tpu.memory_space<vmem>>) dst(%dma_wait3A_223 : memref<10112x128xf32, #tpu.memory_space<vmem_shared>>)
      %dma_start3A_224 = arith.constant 7 : i32
      %dma_start3A_225 = arith.constant 0 : i32
      %dma_start3A_226 = tpu.memref_slice %arg7[%dma_start3A_224, %dma_start3A_225] : memref<8x128xi32, #tpu.memory_space<vmem>> -> memref<1x128xi32, #tpu.memory_space<vmem>>
      %dma_start3A_227 = tpu.memref_squeeze %dma_start3A_226 : memref<1x128xi32, #tpu.memory_space<vmem>> -> memref<128xi32, #tpu.memory_space<vmem>>
      %dma_start3A_228 = arith.constant 0 : i32
      %dma_start3A_229 = arith.constant 0 : i32
      %dma_start3A_230 = tpu.memref_slice %arg2[%dma_start3A_228, %dma_start3A_229] : memref<10112x128xf32, #tpu.memory_space<hbm>> -> memref<10112x128xf32, #tpu.memory_space<hbm>>
      tpu.enqueue_indirect_dma source(%dma_start3A_230 : memref<10112x128xf32, #tpu.memory_space<hbm>>) target(%arg10 : memref<128x128xf32, #tpu.memory_space<vmem>>) offsets(%dma_start3A_227 : memref<128xi32, #tpu.memory_space<vmem>>) semaphore(%arg13 : memref<!tpu.dma_semaphore, #tpu.memory_space<semaphore_mem>>)
      %dma_wait3A_231 = arith.constant 7 : i32
      %dma_wait3A_232 = arith.constant 0 : i32
      %dma_wait3A_233 = tpu.memref_slice %arg7[%dma_wait3A_231, %dma_wait3A_232] : memref<8x128xi32, #tpu.memory_space<vmem>> -> memref<1x128xi32, #tpu.memory_space<vmem>>
      %dma_wait3A_234 = tpu.memref_squeeze %dma_wait3A_233 : memref<1x128xi32, #tpu.memory_space<vmem>> -> memref<128xi32, #tpu.memory_space<vmem>>
      %dma_wait3A_235 = arith.constant 0 : i32
      %dma_wait3A_236 = arith.constant 0 : i32
      %dma_wait3A_237 = tpu.memref_slice %arg2[%dma_wait3A_235, %dma_wait3A_236] : memref<10112x128xf32, #tpu.memory_space<hbm>> -> memref<10112x128xf32, #tpu.memory_space<hbm>>
      tpu.wait_indirect_dma semaphore(%arg13 : memref<!tpu.dma_semaphore, #tpu.memory_space<semaphore_mem>>) src(%dma_wait3A_237 : memref<10112x128xf32, #tpu.memory_space<hbm>>) dst(%arg10 : memref<128x128xf32, #tpu.memory_space<vmem>>)
      %dma_start3A_238 = arith.constant 7 : i32
      %dma_start3A_239 = arith.constant 0 : i32
      %dma_start3A_240 = tpu.memref_slice %arg8[%dma_start3A_238, %dma_start3A_239] : memref<8x128xi32, #tpu.memory_space<vmem>> -> memref<1x128xi32, #tpu.memory_space<vmem>>
      %dma_start3A_241 = tpu.memref_squeeze %dma_start3A_240 : memref<1x128xi32, #tpu.memory_space<vmem>> -> memref<128xi32, #tpu.memory_space<vmem>>
      %dma_start3A_242 = arith.constant 0 : i32
      %dma_start3A_243 = arith.constant 0 : i32
      %dma_start3A_244 = tpu.memref_slice %arg11[%dma_start3A_242, %dma_start3A_243] : memref<10112x128xf32, #tpu.memory_space<vmem_shared>> -> memref<10112x128xf32, #tpu.memory_space<vmem_shared>>
      tpu.enqueue_indirect_dma source(%arg10 : memref<128x128xf32, #tpu.memory_space<vmem>>) target(%dma_start3A_244 : memref<10112x128xf32, #tpu.memory_space<vmem_shared>>) offsets(%dma_start3A_241 : memref<128xi32, #tpu.memory_space<vmem>>) semaphore(%arg15 : memref<!tpu.dma_semaphore, #tpu.memory_space<semaphore_mem>>) {add = true}
      %dma_wait3A_245 = arith.constant 6 : i32
      %dma_wait3A_246 = arith.constant 0 : i32
      %dma_wait3A_247 = tpu.memref_slice %arg8[%dma_wait3A_245, %dma_wait3A_246] : memref<8x128xi32, #tpu.memory_space<vmem>> -> memref<1x128xi32, #tpu.memory_space<vmem>>
      %dma_wait3A_248 = tpu.memref_squeeze %dma_wait3A_247 : memref<1x128xi32, #tpu.memory_space<vmem>> -> memref<128xi32, #tpu.memory_space<vmem>>
      %dma_wait3A_249 = arith.constant 0 : i32
      %dma_wait3A_250 = arith.constant 0 : i32
      %dma_wait3A_251 = tpu.memref_slice %arg11[%dma_wait3A_249, %dma_wait3A_250] : memref<10112x128xf32, #tpu.memory_space<vmem_shared>> -> memref<10112x128xf32, #tpu.memory_space<vmem_shared>>
      tpu.wait_indirect_dma semaphore(%arg14 : memref<!tpu.dma_semaphore, #tpu.memory_space<semaphore_mem>>) src(%arg9 : memref<128x128xf32, #tpu.memory_space<vmem>>) dst(%dma_wait3A_251 : memref<10112x128xf32, #tpu.memory_space<vmem_shared>>)
      %dma_wait3A_252 = arith.constant 7 : i32
      %dma_wait3A_253 = arith.constant 0 : i32
      %dma_wait3A_254 = tpu.memref_slice %arg8[%dma_wait3A_252, %dma_wait3A_253] : memref<8x128xi32, #tpu.memory_space<vmem>> -> memref<1x128xi32, #tpu.memory_space<vmem>>
      %dma_wait3A_255 = tpu.memref_squeeze %dma_wait3A_254 : memref<1x128xi32, #tpu.memory_space<vmem>> -> memref<128xi32, #tpu.memory_space<vmem>>
      %dma_wait3A_256 = arith.constant 0 : i32
      %dma_wait3A_257 = arith.constant 0 : i32
      %dma_wait3A_258 = tpu.memref_slice %arg11[%dma_wait3A_256, %dma_wait3A_257] : memref<10112x128xf32, #tpu.memory_space<vmem_shared>> -> memref<10112x128xf32, #tpu.memory_space<vmem_shared>>
      tpu.wait_indirect_dma semaphore(%arg15 : memref<!tpu.dma_semaphore, #tpu.memory_space<semaphore_mem>>) src(%arg10 : memref<128x128xf32, #tpu.memory_space<vmem>>) dst(%dma_wait3A_258 : memref<10112x128xf32, #tpu.memory_space<vmem_shared>>)
    }
    %while3A_26 = arith.constant 1 : i32
    scf.for %while3A_28 = %while3A_24 to %while3A_20 step %while3A_26  : i32 {
      %mul3A_29 = arith.muli %while3A_28, %while3A : i32
      %add3A_30 = arith.addi %while3A_17, %mul3A_29 : i32
      %mul3A_31 = arith.constant 8 : i32
      %mul3A_32 = arith.muli %add3A_30, %mul3A_31 : i32
      %add3A_33 = arith.addi %select_n3A, %mul3A_32 : i32
      "tpu.region"() ({
        %run_scoped3A = tpu.sem_alloc : memref<!tpu.dma_semaphore, #tpu.memory_space<semaphore_mem>>
        %dma_start3A_259 = arith.constant 0 : i32
        %dma_start3A_260 = tpu.memref_slice %arg3[%add3A_33, %dma_start3A_259] : memref<2560x128xi32, #tpu.memory_space<hbm>> -> memref<8x128xi32, #tpu.memory_space<hbm>>
        %dma_start3A_261 = arith.constant 0 : i32
        %dma_start3A_262 = tpu.memref_slice %arg3[%add3A_33, %dma_start3A_261] : memref<2560x128xi32, #tpu.memory_space<hbm>> -> memref<8x128xi32, #tpu.memory_space<hbm>>
        tpu.enqueue_dma source(%dma_start3A_262 : memref<8x128xi32, #tpu.memory_space<hbm>>) target(%arg7 : memref<8x128xi32, #tpu.memory_space<vmem>>) target_semaphore(%run_scoped3A : memref<!tpu.dma_semaphore, #tpu.memory_space<semaphore_mem>>)
        %dma_wait3A_263 = arith.constant 0 : i32
        %dma_wait3A_264 = tpu.memref_slice %arg3[%add3A_33, %dma_wait3A_263] : memref<2560x128xi32, #tpu.memory_space<hbm>> -> memref<8x128xi32, #tpu.memory_space<hbm>>
        %dma_wait3A_265 = arith.constant 0 : i32
        %dma_wait3A_266 = tpu.memref_slice %arg3[%add3A_33, %dma_wait3A_265] : memref<2560x128xi32, #tpu.memory_space<hbm>> -> memref<8x128xi32, #tpu.memory_space<hbm>>
        tpu.wait_dma2 semaphore(%run_scoped3A : memref<!tpu.dma_semaphore, #tpu.memory_space<semaphore_mem>>) src(%dma_wait3A_266 : memref<8x128xi32, #tpu.memory_space<hbm>>) dst(%arg7 : memref<8x128xi32, #tpu.memory_space<vmem>>)
        tpu.yield
      }) : () -> ()
      %mul3A_34 = arith.constant 8 : i32
      %mul3A_35 = arith.muli %add3A_30, %mul3A_34 : i32
      %add3A_36 = arith.addi %select_n3A, %mul3A_35 : i32
      "tpu.region"() ({
        %run_scoped3A = tpu.sem_alloc : memref<!tpu.dma_semaphore, #tpu.memory_space<semaphore_mem>>
        %dma_start3A_259 = arith.constant 0 : i32
        %dma_start3A_260 = tpu.memref_slice %arg4[%add3A_36, %dma_start3A_259] : memref<2560x128xi32, #tpu.memory_space<hbm>> -> memref<8x128xi32, #tpu.memory_space<hbm>>
        %dma_start3A_261 = arith.constant 0 : i32
        %dma_start3A_262 = tpu.memref_slice %arg4[%add3A_36, %dma_start3A_261] : memref<2560x128xi32, #tpu.memory_space<hbm>> -> memref<8x128xi32, #tpu.memory_space<hbm>>
        tpu.enqueue_dma source(%dma_start3A_262 : memref<8x128xi32, #tpu.memory_space<hbm>>) target(%arg8 : memref<8x128xi32, #tpu.memory_space<vmem>>) target_semaphore(%run_scoped3A : memref<!tpu.dma_semaphore, #tpu.memory_space<semaphore_mem>>)
        %dma_wait3A_263 = arith.constant 0 : i32
        %dma_wait3A_264 = tpu.memref_slice %arg4[%add3A_36, %dma_wait3A_263] : memref<2560x128xi32, #tpu.memory_space<hbm>> -> memref<8x128xi32, #tpu.memory_space<hbm>>
        %dma_wait3A_265 = arith.constant 0 : i32
        %dma_wait3A_266 = tpu.memref_slice %arg4[%add3A_36, %dma_wait3A_265] : memref<2560x128xi32, #tpu.memory_space<hbm>> -> memref<8x128xi32, #tpu.memory_space<hbm>>
        tpu.wait_dma2 semaphore(%run_scoped3A : memref<!tpu.dma_semaphore, #tpu.memory_space<semaphore_mem>>) src(%dma_wait3A_266 : memref<8x128xi32, #tpu.memory_space<hbm>>) dst(%arg8 : memref<8x128xi32, #tpu.memory_space<vmem>>)
        tpu.yield
      }) : () -> ()
      %dma_start3A = arith.constant 0 : i32
      %dma_start3A_37 = arith.constant 0 : i32
      %dma_start3A_38 = tpu.memref_slice %arg7[%dma_start3A, %dma_start3A_37] : memref<8x128xi32, #tpu.memory_space<vmem>> -> memref<1x128xi32, #tpu.memory_space<vmem>>
      %dma_start3A_39 = tpu.memref_squeeze %dma_start3A_38 : memref<1x128xi32, #tpu.memory_space<vmem>> -> memref<128xi32, #tpu.memory_space<vmem>>
      %dma_start3A_40 = arith.constant 0 : i32
      %dma_start3A_41 = arith.constant 0 : i32
      %dma_start3A_42 = tpu.memref_slice %arg2[%dma_start3A_40, %dma_start3A_41] : memref<10112x128xf32, #tpu.memory_space<hbm>> -> memref<10112x128xf32, #tpu.memory_space<hbm>>
      tpu.enqueue_indirect_dma source(%dma_start3A_42 : memref<10112x128xf32, #tpu.memory_space<hbm>>) target(%arg9 : memref<128x128xf32, #tpu.memory_space<vmem>>) offsets(%dma_start3A_39 : memref<128xi32, #tpu.memory_space<vmem>>) semaphore(%arg12 : memref<!tpu.dma_semaphore, #tpu.memory_space<semaphore_mem>>)
      %dma_wait3A = arith.constant 0 : i32
      %dma_wait3A_43 = arith.constant 0 : i32
      %dma_wait3A_44 = tpu.memref_slice %arg7[%dma_wait3A, %dma_wait3A_43] : memref<8x128xi32, #tpu.memory_space<vmem>> -> memref<1x128xi32, #tpu.memory_space<vmem>>
      %dma_wait3A_45 = tpu.memref_squeeze %dma_wait3A_44 : memref<1x128xi32, #tpu.memory_space<vmem>> -> memref<128xi32, #tpu.memory_space<vmem>>
      %dma_wait3A_46 = arith.constant 0 : i32
      %dma_wait3A_47 = arith.constant 0 : i32
      %dma_wait3A_48 = tpu.memref_slice %arg2[%dma_wait3A_46, %dma_wait3A_47] : memref<10112x128xf32, #tpu.memory_space<hbm>> -> memref<10112x128xf32, #tpu.memory_space<hbm>>
      tpu.wait_indirect_dma semaphore(%arg12 : memref<!tpu.dma_semaphore, #tpu.memory_space<semaphore_mem>>) src(%dma_wait3A_48 : memref<10112x128xf32, #tpu.memory_space<hbm>>) dst(%arg9 : memref<128x128xf32, #tpu.memory_space<vmem>>)
      %dma_start3A_49 = arith.constant 0 : i32
      %dma_start3A_50 = arith.constant 0 : i32
      %dma_start3A_51 = tpu.memref_slice %arg8[%dma_start3A_49, %dma_start3A_50] : memref<8x128xi32, #tpu.memory_space<vmem>> -> memref<1x128xi32, #tpu.memory_space<vmem>>
      %dma_start3A_52 = tpu.memref_squeeze %dma_start3A_51 : memref<1x128xi32, #tpu.memory_space<vmem>> -> memref<128xi32, #tpu.memory_space<vmem>>
      %dma_start3A_53 = arith.constant 0 : i32
      %dma_start3A_54 = arith.constant 0 : i32
      %dma_start3A_55 = tpu.memref_slice %arg11[%dma_start3A_53, %dma_start3A_54] : memref<10112x128xf32, #tpu.memory_space<vmem_shared>> -> memref<10112x128xf32, #tpu.memory_space<vmem_shared>>
      tpu.enqueue_indirect_dma source(%arg9 : memref<128x128xf32, #tpu.memory_space<vmem>>) target(%dma_start3A_55 : memref<10112x128xf32, #tpu.memory_space<vmem_shared>>) offsets(%dma_start3A_52 : memref<128xi32, #tpu.memory_space<vmem>>) semaphore(%arg14 : memref<!tpu.dma_semaphore, #tpu.memory_space<semaphore_mem>>) {add = true}
      %dma_start3A_56 = arith.constant 1 : i32
      %dma_start3A_57 = arith.constant 0 : i32
      %dma_start3A_58 = tpu.memref_slice %arg7[%dma_start3A_56, %dma_start3A_57] : memref<8x128xi32, #tpu.memory_space<vmem>> -> memref<1x128xi32, #tpu.memory_space<vmem>>
      %dma_start3A_59 = tpu.memref_squeeze %dma_start3A_58 : memref<1x128xi32, #tpu.memory_space<vmem>> -> memref<128xi32, #tpu.memory_space<vmem>>
      %dma_start3A_60 = arith.constant 0 : i32
      %dma_start3A_61 = arith.constant 0 : i32
      %dma_start3A_62 = tpu.memref_slice %arg2[%dma_start3A_60, %dma_start3A_61] : memref<10112x128xf32, #tpu.memory_space<hbm>> -> memref<10112x128xf32, #tpu.memory_space<hbm>>
      tpu.enqueue_indirect_dma source(%dma_start3A_62 : memref<10112x128xf32, #tpu.memory_space<hbm>>) target(%arg10 : memref<128x128xf32, #tpu.memory_space<vmem>>) offsets(%dma_start3A_59 : memref<128xi32, #tpu.memory_space<vmem>>) semaphore(%arg13 : memref<!tpu.dma_semaphore, #tpu.memory_space<semaphore_mem>>)
      %dma_wait3A_63 = arith.constant 1 : i32
      %dma_wait3A_64 = arith.constant 0 : i32
      %dma_wait3A_65 = tpu.memref_slice %arg7[%dma_wait3A_63, %dma_wait3A_64] : memref<8x128xi32, #tpu.memory_space<vmem>> -> memref<1x128xi32, #tpu.memory_space<vmem>>
      %dma_wait3A_66 = tpu.memref_squeeze %dma_wait3A_65 : memref<1x128xi32, #tpu.memory_space<vmem>> -> memref<128xi32, #tpu.memory_space<vmem>>
      %dma_wait3A_67 = arith.constant 0 : i32
      %dma_wait3A_68 = arith.constant 0 : i32
      %dma_wait3A_69 = tpu.memref_slice %arg2[%dma_wait3A_67, %dma_wait3A_68] : memref<10112x128xf32, #tpu.memory_space<hbm>> -> memref<10112x128xf32, #tpu.memory_space<hbm>>
      tpu.wait_indirect_dma semaphore(%arg13 : memref<!tpu.dma_semaphore, #tpu.memory_space<semaphore_mem>>) src(%dma_wait3A_69 : memref<10112x128xf32, #tpu.memory_space<hbm>>) dst(%arg10 : memref<128x128xf32, #tpu.memory_space<vmem>>)
      %dma_start3A_70 = arith.constant 1 : i32
      %dma_start3A_71 = arith.constant 0 : i32
      %dma_start3A_72 = tpu.memref_slice %arg8[%dma_start3A_70, %dma_start3A_71] : memref<8x128xi32, #tpu.memory_space<vmem>> -> memref<1x128xi32, #tpu.memory_space<vmem>>
      %dma_start3A_73 = tpu.memref_squeeze %dma_start3A_72 : memref<1x128xi32, #tpu.memory_space<vmem>> -> memref<128xi32, #tpu.memory_space<vmem>>
      %dma_start3A_74 = arith.constant 0 : i32
      %dma_start3A_75 = arith.constant 0 : i32
      %dma_start3A_76 = tpu.memref_slice %arg11[%dma_start3A_74, %dma_start3A_75] : memref<10112x128xf32, #tpu.memory_space<vmem_shared>> -> memref<10112x128xf32, #tpu.memory_space<vmem_shared>>
      tpu.enqueue_indirect_dma source(%arg10 : memref<128x128xf32, #tpu.memory_space<vmem>>) target(%dma_start3A_76 : memref<10112x128xf32, #tpu.memory_space<vmem_shared>>) offsets(%dma_start3A_73 : memref<128xi32, #tpu.memory_space<vmem>>) semaphore(%arg15 : memref<!tpu.dma_semaphore, #tpu.memory_space<semaphore_mem>>) {add = true}
      %dma_wait3A_77 = arith.constant 0 : i32
      %dma_wait3A_78 = arith.constant 0 : i32
      %dma_wait3A_79 = tpu.memref_slice %arg8[%dma_wait3A_77, %dma_wait3A_78] : memref<8x128xi32, #tpu.memory_space<vmem>> -> memref<1x128xi32, #tpu.memory_space<vmem>>
      %dma_wait3A_80 = tpu.memref_squeeze %dma_wait3A_79 : memref<1x128xi32, #tpu.memory_space<vmem>> -> memref<128xi32, #tpu.memory_space<vmem>>
      %dma_wait3A_81 = arith.constant 0 : i32
      %dma_wait3A_82 = arith.constant 0 : i32
      %dma_wait3A_83 = tpu.memref_slice %arg11[%dma_wait3A_81, %dma_wait3A_82] : memref<10112x128xf32, #tpu.memory_space<vmem_shared>> -> memref<10112x128xf32, #tpu.memory_space<vmem_shared>>
      tpu.wait_indirect_dma semaphore(%arg14 : memref<!tpu.dma_semaphore, #tpu.memory_space<semaphore_mem>>) src(%arg9 : memref<128x128xf32, #tpu.memory_space<vmem>>) dst(%dma_wait3A_83 : memref<10112x128xf32, #tpu.memory_space<vmem_shared>>)
      %dma_start3A_84 = arith.constant 2 : i32
      %dma_start3A_85 = arith.constant 0 : i32
      %dma_start3A_86 = tpu.memref_slice %arg7[%dma_start3A_84, %dma_start3A_85] : memref<8x128xi32, #tpu.memory_space<vmem>> -> memref<1x128xi32, #tpu.memory_space<vmem>>
      %dma_start3A_87 = tpu.memref_squeeze %dma_start3A_86 : memref<1x128xi32, #tpu.memory_space<vmem>> -> memref<128xi32, #tpu.memory_space<vmem>>
      %dma_start3A_88 = arith.constant 0 : i32
      %dma_start3A_89 = arith.constant 0 : i32
      %dma_start3A_90 = tpu.memref_slice %arg2[%dma_start3A_88, %dma_start3A_89] : memref<10112x128xf32, #tpu.memory_space<hbm>> -> memref<10112x128xf32, #tpu.memory_space<hbm>>
      tpu.enqueue_indirect_dma source(%dma_start3A_90 : memref<10112x128xf32, #tpu.memory_space<hbm>>) target(%arg9 : memref<128x128xf32, #tpu.memory_space<vmem>>) offsets(%dma_start3A_87 : memref<128xi32, #tpu.memory_space<vmem>>) semaphore(%arg12 : memref<!tpu.dma_semaphore, #tpu.memory_space<semaphore_mem>>)
      %dma_wait3A_91 = arith.constant 2 : i32
      %dma_wait3A_92 = arith.constant 0 : i32
      %dma_wait3A_93 = tpu.memref_slice %arg7[%dma_wait3A_91, %dma_wait3A_92] : memref<8x128xi32, #tpu.memory_space<vmem>> -> memref<1x128xi32, #tpu.memory_space<vmem>>
      %dma_wait3A_94 = tpu.memref_squeeze %dma_wait3A_93 : memref<1x128xi32, #tpu.memory_space<vmem>> -> memref<128xi32, #tpu.memory_space<vmem>>
      %dma_wait3A_95 = arith.constant 0 : i32
      %dma_wait3A_96 = arith.constant 0 : i32
      %dma_wait3A_97 = tpu.memref_slice %arg2[%dma_wait3A_95, %dma_wait3A_96] : memref<10112x128xf32, #tpu.memory_space<hbm>> -> memref<10112x128xf32, #tpu.memory_space<hbm>>
      tpu.wait_indirect_dma semaphore(%arg12 : memref<!tpu.dma_semaphore, #tpu.memory_space<semaphore_mem>>) src(%dma_wait3A_97 : memref<10112x128xf32, #tpu.memory_space<hbm>>) dst(%arg9 : memref<128x128xf32, #tpu.memory_space<vmem>>)
      %dma_start3A_98 = arith.constant 2 : i32
      %dma_start3A_99 = arith.constant 0 : i32
      %dma_start3A_100 = tpu.memref_slice %arg8[%dma_start3A_98, %dma_start3A_99] : memref<8x128xi32, #tpu.memory_space<vmem>> -> memref<1x128xi32, #tpu.memory_space<vmem>>
      %dma_start3A_101 = tpu.memref_squeeze %dma_start3A_100 : memref<1x128xi32, #tpu.memory_space<vmem>> -> memref<128xi32, #tpu.memory_space<vmem>>
      %dma_start3A_102 = arith.constant 0 : i32
      %dma_start3A_103 = arith.constant 0 : i32
      %dma_start3A_104 = tpu.memref_slice %arg11[%dma_start3A_102, %dma_start3A_103] : memref<10112x128xf32, #tpu.memory_space<vmem_shared>> -> memref<10112x128xf32, #tpu.memory_space<vmem_shared>>
      tpu.enqueue_indirect_dma source(%arg9 : memref<128x128xf32, #tpu.memory_space<vmem>>) target(%dma_start3A_104 : memref<10112x128xf32, #tpu.memory_space<vmem_shared>>) offsets(%dma_start3A_101 : memref<128xi32, #tpu.memory_space<vmem>>) semaphore(%arg14 : memref<!tpu.dma_semaphore, #tpu.memory_space<semaphore_mem>>) {add = true}
      %dma_wait3A_105 = arith.constant 1 : i32
      %dma_wait3A_106 = arith.constant 0 : i32
      %dma_wait3A_107 = tpu.memref_slice %arg8[%dma_wait3A_105, %dma_wait3A_106] : memref<8x128xi32, #tpu.memory_space<vmem>> -> memref<1x128xi32, #tpu.memory_space<vmem>>
      %dma_wait3A_108 = tpu.memref_squeeze %dma_wait3A_107 : memref<1x128xi32, #tpu.memory_space<vmem>> -> memref<128xi32, #tpu.memory_space<vmem>>
      %dma_wait3A_109 = arith.constant 0 : i32
      %dma_wait3A_110 = arith.constant 0 : i32
      %dma_wait3A_111 = tpu.memref_slice %arg11[%dma_wait3A_109, %dma_wait3A_110] : memref<10112x128xf32, #tpu.memory_space<vmem_shared>> -> memref<10112x128xf32, #tpu.memory_space<vmem_shared>>
      tpu.wait_indirect_dma semaphore(%arg15 : memref<!tpu.dma_semaphore, #tpu.memory_space<semaphore_mem>>) src(%arg10 : memref<128x128xf32, #tpu.memory_space<vmem>>) dst(%dma_wait3A_111 : memref<10112x128xf32, #tpu.memory_space<vmem_shared>>)
      %dma_start3A_112 = arith.constant 3 : i32
      %dma_start3A_113 = arith.constant 0 : i32
      %dma_start3A_114 = tpu.memref_slice %arg7[%dma_start3A_112, %dma_start3A_113] : memref<8x128xi32, #tpu.memory_space<vmem>> -> memref<1x128xi32, #tpu.memory_space<vmem>>
      %dma_start3A_115 = tpu.memref_squeeze %dma_start3A_114 : memref<1x128xi32, #tpu.memory_space<vmem>> -> memref<128xi32, #tpu.memory_space<vmem>>
      %dma_start3A_116 = arith.constant 0 : i32
      %dma_start3A_117 = arith.constant 0 : i32
      %dma_start3A_118 = tpu.memref_slice %arg2[%dma_start3A_116, %dma_start3A_117] : memref<10112x128xf32, #tpu.memory_space<hbm>> -> memref<10112x128xf32, #tpu.memory_space<hbm>>
      tpu.enqueue_indirect_dma source(%dma_start3A_118 : memref<10112x128xf32, #tpu.memory_space<hbm>>) target(%arg10 : memref<128x128xf32, #tpu.memory_space<vmem>>) offsets(%dma_start3A_115 : memref<128xi32, #tpu.memory_space<vmem>>) semaphore(%arg13 : memref<!tpu.dma_semaphore, #tpu.memory_space<semaphore_mem>>)
      %dma_wait3A_119 = arith.constant 3 : i32
      %dma_wait3A_120 = arith.constant 0 : i32
      %dma_wait3A_121 = tpu.memref_slice %arg7[%dma_wait3A_119, %dma_wait3A_120] : memref<8x128xi32, #tpu.memory_space<vmem>> -> memref<1x128xi32, #tpu.memory_space<vmem>>
      %dma_wait3A_122 = tpu.memref_squeeze %dma_wait3A_121 : memref<1x128xi32, #tpu.memory_space<vmem>> -> memref<128xi32, #tpu.memory_space<vmem>>
      %dma_wait3A_123 = arith.constant 0 : i32
      %dma_wait3A_124 = arith.constant 0 : i32
      %dma_wait3A_125 = tpu.memref_slice %arg2[%dma_wait3A_123, %dma_wait3A_124] : memref<10112x128xf32, #tpu.memory_space<hbm>> -> memref<10112x128xf32, #tpu.memory_space<hbm>>
      tpu.wait_indirect_dma semaphore(%arg13 : memref<!tpu.dma_semaphore, #tpu.memory_space<semaphore_mem>>) src(%dma_wait3A_125 : memref<10112x128xf32, #tpu.memory_space<hbm>>) dst(%arg10 : memref<128x128xf32, #tpu.memory_space<vmem>>)
      %dma_start3A_126 = arith.constant 3 : i32
      %dma_start3A_127 = arith.constant 0 : i32
      %dma_start3A_128 = tpu.memref_slice %arg8[%dma_start3A_126, %dma_start3A_127] : memref<8x128xi32, #tpu.memory_space<vmem>> -> memref<1x128xi32, #tpu.memory_space<vmem>>
      %dma_start3A_129 = tpu.memref_squeeze %dma_start3A_128 : memref<1x128xi32, #tpu.memory_space<vmem>> -> memref<128xi32, #tpu.memory_space<vmem>>
      %dma_start3A_130 = arith.constant 0 : i32
      %dma_start3A_131 = arith.constant 0 : i32
      %dma_start3A_132 = tpu.memref_slice %arg11[%dma_start3A_130, %dma_start3A_131] : memref<10112x128xf32, #tpu.memory_space<vmem_shared>> -> memref<10112x128xf32, #tpu.memory_space<vmem_shared>>
      tpu.enqueue_indirect_dma source(%arg10 : memref<128x128xf32, #tpu.memory_space<vmem>>) target(%dma_start3A_132 : memref<10112x128xf32, #tpu.memory_space<vmem_shared>>) offsets(%dma_start3A_129 : memref<128xi32, #tpu.memory_space<vmem>>) semaphore(%arg15 : memref<!tpu.dma_semaphore, #tpu.memory_space<semaphore_mem>>) {add = true}
      %dma_wait3A_133 = arith.constant 2 : i32
      %dma_wait3A_134 = arith.constant 0 : i32
      %dma_wait3A_135 = tpu.memref_slice %arg8[%dma_wait3A_133, %dma_wait3A_134] : memref<8x128xi32, #tpu.memory_space<vmem>> -> memref<1x128xi32, #tpu.memory_space<vmem>>
      %dma_wait3A_136 = tpu.memref_squeeze %dma_wait3A_135 : memref<1x128xi32, #tpu.memory_space<vmem>> -> memref<128xi32, #tpu.memory_space<vmem>>
      %dma_wait3A_137 = arith.constant 0 : i32
      %dma_wait3A_138 = arith.constant 0 : i32
      %dma_wait3A_139 = tpu.memref_slice %arg11[%dma_wait3A_137, %dma_wait3A_138] : memref<10112x128xf32, #tpu.memory_space<vmem_shared>> -> memref<10112x128xf32, #tpu.memory_space<vmem_shared>>
      tpu.wait_indirect_dma semaphore(%arg14 : memref<!tpu.dma_semaphore, #tpu.memory_space<semaphore_mem>>) src(%arg9 : memref<128x128xf32, #tpu.memory_space<vmem>>) dst(%dma_wait3A_139 : memref<10112x128xf32, #tpu.memory_space<vmem_shared>>)
      %dma_start3A_140 = arith.constant 4 : i32
      %dma_start3A_141 = arith.constant 0 : i32
      %dma_start3A_142 = tpu.memref_slice %arg7[%dma_start3A_140, %dma_start3A_141] : memref<8x128xi32, #tpu.memory_space<vmem>> -> memref<1x128xi32, #tpu.memory_space<vmem>>
      %dma_start3A_143 = tpu.memref_squeeze %dma_start3A_142 : memref<1x128xi32, #tpu.memory_space<vmem>> -> memref<128xi32, #tpu.memory_space<vmem>>
      %dma_start3A_144 = arith.constant 0 : i32
      %dma_start3A_145 = arith.constant 0 : i32
      %dma_start3A_146 = tpu.memref_slice %arg2[%dma_start3A_144, %dma_start3A_145] : memref<10112x128xf32, #tpu.memory_space<hbm>> -> memref<10112x128xf32, #tpu.memory_space<hbm>>
      tpu.enqueue_indirect_dma source(%dma_start3A_146 : memref<10112x128xf32, #tpu.memory_space<hbm>>) target(%arg9 : memref<128x128xf32, #tpu.memory_space<vmem>>) offsets(%dma_start3A_143 : memref<128xi32, #tpu.memory_space<vmem>>) semaphore(%arg12 : memref<!tpu.dma_semaphore, #tpu.memory_space<semaphore_mem>>)
      %dma_wait3A_147 = arith.constant 4 : i32
      %dma_wait3A_148 = arith.constant 0 : i32
      %dma_wait3A_149 = tpu.memref_slice %arg7[%dma_wait3A_147, %dma_wait3A_148] : memref<8x128xi32, #tpu.memory_space<vmem>> -> memref<1x128xi32, #tpu.memory_space<vmem>>
      %dma_wait3A_150 = tpu.memref_squeeze %dma_wait3A_149 : memref<1x128xi32, #tpu.memory_space<vmem>> -> memref<128xi32, #tpu.memory_space<vmem>>
      %dma_wait3A_151 = arith.constant 0 : i32
      %dma_wait3A_152 = arith.constant 0 : i32
      %dma_wait3A_153 = tpu.memref_slice %arg2[%dma_wait3A_151, %dma_wait3A_152] : memref<10112x128xf32, #tpu.memory_space<hbm>> -> memref<10112x128xf32, #tpu.memory_space<hbm>>
      tpu.wait_indirect_dma semaphore(%arg12 : memref<!tpu.dma_semaphore, #tpu.memory_space<semaphore_mem>>) src(%dma_wait3A_153 : memref<10112x128xf32, #tpu.memory_space<hbm>>) dst(%arg9 : memref<128x128xf32, #tpu.memory_space<vmem>>)
      %dma_start3A_154 = arith.constant 4 : i32
      %dma_start3A_155 = arith.constant 0 : i32
      %dma_start3A_156 = tpu.memref_slice %arg8[%dma_start3A_154, %dma_start3A_155] : memref<8x128xi32, #tpu.memory_space<vmem>> -> memref<1x128xi32, #tpu.memory_space<vmem>>
      %dma_start3A_157 = tpu.memref_squeeze %dma_start3A_156 : memref<1x128xi32, #tpu.memory_space<vmem>> -> memref<128xi32, #tpu.memory_space<vmem>>
      %dma_start3A_158 = arith.constant 0 : i32
      %dma_start3A_159 = arith.constant 0 : i32
      %dma_start3A_160 = tpu.memref_slice %arg11[%dma_start3A_158, %dma_start3A_159] : memref<10112x128xf32, #tpu.memory_space<vmem_shared>> -> memref<10112x128xf32, #tpu.memory_space<vmem_shared>>
      tpu.enqueue_indirect_dma source(%arg9 : memref<128x128xf32, #tpu.memory_space<vmem>>) target(%dma_start3A_160 : memref<10112x128xf32, #tpu.memory_space<vmem_shared>>) offsets(%dma_start3A_157 : memref<128xi32, #tpu.memory_space<vmem>>) semaphore(%arg14 : memref<!tpu.dma_semaphore, #tpu.memory_space<semaphore_mem>>) {add = true}
      %dma_wait3A_161 = arith.constant 3 : i32
      %dma_wait3A_162 = arith.constant 0 : i32
      %dma_wait3A_163 = tpu.memref_slice %arg8[%dma_wait3A_161, %dma_wait3A_162] : memref<8x128xi32, #tpu.memory_space<vmem>> -> memref<1x128xi32, #tpu.memory_space<vmem>>
      %dma_wait3A_164 = tpu.memref_squeeze %dma_wait3A_163 : memref<1x128xi32, #tpu.memory_space<vmem>> -> memref<128xi32, #tpu.memory_space<vmem>>
      %dma_wait3A_165 = arith.constant 0 : i32
      %dma_wait3A_166 = arith.constant 0 : i32
      %dma_wait3A_167 = tpu.memref_slice %arg11[%dma_wait3A_165, %dma_wait3A_166] : memref<10112x128xf32, #tpu.memory_space<vmem_shared>> -> memref<10112x128xf32, #tpu.memory_space<vmem_shared>>
      tpu.wait_indirect_dma semaphore(%arg15 : memref<!tpu.dma_semaphore, #tpu.memory_space<semaphore_mem>>) src(%arg10 : memref<128x128xf32, #tpu.memory_space<vmem>>) dst(%dma_wait3A_167 : memref<10112x128xf32, #tpu.memory_space<vmem_shared>>)
      %dma_start3A_168 = arith.constant 5 : i32
      %dma_start3A_169 = arith.constant 0 : i32
      %dma_start3A_170 = tpu.memref_slice %arg7[%dma_start3A_168, %dma_start3A_169] : memref<8x128xi32, #tpu.memory_space<vmem>> -> memref<1x128xi32, #tpu.memory_space<vmem>>
      %dma_start3A_171 = tpu.memref_squeeze %dma_start3A_170 : memref<1x128xi32, #tpu.memory_space<vmem>> -> memref<128xi32, #tpu.memory_space<vmem>>
      %dma_start3A_172 = arith.constant 0 : i32
      %dma_start3A_173 = arith.constant 0 : i32
      %dma_start3A_174 = tpu.memref_slice %arg2[%dma_start3A_172, %dma_start3A_173] : memref<10112x128xf32, #tpu.memory_space<hbm>> -> memref<10112x128xf32, #tpu.memory_space<hbm>>
      tpu.enqueue_indirect_dma source(%dma_start3A_174 : memref<10112x128xf32, #tpu.memory_space<hbm>>) target(%arg10 : memref<128x128xf32, #tpu.memory_space<vmem>>) offsets(%dma_start3A_171 : memref<128xi32, #tpu.memory_space<vmem>>) semaphore(%arg13 : memref<!tpu.dma_semaphore, #tpu.memory_space<semaphore_mem>>)
      %dma_wait3A_175 = arith.constant 5 : i32
      %dma_wait3A_176 = arith.constant 0 : i32
      %dma_wait3A_177 = tpu.memref_slice %arg7[%dma_wait3A_175, %dma_wait3A_176] : memref<8x128xi32, #tpu.memory_space<vmem>> -> memref<1x128xi32, #tpu.memory_space<vmem>>
      %dma_wait3A_178 = tpu.memref_squeeze %dma_wait3A_177 : memref<1x128xi32, #tpu.memory_space<vmem>> -> memref<128xi32, #tpu.memory_space<vmem>>
      %dma_wait3A_179 = arith.constant 0 : i32
      %dma_wait3A_180 = arith.constant 0 : i32
      %dma_wait3A_181 = tpu.memref_slice %arg2[%dma_wait3A_179, %dma_wait3A_180] : memref<10112x128xf32, #tpu.memory_space<hbm>> -> memref<10112x128xf32, #tpu.memory_space<hbm>>
      tpu.wait_indirect_dma semaphore(%arg13 : memref<!tpu.dma_semaphore, #tpu.memory_space<semaphore_mem>>) src(%dma_wait3A_181 : memref<10112x128xf32, #tpu.memory_space<hbm>>) dst(%arg10 : memref<128x128xf32, #tpu.memory_space<vmem>>)
      %dma_start3A_182 = arith.constant 5 : i32
      %dma_start3A_183 = arith.constant 0 : i32
      %dma_start3A_184 = tpu.memref_slice %arg8[%dma_start3A_182, %dma_start3A_183] : memref<8x128xi32, #tpu.memory_space<vmem>> -> memref<1x128xi32, #tpu.memory_space<vmem>>
      %dma_start3A_185 = tpu.memref_squeeze %dma_start3A_184 : memref<1x128xi32, #tpu.memory_space<vmem>> -> memref<128xi32, #tpu.memory_space<vmem>>
      %dma_start3A_186 = arith.constant 0 : i32
      %dma_start3A_187 = arith.constant 0 : i32
      %dma_start3A_188 = tpu.memref_slice %arg11[%dma_start3A_186, %dma_start3A_187] : memref<10112x128xf32, #tpu.memory_space<vmem_shared>> -> memref<10112x128xf32, #tpu.memory_space<vmem_shared>>
      tpu.enqueue_indirect_dma source(%arg10 : memref<128x128xf32, #tpu.memory_space<vmem>>) target(%dma_start3A_188 : memref<10112x128xf32, #tpu.memory_space<vmem_shared>>) offsets(%dma_start3A_185 : memref<128xi32, #tpu.memory_space<vmem>>) semaphore(%arg15 : memref<!tpu.dma_semaphore, #tpu.memory_space<semaphore_mem>>) {add = true}
      %dma_wait3A_189 = arith.constant 4 : i32
      %dma_wait3A_190 = arith.constant 0 : i32
      %dma_wait3A_191 = tpu.memref_slice %arg8[%dma_wait3A_189, %dma_wait3A_190] : memref<8x128xi32, #tpu.memory_space<vmem>> -> memref<1x128xi32, #tpu.memory_space<vmem>>
      %dma_wait3A_192 = tpu.memref_squeeze %dma_wait3A_191 : memref<1x128xi32, #tpu.memory_space<vmem>> -> memref<128xi32, #tpu.memory_space<vmem>>
      %dma_wait3A_193 = arith.constant 0 : i32
      %dma_wait3A_194 = arith.constant 0 : i32
      %dma_wait3A_195 = tpu.memref_slice %arg11[%dma_wait3A_193, %dma_wait3A_194] : memref<10112x128xf32, #tpu.memory_space<vmem_shared>> -> memref<10112x128xf32, #tpu.memory_space<vmem_shared>>
      tpu.wait_indirect_dma semaphore(%arg14 : memref<!tpu.dma_semaphore, #tpu.memory_space<semaphore_mem>>) src(%arg9 : memref<128x128xf32, #tpu.memory_space<vmem>>) dst(%dma_wait3A_195 : memref<10112x128xf32, #tpu.memory_space<vmem_shared>>)
      %dma_start3A_196 = arith.constant 6 : i32
      %dma_start3A_197 = arith.constant 0 : i32
      %dma_start3A_198 = tpu.memref_slice %arg7[%dma_start3A_196, %dma_start3A_197] : memref<8x128xi32, #tpu.memory_space<vmem>> -> memref<1x128xi32, #tpu.memory_space<vmem>>
      %dma_start3A_199 = tpu.memref_squeeze %dma_start3A_198 : memref<1x128xi32, #tpu.memory_space<vmem>> -> memref<128xi32, #tpu.memory_space<vmem>>
      %dma_start3A_200 = arith.constant 0 : i32
      %dma_start3A_201 = arith.constant 0 : i32
      %dma_start3A_202 = tpu.memref_slice %arg2[%dma_start3A_200, %dma_start3A_201] : memref<10112x128xf32, #tpu.memory_space<hbm>> -> memref<10112x128xf32, #tpu.memory_space<hbm>>
      tpu.enqueue_indirect_dma source(%dma_start3A_202 : memref<10112x128xf32, #tpu.memory_space<hbm>>) target(%arg9 : memref<128x128xf32, #tpu.memory_space<vmem>>) offsets(%dma_start3A_199 : memref<128xi32, #tpu.memory_space<vmem>>) semaphore(%arg12 : memref<!tpu.dma_semaphore, #tpu.memory_space<semaphore_mem>>)
      %dma_wait3A_203 = arith.constant 6 : i32
      %dma_wait3A_204 = arith.constant 0 : i32
      %dma_wait3A_205 = tpu.memref_slice %arg7[%dma_wait3A_203, %dma_wait3A_204] : memref<8x128xi32, #tpu.memory_space<vmem>> -> memref<1x128xi32, #tpu.memory_space<vmem>>
      %dma_wait3A_206 = tpu.memref_squeeze %dma_wait3A_205 : memref<1x128xi32, #tpu.memory_space<vmem>> -> memref<128xi32, #tpu.memory_space<vmem>>
      %dma_wait3A_207 = arith.constant 0 : i32
      %dma_wait3A_208 = arith.constant 0 : i32
      %dma_wait3A_209 = tpu.memref_slice %arg2[%dma_wait3A_207, %dma_wait3A_208] : memref<10112x128xf32, #tpu.memory_space<hbm>> -> memref<10112x128xf32, #tpu.memory_space<hbm>>
      tpu.wait_indirect_dma semaphore(%arg12 : memref<!tpu.dma_semaphore, #tpu.memory_space<semaphore_mem>>) src(%dma_wait3A_209 : memref<10112x128xf32, #tpu.memory_space<hbm>>) dst(%arg9 : memref<128x128xf32, #tpu.memory_space<vmem>>)
      %dma_start3A_210 = arith.constant 6 : i32
      %dma_start3A_211 = arith.constant 0 : i32
      %dma_start3A_212 = tpu.memref_slice %arg8[%dma_start3A_210, %dma_start3A_211] : memref<8x128xi32, #tpu.memory_space<vmem>> -> memref<1x128xi32, #tpu.memory_space<vmem>>
      %dma_start3A_213 = tpu.memref_squeeze %dma_start3A_212 : memref<1x128xi32, #tpu.memory_space<vmem>> -> memref<128xi32, #tpu.memory_space<vmem>>
      %dma_start3A_214 = arith.constant 0 : i32
      %dma_start3A_215 = arith.constant 0 : i32
      %dma_start3A_216 = tpu.memref_slice %arg11[%dma_start3A_214, %dma_start3A_215] : memref<10112x128xf32, #tpu.memory_space<vmem_shared>> -> memref<10112x128xf32, #tpu.memory_space<vmem_shared>>
      tpu.enqueue_indirect_dma source(%arg9 : memref<128x128xf32, #tpu.memory_space<vmem>>) target(%dma_start3A_216 : memref<10112x128xf32, #tpu.memory_space<vmem_shared>>) offsets(%dma_start3A_213 : memref<128xi32, #tpu.memory_space<vmem>>) semaphore(%arg14 : memref<!tpu.dma_semaphore, #tpu.memory_space<semaphore_mem>>) {add = true}
      %dma_wait3A_217 = arith.constant 5 : i32
      %dma_wait3A_218 = arith.constant 0 : i32
      %dma_wait3A_219 = tpu.memref_slice %arg8[%dma_wait3A_217, %dma_wait3A_218] : memref<8x128xi32, #tpu.memory_space<vmem>> -> memref<1x128xi32, #tpu.memory_space<vmem>>
      %dma_wait3A_220 = tpu.memref_squeeze %dma_wait3A_219 : memref<1x128xi32, #tpu.memory_space<vmem>> -> memref<128xi32, #tpu.memory_space<vmem>>
      %dma_wait3A_221 = arith.constant 0 : i32
      %dma_wait3A_222 = arith.constant 0 : i32
      %dma_wait3A_223 = tpu.memref_slice %arg11[%dma_wait3A_221, %dma_wait3A_222] : memref<10112x128xf32, #tpu.memory_space<vmem_shared>> -> memref<10112x128xf32, #tpu.memory_space<vmem_shared>>
      tpu.wait_indirect_dma semaphore(%arg15 : memref<!tpu.dma_semaphore, #tpu.memory_space<semaphore_mem>>) src(%arg10 : memref<128x128xf32, #tpu.memory_space<vmem>>) dst(%dma_wait3A_223 : memref<10112x128xf32, #tpu.memory_space<vmem_shared>>)
      %dma_start3A_224 = arith.constant 7 : i32
      %dma_start3A_225 = arith.constant 0 : i32
      %dma_start3A_226 = tpu.memref_slice %arg7[%dma_start3A_224, %dma_start3A_225] : memref<8x128xi32, #tpu.memory_space<vmem>> -> memref<1x128xi32, #tpu.memory_space<vmem>>
      %dma_start3A_227 = tpu.memref_squeeze %dma_start3A_226 : memref<1x128xi32, #tpu.memory_space<vmem>> -> memref<128xi32, #tpu.memory_space<vmem>>
      %dma_start3A_228 = arith.constant 0 : i32
      %dma_start3A_229 = arith.constant 0 : i32
      %dma_start3A_230 = tpu.memref_slice %arg2[%dma_start3A_228, %dma_start3A_229] : memref<10112x128xf32, #tpu.memory_space<hbm>> -> memref<10112x128xf32, #tpu.memory_space<hbm>>
      tpu.enqueue_indirect_dma source(%dma_start3A_230 : memref<10112x128xf32, #tpu.memory_space<hbm>>) target(%arg10 : memref<128x128xf32, #tpu.memory_space<vmem>>) offsets(%dma_start3A_227 : memref<128xi32, #tpu.memory_space<vmem>>) semaphore(%arg13 : memref<!tpu.dma_semaphore, #tpu.memory_space<semaphore_mem>>)
      %dma_wait3A_231 = arith.constant 7 : i32
      %dma_wait3A_232 = arith.constant 0 : i32
      %dma_wait3A_233 = tpu.memref_slice %arg7[%dma_wait3A_231, %dma_wait3A_232] : memref<8x128xi32, #tpu.memory_space<vmem>> -> memref<1x128xi32, #tpu.memory_space<vmem>>
      %dma_wait3A_234 = tpu.memref_squeeze %dma_wait3A_233 : memref<1x128xi32, #tpu.memory_space<vmem>> -> memref<128xi32, #tpu.memory_space<vmem>>
      %dma_wait3A_235 = arith.constant 0 : i32
      %dma_wait3A_236 = arith.constant 0 : i32
      %dma_wait3A_237 = tpu.memref_slice %arg2[%dma_wait3A_235, %dma_wait3A_236] : memref<10112x128xf32, #tpu.memory_space<hbm>> -> memref<10112x128xf32, #tpu.memory_space<hbm>>
      tpu.wait_indirect_dma semaphore(%arg13 : memref<!tpu.dma_semaphore, #tpu.memory_space<semaphore_mem>>) src(%dma_wait3A_237 : memref<10112x128xf32, #tpu.memory_space<hbm>>) dst(%arg10 : memref<128x128xf32, #tpu.memory_space<vmem>>)
      %dma_start3A_238 = arith.constant 7 : i32
      %dma_start3A_239 = arith.constant 0 : i32
      %dma_start3A_240 = tpu.memref_slice %arg8[%dma_start3A_238, %dma_start3A_239] : memref<8x128xi32, #tpu.memory_space<vmem>> -> memref<1x128xi32, #tpu.memory_space<vmem>>
      %dma_start3A_241 = tpu.memref_squeeze %dma_start3A_240 : memref<1x128xi32, #tpu.memory_space<vmem>> -> memref<128xi32, #tpu.memory_space<vmem>>
      %dma_start3A_242 = arith.constant 0 : i32
      %dma_start3A_243 = arith.constant 0 : i32
      %dma_start3A_244 = tpu.memref_slice %arg11[%dma_start3A_242, %dma_start3A_243] : memref<10112x128xf32, #tpu.memory_space<vmem_shared>> -> memref<10112x128xf32, #tpu.memory_space<vmem_shared>>
      tpu.enqueue_indirect_dma source(%arg10 : memref<128x128xf32, #tpu.memory_space<vmem>>) target(%dma_start3A_244 : memref<10112x128xf32, #tpu.memory_space<vmem_shared>>) offsets(%dma_start3A_241 : memref<128xi32, #tpu.memory_space<vmem>>) semaphore(%arg15 : memref<!tpu.dma_semaphore, #tpu.memory_space<semaphore_mem>>) {add = true}
      %dma_wait3A_245 = arith.constant 6 : i32
      %dma_wait3A_246 = arith.constant 0 : i32
      %dma_wait3A_247 = tpu.memref_slice %arg8[%dma_wait3A_245, %dma_wait3A_246] : memref<8x128xi32, #tpu.memory_space<vmem>> -> memref<1x128xi32, #tpu.memory_space<vmem>>
      %dma_wait3A_248 = tpu.memref_squeeze %dma_wait3A_247 : memref<1x128xi32, #tpu.memory_space<vmem>> -> memref<128xi32, #tpu.memory_space<vmem>>
      %dma_wait3A_249 = arith.constant 0 : i32
      %dma_wait3A_250 = arith.constant 0 : i32
      %dma_wait3A_251 = tpu.memref_slice %arg11[%dma_wait3A_249, %dma_wait3A_250] : memref<10112x128xf32, #tpu.memory_space<vmem_shared>> -> memref<10112x128xf32, #tpu.memory_space<vmem_shared>>
      tpu.wait_indirect_dma semaphore(%arg14 : memref<!tpu.dma_semaphore, #tpu.memory_space<semaphore_mem>>) src(%arg9 : memref<128x128xf32, #tpu.memory_space<vmem>>) dst(%dma_wait3A_251 : memref<10112x128xf32, #tpu.memory_space<vmem_shared>>)
      %dma_wait3A_252 = arith.constant 7 : i32
      %dma_wait3A_253 = arith.constant 0 : i32
      %dma_wait3A_254 = tpu.memref_slice %arg8[%dma_wait3A_252, %dma_wait3A_253] : memref<8x128xi32, #tpu.memory_space<vmem>> -> memref<1x128xi32, #tpu.memory_space<vmem>>
      %dma_wait3A_255 = tpu.memref_squeeze %dma_wait3A_254 : memref<1x128xi32, #tpu.memory_space<vmem>> -> memref<128xi32, #tpu.memory_space<vmem>>
      %dma_wait3A_256 = arith.constant 0 : i32
      %dma_wait3A_257 = arith.constant 0 : i32
      %dma_wait3A_258 = tpu.memref_slice %arg11[%dma_wait3A_256, %dma_wait3A_257] : memref<10112x128xf32, #tpu.memory_space<vmem_shared>> -> memref<10112x128xf32, #tpu.memory_space<vmem_shared>>
      tpu.wait_indirect_dma semaphore(%arg15 : memref<!tpu.dma_semaphore, #tpu.memory_space<semaphore_mem>>) src(%arg10 : memref<128x128xf32, #tpu.memory_space<vmem>>) dst(%dma_wait3A_258 : memref<10112x128xf32, #tpu.memory_space<vmem_shared>>)
    }
    %barrier3A_27 = arith.constant 0 : index
    tpu.barrier barrier_id(%barrier3A_27)
    "tpu.region"() ({
      %run_scoped3A = tpu.sem_alloc : memref<!tpu.dma_semaphore, #tpu.memory_space<semaphore_mem>>
      %dma_start3A = arith.constant 0 : i32
      %dma_start3A_28 = tpu.memref_slice %arg6[%arg0, %mul3A_10, %dma_start3A] : memref<2x10112x128xf32, #tpu.memory_space<hbm>> -> memref<1x632x128xf32, #tpu.memory_space<hbm>>
      %dma_start3A_29 = tpu.memref_squeeze %dma_start3A_28 : memref<1x632x128xf32, #tpu.memory_space<hbm>> -> memref<632x128xf32, #tpu.memory_space<hbm>>
      %dma_start3A_30 = arith.constant 0 : i32
      %dma_start3A_31 = tpu.memref_slice %arg11[%mul3A_10, %dma_start3A_30] : memref<10112x128xf32, #tpu.memory_space<vmem_shared>> -> memref<632x128xf32, #tpu.memory_space<vmem_shared>>
      tpu.enqueue_dma source(%dma_start3A_31 : memref<632x128xf32, #tpu.memory_space<vmem_shared>>) target(%dma_start3A_29 : memref<632x128xf32, #tpu.memory_space<hbm>>) target_semaphore(%run_scoped3A : memref<!tpu.dma_semaphore, #tpu.memory_space<semaphore_mem>>)
      %dma_wait3A = arith.constant 0 : i32
      %dma_wait3A_32 = tpu.memref_slice %arg6[%arg0, %mul3A_10, %dma_wait3A] : memref<2x10112x128xf32, #tpu.memory_space<hbm>> -> memref<1x632x128xf32, #tpu.memory_space<hbm>>
      %dma_wait3A_33 = tpu.memref_squeeze %dma_wait3A_32 : memref<1x632x128xf32, #tpu.memory_space<hbm>> -> memref<632x128xf32, #tpu.memory_space<hbm>>
      %dma_wait3A_34 = arith.constant 0 : i32
      %dma_wait3A_35 = tpu.memref_slice %arg11[%mul3A_10, %dma_wait3A_34] : memref<10112x128xf32, #tpu.memory_space<vmem_shared>> -> memref<632x128xf32, #tpu.memory_space<vmem_shared>>
      tpu.wait_dma2 semaphore(%run_scoped3A : memref<!tpu.dma_semaphore, #tpu.memory_space<semaphore_mem>>) src(%dma_wait3A_35 : memref<632x128xf32, #tpu.memory_space<vmem_shared>>) dst(%dma_wait3A_33 : memref<632x128xf32, #tpu.memory_space<hbm>>)
      tpu.yield
    }) : () -> ()
    return
  }
}

#map = affine_map<(d0, d1) -> (0, 0)>
#map1 = affine_map<(d0, d1) -> (0, 0, 0)>
module attributes {stable_mosaic.version = 14 : i64} {
  func.func @deg_kernel(%arg0: i32, %arg1: i32, %arg2: memref<2560x128xi32, #tpu.memory_space<hbm>>, %arg3: memref<2560x128xi32, #tpu.memory_space<hbm>>, %arg4: memref<128x128xf32, #tpu.memory_space<hbm>>, %arg5: memref<128x128xf32, #tpu.memory_space<hbm>>, %arg6: memref<10112x128xf32, #tpu.memory_space<hbm>>, %arg7: memref<2x10112x128xf32, #tpu.memory_space<hbm>>, %arg8: memref<8x128xi32, #tpu.memory_space<vmem>>, %arg9: memref<8x128xi32, #tpu.memory_space<vmem>>, %arg10: memref<128x128xf32, #tpu.memory_space<vmem>>, %arg11: memref<128x128xf32, #tpu.memory_space<vmem>>, %arg12: memref<10112x128xf32, #tpu.memory_space<vmem_shared>>, %arg13: memref<!tpu.dma_semaphore, #tpu.memory_space<semaphore_mem>>) attributes {dimension_semantics = [#tpu.dimension_semantics<core_parallel>, #tpu.dimension_semantics<subcore_parallel>], iteration_bounds = array<i64: 2, 16>, scalar_prefetch = 0 : i64, scratch_operands = 6 : i64, tpu.core_type = #tpu.core_type<sc_vector_subcore>, window_params = [{transform_indices = #map}, {transform_indices = #map}, {transform_indices = #map}, {transform_indices = #map}, {transform_indices = #map}, {transform_indices = #map1}]} {
    %mul3A = arith.constant 16 : i32
    %mul3A_0 = arith.muli %arg0, %mul3A : i32
    %add3A = arith.addi %mul3A_0, %arg1 : i32
    %mul3A_1 = arith.constant 80 : i32
    %mul3A_2 = arith.muli %add3A, %mul3A_1 : i32
    "tpu.region"() ({
      %run_scoped3A = tpu.sem_alloc : memref<!tpu.dma_semaphore, #tpu.memory_space<semaphore_mem>>
      tpu.enqueue_dma source(%arg4 : memref<128x128xf32, #tpu.memory_space<hbm>>) target(%arg10 : memref<128x128xf32, #tpu.memory_space<vmem>>) target_semaphore(%run_scoped3A : memref<!tpu.dma_semaphore, #tpu.memory_space<semaphore_mem>>)
      tpu.wait_dma2 semaphore(%run_scoped3A : memref<!tpu.dma_semaphore, #tpu.memory_space<semaphore_mem>>) src(%arg4 : memref<128x128xf32, #tpu.memory_space<hbm>>) dst(%arg10 : memref<128x128xf32, #tpu.memory_space<vmem>>)
      tpu.yield
    }) : () -> ()
    "tpu.region"() ({
      %run_scoped3A = tpu.sem_alloc : memref<!tpu.dma_semaphore, #tpu.memory_space<semaphore_mem>>
      tpu.enqueue_dma source(%arg5 : memref<128x128xf32, #tpu.memory_space<hbm>>) target(%arg11 : memref<128x128xf32, #tpu.memory_space<vmem>>) target_semaphore(%run_scoped3A : memref<!tpu.dma_semaphore, #tpu.memory_space<semaphore_mem>>)
      tpu.wait_dma2 semaphore(%run_scoped3A : memref<!tpu.dma_semaphore, #tpu.memory_space<semaphore_mem>>) src(%arg5 : memref<128x128xf32, #tpu.memory_space<hbm>>) dst(%arg11 : memref<128x128xf32, #tpu.memory_space<vmem>>)
      tpu.yield
    }) : () -> ()
    %mul3A_3 = arith.constant 632 : i32
    %mul3A_4 = arith.muli %arg1, %mul3A_3 : i32
    "tpu.region"() ({
      %run_scoped3A = tpu.sem_alloc : memref<!tpu.dma_semaphore, #tpu.memory_space<semaphore_mem>>
      %dma_start3A = arith.constant 0 : i32
      %dma_start3A_10 = tpu.memref_slice %arg12[%mul3A_4, %dma_start3A] : memref<10112x128xf32, #tpu.memory_space<vmem_shared>> -> memref<632x128xf32, #tpu.memory_space<vmem_shared>>
      %dma_start3A_11 = arith.constant 0 : i32
      %dma_start3A_12 = tpu.memref_slice %arg6[%mul3A_4, %dma_start3A_11] : memref<10112x128xf32, #tpu.memory_space<hbm>> -> memref<632x128xf32, #tpu.memory_space<hbm>>
      tpu.enqueue_dma source(%dma_start3A_12 : memref<632x128xf32, #tpu.memory_space<hbm>>) target(%dma_start3A_10 : memref<632x128xf32, #tpu.memory_space<vmem_shared>>) target_semaphore(%run_scoped3A : memref<!tpu.dma_semaphore, #tpu.memory_space<semaphore_mem>>)
      %dma_wait3A = arith.constant 0 : i32
      %dma_wait3A_13 = tpu.memref_slice %arg12[%mul3A_4, %dma_wait3A] : memref<10112x128xf32, #tpu.memory_space<vmem_shared>> -> memref<632x128xf32, #tpu.memory_space<vmem_shared>>
      %dma_wait3A_14 = arith.constant 0 : i32
      %dma_wait3A_15 = tpu.memref_slice %arg6[%mul3A_4, %dma_wait3A_14] : memref<10112x128xf32, #tpu.memory_space<hbm>> -> memref<632x128xf32, #tpu.memory_space<hbm>>
      tpu.wait_dma2 semaphore(%run_scoped3A : memref<!tpu.dma_semaphore, #tpu.memory_space<semaphore_mem>>) src(%dma_wait3A_15 : memref<632x128xf32, #tpu.memory_space<hbm>>) dst(%dma_wait3A_13 : memref<632x128xf32, #tpu.memory_space<vmem_shared>>)
      tpu.yield
    }) : () -> ()
    %barrier3A = arith.constant 0 : index
    tpu.barrier barrier_id(%barrier3A)
    %scan3A = arith.constant 0 : i32
    %scan3A_5 = arith.constant 10 : i32
    %scan3A_6 = arith.addi %scan3A, %scan3A_5 : i32
    %scan3A_7 = arith.constant 1 : i32
    scf.for %scan3A_10 = %scan3A to %scan3A_6 step %scan3A_7  : i32 {
      %mul3A_11 = arith.constant 1 : i32
      %mul3A_12 = arith.muli %scan3A_10, %mul3A_11 : i32
      %add3A_13 = arith.constant 0 : i32
      %add3A_14 = arith.addi %add3A_13, %mul3A_12 : i32
      %mul3A_15 = arith.constant 8 : i32
      %mul3A_16 = arith.muli %add3A_14, %mul3A_15 : i32
      %add3A_17 = arith.addi %mul3A_2, %mul3A_16 : i32
      "tpu.region"() ({
        %run_scoped3A = tpu.sem_alloc : memref<!tpu.dma_semaphore, #tpu.memory_space<semaphore_mem>>
        %dma_start3A_243 = arith.constant 0 : i32
        %dma_start3A_244 = tpu.memref_slice %arg2[%add3A_17, %dma_start3A_243] : memref<2560x128xi32, #tpu.memory_space<hbm>> -> memref<8x128xi32, #tpu.memory_space<hbm>>
        %dma_start3A_245 = arith.constant 0 : i32
        %dma_start3A_246 = tpu.memref_slice %arg2[%add3A_17, %dma_start3A_245] : memref<2560x128xi32, #tpu.memory_space<hbm>> -> memref<8x128xi32, #tpu.memory_space<hbm>>
        tpu.enqueue_dma source(%dma_start3A_246 : memref<8x128xi32, #tpu.memory_space<hbm>>) target(%arg8 : memref<8x128xi32, #tpu.memory_space<vmem>>) target_semaphore(%run_scoped3A : memref<!tpu.dma_semaphore, #tpu.memory_space<semaphore_mem>>)
        %dma_wait3A_247 = arith.constant 0 : i32
        %dma_wait3A_248 = tpu.memref_slice %arg2[%add3A_17, %dma_wait3A_247] : memref<2560x128xi32, #tpu.memory_space<hbm>> -> memref<8x128xi32, #tpu.memory_space<hbm>>
        %dma_wait3A_249 = arith.constant 0 : i32
        %dma_wait3A_250 = tpu.memref_slice %arg2[%add3A_17, %dma_wait3A_249] : memref<2560x128xi32, #tpu.memory_space<hbm>> -> memref<8x128xi32, #tpu.memory_space<hbm>>
        tpu.wait_dma2 semaphore(%run_scoped3A : memref<!tpu.dma_semaphore, #tpu.memory_space<semaphore_mem>>) src(%dma_wait3A_250 : memref<8x128xi32, #tpu.memory_space<hbm>>) dst(%arg8 : memref<8x128xi32, #tpu.memory_space<vmem>>)
        tpu.yield
      }) : () -> ()
      %mul3A_18 = arith.constant 8 : i32
      %mul3A_19 = arith.muli %add3A_14, %mul3A_18 : i32
      %add3A_20 = arith.addi %mul3A_2, %mul3A_19 : i32
      "tpu.region"() ({
        %run_scoped3A = tpu.sem_alloc : memref<!tpu.dma_semaphore, #tpu.memory_space<semaphore_mem>>
        %dma_start3A_243 = arith.constant 0 : i32
        %dma_start3A_244 = tpu.memref_slice %arg3[%add3A_20, %dma_start3A_243] : memref<2560x128xi32, #tpu.memory_space<hbm>> -> memref<8x128xi32, #tpu.memory_space<hbm>>
        %dma_start3A_245 = arith.constant 0 : i32
        %dma_start3A_246 = tpu.memref_slice %arg3[%add3A_20, %dma_start3A_245] : memref<2560x128xi32, #tpu.memory_space<hbm>> -> memref<8x128xi32, #tpu.memory_space<hbm>>
        tpu.enqueue_dma source(%dma_start3A_246 : memref<8x128xi32, #tpu.memory_space<hbm>>) target(%arg9 : memref<8x128xi32, #tpu.memory_space<vmem>>) target_semaphore(%run_scoped3A : memref<!tpu.dma_semaphore, #tpu.memory_space<semaphore_mem>>)
        %dma_wait3A_247 = arith.constant 0 : i32
        %dma_wait3A_248 = tpu.memref_slice %arg3[%add3A_20, %dma_wait3A_247] : memref<2560x128xi32, #tpu.memory_space<hbm>> -> memref<8x128xi32, #tpu.memory_space<hbm>>
        %dma_wait3A_249 = arith.constant 0 : i32
        %dma_wait3A_250 = tpu.memref_slice %arg3[%add3A_20, %dma_wait3A_249] : memref<2560x128xi32, #tpu.memory_space<hbm>> -> memref<8x128xi32, #tpu.memory_space<hbm>>
        tpu.wait_dma2 semaphore(%run_scoped3A : memref<!tpu.dma_semaphore, #tpu.memory_space<semaphore_mem>>) src(%dma_wait3A_250 : memref<8x128xi32, #tpu.memory_space<hbm>>) dst(%arg9 : memref<8x128xi32, #tpu.memory_space<vmem>>)
        tpu.yield
      }) : () -> ()
      %dma_start3A = arith.constant 0 : i32
      %dma_start3A_21 = arith.constant 0 : i32
      %dma_start3A_22 = tpu.memref_slice %arg8[%dma_start3A, %dma_start3A_21] : memref<8x128xi32, #tpu.memory_space<vmem>> -> memref<1x128xi32, #tpu.memory_space<vmem>>
      %dma_start3A_23 = tpu.memref_squeeze %dma_start3A_22 : memref<1x128xi32, #tpu.memory_space<vmem>> -> memref<128xi32, #tpu.memory_space<vmem>>
      %dma_start3A_24 = arith.constant 0 : i32
      %dma_start3A_25 = arith.constant 0 : i32
      %dma_start3A_26 = tpu.memref_slice %arg12[%dma_start3A_24, %dma_start3A_25] : memref<10112x128xf32, #tpu.memory_space<vmem_shared>> -> memref<10112x128xf32, #tpu.memory_space<vmem_shared>>
      tpu.enqueue_indirect_dma source(%arg10 : memref<128x128xf32, #tpu.memory_space<vmem>>) target(%dma_start3A_26 : memref<10112x128xf32, #tpu.memory_space<vmem_shared>>) offsets(%dma_start3A_23 : memref<128xi32, #tpu.memory_space<vmem>>) semaphore(%arg13 : memref<!tpu.dma_semaphore, #tpu.memory_space<semaphore_mem>>) {add = true}
      %dma_start3A_27 = arith.constant 0 : i32
      %dma_start3A_28 = arith.constant 0 : i32
      %dma_start3A_29 = tpu.memref_slice %arg9[%dma_start3A_27, %dma_start3A_28] : memref<8x128xi32, #tpu.memory_space<vmem>> -> memref<1x128xi32, #tpu.memory_space<vmem>>
      %dma_start3A_30 = tpu.memref_squeeze %dma_start3A_29 : memref<1x128xi32, #tpu.memory_space<vmem>> -> memref<128xi32, #tpu.memory_space<vmem>>
      %dma_start3A_31 = arith.constant 0 : i32
      %dma_start3A_32 = arith.constant 0 : i32
      %dma_start3A_33 = tpu.memref_slice %arg12[%dma_start3A_31, %dma_start3A_32] : memref<10112x128xf32, #tpu.memory_space<vmem_shared>> -> memref<10112x128xf32, #tpu.memory_space<vmem_shared>>
      tpu.enqueue_indirect_dma source(%arg11 : memref<128x128xf32, #tpu.memory_space<vmem>>) target(%dma_start3A_33 : memref<10112x128xf32, #tpu.memory_space<vmem_shared>>) offsets(%dma_start3A_30 : memref<128xi32, #tpu.memory_space<vmem>>) semaphore(%arg13 : memref<!tpu.dma_semaphore, #tpu.memory_space<semaphore_mem>>) {add = true}
      %dma_start3A_34 = arith.constant 1 : i32
      %dma_start3A_35 = arith.constant 0 : i32
      %dma_start3A_36 = tpu.memref_slice %arg8[%dma_start3A_34, %dma_start3A_35] : memref<8x128xi32, #tpu.memory_space<vmem>> -> memref<1x128xi32, #tpu.memory_space<vmem>>
      %dma_start3A_37 = tpu.memref_squeeze %dma_start3A_36 : memref<1x128xi32, #tpu.memory_space<vmem>> -> memref<128xi32, #tpu.memory_space<vmem>>
      %dma_start3A_38 = arith.constant 0 : i32
      %dma_start3A_39 = arith.constant 0 : i32
      %dma_start3A_40 = tpu.memref_slice %arg12[%dma_start3A_38, %dma_start3A_39] : memref<10112x128xf32, #tpu.memory_space<vmem_shared>> -> memref<10112x128xf32, #tpu.memory_space<vmem_shared>>
      tpu.enqueue_indirect_dma source(%arg10 : memref<128x128xf32, #tpu.memory_space<vmem>>) target(%dma_start3A_40 : memref<10112x128xf32, #tpu.memory_space<vmem_shared>>) offsets(%dma_start3A_37 : memref<128xi32, #tpu.memory_space<vmem>>) semaphore(%arg13 : memref<!tpu.dma_semaphore, #tpu.memory_space<semaphore_mem>>) {add = true}
      %dma_start3A_41 = arith.constant 1 : i32
      %dma_start3A_42 = arith.constant 0 : i32
      %dma_start3A_43 = tpu.memref_slice %arg9[%dma_start3A_41, %dma_start3A_42] : memref<8x128xi32, #tpu.memory_space<vmem>> -> memref<1x128xi32, #tpu.memory_space<vmem>>
      %dma_start3A_44 = tpu.memref_squeeze %dma_start3A_43 : memref<1x128xi32, #tpu.memory_space<vmem>> -> memref<128xi32, #tpu.memory_space<vmem>>
      %dma_start3A_45 = arith.constant 0 : i32
      %dma_start3A_46 = arith.constant 0 : i32
      %dma_start3A_47 = tpu.memref_slice %arg12[%dma_start3A_45, %dma_start3A_46] : memref<10112x128xf32, #tpu.memory_space<vmem_shared>> -> memref<10112x128xf32, #tpu.memory_space<vmem_shared>>
      tpu.enqueue_indirect_dma source(%arg11 : memref<128x128xf32, #tpu.memory_space<vmem>>) target(%dma_start3A_47 : memref<10112x128xf32, #tpu.memory_space<vmem_shared>>) offsets(%dma_start3A_44 : memref<128xi32, #tpu.memory_space<vmem>>) semaphore(%arg13 : memref<!tpu.dma_semaphore, #tpu.memory_space<semaphore_mem>>) {add = true}
      %dma_start3A_48 = arith.constant 2 : i32
      %dma_start3A_49 = arith.constant 0 : i32
      %dma_start3A_50 = tpu.memref_slice %arg8[%dma_start3A_48, %dma_start3A_49] : memref<8x128xi32, #tpu.memory_space<vmem>> -> memref<1x128xi32, #tpu.memory_space<vmem>>
      %dma_start3A_51 = tpu.memref_squeeze %dma_start3A_50 : memref<1x128xi32, #tpu.memory_space<vmem>> -> memref<128xi32, #tpu.memory_space<vmem>>
      %dma_start3A_52 = arith.constant 0 : i32
      %dma_start3A_53 = arith.constant 0 : i32
      %dma_start3A_54 = tpu.memref_slice %arg12[%dma_start3A_52, %dma_start3A_53] : memref<10112x128xf32, #tpu.memory_space<vmem_shared>> -> memref<10112x128xf32, #tpu.memory_space<vmem_shared>>
      tpu.enqueue_indirect_dma source(%arg10 : memref<128x128xf32, #tpu.memory_space<vmem>>) target(%dma_start3A_54 : memref<10112x128xf32, #tpu.memory_space<vmem_shared>>) offsets(%dma_start3A_51 : memref<128xi32, #tpu.memory_space<vmem>>) semaphore(%arg13 : memref<!tpu.dma_semaphore, #tpu.memory_space<semaphore_mem>>) {add = true}
      %dma_start3A_55 = arith.constant 2 : i32
      %dma_start3A_56 = arith.constant 0 : i32
      %dma_start3A_57 = tpu.memref_slice %arg9[%dma_start3A_55, %dma_start3A_56] : memref<8x128xi32, #tpu.memory_space<vmem>> -> memref<1x128xi32, #tpu.memory_space<vmem>>
      %dma_start3A_58 = tpu.memref_squeeze %dma_start3A_57 : memref<1x128xi32, #tpu.memory_space<vmem>> -> memref<128xi32, #tpu.memory_space<vmem>>
      %dma_start3A_59 = arith.constant 0 : i32
      %dma_start3A_60 = arith.constant 0 : i32
      %dma_start3A_61 = tpu.memref_slice %arg12[%dma_start3A_59, %dma_start3A_60] : memref<10112x128xf32, #tpu.memory_space<vmem_shared>> -> memref<10112x128xf32, #tpu.memory_space<vmem_shared>>
      tpu.enqueue_indirect_dma source(%arg11 : memref<128x128xf32, #tpu.memory_space<vmem>>) target(%dma_start3A_61 : memref<10112x128xf32, #tpu.memory_space<vmem_shared>>) offsets(%dma_start3A_58 : memref<128xi32, #tpu.memory_space<vmem>>) semaphore(%arg13 : memref<!tpu.dma_semaphore, #tpu.memory_space<semaphore_mem>>) {add = true}
      %dma_start3A_62 = arith.constant 3 : i32
      %dma_start3A_63 = arith.constant 0 : i32
      %dma_start3A_64 = tpu.memref_slice %arg8[%dma_start3A_62, %dma_start3A_63] : memref<8x128xi32, #tpu.memory_space<vmem>> -> memref<1x128xi32, #tpu.memory_space<vmem>>
      %dma_start3A_65 = tpu.memref_squeeze %dma_start3A_64 : memref<1x128xi32, #tpu.memory_space<vmem>> -> memref<128xi32, #tpu.memory_space<vmem>>
      %dma_start3A_66 = arith.constant 0 : i32
      %dma_start3A_67 = arith.constant 0 : i32
      %dma_start3A_68 = tpu.memref_slice %arg12[%dma_start3A_66, %dma_start3A_67] : memref<10112x128xf32, #tpu.memory_space<vmem_shared>> -> memref<10112x128xf32, #tpu.memory_space<vmem_shared>>
      tpu.enqueue_indirect_dma source(%arg10 : memref<128x128xf32, #tpu.memory_space<vmem>>) target(%dma_start3A_68 : memref<10112x128xf32, #tpu.memory_space<vmem_shared>>) offsets(%dma_start3A_65 : memref<128xi32, #tpu.memory_space<vmem>>) semaphore(%arg13 : memref<!tpu.dma_semaphore, #tpu.memory_space<semaphore_mem>>) {add = true}
      %dma_start3A_69 = arith.constant 3 : i32
      %dma_start3A_70 = arith.constant 0 : i32
      %dma_start3A_71 = tpu.memref_slice %arg9[%dma_start3A_69, %dma_start3A_70] : memref<8x128xi32, #tpu.memory_space<vmem>> -> memref<1x128xi32, #tpu.memory_space<vmem>>
      %dma_start3A_72 = tpu.memref_squeeze %dma_start3A_71 : memref<1x128xi32, #tpu.memory_space<vmem>> -> memref<128xi32, #tpu.memory_space<vmem>>
      %dma_start3A_73 = arith.constant 0 : i32
      %dma_start3A_74 = arith.constant 0 : i32
      %dma_start3A_75 = tpu.memref_slice %arg12[%dma_start3A_73, %dma_start3A_74] : memref<10112x128xf32, #tpu.memory_space<vmem_shared>> -> memref<10112x128xf32, #tpu.memory_space<vmem_shared>>
      tpu.enqueue_indirect_dma source(%arg11 : memref<128x128xf32, #tpu.memory_space<vmem>>) target(%dma_start3A_75 : memref<10112x128xf32, #tpu.memory_space<vmem_shared>>) offsets(%dma_start3A_72 : memref<128xi32, #tpu.memory_space<vmem>>) semaphore(%arg13 : memref<!tpu.dma_semaphore, #tpu.memory_space<semaphore_mem>>) {add = true}
      %dma_start3A_76 = arith.constant 4 : i32
      %dma_start3A_77 = arith.constant 0 : i32
      %dma_start3A_78 = tpu.memref_slice %arg8[%dma_start3A_76, %dma_start3A_77] : memref<8x128xi32, #tpu.memory_space<vmem>> -> memref<1x128xi32, #tpu.memory_space<vmem>>
      %dma_start3A_79 = tpu.memref_squeeze %dma_start3A_78 : memref<1x128xi32, #tpu.memory_space<vmem>> -> memref<128xi32, #tpu.memory_space<vmem>>
      %dma_start3A_80 = arith.constant 0 : i32
      %dma_start3A_81 = arith.constant 0 : i32
      %dma_start3A_82 = tpu.memref_slice %arg12[%dma_start3A_80, %dma_start3A_81] : memref<10112x128xf32, #tpu.memory_space<vmem_shared>> -> memref<10112x128xf32, #tpu.memory_space<vmem_shared>>
      tpu.enqueue_indirect_dma source(%arg10 : memref<128x128xf32, #tpu.memory_space<vmem>>) target(%dma_start3A_82 : memref<10112x128xf32, #tpu.memory_space<vmem_shared>>) offsets(%dma_start3A_79 : memref<128xi32, #tpu.memory_space<vmem>>) semaphore(%arg13 : memref<!tpu.dma_semaphore, #tpu.memory_space<semaphore_mem>>) {add = true}
      %dma_start3A_83 = arith.constant 4 : i32
      %dma_start3A_84 = arith.constant 0 : i32
      %dma_start3A_85 = tpu.memref_slice %arg9[%dma_start3A_83, %dma_start3A_84] : memref<8x128xi32, #tpu.memory_space<vmem>> -> memref<1x128xi32, #tpu.memory_space<vmem>>
      %dma_start3A_86 = tpu.memref_squeeze %dma_start3A_85 : memref<1x128xi32, #tpu.memory_space<vmem>> -> memref<128xi32, #tpu.memory_space<vmem>>
      %dma_start3A_87 = arith.constant 0 : i32
      %dma_start3A_88 = arith.constant 0 : i32
      %dma_start3A_89 = tpu.memref_slice %arg12[%dma_start3A_87, %dma_start3A_88] : memref<10112x128xf32, #tpu.memory_space<vmem_shared>> -> memref<10112x128xf32, #tpu.memory_space<vmem_shared>>
      tpu.enqueue_indirect_dma source(%arg11 : memref<128x128xf32, #tpu.memory_space<vmem>>) target(%dma_start3A_89 : memref<10112x128xf32, #tpu.memory_space<vmem_shared>>) offsets(%dma_start3A_86 : memref<128xi32, #tpu.memory_space<vmem>>) semaphore(%arg13 : memref<!tpu.dma_semaphore, #tpu.memory_space<semaphore_mem>>) {add = true}
      %dma_start3A_90 = arith.constant 5 : i32
      %dma_start3A_91 = arith.constant 0 : i32
      %dma_start3A_92 = tpu.memref_slice %arg8[%dma_start3A_90, %dma_start3A_91] : memref<8x128xi32, #tpu.memory_space<vmem>> -> memref<1x128xi32, #tpu.memory_space<vmem>>
      %dma_start3A_93 = tpu.memref_squeeze %dma_start3A_92 : memref<1x128xi32, #tpu.memory_space<vmem>> -> memref<128xi32, #tpu.memory_space<vmem>>
      %dma_start3A_94 = arith.constant 0 : i32
      %dma_start3A_95 = arith.constant 0 : i32
      %dma_start3A_96 = tpu.memref_slice %arg12[%dma_start3A_94, %dma_start3A_95] : memref<10112x128xf32, #tpu.memory_space<vmem_shared>> -> memref<10112x128xf32, #tpu.memory_space<vmem_shared>>
      tpu.enqueue_indirect_dma source(%arg10 : memref<128x128xf32, #tpu.memory_space<vmem>>) target(%dma_start3A_96 : memref<10112x128xf32, #tpu.memory_space<vmem_shared>>) offsets(%dma_start3A_93 : memref<128xi32, #tpu.memory_space<vmem>>) semaphore(%arg13 : memref<!tpu.dma_semaphore, #tpu.memory_space<semaphore_mem>>) {add = true}
      %dma_start3A_97 = arith.constant 5 : i32
      %dma_start3A_98 = arith.constant 0 : i32
      %dma_start3A_99 = tpu.memref_slice %arg9[%dma_start3A_97, %dma_start3A_98] : memref<8x128xi32, #tpu.memory_space<vmem>> -> memref<1x128xi32, #tpu.memory_space<vmem>>
      %dma_start3A_100 = tpu.memref_squeeze %dma_start3A_99 : memref<1x128xi32, #tpu.memory_space<vmem>> -> memref<128xi32, #tpu.memory_space<vmem>>
      %dma_start3A_101 = arith.constant 0 : i32
      %dma_start3A_102 = arith.constant 0 : i32
      %dma_start3A_103 = tpu.memref_slice %arg12[%dma_start3A_101, %dma_start3A_102] : memref<10112x128xf32, #tpu.memory_space<vmem_shared>> -> memref<10112x128xf32, #tpu.memory_space<vmem_shared>>
      tpu.enqueue_indirect_dma source(%arg11 : memref<128x128xf32, #tpu.memory_space<vmem>>) target(%dma_start3A_103 : memref<10112x128xf32, #tpu.memory_space<vmem_shared>>) offsets(%dma_start3A_100 : memref<128xi32, #tpu.memory_space<vmem>>) semaphore(%arg13 : memref<!tpu.dma_semaphore, #tpu.memory_space<semaphore_mem>>) {add = true}
      %dma_start3A_104 = arith.constant 6 : i32
      %dma_start3A_105 = arith.constant 0 : i32
      %dma_start3A_106 = tpu.memref_slice %arg8[%dma_start3A_104, %dma_start3A_105] : memref<8x128xi32, #tpu.memory_space<vmem>> -> memref<1x128xi32, #tpu.memory_space<vmem>>
      %dma_start3A_107 = tpu.memref_squeeze %dma_start3A_106 : memref<1x128xi32, #tpu.memory_space<vmem>> -> memref<128xi32, #tpu.memory_space<vmem>>
      %dma_start3A_108 = arith.constant 0 : i32
      %dma_start3A_109 = arith.constant 0 : i32
      %dma_start3A_110 = tpu.memref_slice %arg12[%dma_start3A_108, %dma_start3A_109] : memref<10112x128xf32, #tpu.memory_space<vmem_shared>> -> memref<10112x128xf32, #tpu.memory_space<vmem_shared>>
      tpu.enqueue_indirect_dma source(%arg10 : memref<128x128xf32, #tpu.memory_space<vmem>>) target(%dma_start3A_110 : memref<10112x128xf32, #tpu.memory_space<vmem_shared>>) offsets(%dma_start3A_107 : memref<128xi32, #tpu.memory_space<vmem>>) semaphore(%arg13 : memref<!tpu.dma_semaphore, #tpu.memory_space<semaphore_mem>>) {add = true}
      %dma_start3A_111 = arith.constant 6 : i32
      %dma_start3A_112 = arith.constant 0 : i32
      %dma_start3A_113 = tpu.memref_slice %arg9[%dma_start3A_111, %dma_start3A_112] : memref<8x128xi32, #tpu.memory_space<vmem>> -> memref<1x128xi32, #tpu.memory_space<vmem>>
      %dma_start3A_114 = tpu.memref_squeeze %dma_start3A_113 : memref<1x128xi32, #tpu.memory_space<vmem>> -> memref<128xi32, #tpu.memory_space<vmem>>
      %dma_start3A_115 = arith.constant 0 : i32
      %dma_start3A_116 = arith.constant 0 : i32
      %dma_start3A_117 = tpu.memref_slice %arg12[%dma_start3A_115, %dma_start3A_116] : memref<10112x128xf32, #tpu.memory_space<vmem_shared>> -> memref<10112x128xf32, #tpu.memory_space<vmem_shared>>
      tpu.enqueue_indirect_dma source(%arg11 : memref<128x128xf32, #tpu.memory_space<vmem>>) target(%dma_start3A_117 : memref<10112x128xf32, #tpu.memory_space<vmem_shared>>) offsets(%dma_start3A_114 : memref<128xi32, #tpu.memory_space<vmem>>) semaphore(%arg13 : memref<!tpu.dma_semaphore, #tpu.memory_space<semaphore_mem>>) {add = true}
      %dma_start3A_118 = arith.constant 7 : i32
      %dma_start3A_119 = arith.constant 0 : i32
      %dma_start3A_120 = tpu.memref_slice %arg8[%dma_start3A_118, %dma_start3A_119] : memref<8x128xi32, #tpu.memory_space<vmem>> -> memref<1x128xi32, #tpu.memory_space<vmem>>
      %dma_start3A_121 = tpu.memref_squeeze %dma_start3A_120 : memref<1x128xi32, #tpu.memory_space<vmem>> -> memref<128xi32, #tpu.memory_space<vmem>>
      %dma_start3A_122 = arith.constant 0 : i32
      %dma_start3A_123 = arith.constant 0 : i32
      %dma_start3A_124 = tpu.memref_slice %arg12[%dma_start3A_122, %dma_start3A_123] : memref<10112x128xf32, #tpu.memory_space<vmem_shared>> -> memref<10112x128xf32, #tpu.memory_space<vmem_shared>>
      tpu.enqueue_indirect_dma source(%arg10 : memref<128x128xf32, #tpu.memory_space<vmem>>) target(%dma_start3A_124 : memref<10112x128xf32, #tpu.memory_space<vmem_shared>>) offsets(%dma_start3A_121 : memref<128xi32, #tpu.memory_space<vmem>>) semaphore(%arg13 : memref<!tpu.dma_semaphore, #tpu.memory_space<semaphore_mem>>) {add = true}
      %dma_start3A_125 = arith.constant 7 : i32
      %dma_start3A_126 = arith.constant 0 : i32
      %dma_start3A_127 = tpu.memref_slice %arg9[%dma_start3A_125, %dma_start3A_126] : memref<8x128xi32, #tpu.memory_space<vmem>> -> memref<1x128xi32, #tpu.memory_space<vmem>>
      %dma_start3A_128 = tpu.memref_squeeze %dma_start3A_127 : memref<1x128xi32, #tpu.memory_space<vmem>> -> memref<128xi32, #tpu.memory_space<vmem>>
      %dma_start3A_129 = arith.constant 0 : i32
      %dma_start3A_130 = arith.constant 0 : i32
      %dma_start3A_131 = tpu.memref_slice %arg12[%dma_start3A_129, %dma_start3A_130] : memref<10112x128xf32, #tpu.memory_space<vmem_shared>> -> memref<10112x128xf32, #tpu.memory_space<vmem_shared>>
      tpu.enqueue_indirect_dma source(%arg11 : memref<128x128xf32, #tpu.memory_space<vmem>>) target(%dma_start3A_131 : memref<10112x128xf32, #tpu.memory_space<vmem_shared>>) offsets(%dma_start3A_128 : memref<128xi32, #tpu.memory_space<vmem>>) semaphore(%arg13 : memref<!tpu.dma_semaphore, #tpu.memory_space<semaphore_mem>>) {add = true}
      %dma_wait3A = arith.constant 0 : i32
      %dma_wait3A_132 = arith.constant 0 : i32
      %dma_wait3A_133 = tpu.memref_slice %arg8[%dma_wait3A, %dma_wait3A_132] : memref<8x128xi32, #tpu.memory_space<vmem>> -> memref<1x128xi32, #tpu.memory_space<vmem>>
      %dma_wait3A_134 = tpu.memref_squeeze %dma_wait3A_133 : memref<1x128xi32, #tpu.memory_space<vmem>> -> memref<128xi32, #tpu.memory_space<vmem>>
      %dma_wait3A_135 = arith.constant 0 : i32
      %dma_wait3A_136 = arith.constant 0 : i32
      %dma_wait3A_137 = tpu.memref_slice %arg12[%dma_wait3A_135, %dma_wait3A_136] : memref<10112x128xf32, #tpu.memory_space<vmem_shared>> -> memref<10112x128xf32, #tpu.memory_space<vmem_shared>>
      tpu.wait_indirect_dma semaphore(%arg13 : memref<!tpu.dma_semaphore, #tpu.memory_space<semaphore_mem>>) src(%arg10 : memref<128x128xf32, #tpu.memory_space<vmem>>) dst(%dma_wait3A_137 : memref<10112x128xf32, #tpu.memory_space<vmem_shared>>)
      %dma_wait3A_138 = arith.constant 0 : i32
      %dma_wait3A_139 = arith.constant 0 : i32
      %dma_wait3A_140 = tpu.memref_slice %arg9[%dma_wait3A_138, %dma_wait3A_139] : memref<8x128xi32, #tpu.memory_space<vmem>> -> memref<1x128xi32, #tpu.memory_space<vmem>>
      %dma_wait3A_141 = tpu.memref_squeeze %dma_wait3A_140 : memref<1x128xi32, #tpu.memory_space<vmem>> -> memref<128xi32, #tpu.memory_space<vmem>>
      %dma_wait3A_142 = arith.constant 0 : i32
      %dma_wait3A_143 = arith.constant 0 : i32
      %dma_wait3A_144 = tpu.memref_slice %arg12[%dma_wait3A_142, %dma_wait3A_143] : memref<10112x128xf32, #tpu.memory_space<vmem_shared>> -> memref<10112x128xf32, #tpu.memory_space<vmem_shared>>
      tpu.wait_indirect_dma semaphore(%arg13 : memref<!tpu.dma_semaphore, #tpu.memory_space<semaphore_mem>>) src(%arg11 : memref<128x128xf32, #tpu.memory_space<vmem>>) dst(%dma_wait3A_144 : memref<10112x128xf32, #tpu.memory_space<vmem_shared>>)
      %dma_wait3A_145 = arith.constant 1 : i32
      %dma_wait3A_146 = arith.constant 0 : i32
      %dma_wait3A_147 = tpu.memref_slice %arg8[%dma_wait3A_145, %dma_wait3A_146] : memref<8x128xi32, #tpu.memory_space<vmem>> -> memref<1x128xi32, #tpu.memory_space<vmem>>
      %dma_wait3A_148 = tpu.memref_squeeze %dma_wait3A_147 : memref<1x128xi32, #tpu.memory_space<vmem>> -> memref<128xi32, #tpu.memory_space<vmem>>
      %dma_wait3A_149 = arith.constant 0 : i32
      %dma_wait3A_150 = arith.constant 0 : i32
      %dma_wait3A_151 = tpu.memref_slice %arg12[%dma_wait3A_149, %dma_wait3A_150] : memref<10112x128xf32, #tpu.memory_space<vmem_shared>> -> memref<10112x128xf32, #tpu.memory_space<vmem_shared>>
      tpu.wait_indirect_dma semaphore(%arg13 : memref<!tpu.dma_semaphore, #tpu.memory_space<semaphore_mem>>) src(%arg10 : memref<128x128xf32, #tpu.memory_space<vmem>>) dst(%dma_wait3A_151 : memref<10112x128xf32, #tpu.memory_space<vmem_shared>>)
      %dma_wait3A_152 = arith.constant 1 : i32
      %dma_wait3A_153 = arith.constant 0 : i32
      %dma_wait3A_154 = tpu.memref_slice %arg9[%dma_wait3A_152, %dma_wait3A_153] : memref<8x128xi32, #tpu.memory_space<vmem>> -> memref<1x128xi32, #tpu.memory_space<vmem>>
      %dma_wait3A_155 = tpu.memref_squeeze %dma_wait3A_154 : memref<1x128xi32, #tpu.memory_space<vmem>> -> memref<128xi32, #tpu.memory_space<vmem>>
      %dma_wait3A_156 = arith.constant 0 : i32
      %dma_wait3A_157 = arith.constant 0 : i32
      %dma_wait3A_158 = tpu.memref_slice %arg12[%dma_wait3A_156, %dma_wait3A_157] : memref<10112x128xf32, #tpu.memory_space<vmem_shared>> -> memref<10112x128xf32, #tpu.memory_space<vmem_shared>>
      tpu.wait_indirect_dma semaphore(%arg13 : memref<!tpu.dma_semaphore, #tpu.memory_space<semaphore_mem>>) src(%arg11 : memref<128x128xf32, #tpu.memory_space<vmem>>) dst(%dma_wait3A_158 : memref<10112x128xf32, #tpu.memory_space<vmem_shared>>)
      %dma_wait3A_159 = arith.constant 2 : i32
      %dma_wait3A_160 = arith.constant 0 : i32
      %dma_wait3A_161 = tpu.memref_slice %arg8[%dma_wait3A_159, %dma_wait3A_160] : memref<8x128xi32, #tpu.memory_space<vmem>> -> memref<1x128xi32, #tpu.memory_space<vmem>>
      %dma_wait3A_162 = tpu.memref_squeeze %dma_wait3A_161 : memref<1x128xi32, #tpu.memory_space<vmem>> -> memref<128xi32, #tpu.memory_space<vmem>>
      %dma_wait3A_163 = arith.constant 0 : i32
      %dma_wait3A_164 = arith.constant 0 : i32
      %dma_wait3A_165 = tpu.memref_slice %arg12[%dma_wait3A_163, %dma_wait3A_164] : memref<10112x128xf32, #tpu.memory_space<vmem_shared>> -> memref<10112x128xf32, #tpu.memory_space<vmem_shared>>
      tpu.wait_indirect_dma semaphore(%arg13 : memref<!tpu.dma_semaphore, #tpu.memory_space<semaphore_mem>>) src(%arg10 : memref<128x128xf32, #tpu.memory_space<vmem>>) dst(%dma_wait3A_165 : memref<10112x128xf32, #tpu.memory_space<vmem_shared>>)
      %dma_wait3A_166 = arith.constant 2 : i32
      %dma_wait3A_167 = arith.constant 0 : i32
      %dma_wait3A_168 = tpu.memref_slice %arg9[%dma_wait3A_166, %dma_wait3A_167] : memref<8x128xi32, #tpu.memory_space<vmem>> -> memref<1x128xi32, #tpu.memory_space<vmem>>
      %dma_wait3A_169 = tpu.memref_squeeze %dma_wait3A_168 : memref<1x128xi32, #tpu.memory_space<vmem>> -> memref<128xi32, #tpu.memory_space<vmem>>
      %dma_wait3A_170 = arith.constant 0 : i32
      %dma_wait3A_171 = arith.constant 0 : i32
      %dma_wait3A_172 = tpu.memref_slice %arg12[%dma_wait3A_170, %dma_wait3A_171] : memref<10112x128xf32, #tpu.memory_space<vmem_shared>> -> memref<10112x128xf32, #tpu.memory_space<vmem_shared>>
      tpu.wait_indirect_dma semaphore(%arg13 : memref<!tpu.dma_semaphore, #tpu.memory_space<semaphore_mem>>) src(%arg11 : memref<128x128xf32, #tpu.memory_space<vmem>>) dst(%dma_wait3A_172 : memref<10112x128xf32, #tpu.memory_space<vmem_shared>>)
      %dma_wait3A_173 = arith.constant 3 : i32
      %dma_wait3A_174 = arith.constant 0 : i32
      %dma_wait3A_175 = tpu.memref_slice %arg8[%dma_wait3A_173, %dma_wait3A_174] : memref<8x128xi32, #tpu.memory_space<vmem>> -> memref<1x128xi32, #tpu.memory_space<vmem>>
      %dma_wait3A_176 = tpu.memref_squeeze %dma_wait3A_175 : memref<1x128xi32, #tpu.memory_space<vmem>> -> memref<128xi32, #tpu.memory_space<vmem>>
      %dma_wait3A_177 = arith.constant 0 : i32
      %dma_wait3A_178 = arith.constant 0 : i32
      %dma_wait3A_179 = tpu.memref_slice %arg12[%dma_wait3A_177, %dma_wait3A_178] : memref<10112x128xf32, #tpu.memory_space<vmem_shared>> -> memref<10112x128xf32, #tpu.memory_space<vmem_shared>>
      tpu.wait_indirect_dma semaphore(%arg13 : memref<!tpu.dma_semaphore, #tpu.memory_space<semaphore_mem>>) src(%arg10 : memref<128x128xf32, #tpu.memory_space<vmem>>) dst(%dma_wait3A_179 : memref<10112x128xf32, #tpu.memory_space<vmem_shared>>)
      %dma_wait3A_180 = arith.constant 3 : i32
      %dma_wait3A_181 = arith.constant 0 : i32
      %dma_wait3A_182 = tpu.memref_slice %arg9[%dma_wait3A_180, %dma_wait3A_181] : memref<8x128xi32, #tpu.memory_space<vmem>> -> memref<1x128xi32, #tpu.memory_space<vmem>>
      %dma_wait3A_183 = tpu.memref_squeeze %dma_wait3A_182 : memref<1x128xi32, #tpu.memory_space<vmem>> -> memref<128xi32, #tpu.memory_space<vmem>>
      %dma_wait3A_184 = arith.constant 0 : i32
      %dma_wait3A_185 = arith.constant 0 : i32
      %dma_wait3A_186 = tpu.memref_slice %arg12[%dma_wait3A_184, %dma_wait3A_185] : memref<10112x128xf32, #tpu.memory_space<vmem_shared>> -> memref<10112x128xf32, #tpu.memory_space<vmem_shared>>
      tpu.wait_indirect_dma semaphore(%arg13 : memref<!tpu.dma_semaphore, #tpu.memory_space<semaphore_mem>>) src(%arg11 : memref<128x128xf32, #tpu.memory_space<vmem>>) dst(%dma_wait3A_186 : memref<10112x128xf32, #tpu.memory_space<vmem_shared>>)
      %dma_wait3A_187 = arith.constant 4 : i32
      %dma_wait3A_188 = arith.constant 0 : i32
      %dma_wait3A_189 = tpu.memref_slice %arg8[%dma_wait3A_187, %dma_wait3A_188] : memref<8x128xi32, #tpu.memory_space<vmem>> -> memref<1x128xi32, #tpu.memory_space<vmem>>
      %dma_wait3A_190 = tpu.memref_squeeze %dma_wait3A_189 : memref<1x128xi32, #tpu.memory_space<vmem>> -> memref<128xi32, #tpu.memory_space<vmem>>
      %dma_wait3A_191 = arith.constant 0 : i32
      %dma_wait3A_192 = arith.constant 0 : i32
      %dma_wait3A_193 = tpu.memref_slice %arg12[%dma_wait3A_191, %dma_wait3A_192] : memref<10112x128xf32, #tpu.memory_space<vmem_shared>> -> memref<10112x128xf32, #tpu.memory_space<vmem_shared>>
      tpu.wait_indirect_dma semaphore(%arg13 : memref<!tpu.dma_semaphore, #tpu.memory_space<semaphore_mem>>) src(%arg10 : memref<128x128xf32, #tpu.memory_space<vmem>>) dst(%dma_wait3A_193 : memref<10112x128xf32, #tpu.memory_space<vmem_shared>>)
      %dma_wait3A_194 = arith.constant 4 : i32
      %dma_wait3A_195 = arith.constant 0 : i32
      %dma_wait3A_196 = tpu.memref_slice %arg9[%dma_wait3A_194, %dma_wait3A_195] : memref<8x128xi32, #tpu.memory_space<vmem>> -> memref<1x128xi32, #tpu.memory_space<vmem>>
      %dma_wait3A_197 = tpu.memref_squeeze %dma_wait3A_196 : memref<1x128xi32, #tpu.memory_space<vmem>> -> memref<128xi32, #tpu.memory_space<vmem>>
      %dma_wait3A_198 = arith.constant 0 : i32
      %dma_wait3A_199 = arith.constant 0 : i32
      %dma_wait3A_200 = tpu.memref_slice %arg12[%dma_wait3A_198, %dma_wait3A_199] : memref<10112x128xf32, #tpu.memory_space<vmem_shared>> -> memref<10112x128xf32, #tpu.memory_space<vmem_shared>>
      tpu.wait_indirect_dma semaphore(%arg13 : memref<!tpu.dma_semaphore, #tpu.memory_space<semaphore_mem>>) src(%arg11 : memref<128x128xf32, #tpu.memory_space<vmem>>) dst(%dma_wait3A_200 : memref<10112x128xf32, #tpu.memory_space<vmem_shared>>)
      %dma_wait3A_201 = arith.constant 5 : i32
      %dma_wait3A_202 = arith.constant 0 : i32
      %dma_wait3A_203 = tpu.memref_slice %arg8[%dma_wait3A_201, %dma_wait3A_202] : memref<8x128xi32, #tpu.memory_space<vmem>> -> memref<1x128xi32, #tpu.memory_space<vmem>>
      %dma_wait3A_204 = tpu.memref_squeeze %dma_wait3A_203 : memref<1x128xi32, #tpu.memory_space<vmem>> -> memref<128xi32, #tpu.memory_space<vmem>>
      %dma_wait3A_205 = arith.constant 0 : i32
      %dma_wait3A_206 = arith.constant 0 : i32
      %dma_wait3A_207 = tpu.memref_slice %arg12[%dma_wait3A_205, %dma_wait3A_206] : memref<10112x128xf32, #tpu.memory_space<vmem_shared>> -> memref<10112x128xf32, #tpu.memory_space<vmem_shared>>
      tpu.wait_indirect_dma semaphore(%arg13 : memref<!tpu.dma_semaphore, #tpu.memory_space<semaphore_mem>>) src(%arg10 : memref<128x128xf32, #tpu.memory_space<vmem>>) dst(%dma_wait3A_207 : memref<10112x128xf32, #tpu.memory_space<vmem_shared>>)
      %dma_wait3A_208 = arith.constant 5 : i32
      %dma_wait3A_209 = arith.constant 0 : i32
      %dma_wait3A_210 = tpu.memref_slice %arg9[%dma_wait3A_208, %dma_wait3A_209] : memref<8x128xi32, #tpu.memory_space<vmem>> -> memref<1x128xi32, #tpu.memory_space<vmem>>
      %dma_wait3A_211 = tpu.memref_squeeze %dma_wait3A_210 : memref<1x128xi32, #tpu.memory_space<vmem>> -> memref<128xi32, #tpu.memory_space<vmem>>
      %dma_wait3A_212 = arith.constant 0 : i32
      %dma_wait3A_213 = arith.constant 0 : i32
      %dma_wait3A_214 = tpu.memref_slice %arg12[%dma_wait3A_212, %dma_wait3A_213] : memref<10112x128xf32, #tpu.memory_space<vmem_shared>> -> memref<10112x128xf32, #tpu.memory_space<vmem_shared>>
      tpu.wait_indirect_dma semaphore(%arg13 : memref<!tpu.dma_semaphore, #tpu.memory_space<semaphore_mem>>) src(%arg11 : memref<128x128xf32, #tpu.memory_space<vmem>>) dst(%dma_wait3A_214 : memref<10112x128xf32, #tpu.memory_space<vmem_shared>>)
      %dma_wait3A_215 = arith.constant 6 : i32
      %dma_wait3A_216 = arith.constant 0 : i32
      %dma_wait3A_217 = tpu.memref_slice %arg8[%dma_wait3A_215, %dma_wait3A_216] : memref<8x128xi32, #tpu.memory_space<vmem>> -> memref<1x128xi32, #tpu.memory_space<vmem>>
      %dma_wait3A_218 = tpu.memref_squeeze %dma_wait3A_217 : memref<1x128xi32, #tpu.memory_space<vmem>> -> memref<128xi32, #tpu.memory_space<vmem>>
      %dma_wait3A_219 = arith.constant 0 : i32
      %dma_wait3A_220 = arith.constant 0 : i32
      %dma_wait3A_221 = tpu.memref_slice %arg12[%dma_wait3A_219, %dma_wait3A_220] : memref<10112x128xf32, #tpu.memory_space<vmem_shared>> -> memref<10112x128xf32, #tpu.memory_space<vmem_shared>>
      tpu.wait_indirect_dma semaphore(%arg13 : memref<!tpu.dma_semaphore, #tpu.memory_space<semaphore_mem>>) src(%arg10 : memref<128x128xf32, #tpu.memory_space<vmem>>) dst(%dma_wait3A_221 : memref<10112x128xf32, #tpu.memory_space<vmem_shared>>)
      %dma_wait3A_222 = arith.constant 6 : i32
      %dma_wait3A_223 = arith.constant 0 : i32
      %dma_wait3A_224 = tpu.memref_slice %arg9[%dma_wait3A_222, %dma_wait3A_223] : memref<8x128xi32, #tpu.memory_space<vmem>> -> memref<1x128xi32, #tpu.memory_space<vmem>>
      %dma_wait3A_225 = tpu.memref_squeeze %dma_wait3A_224 : memref<1x128xi32, #tpu.memory_space<vmem>> -> memref<128xi32, #tpu.memory_space<vmem>>
      %dma_wait3A_226 = arith.constant 0 : i32
      %dma_wait3A_227 = arith.constant 0 : i32
      %dma_wait3A_228 = tpu.memref_slice %arg12[%dma_wait3A_226, %dma_wait3A_227] : memref<10112x128xf32, #tpu.memory_space<vmem_shared>> -> memref<10112x128xf32, #tpu.memory_space<vmem_shared>>
      tpu.wait_indirect_dma semaphore(%arg13 : memref<!tpu.dma_semaphore, #tpu.memory_space<semaphore_mem>>) src(%arg11 : memref<128x128xf32, #tpu.memory_space<vmem>>) dst(%dma_wait3A_228 : memref<10112x128xf32, #tpu.memory_space<vmem_shared>>)
      %dma_wait3A_229 = arith.constant 7 : i32
      %dma_wait3A_230 = arith.constant 0 : i32
      %dma_wait3A_231 = tpu.memref_slice %arg8[%dma_wait3A_229, %dma_wait3A_230] : memref<8x128xi32, #tpu.memory_space<vmem>> -> memref<1x128xi32, #tpu.memory_space<vmem>>
      %dma_wait3A_232 = tpu.memref_squeeze %dma_wait3A_231 : memref<1x128xi32, #tpu.memory_space<vmem>> -> memref<128xi32, #tpu.memory_space<vmem>>
      %dma_wait3A_233 = arith.constant 0 : i32
      %dma_wait3A_234 = arith.constant 0 : i32
      %dma_wait3A_235 = tpu.memref_slice %arg12[%dma_wait3A_233, %dma_wait3A_234] : memref<10112x128xf32, #tpu.memory_space<vmem_shared>> -> memref<10112x128xf32, #tpu.memory_space<vmem_shared>>
      tpu.wait_indirect_dma semaphore(%arg13 : memref<!tpu.dma_semaphore, #tpu.memory_space<semaphore_mem>>) src(%arg10 : memref<128x128xf32, #tpu.memory_space<vmem>>) dst(%dma_wait3A_235 : memref<10112x128xf32, #tpu.memory_space<vmem_shared>>)
      %dma_wait3A_236 = arith.constant 7 : i32
      %dma_wait3A_237 = arith.constant 0 : i32
      %dma_wait3A_238 = tpu.memref_slice %arg9[%dma_wait3A_236, %dma_wait3A_237] : memref<8x128xi32, #tpu.memory_space<vmem>> -> memref<1x128xi32, #tpu.memory_space<vmem>>
      %dma_wait3A_239 = tpu.memref_squeeze %dma_wait3A_238 : memref<1x128xi32, #tpu.memory_space<vmem>> -> memref<128xi32, #tpu.memory_space<vmem>>
      %dma_wait3A_240 = arith.constant 0 : i32
      %dma_wait3A_241 = arith.constant 0 : i32
      %dma_wait3A_242 = tpu.memref_slice %arg12[%dma_wait3A_240, %dma_wait3A_241] : memref<10112x128xf32, #tpu.memory_space<vmem_shared>> -> memref<10112x128xf32, #tpu.memory_space<vmem_shared>>
      tpu.wait_indirect_dma semaphore(%arg13 : memref<!tpu.dma_semaphore, #tpu.memory_space<semaphore_mem>>) src(%arg11 : memref<128x128xf32, #tpu.memory_space<vmem>>) dst(%dma_wait3A_242 : memref<10112x128xf32, #tpu.memory_space<vmem_shared>>)
    }
    %scan3A_8 = arith.constant 10 : i32
    %barrier3A_9 = arith.constant 0 : index
    tpu.barrier barrier_id(%barrier3A_9)
    "tpu.region"() ({
      %run_scoped3A = tpu.sem_alloc : memref<!tpu.dma_semaphore, #tpu.memory_space<semaphore_mem>>
      %dma_start3A = arith.constant 0 : i32
      %dma_start3A_10 = tpu.memref_slice %arg7[%arg0, %mul3A_4, %dma_start3A] : memref<2x10112x128xf32, #tpu.memory_space<hbm>> -> memref<1x632x128xf32, #tpu.memory_space<hbm>>
      %dma_start3A_11 = tpu.memref_squeeze %dma_start3A_10 : memref<1x632x128xf32, #tpu.memory_space<hbm>> -> memref<632x128xf32, #tpu.memory_space<hbm>>
      %dma_start3A_12 = arith.constant 0 : i32
      %dma_start3A_13 = tpu.memref_slice %arg12[%mul3A_4, %dma_start3A_12] : memref<10112x128xf32, #tpu.memory_space<vmem_shared>> -> memref<632x128xf32, #tpu.memory_space<vmem_shared>>
      tpu.enqueue_dma source(%dma_start3A_13 : memref<632x128xf32, #tpu.memory_space<vmem_shared>>) target(%dma_start3A_11 : memref<632x128xf32, #tpu.memory_space<hbm>>) target_semaphore(%run_scoped3A : memref<!tpu.dma_semaphore, #tpu.memory_space<semaphore_mem>>)
      %dma_wait3A = arith.constant 0 : i32
      %dma_wait3A_14 = tpu.memref_slice %arg7[%arg0, %mul3A_4, %dma_wait3A] : memref<2x10112x128xf32, #tpu.memory_space<hbm>> -> memref<1x632x128xf32, #tpu.memory_space<hbm>>
      %dma_wait3A_15 = tpu.memref_squeeze %dma_wait3A_14 : memref<1x632x128xf32, #tpu.memory_space<hbm>> -> memref<632x128xf32, #tpu.memory_space<hbm>>
      %dma_wait3A_16 = arith.constant 0 : i32
      %dma_wait3A_17 = tpu.memref_slice %arg12[%mul3A_4, %dma_wait3A_16] : memref<10112x128xf32, #tpu.memory_space<vmem_shared>> -> memref<632x128xf32, #tpu.memory_space<vmem_shared>>
      tpu.wait_dma2 semaphore(%run_scoped3A : memref<!tpu.dma_semaphore, #tpu.memory_space<semaphore_mem>>) src(%dma_wait3A_17 : memref<632x128xf32, #tpu.memory_space<vmem_shared>>) dst(%dma_wait3A_15 : memref<632x128xf32, #tpu.memory_space<hbm>>)
      tpu.yield
    }) : () -> ()
    return
  }
}

#map = affine_map<(d0, d1) -> (0, 0)>
#map1 = affine_map<(d0, d1) -> (0, 0, 0)>
module attributes {stable_mosaic.version = 14 : i64} {
  func.func @edge_kernel(%arg0: i32, %arg1: i32, %arg2: memref<10112x128xf32, #tpu.memory_space<hbm>>, %arg3: memref<2560x128xi32, #tpu.memory_space<hbm>>, %arg4: memref<2560x128xi32, #tpu.memory_space<hbm>>, %arg5: memref<10112x128xf32, #tpu.memory_space<hbm>>, %arg6: memref<2x10112x128xf32, #tpu.memory_space<hbm>>, %arg7: memref<8x128xi32, #tpu.memory_space<vmem>>, %arg8: memref<8x128xi32, #tpu.memory_space<vmem>>, %arg9: memref<128x128xf32, #tpu.memory_space<vmem>>, %arg10: memref<128x128xf32, #tpu.memory_space<vmem>>, %arg11: memref<10112x128xf32, #tpu.memory_space<vmem_shared>>, %arg12: memref<!tpu.dma_semaphore, #tpu.memory_space<semaphore_mem>>, %arg13: memref<!tpu.dma_semaphore, #tpu.memory_space<semaphore_mem>>, %arg14: memref<!tpu.dma_semaphore, #tpu.memory_space<semaphore_mem>>, %arg15: memref<!tpu.dma_semaphore, #tpu.memory_space<semaphore_mem>>) attributes {dimension_semantics = [#tpu.dimension_semantics<core_parallel>, #tpu.dimension_semantics<subcore_parallel>], iteration_bounds = array<i64: 2, 16>, scalar_prefetch = 0 : i64, scratch_operands = 9 : i64, tpu.core_type = #tpu.core_type<sc_vector_subcore>, window_params = [{transform_indices = #map}, {transform_indices = #map}, {transform_indices = #map}, {transform_indices = #map}, {transform_indices = #map1}]} {
    %eq3A = arith.constant 0 : i32
    %eq3A_0 = arith.cmpi eq, %arg0, %eq3A : i32
    %mul3A = arith.constant 136 : i32
    %mul3A_1 = arith.muli %arg1, %mul3A : i32
    %mul3A_2 = arith.constant 24 : i32
    %mul3A_3 = arith.muli %arg1, %mul3A_2 : i32
    %add3A = arith.constant 2176 : i32
    %add3A_4 = arith.addi %add3A, %mul3A_3 : i32
    %select_n3A = arith.select %eq3A_0, %mul3A_1, %add3A_4 : i32
    %eq3A_5 = arith.constant 0 : i32
    %eq3A_6 = arith.cmpi eq, %arg0, %eq3A_5 : i32
    %jit3A = arith.constant 17 : i32
    %jit3A_7 = arith.constant 3 : i32
    %select_n3A_8 = arith.select %eq3A_6, %jit3A, %jit3A_7 : i32
    %mul3A_9 = arith.constant 632 : i32
    %mul3A_10 = arith.muli %arg1, %mul3A_9 : i32
    "tpu.region"() ({
      %run_scoped3A = tpu.sem_alloc : memref<!tpu.dma_semaphore, #tpu.memory_space<semaphore_mem>>
      %dma_start3A = arith.constant 0 : i32
      %dma_start3A_28 = tpu.memref_slice %arg11[%mul3A_10, %dma_start3A] : memref<10112x128xf32, #tpu.memory_space<vmem_shared>> -> memref<632x128xf32, #tpu.memory_space<vmem_shared>>
      %dma_start3A_29 = arith.constant 0 : i32
      %dma_start3A_30 = tpu.memref_slice %arg5[%mul3A_10, %dma_start3A_29] : memref<10112x128xf32, #tpu.memory_space<hbm>> -> memref<632x128xf32, #tpu.memory_space<hbm>>
      tpu.enqueue_dma source(%dma_start3A_30 : memref<632x128xf32, #tpu.memory_space<hbm>>) target(%dma_start3A_28 : memref<632x128xf32, #tpu.memory_space<vmem_shared>>) target_semaphore(%run_scoped3A : memref<!tpu.dma_semaphore, #tpu.memory_space<semaphore_mem>>)
      %dma_wait3A = arith.constant 0 : i32
      %dma_wait3A_31 = tpu.memref_slice %arg11[%mul3A_10, %dma_wait3A] : memref<10112x128xf32, #tpu.memory_space<vmem_shared>> -> memref<632x128xf32, #tpu.memory_space<vmem_shared>>
      %dma_wait3A_32 = arith.constant 0 : i32
      %dma_wait3A_33 = tpu.memref_slice %arg5[%mul3A_10, %dma_wait3A_32] : memref<10112x128xf32, #tpu.memory_space<hbm>> -> memref<632x128xf32, #tpu.memory_space<hbm>>
      tpu.wait_dma2 semaphore(%run_scoped3A : memref<!tpu.dma_semaphore, #tpu.memory_space<semaphore_mem>>) src(%dma_wait3A_33 : memref<632x128xf32, #tpu.memory_space<hbm>>) dst(%dma_wait3A_31 : memref<632x128xf32, #tpu.memory_space<vmem_shared>>)
      tpu.yield
    }) : () -> ()
    %barrier3A = arith.constant 0 : index
    tpu.barrier barrier_id(%barrier3A)
    %sub3A = arith.constant 0 : i32
    %sub3A_11 = arith.subi %select_n3A_8, %sub3A : i32
    %sub3A_12 = arith.constant 1 : i32
    %sub3A_13 = arith.constant 1 : i32
    %sub3A_14 = arith.subi %sub3A_12, %sub3A_13 : i32
    %add3A_15 = arith.addi %sub3A_11, %sub3A_14 : i32
    %div3A = arith.constant 1 : i32
    %div3A_16 = arith.divsi %add3A_15, %div3A : i32
    %while3A = arith.constant 1 : i32
    %while3A_17 = arith.constant 0 : i32
    %while3A_18 = arith.constant 0 : i32
    %while3A_19 = arith.subi %div3A_16, %while3A_18 : i32
    %while3A_20 = arith.addi %while3A_18, %while3A_19 : i32
    %while3A_21 = arith.constant 1 : i32
    %while3A_22 = arith.divsi %while3A_19, %while3A_21 : i32
    %while3A_23 = arith.muli %while3A_22, %while3A_21 : i32
    %while3A_24 = arith.addi %while3A_18, %while3A_23 : i32
    %while3A_25 = arith.constant 1 : i32
    scf.for %while3A_28 = %while3A_18 to %while3A_24 step %while3A_25  : i32 {
      %mul3A_29 = arith.muli %while3A_28, %while3A : i32
      %add3A_30 = arith.addi %while3A_17, %mul3A_29 : i32
      %mul3A_31 = arith.constant 8 : i32
      %mul3A_32 = arith.muli %add3A_30, %mul3A_31 : i32
      %add3A_33 = arith.addi %select_n3A, %mul3A_32 : i32
      "tpu.region"() ({
        %run_scoped3A = tpu.sem_alloc : memref<!tpu.dma_semaphore, #tpu.memory_space<semaphore_mem>>
        %dma_start3A_259 = arith.constant 0 : i32
        %dma_start3A_260 = tpu.memref_slice %arg3[%add3A_33, %dma_start3A_259] : memref<2560x128xi32, #tpu.memory_space<hbm>> -> memref<8x128xi32, #tpu.memory_space<hbm>>
        %dma_start3A_261 = arith.constant 0 : i32
        %dma_start3A_262 = tpu.memref_slice %arg3[%add3A_33, %dma_start3A_261] : memref<2560x128xi32, #tpu.memory_space<hbm>> -> memref<8x128xi32, #tpu.memory_space<hbm>>
        tpu.enqueue_dma source(%dma_start3A_262 : memref<8x128xi32, #tpu.memory_space<hbm>>) target(%arg7 : memref<8x128xi32, #tpu.memory_space<vmem>>) target_semaphore(%run_scoped3A : memref<!tpu.dma_semaphore, #tpu.memory_space<semaphore_mem>>)
        %dma_wait3A_263 = arith.constant 0 : i32
        %dma_wait3A_264 = tpu.memref_slice %arg3[%add3A_33, %dma_wait3A_263] : memref<2560x128xi32, #tpu.memory_space<hbm>> -> memref<8x128xi32, #tpu.memory_space<hbm>>
        %dma_wait3A_265 = arith.constant 0 : i32
        %dma_wait3A_266 = tpu.memref_slice %arg3[%add3A_33, %dma_wait3A_265] : memref<2560x128xi32, #tpu.memory_space<hbm>> -> memref<8x128xi32, #tpu.memory_space<hbm>>
        tpu.wait_dma2 semaphore(%run_scoped3A : memref<!tpu.dma_semaphore, #tpu.memory_space<semaphore_mem>>) src(%dma_wait3A_266 : memref<8x128xi32, #tpu.memory_space<hbm>>) dst(%arg7 : memref<8x128xi32, #tpu.memory_space<vmem>>)
        tpu.yield
      }) : () -> ()
      %mul3A_34 = arith.constant 8 : i32
      %mul3A_35 = arith.muli %add3A_30, %mul3A_34 : i32
      %add3A_36 = arith.addi %select_n3A, %mul3A_35 : i32
      "tpu.region"() ({
        %run_scoped3A = tpu.sem_alloc : memref<!tpu.dma_semaphore, #tpu.memory_space<semaphore_mem>>
        %dma_start3A_259 = arith.constant 0 : i32
        %dma_start3A_260 = tpu.memref_slice %arg4[%add3A_36, %dma_start3A_259] : memref<2560x128xi32, #tpu.memory_space<hbm>> -> memref<8x128xi32, #tpu.memory_space<hbm>>
        %dma_start3A_261 = arith.constant 0 : i32
        %dma_start3A_262 = tpu.memref_slice %arg4[%add3A_36, %dma_start3A_261] : memref<2560x128xi32, #tpu.memory_space<hbm>> -> memref<8x128xi32, #tpu.memory_space<hbm>>
        tpu.enqueue_dma source(%dma_start3A_262 : memref<8x128xi32, #tpu.memory_space<hbm>>) target(%arg8 : memref<8x128xi32, #tpu.memory_space<vmem>>) target_semaphore(%run_scoped3A : memref<!tpu.dma_semaphore, #tpu.memory_space<semaphore_mem>>)
        %dma_wait3A_263 = arith.constant 0 : i32
        %dma_wait3A_264 = tpu.memref_slice %arg4[%add3A_36, %dma_wait3A_263] : memref<2560x128xi32, #tpu.memory_space<hbm>> -> memref<8x128xi32, #tpu.memory_space<hbm>>
        %dma_wait3A_265 = arith.constant 0 : i32
        %dma_wait3A_266 = tpu.memref_slice %arg4[%add3A_36, %dma_wait3A_265] : memref<2560x128xi32, #tpu.memory_space<hbm>> -> memref<8x128xi32, #tpu.memory_space<hbm>>
        tpu.wait_dma2 semaphore(%run_scoped3A : memref<!tpu.dma_semaphore, #tpu.memory_space<semaphore_mem>>) src(%dma_wait3A_266 : memref<8x128xi32, #tpu.memory_space<hbm>>) dst(%arg8 : memref<8x128xi32, #tpu.memory_space<vmem>>)
        tpu.yield
      }) : () -> ()
      %dma_start3A = arith.constant 0 : i32
      %dma_start3A_37 = arith.constant 0 : i32
      %dma_start3A_38 = tpu.memref_slice %arg7[%dma_start3A, %dma_start3A_37] : memref<8x128xi32, #tpu.memory_space<vmem>> -> memref<1x128xi32, #tpu.memory_space<vmem>>
      %dma_start3A_39 = tpu.memref_squeeze %dma_start3A_38 : memref<1x128xi32, #tpu.memory_space<vmem>> -> memref<128xi32, #tpu.memory_space<vmem>>
      %dma_start3A_40 = arith.constant 0 : i32
      %dma_start3A_41 = arith.constant 0 : i32
      %dma_start3A_42 = tpu.memref_slice %arg2[%dma_start3A_40, %dma_start3A_41] : memref<10112x128xf32, #tpu.memory_space<hbm>> -> memref<10112x128xf32, #tpu.memory_space<hbm>>
      tpu.enqueue_indirect_dma source(%dma_start3A_42 : memref<10112x128xf32, #tpu.memory_space<hbm>>) target(%arg9 : memref<128x128xf32, #tpu.memory_space<vmem>>) offsets(%dma_start3A_39 : memref<128xi32, #tpu.memory_space<vmem>>) semaphore(%arg12 : memref<!tpu.dma_semaphore, #tpu.memory_space<semaphore_mem>>)
      %dma_wait3A = arith.constant 0 : i32
      %dma_wait3A_43 = arith.constant 0 : i32
      %dma_wait3A_44 = tpu.memref_slice %arg7[%dma_wait3A, %dma_wait3A_43] : memref<8x128xi32, #tpu.memory_space<vmem>> -> memref<1x128xi32, #tpu.memory_space<vmem>>
      %dma_wait3A_45 = tpu.memref_squeeze %dma_wait3A_44 : memref<1x128xi32, #tpu.memory_space<vmem>> -> memref<128xi32, #tpu.memory_space<vmem>>
      %dma_wait3A_46 = arith.constant 0 : i32
      %dma_wait3A_47 = arith.constant 0 : i32
      %dma_wait3A_48 = tpu.memref_slice %arg2[%dma_wait3A_46, %dma_wait3A_47] : memref<10112x128xf32, #tpu.memory_space<hbm>> -> memref<10112x128xf32, #tpu.memory_space<hbm>>
      tpu.wait_indirect_dma semaphore(%arg12 : memref<!tpu.dma_semaphore, #tpu.memory_space<semaphore_mem>>) src(%dma_wait3A_48 : memref<10112x128xf32, #tpu.memory_space<hbm>>) dst(%arg9 : memref<128x128xf32, #tpu.memory_space<vmem>>)
      %dma_start3A_49 = arith.constant 0 : i32
      %dma_start3A_50 = arith.constant 0 : i32
      %dma_start3A_51 = tpu.memref_slice %arg8[%dma_start3A_49, %dma_start3A_50] : memref<8x128xi32, #tpu.memory_space<vmem>> -> memref<1x128xi32, #tpu.memory_space<vmem>>
      %dma_start3A_52 = tpu.memref_squeeze %dma_start3A_51 : memref<1x128xi32, #tpu.memory_space<vmem>> -> memref<128xi32, #tpu.memory_space<vmem>>
      %dma_start3A_53 = arith.constant 0 : i32
      %dma_start3A_54 = arith.constant 0 : i32
      %dma_start3A_55 = tpu.memref_slice %arg11[%dma_start3A_53, %dma_start3A_54] : memref<10112x128xf32, #tpu.memory_space<vmem_shared>> -> memref<10112x128xf32, #tpu.memory_space<vmem_shared>>
      tpu.enqueue_indirect_dma source(%arg9 : memref<128x128xf32, #tpu.memory_space<vmem>>) target(%dma_start3A_55 : memref<10112x128xf32, #tpu.memory_space<vmem_shared>>) offsets(%dma_start3A_52 : memref<128xi32, #tpu.memory_space<vmem>>) semaphore(%arg14 : memref<!tpu.dma_semaphore, #tpu.memory_space<semaphore_mem>>) {add = true}
      %dma_start3A_56 = arith.constant 1 : i32
      %dma_start3A_57 = arith.constant 0 : i32
      %dma_start3A_58 = tpu.memref_slice %arg7[%dma_start3A_56, %dma_start3A_57] : memref<8x128xi32, #tpu.memory_space<vmem>> -> memref<1x128xi32, #tpu.memory_space<vmem>>
      %dma_start3A_59 = tpu.memref_squeeze %dma_start3A_58 : memref<1x128xi32, #tpu.memory_space<vmem>> -> memref<128xi32, #tpu.memory_space<vmem>>
      %dma_start3A_60 = arith.constant 0 : i32
      %dma_start3A_61 = arith.constant 0 : i32
      %dma_start3A_62 = tpu.memref_slice %arg2[%dma_start3A_60, %dma_start3A_61] : memref<10112x128xf32, #tpu.memory_space<hbm>> -> memref<10112x128xf32, #tpu.memory_space<hbm>>
      tpu.enqueue_indirect_dma source(%dma_start3A_62 : memref<10112x128xf32, #tpu.memory_space<hbm>>) target(%arg10 : memref<128x128xf32, #tpu.memory_space<vmem>>) offsets(%dma_start3A_59 : memref<128xi32, #tpu.memory_space<vmem>>) semaphore(%arg13 : memref<!tpu.dma_semaphore, #tpu.memory_space<semaphore_mem>>)
      %dma_wait3A_63 = arith.constant 1 : i32
      %dma_wait3A_64 = arith.constant 0 : i32
      %dma_wait3A_65 = tpu.memref_slice %arg7[%dma_wait3A_63, %dma_wait3A_64] : memref<8x128xi32, #tpu.memory_space<vmem>> -> memref<1x128xi32, #tpu.memory_space<vmem>>
      %dma_wait3A_66 = tpu.memref_squeeze %dma_wait3A_65 : memref<1x128xi32, #tpu.memory_space<vmem>> -> memref<128xi32, #tpu.memory_space<vmem>>
      %dma_wait3A_67 = arith.constant 0 : i32
      %dma_wait3A_68 = arith.constant 0 : i32
      %dma_wait3A_69 = tpu.memref_slice %arg2[%dma_wait3A_67, %dma_wait3A_68] : memref<10112x128xf32, #tpu.memory_space<hbm>> -> memref<10112x128xf32, #tpu.memory_space<hbm>>
      tpu.wait_indirect_dma semaphore(%arg13 : memref<!tpu.dma_semaphore, #tpu.memory_space<semaphore_mem>>) src(%dma_wait3A_69 : memref<10112x128xf32, #tpu.memory_space<hbm>>) dst(%arg10 : memref<128x128xf32, #tpu.memory_space<vmem>>)
      %dma_start3A_70 = arith.constant 1 : i32
      %dma_start3A_71 = arith.constant 0 : i32
      %dma_start3A_72 = tpu.memref_slice %arg8[%dma_start3A_70, %dma_start3A_71] : memref<8x128xi32, #tpu.memory_space<vmem>> -> memref<1x128xi32, #tpu.memory_space<vmem>>
      %dma_start3A_73 = tpu.memref_squeeze %dma_start3A_72 : memref<1x128xi32, #tpu.memory_space<vmem>> -> memref<128xi32, #tpu.memory_space<vmem>>
      %dma_start3A_74 = arith.constant 0 : i32
      %dma_start3A_75 = arith.constant 0 : i32
      %dma_start3A_76 = tpu.memref_slice %arg11[%dma_start3A_74, %dma_start3A_75] : memref<10112x128xf32, #tpu.memory_space<vmem_shared>> -> memref<10112x128xf32, #tpu.memory_space<vmem_shared>>
      tpu.enqueue_indirect_dma source(%arg10 : memref<128x128xf32, #tpu.memory_space<vmem>>) target(%dma_start3A_76 : memref<10112x128xf32, #tpu.memory_space<vmem_shared>>) offsets(%dma_start3A_73 : memref<128xi32, #tpu.memory_space<vmem>>) semaphore(%arg15 : memref<!tpu.dma_semaphore, #tpu.memory_space<semaphore_mem>>) {add = true}
      %dma_wait3A_77 = arith.constant 0 : i32
      %dma_wait3A_78 = arith.constant 0 : i32
      %dma_wait3A_79 = tpu.memref_slice %arg8[%dma_wait3A_77, %dma_wait3A_78] : memref<8x128xi32, #tpu.memory_space<vmem>> -> memref<1x128xi32, #tpu.memory_space<vmem>>
      %dma_wait3A_80 = tpu.memref_squeeze %dma_wait3A_79 : memref<1x128xi32, #tpu.memory_space<vmem>> -> memref<128xi32, #tpu.memory_space<vmem>>
      %dma_wait3A_81 = arith.constant 0 : i32
      %dma_wait3A_82 = arith.constant 0 : i32
      %dma_wait3A_83 = tpu.memref_slice %arg11[%dma_wait3A_81, %dma_wait3A_82] : memref<10112x128xf32, #tpu.memory_space<vmem_shared>> -> memref<10112x128xf32, #tpu.memory_space<vmem_shared>>
      tpu.wait_indirect_dma semaphore(%arg14 : memref<!tpu.dma_semaphore, #tpu.memory_space<semaphore_mem>>) src(%arg9 : memref<128x128xf32, #tpu.memory_space<vmem>>) dst(%dma_wait3A_83 : memref<10112x128xf32, #tpu.memory_space<vmem_shared>>)
      %dma_start3A_84 = arith.constant 2 : i32
      %dma_start3A_85 = arith.constant 0 : i32
      %dma_start3A_86 = tpu.memref_slice %arg7[%dma_start3A_84, %dma_start3A_85] : memref<8x128xi32, #tpu.memory_space<vmem>> -> memref<1x128xi32, #tpu.memory_space<vmem>>
      %dma_start3A_87 = tpu.memref_squeeze %dma_start3A_86 : memref<1x128xi32, #tpu.memory_space<vmem>> -> memref<128xi32, #tpu.memory_space<vmem>>
      %dma_start3A_88 = arith.constant 0 : i32
      %dma_start3A_89 = arith.constant 0 : i32
      %dma_start3A_90 = tpu.memref_slice %arg2[%dma_start3A_88, %dma_start3A_89] : memref<10112x128xf32, #tpu.memory_space<hbm>> -> memref<10112x128xf32, #tpu.memory_space<hbm>>
      tpu.enqueue_indirect_dma source(%dma_start3A_90 : memref<10112x128xf32, #tpu.memory_space<hbm>>) target(%arg9 : memref<128x128xf32, #tpu.memory_space<vmem>>) offsets(%dma_start3A_87 : memref<128xi32, #tpu.memory_space<vmem>>) semaphore(%arg12 : memref<!tpu.dma_semaphore, #tpu.memory_space<semaphore_mem>>)
      %dma_wait3A_91 = arith.constant 2 : i32
      %dma_wait3A_92 = arith.constant 0 : i32
      %dma_wait3A_93 = tpu.memref_slice %arg7[%dma_wait3A_91, %dma_wait3A_92] : memref<8x128xi32, #tpu.memory_space<vmem>> -> memref<1x128xi32, #tpu.memory_space<vmem>>
      %dma_wait3A_94 = tpu.memref_squeeze %dma_wait3A_93 : memref<1x128xi32, #tpu.memory_space<vmem>> -> memref<128xi32, #tpu.memory_space<vmem>>
      %dma_wait3A_95 = arith.constant 0 : i32
      %dma_wait3A_96 = arith.constant 0 : i32
      %dma_wait3A_97 = tpu.memref_slice %arg2[%dma_wait3A_95, %dma_wait3A_96] : memref<10112x128xf32, #tpu.memory_space<hbm>> -> memref<10112x128xf32, #tpu.memory_space<hbm>>
      tpu.wait_indirect_dma semaphore(%arg12 : memref<!tpu.dma_semaphore, #tpu.memory_space<semaphore_mem>>) src(%dma_wait3A_97 : memref<10112x128xf32, #tpu.memory_space<hbm>>) dst(%arg9 : memref<128x128xf32, #tpu.memory_space<vmem>>)
      %dma_start3A_98 = arith.constant 2 : i32
      %dma_start3A_99 = arith.constant 0 : i32
      %dma_start3A_100 = tpu.memref_slice %arg8[%dma_start3A_98, %dma_start3A_99] : memref<8x128xi32, #tpu.memory_space<vmem>> -> memref<1x128xi32, #tpu.memory_space<vmem>>
      %dma_start3A_101 = tpu.memref_squeeze %dma_start3A_100 : memref<1x128xi32, #tpu.memory_space<vmem>> -> memref<128xi32, #tpu.memory_space<vmem>>
      %dma_start3A_102 = arith.constant 0 : i32
      %dma_start3A_103 = arith.constant 0 : i32
      %dma_start3A_104 = tpu.memref_slice %arg11[%dma_start3A_102, %dma_start3A_103] : memref<10112x128xf32, #tpu.memory_space<vmem_shared>> -> memref<10112x128xf32, #tpu.memory_space<vmem_shared>>
      tpu.enqueue_indirect_dma source(%arg9 : memref<128x128xf32, #tpu.memory_space<vmem>>) target(%dma_start3A_104 : memref<10112x128xf32, #tpu.memory_space<vmem_shared>>) offsets(%dma_start3A_101 : memref<128xi32, #tpu.memory_space<vmem>>) semaphore(%arg14 : memref<!tpu.dma_semaphore, #tpu.memory_space<semaphore_mem>>) {add = true}
      %dma_wait3A_105 = arith.constant 1 : i32
      %dma_wait3A_106 = arith.constant 0 : i32
      %dma_wait3A_107 = tpu.memref_slice %arg8[%dma_wait3A_105, %dma_wait3A_106] : memref<8x128xi32, #tpu.memory_space<vmem>> -> memref<1x128xi32, #tpu.memory_space<vmem>>
      %dma_wait3A_108 = tpu.memref_squeeze %dma_wait3A_107 : memref<1x128xi32, #tpu.memory_space<vmem>> -> memref<128xi32, #tpu.memory_space<vmem>>
      %dma_wait3A_109 = arith.constant 0 : i32
      %dma_wait3A_110 = arith.constant 0 : i32
      %dma_wait3A_111 = tpu.memref_slice %arg11[%dma_wait3A_109, %dma_wait3A_110] : memref<10112x128xf32, #tpu.memory_space<vmem_shared>> -> memref<10112x128xf32, #tpu.memory_space<vmem_shared>>
      tpu.wait_indirect_dma semaphore(%arg15 : memref<!tpu.dma_semaphore, #tpu.memory_space<semaphore_mem>>) src(%arg10 : memref<128x128xf32, #tpu.memory_space<vmem>>) dst(%dma_wait3A_111 : memref<10112x128xf32, #tpu.memory_space<vmem_shared>>)
      %dma_start3A_112 = arith.constant 3 : i32
      %dma_start3A_113 = arith.constant 0 : i32
      %dma_start3A_114 = tpu.memref_slice %arg7[%dma_start3A_112, %dma_start3A_113] : memref<8x128xi32, #tpu.memory_space<vmem>> -> memref<1x128xi32, #tpu.memory_space<vmem>>
      %dma_start3A_115 = tpu.memref_squeeze %dma_start3A_114 : memref<1x128xi32, #tpu.memory_space<vmem>> -> memref<128xi32, #tpu.memory_space<vmem>>
      %dma_start3A_116 = arith.constant 0 : i32
      %dma_start3A_117 = arith.constant 0 : i32
      %dma_start3A_118 = tpu.memref_slice %arg2[%dma_start3A_116, %dma_start3A_117] : memref<10112x128xf32, #tpu.memory_space<hbm>> -> memref<10112x128xf32, #tpu.memory_space<hbm>>
      tpu.enqueue_indirect_dma source(%dma_start3A_118 : memref<10112x128xf32, #tpu.memory_space<hbm>>) target(%arg10 : memref<128x128xf32, #tpu.memory_space<vmem>>) offsets(%dma_start3A_115 : memref<128xi32, #tpu.memory_space<vmem>>) semaphore(%arg13 : memref<!tpu.dma_semaphore, #tpu.memory_space<semaphore_mem>>)
      %dma_wait3A_119 = arith.constant 3 : i32
      %dma_wait3A_120 = arith.constant 0 : i32
      %dma_wait3A_121 = tpu.memref_slice %arg7[%dma_wait3A_119, %dma_wait3A_120] : memref<8x128xi32, #tpu.memory_space<vmem>> -> memref<1x128xi32, #tpu.memory_space<vmem>>
      %dma_wait3A_122 = tpu.memref_squeeze %dma_wait3A_121 : memref<1x128xi32, #tpu.memory_space<vmem>> -> memref<128xi32, #tpu.memory_space<vmem>>
      %dma_wait3A_123 = arith.constant 0 : i32
      %dma_wait3A_124 = arith.constant 0 : i32
      %dma_wait3A_125 = tpu.memref_slice %arg2[%dma_wait3A_123, %dma_wait3A_124] : memref<10112x128xf32, #tpu.memory_space<hbm>> -> memref<10112x128xf32, #tpu.memory_space<hbm>>
      tpu.wait_indirect_dma semaphore(%arg13 : memref<!tpu.dma_semaphore, #tpu.memory_space<semaphore_mem>>) src(%dma_wait3A_125 : memref<10112x128xf32, #tpu.memory_space<hbm>>) dst(%arg10 : memref<128x128xf32, #tpu.memory_space<vmem>>)
      %dma_start3A_126 = arith.constant 3 : i32
      %dma_start3A_127 = arith.constant 0 : i32
      %dma_start3A_128 = tpu.memref_slice %arg8[%dma_start3A_126, %dma_start3A_127] : memref<8x128xi32, #tpu.memory_space<vmem>> -> memref<1x128xi32, #tpu.memory_space<vmem>>
      %dma_start3A_129 = tpu.memref_squeeze %dma_start3A_128 : memref<1x128xi32, #tpu.memory_space<vmem>> -> memref<128xi32, #tpu.memory_space<vmem>>
      %dma_start3A_130 = arith.constant 0 : i32
      %dma_start3A_131 = arith.constant 0 : i32
      %dma_start3A_132 = tpu.memref_slice %arg11[%dma_start3A_130, %dma_start3A_131] : memref<10112x128xf32, #tpu.memory_space<vmem_shared>> -> memref<10112x128xf32, #tpu.memory_space<vmem_shared>>
      tpu.enqueue_indirect_dma source(%arg10 : memref<128x128xf32, #tpu.memory_space<vmem>>) target(%dma_start3A_132 : memref<10112x128xf32, #tpu.memory_space<vmem_shared>>) offsets(%dma_start3A_129 : memref<128xi32, #tpu.memory_space<vmem>>) semaphore(%arg15 : memref<!tpu.dma_semaphore, #tpu.memory_space<semaphore_mem>>) {add = true}
      %dma_wait3A_133 = arith.constant 2 : i32
      %dma_wait3A_134 = arith.constant 0 : i32
      %dma_wait3A_135 = tpu.memref_slice %arg8[%dma_wait3A_133, %dma_wait3A_134] : memref<8x128xi32, #tpu.memory_space<vmem>> -> memref<1x128xi32, #tpu.memory_space<vmem>>
      %dma_wait3A_136 = tpu.memref_squeeze %dma_wait3A_135 : memref<1x128xi32, #tpu.memory_space<vmem>> -> memref<128xi32, #tpu.memory_space<vmem>>
      %dma_wait3A_137 = arith.constant 0 : i32
      %dma_wait3A_138 = arith.constant 0 : i32
      %dma_wait3A_139 = tpu.memref_slice %arg11[%dma_wait3A_137, %dma_wait3A_138] : memref<10112x128xf32, #tpu.memory_space<vmem_shared>> -> memref<10112x128xf32, #tpu.memory_space<vmem_shared>>
      tpu.wait_indirect_dma semaphore(%arg14 : memref<!tpu.dma_semaphore, #tpu.memory_space<semaphore_mem>>) src(%arg9 : memref<128x128xf32, #tpu.memory_space<vmem>>) dst(%dma_wait3A_139 : memref<10112x128xf32, #tpu.memory_space<vmem_shared>>)
      %dma_start3A_140 = arith.constant 4 : i32
      %dma_start3A_141 = arith.constant 0 : i32
      %dma_start3A_142 = tpu.memref_slice %arg7[%dma_start3A_140, %dma_start3A_141] : memref<8x128xi32, #tpu.memory_space<vmem>> -> memref<1x128xi32, #tpu.memory_space<vmem>>
      %dma_start3A_143 = tpu.memref_squeeze %dma_start3A_142 : memref<1x128xi32, #tpu.memory_space<vmem>> -> memref<128xi32, #tpu.memory_space<vmem>>
      %dma_start3A_144 = arith.constant 0 : i32
      %dma_start3A_145 = arith.constant 0 : i32
      %dma_start3A_146 = tpu.memref_slice %arg2[%dma_start3A_144, %dma_start3A_145] : memref<10112x128xf32, #tpu.memory_space<hbm>> -> memref<10112x128xf32, #tpu.memory_space<hbm>>
      tpu.enqueue_indirect_dma source(%dma_start3A_146 : memref<10112x128xf32, #tpu.memory_space<hbm>>) target(%arg9 : memref<128x128xf32, #tpu.memory_space<vmem>>) offsets(%dma_start3A_143 : memref<128xi32, #tpu.memory_space<vmem>>) semaphore(%arg12 : memref<!tpu.dma_semaphore, #tpu.memory_space<semaphore_mem>>)
      %dma_wait3A_147 = arith.constant 4 : i32
      %dma_wait3A_148 = arith.constant 0 : i32
      %dma_wait3A_149 = tpu.memref_slice %arg7[%dma_wait3A_147, %dma_wait3A_148] : memref<8x128xi32, #tpu.memory_space<vmem>> -> memref<1x128xi32, #tpu.memory_space<vmem>>
      %dma_wait3A_150 = tpu.memref_squeeze %dma_wait3A_149 : memref<1x128xi32, #tpu.memory_space<vmem>> -> memref<128xi32, #tpu.memory_space<vmem>>
      %dma_wait3A_151 = arith.constant 0 : i32
      %dma_wait3A_152 = arith.constant 0 : i32
      %dma_wait3A_153 = tpu.memref_slice %arg2[%dma_wait3A_151, %dma_wait3A_152] : memref<10112x128xf32, #tpu.memory_space<hbm>> -> memref<10112x128xf32, #tpu.memory_space<hbm>>
      tpu.wait_indirect_dma semaphore(%arg12 : memref<!tpu.dma_semaphore, #tpu.memory_space<semaphore_mem>>) src(%dma_wait3A_153 : memref<10112x128xf32, #tpu.memory_space<hbm>>) dst(%arg9 : memref<128x128xf32, #tpu.memory_space<vmem>>)
      %dma_start3A_154 = arith.constant 4 : i32
      %dma_start3A_155 = arith.constant 0 : i32
      %dma_start3A_156 = tpu.memref_slice %arg8[%dma_start3A_154, %dma_start3A_155] : memref<8x128xi32, #tpu.memory_space<vmem>> -> memref<1x128xi32, #tpu.memory_space<vmem>>
      %dma_start3A_157 = tpu.memref_squeeze %dma_start3A_156 : memref<1x128xi32, #tpu.memory_space<vmem>> -> memref<128xi32, #tpu.memory_space<vmem>>
      %dma_start3A_158 = arith.constant 0 : i32
      %dma_start3A_159 = arith.constant 0 : i32
      %dma_start3A_160 = tpu.memref_slice %arg11[%dma_start3A_158, %dma_start3A_159] : memref<10112x128xf32, #tpu.memory_space<vmem_shared>> -> memref<10112x128xf32, #tpu.memory_space<vmem_shared>>
      tpu.enqueue_indirect_dma source(%arg9 : memref<128x128xf32, #tpu.memory_space<vmem>>) target(%dma_start3A_160 : memref<10112x128xf32, #tpu.memory_space<vmem_shared>>) offsets(%dma_start3A_157 : memref<128xi32, #tpu.memory_space<vmem>>) semaphore(%arg14 : memref<!tpu.dma_semaphore, #tpu.memory_space<semaphore_mem>>) {add = true}
      %dma_wait3A_161 = arith.constant 3 : i32
      %dma_wait3A_162 = arith.constant 0 : i32
      %dma_wait3A_163 = tpu.memref_slice %arg8[%dma_wait3A_161, %dma_wait3A_162] : memref<8x128xi32, #tpu.memory_space<vmem>> -> memref<1x128xi32, #tpu.memory_space<vmem>>
      %dma_wait3A_164 = tpu.memref_squeeze %dma_wait3A_163 : memref<1x128xi32, #tpu.memory_space<vmem>> -> memref<128xi32, #tpu.memory_space<vmem>>
      %dma_wait3A_165 = arith.constant 0 : i32
      %dma_wait3A_166 = arith.constant 0 : i32
      %dma_wait3A_167 = tpu.memref_slice %arg11[%dma_wait3A_165, %dma_wait3A_166] : memref<10112x128xf32, #tpu.memory_space<vmem_shared>> -> memref<10112x128xf32, #tpu.memory_space<vmem_shared>>
      tpu.wait_indirect_dma semaphore(%arg15 : memref<!tpu.dma_semaphore, #tpu.memory_space<semaphore_mem>>) src(%arg10 : memref<128x128xf32, #tpu.memory_space<vmem>>) dst(%dma_wait3A_167 : memref<10112x128xf32, #tpu.memory_space<vmem_shared>>)
      %dma_start3A_168 = arith.constant 5 : i32
      %dma_start3A_169 = arith.constant 0 : i32
      %dma_start3A_170 = tpu.memref_slice %arg7[%dma_start3A_168, %dma_start3A_169] : memref<8x128xi32, #tpu.memory_space<vmem>> -> memref<1x128xi32, #tpu.memory_space<vmem>>
      %dma_start3A_171 = tpu.memref_squeeze %dma_start3A_170 : memref<1x128xi32, #tpu.memory_space<vmem>> -> memref<128xi32, #tpu.memory_space<vmem>>
      %dma_start3A_172 = arith.constant 0 : i32
      %dma_start3A_173 = arith.constant 0 : i32
      %dma_start3A_174 = tpu.memref_slice %arg2[%dma_start3A_172, %dma_start3A_173] : memref<10112x128xf32, #tpu.memory_space<hbm>> -> memref<10112x128xf32, #tpu.memory_space<hbm>>
      tpu.enqueue_indirect_dma source(%dma_start3A_174 : memref<10112x128xf32, #tpu.memory_space<hbm>>) target(%arg10 : memref<128x128xf32, #tpu.memory_space<vmem>>) offsets(%dma_start3A_171 : memref<128xi32, #tpu.memory_space<vmem>>) semaphore(%arg13 : memref<!tpu.dma_semaphore, #tpu.memory_space<semaphore_mem>>)
      %dma_wait3A_175 = arith.constant 5 : i32
      %dma_wait3A_176 = arith.constant 0 : i32
      %dma_wait3A_177 = tpu.memref_slice %arg7[%dma_wait3A_175, %dma_wait3A_176] : memref<8x128xi32, #tpu.memory_space<vmem>> -> memref<1x128xi32, #tpu.memory_space<vmem>>
      %dma_wait3A_178 = tpu.memref_squeeze %dma_wait3A_177 : memref<1x128xi32, #tpu.memory_space<vmem>> -> memref<128xi32, #tpu.memory_space<vmem>>
      %dma_wait3A_179 = arith.constant 0 : i32
      %dma_wait3A_180 = arith.constant 0 : i32
      %dma_wait3A_181 = tpu.memref_slice %arg2[%dma_wait3A_179, %dma_wait3A_180] : memref<10112x128xf32, #tpu.memory_space<hbm>> -> memref<10112x128xf32, #tpu.memory_space<hbm>>
      tpu.wait_indirect_dma semaphore(%arg13 : memref<!tpu.dma_semaphore, #tpu.memory_space<semaphore_mem>>) src(%dma_wait3A_181 : memref<10112x128xf32, #tpu.memory_space<hbm>>) dst(%arg10 : memref<128x128xf32, #tpu.memory_space<vmem>>)
      %dma_start3A_182 = arith.constant 5 : i32
      %dma_start3A_183 = arith.constant 0 : i32
      %dma_start3A_184 = tpu.memref_slice %arg8[%dma_start3A_182, %dma_start3A_183] : memref<8x128xi32, #tpu.memory_space<vmem>> -> memref<1x128xi32, #tpu.memory_space<vmem>>
      %dma_start3A_185 = tpu.memref_squeeze %dma_start3A_184 : memref<1x128xi32, #tpu.memory_space<vmem>> -> memref<128xi32, #tpu.memory_space<vmem>>
      %dma_start3A_186 = arith.constant 0 : i32
      %dma_start3A_187 = arith.constant 0 : i32
      %dma_start3A_188 = tpu.memref_slice %arg11[%dma_start3A_186, %dma_start3A_187] : memref<10112x128xf32, #tpu.memory_space<vmem_shared>> -> memref<10112x128xf32, #tpu.memory_space<vmem_shared>>
      tpu.enqueue_indirect_dma source(%arg10 : memref<128x128xf32, #tpu.memory_space<vmem>>) target(%dma_start3A_188 : memref<10112x128xf32, #tpu.memory_space<vmem_shared>>) offsets(%dma_start3A_185 : memref<128xi32, #tpu.memory_space<vmem>>) semaphore(%arg15 : memref<!tpu.dma_semaphore, #tpu.memory_space<semaphore_mem>>) {add = true}
      %dma_wait3A_189 = arith.constant 4 : i32
      %dma_wait3A_190 = arith.constant 0 : i32
      %dma_wait3A_191 = tpu.memref_slice %arg8[%dma_wait3A_189, %dma_wait3A_190] : memref<8x128xi32, #tpu.memory_space<vmem>> -> memref<1x128xi32, #tpu.memory_space<vmem>>
      %dma_wait3A_192 = tpu.memref_squeeze %dma_wait3A_191 : memref<1x128xi32, #tpu.memory_space<vmem>> -> memref<128xi32, #tpu.memory_space<vmem>>
      %dma_wait3A_193 = arith.constant 0 : i32
      %dma_wait3A_194 = arith.constant 0 : i32
      %dma_wait3A_195 = tpu.memref_slice %arg11[%dma_wait3A_193, %dma_wait3A_194] : memref<10112x128xf32, #tpu.memory_space<vmem_shared>> -> memref<10112x128xf32, #tpu.memory_space<vmem_shared>>
      tpu.wait_indirect_dma semaphore(%arg14 : memref<!tpu.dma_semaphore, #tpu.memory_space<semaphore_mem>>) src(%arg9 : memref<128x128xf32, #tpu.memory_space<vmem>>) dst(%dma_wait3A_195 : memref<10112x128xf32, #tpu.memory_space<vmem_shared>>)
      %dma_start3A_196 = arith.constant 6 : i32
      %dma_start3A_197 = arith.constant 0 : i32
      %dma_start3A_198 = tpu.memref_slice %arg7[%dma_start3A_196, %dma_start3A_197] : memref<8x128xi32, #tpu.memory_space<vmem>> -> memref<1x128xi32, #tpu.memory_space<vmem>>
      %dma_start3A_199 = tpu.memref_squeeze %dma_start3A_198 : memref<1x128xi32, #tpu.memory_space<vmem>> -> memref<128xi32, #tpu.memory_space<vmem>>
      %dma_start3A_200 = arith.constant 0 : i32
      %dma_start3A_201 = arith.constant 0 : i32
      %dma_start3A_202 = tpu.memref_slice %arg2[%dma_start3A_200, %dma_start3A_201] : memref<10112x128xf32, #tpu.memory_space<hbm>> -> memref<10112x128xf32, #tpu.memory_space<hbm>>
      tpu.enqueue_indirect_dma source(%dma_start3A_202 : memref<10112x128xf32, #tpu.memory_space<hbm>>) target(%arg9 : memref<128x128xf32, #tpu.memory_space<vmem>>) offsets(%dma_start3A_199 : memref<128xi32, #tpu.memory_space<vmem>>) semaphore(%arg12 : memref<!tpu.dma_semaphore, #tpu.memory_space<semaphore_mem>>)
      %dma_wait3A_203 = arith.constant 6 : i32
      %dma_wait3A_204 = arith.constant 0 : i32
      %dma_wait3A_205 = tpu.memref_slice %arg7[%dma_wait3A_203, %dma_wait3A_204] : memref<8x128xi32, #tpu.memory_space<vmem>> -> memref<1x128xi32, #tpu.memory_space<vmem>>
      %dma_wait3A_206 = tpu.memref_squeeze %dma_wait3A_205 : memref<1x128xi32, #tpu.memory_space<vmem>> -> memref<128xi32, #tpu.memory_space<vmem>>
      %dma_wait3A_207 = arith.constant 0 : i32
      %dma_wait3A_208 = arith.constant 0 : i32
      %dma_wait3A_209 = tpu.memref_slice %arg2[%dma_wait3A_207, %dma_wait3A_208] : memref<10112x128xf32, #tpu.memory_space<hbm>> -> memref<10112x128xf32, #tpu.memory_space<hbm>>
      tpu.wait_indirect_dma semaphore(%arg12 : memref<!tpu.dma_semaphore, #tpu.memory_space<semaphore_mem>>) src(%dma_wait3A_209 : memref<10112x128xf32, #tpu.memory_space<hbm>>) dst(%arg9 : memref<128x128xf32, #tpu.memory_space<vmem>>)
      %dma_start3A_210 = arith.constant 6 : i32
      %dma_start3A_211 = arith.constant 0 : i32
      %dma_start3A_212 = tpu.memref_slice %arg8[%dma_start3A_210, %dma_start3A_211] : memref<8x128xi32, #tpu.memory_space<vmem>> -> memref<1x128xi32, #tpu.memory_space<vmem>>
      %dma_start3A_213 = tpu.memref_squeeze %dma_start3A_212 : memref<1x128xi32, #tpu.memory_space<vmem>> -> memref<128xi32, #tpu.memory_space<vmem>>
      %dma_start3A_214 = arith.constant 0 : i32
      %dma_start3A_215 = arith.constant 0 : i32
      %dma_start3A_216 = tpu.memref_slice %arg11[%dma_start3A_214, %dma_start3A_215] : memref<10112x128xf32, #tpu.memory_space<vmem_shared>> -> memref<10112x128xf32, #tpu.memory_space<vmem_shared>>
      tpu.enqueue_indirect_dma source(%arg9 : memref<128x128xf32, #tpu.memory_space<vmem>>) target(%dma_start3A_216 : memref<10112x128xf32, #tpu.memory_space<vmem_shared>>) offsets(%dma_start3A_213 : memref<128xi32, #tpu.memory_space<vmem>>) semaphore(%arg14 : memref<!tpu.dma_semaphore, #tpu.memory_space<semaphore_mem>>) {add = true}
      %dma_wait3A_217 = arith.constant 5 : i32
      %dma_wait3A_218 = arith.constant 0 : i32
      %dma_wait3A_219 = tpu.memref_slice %arg8[%dma_wait3A_217, %dma_wait3A_218] : memref<8x128xi32, #tpu.memory_space<vmem>> -> memref<1x128xi32, #tpu.memory_space<vmem>>
      %dma_wait3A_220 = tpu.memref_squeeze %dma_wait3A_219 : memref<1x128xi32, #tpu.memory_space<vmem>> -> memref<128xi32, #tpu.memory_space<vmem>>
      %dma_wait3A_221 = arith.constant 0 : i32
      %dma_wait3A_222 = arith.constant 0 : i32
      %dma_wait3A_223 = tpu.memref_slice %arg11[%dma_wait3A_221, %dma_wait3A_222] : memref<10112x128xf32, #tpu.memory_space<vmem_shared>> -> memref<10112x128xf32, #tpu.memory_space<vmem_shared>>
      tpu.wait_indirect_dma semaphore(%arg15 : memref<!tpu.dma_semaphore, #tpu.memory_space<semaphore_mem>>) src(%arg10 : memref<128x128xf32, #tpu.memory_space<vmem>>) dst(%dma_wait3A_223 : memref<10112x128xf32, #tpu.memory_space<vmem_shared>>)
      %dma_start3A_224 = arith.constant 7 : i32
      %dma_start3A_225 = arith.constant 0 : i32
      %dma_start3A_226 = tpu.memref_slice %arg7[%dma_start3A_224, %dma_start3A_225] : memref<8x128xi32, #tpu.memory_space<vmem>> -> memref<1x128xi32, #tpu.memory_space<vmem>>
      %dma_start3A_227 = tpu.memref_squeeze %dma_start3A_226 : memref<1x128xi32, #tpu.memory_space<vmem>> -> memref<128xi32, #tpu.memory_space<vmem>>
      %dma_start3A_228 = arith.constant 0 : i32
      %dma_start3A_229 = arith.constant 0 : i32
      %dma_start3A_230 = tpu.memref_slice %arg2[%dma_start3A_228, %dma_start3A_229] : memref<10112x128xf32, #tpu.memory_space<hbm>> -> memref<10112x128xf32, #tpu.memory_space<hbm>>
      tpu.enqueue_indirect_dma source(%dma_start3A_230 : memref<10112x128xf32, #tpu.memory_space<hbm>>) target(%arg10 : memref<128x128xf32, #tpu.memory_space<vmem>>) offsets(%dma_start3A_227 : memref<128xi32, #tpu.memory_space<vmem>>) semaphore(%arg13 : memref<!tpu.dma_semaphore, #tpu.memory_space<semaphore_mem>>)
      %dma_wait3A_231 = arith.constant 7 : i32
      %dma_wait3A_232 = arith.constant 0 : i32
      %dma_wait3A_233 = tpu.memref_slice %arg7[%dma_wait3A_231, %dma_wait3A_232] : memref<8x128xi32, #tpu.memory_space<vmem>> -> memref<1x128xi32, #tpu.memory_space<vmem>>
      %dma_wait3A_234 = tpu.memref_squeeze %dma_wait3A_233 : memref<1x128xi32, #tpu.memory_space<vmem>> -> memref<128xi32, #tpu.memory_space<vmem>>
      %dma_wait3A_235 = arith.constant 0 : i32
      %dma_wait3A_236 = arith.constant 0 : i32
      %dma_wait3A_237 = tpu.memref_slice %arg2[%dma_wait3A_235, %dma_wait3A_236] : memref<10112x128xf32, #tpu.memory_space<hbm>> -> memref<10112x128xf32, #tpu.memory_space<hbm>>
      tpu.wait_indirect_dma semaphore(%arg13 : memref<!tpu.dma_semaphore, #tpu.memory_space<semaphore_mem>>) src(%dma_wait3A_237 : memref<10112x128xf32, #tpu.memory_space<hbm>>) dst(%arg10 : memref<128x128xf32, #tpu.memory_space<vmem>>)
      %dma_start3A_238 = arith.constant 7 : i32
      %dma_start3A_239 = arith.constant 0 : i32
      %dma_start3A_240 = tpu.memref_slice %arg8[%dma_start3A_238, %dma_start3A_239] : memref<8x128xi32, #tpu.memory_space<vmem>> -> memref<1x128xi32, #tpu.memory_space<vmem>>
      %dma_start3A_241 = tpu.memref_squeeze %dma_start3A_240 : memref<1x128xi32, #tpu.memory_space<vmem>> -> memref<128xi32, #tpu.memory_space<vmem>>
      %dma_start3A_242 = arith.constant 0 : i32
      %dma_start3A_243 = arith.constant 0 : i32
      %dma_start3A_244 = tpu.memref_slice %arg11[%dma_start3A_242, %dma_start3A_243] : memref<10112x128xf32, #tpu.memory_space<vmem_shared>> -> memref<10112x128xf32, #tpu.memory_space<vmem_shared>>
      tpu.enqueue_indirect_dma source(%arg10 : memref<128x128xf32, #tpu.memory_space<vmem>>) target(%dma_start3A_244 : memref<10112x128xf32, #tpu.memory_space<vmem_shared>>) offsets(%dma_start3A_241 : memref<128xi32, #tpu.memory_space<vmem>>) semaphore(%arg15 : memref<!tpu.dma_semaphore, #tpu.memory_space<semaphore_mem>>) {add = true}
      %dma_wait3A_245 = arith.constant 6 : i32
      %dma_wait3A_246 = arith.constant 0 : i32
      %dma_wait3A_247 = tpu.memref_slice %arg8[%dma_wait3A_245, %dma_wait3A_246] : memref<8x128xi32, #tpu.memory_space<vmem>> -> memref<1x128xi32, #tpu.memory_space<vmem>>
      %dma_wait3A_248 = tpu.memref_squeeze %dma_wait3A_247 : memref<1x128xi32, #tpu.memory_space<vmem>> -> memref<128xi32, #tpu.memory_space<vmem>>
      %dma_wait3A_249 = arith.constant 0 : i32
      %dma_wait3A_250 = arith.constant 0 : i32
      %dma_wait3A_251 = tpu.memref_slice %arg11[%dma_wait3A_249, %dma_wait3A_250] : memref<10112x128xf32, #tpu.memory_space<vmem_shared>> -> memref<10112x128xf32, #tpu.memory_space<vmem_shared>>
      tpu.wait_indirect_dma semaphore(%arg14 : memref<!tpu.dma_semaphore, #tpu.memory_space<semaphore_mem>>) src(%arg9 : memref<128x128xf32, #tpu.memory_space<vmem>>) dst(%dma_wait3A_251 : memref<10112x128xf32, #tpu.memory_space<vmem_shared>>)
      %dma_wait3A_252 = arith.constant 7 : i32
      %dma_wait3A_253 = arith.constant 0 : i32
      %dma_wait3A_254 = tpu.memref_slice %arg8[%dma_wait3A_252, %dma_wait3A_253] : memref<8x128xi32, #tpu.memory_space<vmem>> -> memref<1x128xi32, #tpu.memory_space<vmem>>
      %dma_wait3A_255 = tpu.memref_squeeze %dma_wait3A_254 : memref<1x128xi32, #tpu.memory_space<vmem>> -> memref<128xi32, #tpu.memory_space<vmem>>
      %dma_wait3A_256 = arith.constant 0 : i32
      %dma_wait3A_257 = arith.constant 0 : i32
      %dma_wait3A_258 = tpu.memref_slice %arg11[%dma_wait3A_256, %dma_wait3A_257] : memref<10112x128xf32, #tpu.memory_space<vmem_shared>> -> memref<10112x128xf32, #tpu.memory_space<vmem_shared>>
      tpu.wait_indirect_dma semaphore(%arg15 : memref<!tpu.dma_semaphore, #tpu.memory_space<semaphore_mem>>) src(%arg10 : memref<128x128xf32, #tpu.memory_space<vmem>>) dst(%dma_wait3A_258 : memref<10112x128xf32, #tpu.memory_space<vmem_shared>>)
    }
    %while3A_26 = arith.constant 1 : i32
    scf.for %while3A_28 = %while3A_24 to %while3A_20 step %while3A_26  : i32 {
      %mul3A_29 = arith.muli %while3A_28, %while3A : i32
      %add3A_30 = arith.addi %while3A_17, %mul3A_29 : i32
      %mul3A_31 = arith.constant 8 : i32
      %mul3A_32 = arith.muli %add3A_30, %mul3A_31 : i32
      %add3A_33 = arith.addi %select_n3A, %mul3A_32 : i32
      "tpu.region"() ({
        %run_scoped3A = tpu.sem_alloc : memref<!tpu.dma_semaphore, #tpu.memory_space<semaphore_mem>>
        %dma_start3A_259 = arith.constant 0 : i32
        %dma_start3A_260 = tpu.memref_slice %arg3[%add3A_33, %dma_start3A_259] : memref<2560x128xi32, #tpu.memory_space<hbm>> -> memref<8x128xi32, #tpu.memory_space<hbm>>
        %dma_start3A_261 = arith.constant 0 : i32
        %dma_start3A_262 = tpu.memref_slice %arg3[%add3A_33, %dma_start3A_261] : memref<2560x128xi32, #tpu.memory_space<hbm>> -> memref<8x128xi32, #tpu.memory_space<hbm>>
        tpu.enqueue_dma source(%dma_start3A_262 : memref<8x128xi32, #tpu.memory_space<hbm>>) target(%arg7 : memref<8x128xi32, #tpu.memory_space<vmem>>) target_semaphore(%run_scoped3A : memref<!tpu.dma_semaphore, #tpu.memory_space<semaphore_mem>>)
        %dma_wait3A_263 = arith.constant 0 : i32
        %dma_wait3A_264 = tpu.memref_slice %arg3[%add3A_33, %dma_wait3A_263] : memref<2560x128xi32, #tpu.memory_space<hbm>> -> memref<8x128xi32, #tpu.memory_space<hbm>>
        %dma_wait3A_265 = arith.constant 0 : i32
        %dma_wait3A_266 = tpu.memref_slice %arg3[%add3A_33, %dma_wait3A_265] : memref<2560x128xi32, #tpu.memory_space<hbm>> -> memref<8x128xi32, #tpu.memory_space<hbm>>
        tpu.wait_dma2 semaphore(%run_scoped3A : memref<!tpu.dma_semaphore, #tpu.memory_space<semaphore_mem>>) src(%dma_wait3A_266 : memref<8x128xi32, #tpu.memory_space<hbm>>) dst(%arg7 : memref<8x128xi32, #tpu.memory_space<vmem>>)
        tpu.yield
      }) : () -> ()
      %mul3A_34 = arith.constant 8 : i32
      %mul3A_35 = arith.muli %add3A_30, %mul3A_34 : i32
      %add3A_36 = arith.addi %select_n3A, %mul3A_35 : i32
      "tpu.region"() ({
        %run_scoped3A = tpu.sem_alloc : memref<!tpu.dma_semaphore, #tpu.memory_space<semaphore_mem>>
        %dma_start3A_259 = arith.constant 0 : i32
        %dma_start3A_260 = tpu.memref_slice %arg4[%add3A_36, %dma_start3A_259] : memref<2560x128xi32, #tpu.memory_space<hbm>> -> memref<8x128xi32, #tpu.memory_space<hbm>>
        %dma_start3A_261 = arith.constant 0 : i32
        %dma_start3A_262 = tpu.memref_slice %arg4[%add3A_36, %dma_start3A_261] : memref<2560x128xi32, #tpu.memory_space<hbm>> -> memref<8x128xi32, #tpu.memory_space<hbm>>
        tpu.enqueue_dma source(%dma_start3A_262 : memref<8x128xi32, #tpu.memory_space<hbm>>) target(%arg8 : memref<8x128xi32, #tpu.memory_space<vmem>>) target_semaphore(%run_scoped3A : memref<!tpu.dma_semaphore, #tpu.memory_space<semaphore_mem>>)
        %dma_wait3A_263 = arith.constant 0 : i32
        %dma_wait3A_264 = tpu.memref_slice %arg4[%add3A_36, %dma_wait3A_263] : memref<2560x128xi32, #tpu.memory_space<hbm>> -> memref<8x128xi32, #tpu.memory_space<hbm>>
        %dma_wait3A_265 = arith.constant 0 : i32
        %dma_wait3A_266 = tpu.memref_slice %arg4[%add3A_36, %dma_wait3A_265] : memref<2560x128xi32, #tpu.memory_space<hbm>> -> memref<8x128xi32, #tpu.memory_space<hbm>>
        tpu.wait_dma2 semaphore(%run_scoped3A : memref<!tpu.dma_semaphore, #tpu.memory_space<semaphore_mem>>) src(%dma_wait3A_266 : memref<8x128xi32, #tpu.memory_space<hbm>>) dst(%arg8 : memref<8x128xi32, #tpu.memory_space<vmem>>)
        tpu.yield
      }) : () -> ()
      %dma_start3A = arith.constant 0 : i32
      %dma_start3A_37 = arith.constant 0 : i32
      %dma_start3A_38 = tpu.memref_slice %arg7[%dma_start3A, %dma_start3A_37] : memref<8x128xi32, #tpu.memory_space<vmem>> -> memref<1x128xi32, #tpu.memory_space<vmem>>
      %dma_start3A_39 = tpu.memref_squeeze %dma_start3A_38 : memref<1x128xi32, #tpu.memory_space<vmem>> -> memref<128xi32, #tpu.memory_space<vmem>>
      %dma_start3A_40 = arith.constant 0 : i32
      %dma_start3A_41 = arith.constant 0 : i32
      %dma_start3A_42 = tpu.memref_slice %arg2[%dma_start3A_40, %dma_start3A_41] : memref<10112x128xf32, #tpu.memory_space<hbm>> -> memref<10112x128xf32, #tpu.memory_space<hbm>>
      tpu.enqueue_indirect_dma source(%dma_start3A_42 : memref<10112x128xf32, #tpu.memory_space<hbm>>) target(%arg9 : memref<128x128xf32, #tpu.memory_space<vmem>>) offsets(%dma_start3A_39 : memref<128xi32, #tpu.memory_space<vmem>>) semaphore(%arg12 : memref<!tpu.dma_semaphore, #tpu.memory_space<semaphore_mem>>)
      %dma_wait3A = arith.constant 0 : i32
      %dma_wait3A_43 = arith.constant 0 : i32
      %dma_wait3A_44 = tpu.memref_slice %arg7[%dma_wait3A, %dma_wait3A_43] : memref<8x128xi32, #tpu.memory_space<vmem>> -> memref<1x128xi32, #tpu.memory_space<vmem>>
      %dma_wait3A_45 = tpu.memref_squeeze %dma_wait3A_44 : memref<1x128xi32, #tpu.memory_space<vmem>> -> memref<128xi32, #tpu.memory_space<vmem>>
      %dma_wait3A_46 = arith.constant 0 : i32
      %dma_wait3A_47 = arith.constant 0 : i32
      %dma_wait3A_48 = tpu.memref_slice %arg2[%dma_wait3A_46, %dma_wait3A_47] : memref<10112x128xf32, #tpu.memory_space<hbm>> -> memref<10112x128xf32, #tpu.memory_space<hbm>>
      tpu.wait_indirect_dma semaphore(%arg12 : memref<!tpu.dma_semaphore, #tpu.memory_space<semaphore_mem>>) src(%dma_wait3A_48 : memref<10112x128xf32, #tpu.memory_space<hbm>>) dst(%arg9 : memref<128x128xf32, #tpu.memory_space<vmem>>)
      %dma_start3A_49 = arith.constant 0 : i32
      %dma_start3A_50 = arith.constant 0 : i32
      %dma_start3A_51 = tpu.memref_slice %arg8[%dma_start3A_49, %dma_start3A_50] : memref<8x128xi32, #tpu.memory_space<vmem>> -> memref<1x128xi32, #tpu.memory_space<vmem>>
      %dma_start3A_52 = tpu.memref_squeeze %dma_start3A_51 : memref<1x128xi32, #tpu.memory_space<vmem>> -> memref<128xi32, #tpu.memory_space<vmem>>
      %dma_start3A_53 = arith.constant 0 : i32
      %dma_start3A_54 = arith.constant 0 : i32
      %dma_start3A_55 = tpu.memref_slice %arg11[%dma_start3A_53, %dma_start3A_54] : memref<10112x128xf32, #tpu.memory_space<vmem_shared>> -> memref<10112x128xf32, #tpu.memory_space<vmem_shared>>
      tpu.enqueue_indirect_dma source(%arg9 : memref<128x128xf32, #tpu.memory_space<vmem>>) target(%dma_start3A_55 : memref<10112x128xf32, #tpu.memory_space<vmem_shared>>) offsets(%dma_start3A_52 : memref<128xi32, #tpu.memory_space<vmem>>) semaphore(%arg14 : memref<!tpu.dma_semaphore, #tpu.memory_space<semaphore_mem>>) {add = true}
      %dma_start3A_56 = arith.constant 1 : i32
      %dma_start3A_57 = arith.constant 0 : i32
      %dma_start3A_58 = tpu.memref_slice %arg7[%dma_start3A_56, %dma_start3A_57] : memref<8x128xi32, #tpu.memory_space<vmem>> -> memref<1x128xi32, #tpu.memory_space<vmem>>
      %dma_start3A_59 = tpu.memref_squeeze %dma_start3A_58 : memref<1x128xi32, #tpu.memory_space<vmem>> -> memref<128xi32, #tpu.memory_space<vmem>>
      %dma_start3A_60 = arith.constant 0 : i32
      %dma_start3A_61 = arith.constant 0 : i32
      %dma_start3A_62 = tpu.memref_slice %arg2[%dma_start3A_60, %dma_start3A_61] : memref<10112x128xf32, #tpu.memory_space<hbm>> -> memref<10112x128xf32, #tpu.memory_space<hbm>>
      tpu.enqueue_indirect_dma source(%dma_start3A_62 : memref<10112x128xf32, #tpu.memory_space<hbm>>) target(%arg10 : memref<128x128xf32, #tpu.memory_space<vmem>>) offsets(%dma_start3A_59 : memref<128xi32, #tpu.memory_space<vmem>>) semaphore(%arg13 : memref<!tpu.dma_semaphore, #tpu.memory_space<semaphore_mem>>)
      %dma_wait3A_63 = arith.constant 1 : i32
      %dma_wait3A_64 = arith.constant 0 : i32
      %dma_wait3A_65 = tpu.memref_slice %arg7[%dma_wait3A_63, %dma_wait3A_64] : memref<8x128xi32, #tpu.memory_space<vmem>> -> memref<1x128xi32, #tpu.memory_space<vmem>>
      %dma_wait3A_66 = tpu.memref_squeeze %dma_wait3A_65 : memref<1x128xi32, #tpu.memory_space<vmem>> -> memref<128xi32, #tpu.memory_space<vmem>>
      %dma_wait3A_67 = arith.constant 0 : i32
      %dma_wait3A_68 = arith.constant 0 : i32
      %dma_wait3A_69 = tpu.memref_slice %arg2[%dma_wait3A_67, %dma_wait3A_68] : memref<10112x128xf32, #tpu.memory_space<hbm>> -> memref<10112x128xf32, #tpu.memory_space<hbm>>
      tpu.wait_indirect_dma semaphore(%arg13 : memref<!tpu.dma_semaphore, #tpu.memory_space<semaphore_mem>>) src(%dma_wait3A_69 : memref<10112x128xf32, #tpu.memory_space<hbm>>) dst(%arg10 : memref<128x128xf32, #tpu.memory_space<vmem>>)
      %dma_start3A_70 = arith.constant 1 : i32
      %dma_start3A_71 = arith.constant 0 : i32
      %dma_start3A_72 = tpu.memref_slice %arg8[%dma_start3A_70, %dma_start3A_71] : memref<8x128xi32, #tpu.memory_space<vmem>> -> memref<1x128xi32, #tpu.memory_space<vmem>>
      %dma_start3A_73 = tpu.memref_squeeze %dma_start3A_72 : memref<1x128xi32, #tpu.memory_space<vmem>> -> memref<128xi32, #tpu.memory_space<vmem>>
      %dma_start3A_74 = arith.constant 0 : i32
      %dma_start3A_75 = arith.constant 0 : i32
      %dma_start3A_76 = tpu.memref_slice %arg11[%dma_start3A_74, %dma_start3A_75] : memref<10112x128xf32, #tpu.memory_space<vmem_shared>> -> memref<10112x128xf32, #tpu.memory_space<vmem_shared>>
      tpu.enqueue_indirect_dma source(%arg10 : memref<128x128xf32, #tpu.memory_space<vmem>>) target(%dma_start3A_76 : memref<10112x128xf32, #tpu.memory_space<vmem_shared>>) offsets(%dma_start3A_73 : memref<128xi32, #tpu.memory_space<vmem>>) semaphore(%arg15 : memref<!tpu.dma_semaphore, #tpu.memory_space<semaphore_mem>>) {add = true}
      %dma_wait3A_77 = arith.constant 0 : i32
      %dma_wait3A_78 = arith.constant 0 : i32
      %dma_wait3A_79 = tpu.memref_slice %arg8[%dma_wait3A_77, %dma_wait3A_78] : memref<8x128xi32, #tpu.memory_space<vmem>> -> memref<1x128xi32, #tpu.memory_space<vmem>>
      %dma_wait3A_80 = tpu.memref_squeeze %dma_wait3A_79 : memref<1x128xi32, #tpu.memory_space<vmem>> -> memref<128xi32, #tpu.memory_space<vmem>>
      %dma_wait3A_81 = arith.constant 0 : i32
      %dma_wait3A_82 = arith.constant 0 : i32
      %dma_wait3A_83 = tpu.memref_slice %arg11[%dma_wait3A_81, %dma_wait3A_82] : memref<10112x128xf32, #tpu.memory_space<vmem_shared>> -> memref<10112x128xf32, #tpu.memory_space<vmem_shared>>
      tpu.wait_indirect_dma semaphore(%arg14 : memref<!tpu.dma_semaphore, #tpu.memory_space<semaphore_mem>>) src(%arg9 : memref<128x128xf32, #tpu.memory_space<vmem>>) dst(%dma_wait3A_83 : memref<10112x128xf32, #tpu.memory_space<vmem_shared>>)
      %dma_start3A_84 = arith.constant 2 : i32
      %dma_start3A_85 = arith.constant 0 : i32
      %dma_start3A_86 = tpu.memref_slice %arg7[%dma_start3A_84, %dma_start3A_85] : memref<8x128xi32, #tpu.memory_space<vmem>> -> memref<1x128xi32, #tpu.memory_space<vmem>>
      %dma_start3A_87 = tpu.memref_squeeze %dma_start3A_86 : memref<1x128xi32, #tpu.memory_space<vmem>> -> memref<128xi32, #tpu.memory_space<vmem>>
      %dma_start3A_88 = arith.constant 0 : i32
      %dma_start3A_89 = arith.constant 0 : i32
      %dma_start3A_90 = tpu.memref_slice %arg2[%dma_start3A_88, %dma_start3A_89] : memref<10112x128xf32, #tpu.memory_space<hbm>> -> memref<10112x128xf32, #tpu.memory_space<hbm>>
      tpu.enqueue_indirect_dma source(%dma_start3A_90 : memref<10112x128xf32, #tpu.memory_space<hbm>>) target(%arg9 : memref<128x128xf32, #tpu.memory_space<vmem>>) offsets(%dma_start3A_87 : memref<128xi32, #tpu.memory_space<vmem>>) semaphore(%arg12 : memref<!tpu.dma_semaphore, #tpu.memory_space<semaphore_mem>>)
      %dma_wait3A_91 = arith.constant 2 : i32
      %dma_wait3A_92 = arith.constant 0 : i32
      %dma_wait3A_93 = tpu.memref_slice %arg7[%dma_wait3A_91, %dma_wait3A_92] : memref<8x128xi32, #tpu.memory_space<vmem>> -> memref<1x128xi32, #tpu.memory_space<vmem>>
      %dma_wait3A_94 = tpu.memref_squeeze %dma_wait3A_93 : memref<1x128xi32, #tpu.memory_space<vmem>> -> memref<128xi32, #tpu.memory_space<vmem>>
      %dma_wait3A_95 = arith.constant 0 : i32
      %dma_wait3A_96 = arith.constant 0 : i32
      %dma_wait3A_97 = tpu.memref_slice %arg2[%dma_wait3A_95, %dma_wait3A_96] : memref<10112x128xf32, #tpu.memory_space<hbm>> -> memref<10112x128xf32, #tpu.memory_space<hbm>>
      tpu.wait_indirect_dma semaphore(%arg12 : memref<!tpu.dma_semaphore, #tpu.memory_space<semaphore_mem>>) src(%dma_wait3A_97 : memref<10112x128xf32, #tpu.memory_space<hbm>>) dst(%arg9 : memref<128x128xf32, #tpu.memory_space<vmem>>)
      %dma_start3A_98 = arith.constant 2 : i32
      %dma_start3A_99 = arith.constant 0 : i32
      %dma_start3A_100 = tpu.memref_slice %arg8[%dma_start3A_98, %dma_start3A_99] : memref<8x128xi32, #tpu.memory_space<vmem>> -> memref<1x128xi32, #tpu.memory_space<vmem>>
      %dma_start3A_101 = tpu.memref_squeeze %dma_start3A_100 : memref<1x128xi32, #tpu.memory_space<vmem>> -> memref<128xi32, #tpu.memory_space<vmem>>
      %dma_start3A_102 = arith.constant 0 : i32
      %dma_start3A_103 = arith.constant 0 : i32
      %dma_start3A_104 = tpu.memref_slice %arg11[%dma_start3A_102, %dma_start3A_103] : memref<10112x128xf32, #tpu.memory_space<vmem_shared>> -> memref<10112x128xf32, #tpu.memory_space<vmem_shared>>
      tpu.enqueue_indirect_dma source(%arg9 : memref<128x128xf32, #tpu.memory_space<vmem>>) target(%dma_start3A_104 : memref<10112x128xf32, #tpu.memory_space<vmem_shared>>) offsets(%dma_start3A_101 : memref<128xi32, #tpu.memory_space<vmem>>) semaphore(%arg14 : memref<!tpu.dma_semaphore, #tpu.memory_space<semaphore_mem>>) {add = true}
      %dma_wait3A_105 = arith.constant 1 : i32
      %dma_wait3A_106 = arith.constant 0 : i32
      %dma_wait3A_107 = tpu.memref_slice %arg8[%dma_wait3A_105, %dma_wait3A_106] : memref<8x128xi32, #tpu.memory_space<vmem>> -> memref<1x128xi32, #tpu.memory_space<vmem>>
      %dma_wait3A_108 = tpu.memref_squeeze %dma_wait3A_107 : memref<1x128xi32, #tpu.memory_space<vmem>> -> memref<128xi32, #tpu.memory_space<vmem>>
      %dma_wait3A_109 = arith.constant 0 : i32
      %dma_wait3A_110 = arith.constant 0 : i32
      %dma_wait3A_111 = tpu.memref_slice %arg11[%dma_wait3A_109, %dma_wait3A_110] : memref<10112x128xf32, #tpu.memory_space<vmem_shared>> -> memref<10112x128xf32, #tpu.memory_space<vmem_shared>>
      tpu.wait_indirect_dma semaphore(%arg15 : memref<!tpu.dma_semaphore, #tpu.memory_space<semaphore_mem>>) src(%arg10 : memref<128x128xf32, #tpu.memory_space<vmem>>) dst(%dma_wait3A_111 : memref<10112x128xf32, #tpu.memory_space<vmem_shared>>)
      %dma_start3A_112 = arith.constant 3 : i32
      %dma_start3A_113 = arith.constant 0 : i32
      %dma_start3A_114 = tpu.memref_slice %arg7[%dma_start3A_112, %dma_start3A_113] : memref<8x128xi32, #tpu.memory_space<vmem>> -> memref<1x128xi32, #tpu.memory_space<vmem>>
      %dma_start3A_115 = tpu.memref_squeeze %dma_start3A_114 : memref<1x128xi32, #tpu.memory_space<vmem>> -> memref<128xi32, #tpu.memory_space<vmem>>
      %dma_start3A_116 = arith.constant 0 : i32
      %dma_start3A_117 = arith.constant 0 : i32
      %dma_start3A_118 = tpu.memref_slice %arg2[%dma_start3A_116, %dma_start3A_117] : memref<10112x128xf32, #tpu.memory_space<hbm>> -> memref<10112x128xf32, #tpu.memory_space<hbm>>
      tpu.enqueue_indirect_dma source(%dma_start3A_118 : memref<10112x128xf32, #tpu.memory_space<hbm>>) target(%arg10 : memref<128x128xf32, #tpu.memory_space<vmem>>) offsets(%dma_start3A_115 : memref<128xi32, #tpu.memory_space<vmem>>) semaphore(%arg13 : memref<!tpu.dma_semaphore, #tpu.memory_space<semaphore_mem>>)
      %dma_wait3A_119 = arith.constant 3 : i32
      %dma_wait3A_120 = arith.constant 0 : i32
      %dma_wait3A_121 = tpu.memref_slice %arg7[%dma_wait3A_119, %dma_wait3A_120] : memref<8x128xi32, #tpu.memory_space<vmem>> -> memref<1x128xi32, #tpu.memory_space<vmem>>
      %dma_wait3A_122 = tpu.memref_squeeze %dma_wait3A_121 : memref<1x128xi32, #tpu.memory_space<vmem>> -> memref<128xi32, #tpu.memory_space<vmem>>
      %dma_wait3A_123 = arith.constant 0 : i32
      %dma_wait3A_124 = arith.constant 0 : i32
      %dma_wait3A_125 = tpu.memref_slice %arg2[%dma_wait3A_123, %dma_wait3A_124] : memref<10112x128xf32, #tpu.memory_space<hbm>> -> memref<10112x128xf32, #tpu.memory_space<hbm>>
      tpu.wait_indirect_dma semaphore(%arg13 : memref<!tpu.dma_semaphore, #tpu.memory_space<semaphore_mem>>) src(%dma_wait3A_125 : memref<10112x128xf32, #tpu.memory_space<hbm>>) dst(%arg10 : memref<128x128xf32, #tpu.memory_space<vmem>>)
      %dma_start3A_126 = arith.constant 3 : i32
      %dma_start3A_127 = arith.constant 0 : i32
      %dma_start3A_128 = tpu.memref_slice %arg8[%dma_start3A_126, %dma_start3A_127] : memref<8x128xi32, #tpu.memory_space<vmem>> -> memref<1x128xi32, #tpu.memory_space<vmem>>
      %dma_start3A_129 = tpu.memref_squeeze %dma_start3A_128 : memref<1x128xi32, #tpu.memory_space<vmem>> -> memref<128xi32, #tpu.memory_space<vmem>>
      %dma_start3A_130 = arith.constant 0 : i32
      %dma_start3A_131 = arith.constant 0 : i32
      %dma_start3A_132 = tpu.memref_slice %arg11[%dma_start3A_130, %dma_start3A_131] : memref<10112x128xf32, #tpu.memory_space<vmem_shared>> -> memref<10112x128xf32, #tpu.memory_space<vmem_shared>>
      tpu.enqueue_indirect_dma source(%arg10 : memref<128x128xf32, #tpu.memory_space<vmem>>) target(%dma_start3A_132 : memref<10112x128xf32, #tpu.memory_space<vmem_shared>>) offsets(%dma_start3A_129 : memref<128xi32, #tpu.memory_space<vmem>>) semaphore(%arg15 : memref<!tpu.dma_semaphore, #tpu.memory_space<semaphore_mem>>) {add = true}
      %dma_wait3A_133 = arith.constant 2 : i32
      %dma_wait3A_134 = arith.constant 0 : i32
      %dma_wait3A_135 = tpu.memref_slice %arg8[%dma_wait3A_133, %dma_wait3A_134] : memref<8x128xi32, #tpu.memory_space<vmem>> -> memref<1x128xi32, #tpu.memory_space<vmem>>
      %dma_wait3A_136 = tpu.memref_squeeze %dma_wait3A_135 : memref<1x128xi32, #tpu.memory_space<vmem>> -> memref<128xi32, #tpu.memory_space<vmem>>
      %dma_wait3A_137 = arith.constant 0 : i32
      %dma_wait3A_138 = arith.constant 0 : i32
      %dma_wait3A_139 = tpu.memref_slice %arg11[%dma_wait3A_137, %dma_wait3A_138] : memref<10112x128xf32, #tpu.memory_space<vmem_shared>> -> memref<10112x128xf32, #tpu.memory_space<vmem_shared>>
      tpu.wait_indirect_dma semaphore(%arg14 : memref<!tpu.dma_semaphore, #tpu.memory_space<semaphore_mem>>) src(%arg9 : memref<128x128xf32, #tpu.memory_space<vmem>>) dst(%dma_wait3A_139 : memref<10112x128xf32, #tpu.memory_space<vmem_shared>>)
      %dma_start3A_140 = arith.constant 4 : i32
      %dma_start3A_141 = arith.constant 0 : i32
      %dma_start3A_142 = tpu.memref_slice %arg7[%dma_start3A_140, %dma_start3A_141] : memref<8x128xi32, #tpu.memory_space<vmem>> -> memref<1x128xi32, #tpu.memory_space<vmem>>
      %dma_start3A_143 = tpu.memref_squeeze %dma_start3A_142 : memref<1x128xi32, #tpu.memory_space<vmem>> -> memref<128xi32, #tpu.memory_space<vmem>>
      %dma_start3A_144 = arith.constant 0 : i32
      %dma_start3A_145 = arith.constant 0 : i32
      %dma_start3A_146 = tpu.memref_slice %arg2[%dma_start3A_144, %dma_start3A_145] : memref<10112x128xf32, #tpu.memory_space<hbm>> -> memref<10112x128xf32, #tpu.memory_space<hbm>>
      tpu.enqueue_indirect_dma source(%dma_start3A_146 : memref<10112x128xf32, #tpu.memory_space<hbm>>) target(%arg9 : memref<128x128xf32, #tpu.memory_space<vmem>>) offsets(%dma_start3A_143 : memref<128xi32, #tpu.memory_space<vmem>>) semaphore(%arg12 : memref<!tpu.dma_semaphore, #tpu.memory_space<semaphore_mem>>)
      %dma_wait3A_147 = arith.constant 4 : i32
      %dma_wait3A_148 = arith.constant 0 : i32
      %dma_wait3A_149 = tpu.memref_slice %arg7[%dma_wait3A_147, %dma_wait3A_148] : memref<8x128xi32, #tpu.memory_space<vmem>> -> memref<1x128xi32, #tpu.memory_space<vmem>>
      %dma_wait3A_150 = tpu.memref_squeeze %dma_wait3A_149 : memref<1x128xi32, #tpu.memory_space<vmem>> -> memref<128xi32, #tpu.memory_space<vmem>>
      %dma_wait3A_151 = arith.constant 0 : i32
      %dma_wait3A_152 = arith.constant 0 : i32
      %dma_wait3A_153 = tpu.memref_slice %arg2[%dma_wait3A_151, %dma_wait3A_152] : memref<10112x128xf32, #tpu.memory_space<hbm>> -> memref<10112x128xf32, #tpu.memory_space<hbm>>
      tpu.wait_indirect_dma semaphore(%arg12 : memref<!tpu.dma_semaphore, #tpu.memory_space<semaphore_mem>>) src(%dma_wait3A_153 : memref<10112x128xf32, #tpu.memory_space<hbm>>) dst(%arg9 : memref<128x128xf32, #tpu.memory_space<vmem>>)
      %dma_start3A_154 = arith.constant 4 : i32
      %dma_start3A_155 = arith.constant 0 : i32
      %dma_start3A_156 = tpu.memref_slice %arg8[%dma_start3A_154, %dma_start3A_155] : memref<8x128xi32, #tpu.memory_space<vmem>> -> memref<1x128xi32, #tpu.memory_space<vmem>>
      %dma_start3A_157 = tpu.memref_squeeze %dma_start3A_156 : memref<1x128xi32, #tpu.memory_space<vmem>> -> memref<128xi32, #tpu.memory_space<vmem>>
      %dma_start3A_158 = arith.constant 0 : i32
      %dma_start3A_159 = arith.constant 0 : i32
      %dma_start3A_160 = tpu.memref_slice %arg11[%dma_start3A_158, %dma_start3A_159] : memref<10112x128xf32, #tpu.memory_space<vmem_shared>> -> memref<10112x128xf32, #tpu.memory_space<vmem_shared>>
      tpu.enqueue_indirect_dma source(%arg9 : memref<128x128xf32, #tpu.memory_space<vmem>>) target(%dma_start3A_160 : memref<10112x128xf32, #tpu.memory_space<vmem_shared>>) offsets(%dma_start3A_157 : memref<128xi32, #tpu.memory_space<vmem>>) semaphore(%arg14 : memref<!tpu.dma_semaphore, #tpu.memory_space<semaphore_mem>>) {add = true}
      %dma_wait3A_161 = arith.constant 3 : i32
      %dma_wait3A_162 = arith.constant 0 : i32
      %dma_wait3A_163 = tpu.memref_slice %arg8[%dma_wait3A_161, %dma_wait3A_162] : memref<8x128xi32, #tpu.memory_space<vmem>> -> memref<1x128xi32, #tpu.memory_space<vmem>>
      %dma_wait3A_164 = tpu.memref_squeeze %dma_wait3A_163 : memref<1x128xi32, #tpu.memory_space<vmem>> -> memref<128xi32, #tpu.memory_space<vmem>>
      %dma_wait3A_165 = arith.constant 0 : i32
      %dma_wait3A_166 = arith.constant 0 : i32
      %dma_wait3A_167 = tpu.memref_slice %arg11[%dma_wait3A_165, %dma_wait3A_166] : memref<10112x128xf32, #tpu.memory_space<vmem_shared>> -> memref<10112x128xf32, #tpu.memory_space<vmem_shared>>
      tpu.wait_indirect_dma semaphore(%arg15 : memref<!tpu.dma_semaphore, #tpu.memory_space<semaphore_mem>>) src(%arg10 : memref<128x128xf32, #tpu.memory_space<vmem>>) dst(%dma_wait3A_167 : memref<10112x128xf32, #tpu.memory_space<vmem_shared>>)
      %dma_start3A_168 = arith.constant 5 : i32
      %dma_start3A_169 = arith.constant 0 : i32
      %dma_start3A_170 = tpu.memref_slice %arg7[%dma_start3A_168, %dma_start3A_169] : memref<8x128xi32, #tpu.memory_space<vmem>> -> memref<1x128xi32, #tpu.memory_space<vmem>>
      %dma_start3A_171 = tpu.memref_squeeze %dma_start3A_170 : memref<1x128xi32, #tpu.memory_space<vmem>> -> memref<128xi32, #tpu.memory_space<vmem>>
      %dma_start3A_172 = arith.constant 0 : i32
      %dma_start3A_173 = arith.constant 0 : i32
      %dma_start3A_174 = tpu.memref_slice %arg2[%dma_start3A_172, %dma_start3A_173] : memref<10112x128xf32, #tpu.memory_space<hbm>> -> memref<10112x128xf32, #tpu.memory_space<hbm>>
      tpu.enqueue_indirect_dma source(%dma_start3A_174 : memref<10112x128xf32, #tpu.memory_space<hbm>>) target(%arg10 : memref<128x128xf32, #tpu.memory_space<vmem>>) offsets(%dma_start3A_171 : memref<128xi32, #tpu.memory_space<vmem>>) semaphore(%arg13 : memref<!tpu.dma_semaphore, #tpu.memory_space<semaphore_mem>>)
      %dma_wait3A_175 = arith.constant 5 : i32
      %dma_wait3A_176 = arith.constant 0 : i32
      %dma_wait3A_177 = tpu.memref_slice %arg7[%dma_wait3A_175, %dma_wait3A_176] : memref<8x128xi32, #tpu.memory_space<vmem>> -> memref<1x128xi32, #tpu.memory_space<vmem>>
      %dma_wait3A_178 = tpu.memref_squeeze %dma_wait3A_177 : memref<1x128xi32, #tpu.memory_space<vmem>> -> memref<128xi32, #tpu.memory_space<vmem>>
      %dma_wait3A_179 = arith.constant 0 : i32
      %dma_wait3A_180 = arith.constant 0 : i32
      %dma_wait3A_181 = tpu.memref_slice %arg2[%dma_wait3A_179, %dma_wait3A_180] : memref<10112x128xf32, #tpu.memory_space<hbm>> -> memref<10112x128xf32, #tpu.memory_space<hbm>>
      tpu.wait_indirect_dma semaphore(%arg13 : memref<!tpu.dma_semaphore, #tpu.memory_space<semaphore_mem>>) src(%dma_wait3A_181 : memref<10112x128xf32, #tpu.memory_space<hbm>>) dst(%arg10 : memref<128x128xf32, #tpu.memory_space<vmem>>)
      %dma_start3A_182 = arith.constant 5 : i32
      %dma_start3A_183 = arith.constant 0 : i32
      %dma_start3A_184 = tpu.memref_slice %arg8[%dma_start3A_182, %dma_start3A_183] : memref<8x128xi32, #tpu.memory_space<vmem>> -> memref<1x128xi32, #tpu.memory_space<vmem>>
      %dma_start3A_185 = tpu.memref_squeeze %dma_start3A_184 : memref<1x128xi32, #tpu.memory_space<vmem>> -> memref<128xi32, #tpu.memory_space<vmem>>
      %dma_start3A_186 = arith.constant 0 : i32
      %dma_start3A_187 = arith.constant 0 : i32
      %dma_start3A_188 = tpu.memref_slice %arg11[%dma_start3A_186, %dma_start3A_187] : memref<10112x128xf32, #tpu.memory_space<vmem_shared>> -> memref<10112x128xf32, #tpu.memory_space<vmem_shared>>
      tpu.enqueue_indirect_dma source(%arg10 : memref<128x128xf32, #tpu.memory_space<vmem>>) target(%dma_start3A_188 : memref<10112x128xf32, #tpu.memory_space<vmem_shared>>) offsets(%dma_start3A_185 : memref<128xi32, #tpu.memory_space<vmem>>) semaphore(%arg15 : memref<!tpu.dma_semaphore, #tpu.memory_space<semaphore_mem>>) {add = true}
      %dma_wait3A_189 = arith.constant 4 : i32
      %dma_wait3A_190 = arith.constant 0 : i32
      %dma_wait3A_191 = tpu.memref_slice %arg8[%dma_wait3A_189, %dma_wait3A_190] : memref<8x128xi32, #tpu.memory_space<vmem>> -> memref<1x128xi32, #tpu.memory_space<vmem>>
      %dma_wait3A_192 = tpu.memref_squeeze %dma_wait3A_191 : memref<1x128xi32, #tpu.memory_space<vmem>> -> memref<128xi32, #tpu.memory_space<vmem>>
      %dma_wait3A_193 = arith.constant 0 : i32
      %dma_wait3A_194 = arith.constant 0 : i32
      %dma_wait3A_195 = tpu.memref_slice %arg11[%dma_wait3A_193, %dma_wait3A_194] : memref<10112x128xf32, #tpu.memory_space<vmem_shared>> -> memref<10112x128xf32, #tpu.memory_space<vmem_shared>>
      tpu.wait_indirect_dma semaphore(%arg14 : memref<!tpu.dma_semaphore, #tpu.memory_space<semaphore_mem>>) src(%arg9 : memref<128x128xf32, #tpu.memory_space<vmem>>) dst(%dma_wait3A_195 : memref<10112x128xf32, #tpu.memory_space<vmem_shared>>)
      %dma_start3A_196 = arith.constant 6 : i32
      %dma_start3A_197 = arith.constant 0 : i32
      %dma_start3A_198 = tpu.memref_slice %arg7[%dma_start3A_196, %dma_start3A_197] : memref<8x128xi32, #tpu.memory_space<vmem>> -> memref<1x128xi32, #tpu.memory_space<vmem>>
      %dma_start3A_199 = tpu.memref_squeeze %dma_start3A_198 : memref<1x128xi32, #tpu.memory_space<vmem>> -> memref<128xi32, #tpu.memory_space<vmem>>
      %dma_start3A_200 = arith.constant 0 : i32
      %dma_start3A_201 = arith.constant 0 : i32
      %dma_start3A_202 = tpu.memref_slice %arg2[%dma_start3A_200, %dma_start3A_201] : memref<10112x128xf32, #tpu.memory_space<hbm>> -> memref<10112x128xf32, #tpu.memory_space<hbm>>
      tpu.enqueue_indirect_dma source(%dma_start3A_202 : memref<10112x128xf32, #tpu.memory_space<hbm>>) target(%arg9 : memref<128x128xf32, #tpu.memory_space<vmem>>) offsets(%dma_start3A_199 : memref<128xi32, #tpu.memory_space<vmem>>) semaphore(%arg12 : memref<!tpu.dma_semaphore, #tpu.memory_space<semaphore_mem>>)
      %dma_wait3A_203 = arith.constant 6 : i32
      %dma_wait3A_204 = arith.constant 0 : i32
      %dma_wait3A_205 = tpu.memref_slice %arg7[%dma_wait3A_203, %dma_wait3A_204] : memref<8x128xi32, #tpu.memory_space<vmem>> -> memref<1x128xi32, #tpu.memory_space<vmem>>
      %dma_wait3A_206 = tpu.memref_squeeze %dma_wait3A_205 : memref<1x128xi32, #tpu.memory_space<vmem>> -> memref<128xi32, #tpu.memory_space<vmem>>
      %dma_wait3A_207 = arith.constant 0 : i32
      %dma_wait3A_208 = arith.constant 0 : i32
      %dma_wait3A_209 = tpu.memref_slice %arg2[%dma_wait3A_207, %dma_wait3A_208] : memref<10112x128xf32, #tpu.memory_space<hbm>> -> memref<10112x128xf32, #tpu.memory_space<hbm>>
      tpu.wait_indirect_dma semaphore(%arg12 : memref<!tpu.dma_semaphore, #tpu.memory_space<semaphore_mem>>) src(%dma_wait3A_209 : memref<10112x128xf32, #tpu.memory_space<hbm>>) dst(%arg9 : memref<128x128xf32, #tpu.memory_space<vmem>>)
      %dma_start3A_210 = arith.constant 6 : i32
      %dma_start3A_211 = arith.constant 0 : i32
      %dma_start3A_212 = tpu.memref_slice %arg8[%dma_start3A_210, %dma_start3A_211] : memref<8x128xi32, #tpu.memory_space<vmem>> -> memref<1x128xi32, #tpu.memory_space<vmem>>
      %dma_start3A_213 = tpu.memref_squeeze %dma_start3A_212 : memref<1x128xi32, #tpu.memory_space<vmem>> -> memref<128xi32, #tpu.memory_space<vmem>>
      %dma_start3A_214 = arith.constant 0 : i32
      %dma_start3A_215 = arith.constant 0 : i32
      %dma_start3A_216 = tpu.memref_slice %arg11[%dma_start3A_214, %dma_start3A_215] : memref<10112x128xf32, #tpu.memory_space<vmem_shared>> -> memref<10112x128xf32, #tpu.memory_space<vmem_shared>>
      tpu.enqueue_indirect_dma source(%arg9 : memref<128x128xf32, #tpu.memory_space<vmem>>) target(%dma_start3A_216 : memref<10112x128xf32, #tpu.memory_space<vmem_shared>>) offsets(%dma_start3A_213 : memref<128xi32, #tpu.memory_space<vmem>>) semaphore(%arg14 : memref<!tpu.dma_semaphore, #tpu.memory_space<semaphore_mem>>) {add = true}
      %dma_wait3A_217 = arith.constant 5 : i32
      %dma_wait3A_218 = arith.constant 0 : i32
      %dma_wait3A_219 = tpu.memref_slice %arg8[%dma_wait3A_217, %dma_wait3A_218] : memref<8x128xi32, #tpu.memory_space<vmem>> -> memref<1x128xi32, #tpu.memory_space<vmem>>
      %dma_wait3A_220 = tpu.memref_squeeze %dma_wait3A_219 : memref<1x128xi32, #tpu.memory_space<vmem>> -> memref<128xi32, #tpu.memory_space<vmem>>
      %dma_wait3A_221 = arith.constant 0 : i32
      %dma_wait3A_222 = arith.constant 0 : i32
      %dma_wait3A_223 = tpu.memref_slice %arg11[%dma_wait3A_221, %dma_wait3A_222] : memref<10112x128xf32, #tpu.memory_space<vmem_shared>> -> memref<10112x128xf32, #tpu.memory_space<vmem_shared>>
      tpu.wait_indirect_dma semaphore(%arg15 : memref<!tpu.dma_semaphore, #tpu.memory_space<semaphore_mem>>) src(%arg10 : memref<128x128xf32, #tpu.memory_space<vmem>>) dst(%dma_wait3A_223 : memref<10112x128xf32, #tpu.memory_space<vmem_shared>>)
      %dma_start3A_224 = arith.constant 7 : i32
      %dma_start3A_225 = arith.constant 0 : i32
      %dma_start3A_226 = tpu.memref_slice %arg7[%dma_start3A_224, %dma_start3A_225] : memref<8x128xi32, #tpu.memory_space<vmem>> -> memref<1x128xi32, #tpu.memory_space<vmem>>
      %dma_start3A_227 = tpu.memref_squeeze %dma_start3A_226 : memref<1x128xi32, #tpu.memory_space<vmem>> -> memref<128xi32, #tpu.memory_space<vmem>>
      %dma_start3A_228 = arith.constant 0 : i32
      %dma_start3A_229 = arith.constant 0 : i32
      %dma_start3A_230 = tpu.memref_slice %arg2[%dma_start3A_228, %dma_start3A_229] : memref<10112x128xf32, #tpu.memory_space<hbm>> -> memref<10112x128xf32, #tpu.memory_space<hbm>>
      tpu.enqueue_indirect_dma source(%dma_start3A_230 : memref<10112x128xf32, #tpu.memory_space<hbm>>) target(%arg10 : memref<128x128xf32, #tpu.memory_space<vmem>>) offsets(%dma_start3A_227 : memref<128xi32, #tpu.memory_space<vmem>>) semaphore(%arg13 : memref<!tpu.dma_semaphore, #tpu.memory_space<semaphore_mem>>)
      %dma_wait3A_231 = arith.constant 7 : i32
      %dma_wait3A_232 = arith.constant 0 : i32
      %dma_wait3A_233 = tpu.memref_slice %arg7[%dma_wait3A_231, %dma_wait3A_232] : memref<8x128xi32, #tpu.memory_space<vmem>> -> memref<1x128xi32, #tpu.memory_space<vmem>>
      %dma_wait3A_234 = tpu.memref_squeeze %dma_wait3A_233 : memref<1x128xi32, #tpu.memory_space<vmem>> -> memref<128xi32, #tpu.memory_space<vmem>>
      %dma_wait3A_235 = arith.constant 0 : i32
      %dma_wait3A_236 = arith.constant 0 : i32
      %dma_wait3A_237 = tpu.memref_slice %arg2[%dma_wait3A_235, %dma_wait3A_236] : memref<10112x128xf32, #tpu.memory_space<hbm>> -> memref<10112x128xf32, #tpu.memory_space<hbm>>
      tpu.wait_indirect_dma semaphore(%arg13 : memref<!tpu.dma_semaphore, #tpu.memory_space<semaphore_mem>>) src(%dma_wait3A_237 : memref<10112x128xf32, #tpu.memory_space<hbm>>) dst(%arg10 : memref<128x128xf32, #tpu.memory_space<vmem>>)
      %dma_start3A_238 = arith.constant 7 : i32
      %dma_start3A_239 = arith.constant 0 : i32
      %dma_start3A_240 = tpu.memref_slice %arg8[%dma_start3A_238, %dma_start3A_239] : memref<8x128xi32, #tpu.memory_space<vmem>> -> memref<1x128xi32, #tpu.memory_space<vmem>>
      %dma_start3A_241 = tpu.memref_squeeze %dma_start3A_240 : memref<1x128xi32, #tpu.memory_space<vmem>> -> memref<128xi32, #tpu.memory_space<vmem>>
      %dma_start3A_242 = arith.constant 0 : i32
      %dma_start3A_243 = arith.constant 0 : i32
      %dma_start3A_244 = tpu.memref_slice %arg11[%dma_start3A_242, %dma_start3A_243] : memref<10112x128xf32, #tpu.memory_space<vmem_shared>> -> memref<10112x128xf32, #tpu.memory_space<vmem_shared>>
      tpu.enqueue_indirect_dma source(%arg10 : memref<128x128xf32, #tpu.memory_space<vmem>>) target(%dma_start3A_244 : memref<10112x128xf32, #tpu.memory_space<vmem_shared>>) offsets(%dma_start3A_241 : memref<128xi32, #tpu.memory_space<vmem>>) semaphore(%arg15 : memref<!tpu.dma_semaphore, #tpu.memory_space<semaphore_mem>>) {add = true}
      %dma_wait3A_245 = arith.constant 6 : i32
      %dma_wait3A_246 = arith.constant 0 : i32
      %dma_wait3A_247 = tpu.memref_slice %arg8[%dma_wait3A_245, %dma_wait3A_246] : memref<8x128xi32, #tpu.memory_space<vmem>> -> memref<1x128xi32, #tpu.memory_space<vmem>>
      %dma_wait3A_248 = tpu.memref_squeeze %dma_wait3A_247 : memref<1x128xi32, #tpu.memory_space<vmem>> -> memref<128xi32, #tpu.memory_space<vmem>>
      %dma_wait3A_249 = arith.constant 0 : i32
      %dma_wait3A_250 = arith.constant 0 : i32
      %dma_wait3A_251 = tpu.memref_slice %arg11[%dma_wait3A_249, %dma_wait3A_250] : memref<10112x128xf32, #tpu.memory_space<vmem_shared>> -> memref<10112x128xf32, #tpu.memory_space<vmem_shared>>
      tpu.wait_indirect_dma semaphore(%arg14 : memref<!tpu.dma_semaphore, #tpu.memory_space<semaphore_mem>>) src(%arg9 : memref<128x128xf32, #tpu.memory_space<vmem>>) dst(%dma_wait3A_251 : memref<10112x128xf32, #tpu.memory_space<vmem_shared>>)
      %dma_wait3A_252 = arith.constant 7 : i32
      %dma_wait3A_253 = arith.constant 0 : i32
      %dma_wait3A_254 = tpu.memref_slice %arg8[%dma_wait3A_252, %dma_wait3A_253] : memref<8x128xi32, #tpu.memory_space<vmem>> -> memref<1x128xi32, #tpu.memory_space<vmem>>
      %dma_wait3A_255 = tpu.memref_squeeze %dma_wait3A_254 : memref<1x128xi32, #tpu.memory_space<vmem>> -> memref<128xi32, #tpu.memory_space<vmem>>
      %dma_wait3A_256 = arith.constant 0 : i32
      %dma_wait3A_257 = arith.constant 0 : i32
      %dma_wait3A_258 = tpu.memref_slice %arg11[%dma_wait3A_256, %dma_wait3A_257] : memref<10112x128xf32, #tpu.memory_space<vmem_shared>> -> memref<10112x128xf32, #tpu.memory_space<vmem_shared>>
      tpu.wait_indirect_dma semaphore(%arg15 : memref<!tpu.dma_semaphore, #tpu.memory_space<semaphore_mem>>) src(%arg10 : memref<128x128xf32, #tpu.memory_space<vmem>>) dst(%dma_wait3A_258 : memref<10112x128xf32, #tpu.memory_space<vmem_shared>>)
    }
    %barrier3A_27 = arith.constant 0 : index
    tpu.barrier barrier_id(%barrier3A_27)
    "tpu.region"() ({
      %run_scoped3A = tpu.sem_alloc : memref<!tpu.dma_semaphore, #tpu.memory_space<semaphore_mem>>
      %dma_start3A = arith.constant 0 : i32
      %dma_start3A_28 = tpu.memref_slice %arg6[%arg0, %mul3A_10, %dma_start3A] : memref<2x10112x128xf32, #tpu.memory_space<hbm>> -> memref<1x632x128xf32, #tpu.memory_space<hbm>>
      %dma_start3A_29 = tpu.memref_squeeze %dma_start3A_28 : memref<1x632x128xf32, #tpu.memory_space<hbm>> -> memref<632x128xf32, #tpu.memory_space<hbm>>
      %dma_start3A_30 = arith.constant 0 : i32
      %dma_start3A_31 = tpu.memref_slice %arg11[%mul3A_10, %dma_start3A_30] : memref<10112x128xf32, #tpu.memory_space<vmem_shared>> -> memref<632x128xf32, #tpu.memory_space<vmem_shared>>
      tpu.enqueue_dma source(%dma_start3A_31 : memref<632x128xf32, #tpu.memory_space<vmem_shared>>) target(%dma_start3A_29 : memref<632x128xf32, #tpu.memory_space<hbm>>) target_semaphore(%run_scoped3A : memref<!tpu.dma_semaphore, #tpu.memory_space<semaphore_mem>>)
      %dma_wait3A = arith.constant 0 : i32
      %dma_wait3A_32 = tpu.memref_slice %arg6[%arg0, %mul3A_10, %dma_wait3A] : memref<2x10112x128xf32, #tpu.memory_space<hbm>> -> memref<1x632x128xf32, #tpu.memory_space<hbm>>
      %dma_wait3A_33 = tpu.memref_squeeze %dma_wait3A_32 : memref<1x632x128xf32, #tpu.memory_space<hbm>> -> memref<632x128xf32, #tpu.memory_space<hbm>>
      %dma_wait3A_34 = arith.constant 0 : i32
      %dma_wait3A_35 = tpu.memref_slice %arg11[%mul3A_10, %dma_wait3A_34] : memref<10112x128xf32, #tpu.memory_space<vmem_shared>> -> memref<632x128xf32, #tpu.memory_space<vmem_shared>>
      tpu.wait_dma2 semaphore(%run_scoped3A : memref<!tpu.dma_semaphore, #tpu.memory_space<semaphore_mem>>) src(%dma_wait3A_35 : memref<632x128xf32, #tpu.memory_space<vmem_shared>>) dst(%dma_wait3A_33 : memref<632x128xf32, #tpu.memory_space<hbm>>)
      tpu.yield
    }) : () -> ()
    return
  }
}

#map = affine_map<(d0, d1) -> (0, 0)>
#map1 = affine_map<(d0, d1) -> (0, 0, 0)>
module attributes {stable_mosaic.version = 14 : i64} {
  func.func @edge_kernel(%arg0: i32, %arg1: i32, %arg2: memref<10112x128xf32, #tpu.memory_space<hbm>>, %arg3: memref<2560x128xi32, #tpu.memory_space<hbm>>, %arg4: memref<2560x128xi32, #tpu.memory_space<hbm>>, %arg5: memref<10112x128xf32, #tpu.memory_space<hbm>>, %arg6: memref<2x10112x128xf32, #tpu.memory_space<hbm>>, %arg7: memref<8x128xi32, #tpu.memory_space<vmem>>, %arg8: memref<8x128xi32, #tpu.memory_space<vmem>>, %arg9: memref<128x128xf32, #tpu.memory_space<vmem>>, %arg10: memref<128x128xf32, #tpu.memory_space<vmem>>, %arg11: memref<10112x128xf32, #tpu.memory_space<vmem_shared>>, %arg12: memref<!tpu.dma_semaphore, #tpu.memory_space<semaphore_mem>>, %arg13: memref<!tpu.dma_semaphore, #tpu.memory_space<semaphore_mem>>, %arg14: memref<!tpu.dma_semaphore, #tpu.memory_space<semaphore_mem>>, %arg15: memref<!tpu.dma_semaphore, #tpu.memory_space<semaphore_mem>>) attributes {dimension_semantics = [#tpu.dimension_semantics<core_parallel>, #tpu.dimension_semantics<subcore_parallel>], iteration_bounds = array<i64: 2, 16>, scalar_prefetch = 0 : i64, scratch_operands = 9 : i64, tpu.core_type = #tpu.core_type<sc_vector_subcore>, window_params = [{transform_indices = #map}, {transform_indices = #map}, {transform_indices = #map}, {transform_indices = #map}, {transform_indices = #map1}]} {
    %eq3A = arith.constant 0 : i32
    %eq3A_0 = arith.cmpi eq, %arg0, %eq3A : i32
    %mul3A = arith.constant 136 : i32
    %mul3A_1 = arith.muli %arg1, %mul3A : i32
    %mul3A_2 = arith.constant 24 : i32
    %mul3A_3 = arith.muli %arg1, %mul3A_2 : i32
    %add3A = arith.constant 2176 : i32
    %add3A_4 = arith.addi %add3A, %mul3A_3 : i32
    %select_n3A = arith.select %eq3A_0, %mul3A_1, %add3A_4 : i32
    %eq3A_5 = arith.constant 0 : i32
    %eq3A_6 = arith.cmpi eq, %arg0, %eq3A_5 : i32
    %jit3A = arith.constant 17 : i32
    %jit3A_7 = arith.constant 3 : i32
    %select_n3A_8 = arith.select %eq3A_6, %jit3A, %jit3A_7 : i32
    %mul3A_9 = arith.constant 632 : i32
    %mul3A_10 = arith.muli %arg1, %mul3A_9 : i32
    "tpu.region"() ({
      %run_scoped3A = tpu.sem_alloc : memref<!tpu.dma_semaphore, #tpu.memory_space<semaphore_mem>>
      %dma_start3A = arith.constant 0 : i32
      %dma_start3A_28 = tpu.memref_slice %arg11[%mul3A_10, %dma_start3A] : memref<10112x128xf32, #tpu.memory_space<vmem_shared>> -> memref<632x128xf32, #tpu.memory_space<vmem_shared>>
      %dma_start3A_29 = arith.constant 0 : i32
      %dma_start3A_30 = tpu.memref_slice %arg5[%mul3A_10, %dma_start3A_29] : memref<10112x128xf32, #tpu.memory_space<hbm>> -> memref<632x128xf32, #tpu.memory_space<hbm>>
      tpu.enqueue_dma source(%dma_start3A_30 : memref<632x128xf32, #tpu.memory_space<hbm>>) target(%dma_start3A_28 : memref<632x128xf32, #tpu.memory_space<vmem_shared>>) target_semaphore(%run_scoped3A : memref<!tpu.dma_semaphore, #tpu.memory_space<semaphore_mem>>)
      %dma_wait3A = arith.constant 0 : i32
      %dma_wait3A_31 = tpu.memref_slice %arg11[%mul3A_10, %dma_wait3A] : memref<10112x128xf32, #tpu.memory_space<vmem_shared>> -> memref<632x128xf32, #tpu.memory_space<vmem_shared>>
      %dma_wait3A_32 = arith.constant 0 : i32
      %dma_wait3A_33 = tpu.memref_slice %arg5[%mul3A_10, %dma_wait3A_32] : memref<10112x128xf32, #tpu.memory_space<hbm>> -> memref<632x128xf32, #tpu.memory_space<hbm>>
      tpu.wait_dma2 semaphore(%run_scoped3A : memref<!tpu.dma_semaphore, #tpu.memory_space<semaphore_mem>>) src(%dma_wait3A_33 : memref<632x128xf32, #tpu.memory_space<hbm>>) dst(%dma_wait3A_31 : memref<632x128xf32, #tpu.memory_space<vmem_shared>>)
      tpu.yield
    }) : () -> ()
    %barrier3A = arith.constant 0 : index
    tpu.barrier barrier_id(%barrier3A)
    %sub3A = arith.constant 0 : i32
    %sub3A_11 = arith.subi %select_n3A_8, %sub3A : i32
    %sub3A_12 = arith.constant 1 : i32
    %sub3A_13 = arith.constant 1 : i32
    %sub3A_14 = arith.subi %sub3A_12, %sub3A_13 : i32
    %add3A_15 = arith.addi %sub3A_11, %sub3A_14 : i32
    %div3A = arith.constant 1 : i32
    %div3A_16 = arith.divsi %add3A_15, %div3A : i32
    %while3A = arith.constant 1 : i32
    %while3A_17 = arith.constant 0 : i32
    %while3A_18 = arith.constant 0 : i32
    %while3A_19 = arith.subi %div3A_16, %while3A_18 : i32
    %while3A_20 = arith.addi %while3A_18, %while3A_19 : i32
    %while3A_21 = arith.constant 1 : i32
    %while3A_22 = arith.divsi %while3A_19, %while3A_21 : i32
    %while3A_23 = arith.muli %while3A_22, %while3A_21 : i32
    %while3A_24 = arith.addi %while3A_18, %while3A_23 : i32
    %while3A_25 = arith.constant 1 : i32
    scf.for %while3A_28 = %while3A_18 to %while3A_24 step %while3A_25  : i32 {
      %mul3A_29 = arith.muli %while3A_28, %while3A : i32
      %add3A_30 = arith.addi %while3A_17, %mul3A_29 : i32
      %mul3A_31 = arith.constant 8 : i32
      %mul3A_32 = arith.muli %add3A_30, %mul3A_31 : i32
      %add3A_33 = arith.addi %select_n3A, %mul3A_32 : i32
      "tpu.region"() ({
        %run_scoped3A = tpu.sem_alloc : memref<!tpu.dma_semaphore, #tpu.memory_space<semaphore_mem>>
        %dma_start3A_259 = arith.constant 0 : i32
        %dma_start3A_260 = tpu.memref_slice %arg3[%add3A_33, %dma_start3A_259] : memref<2560x128xi32, #tpu.memory_space<hbm>> -> memref<8x128xi32, #tpu.memory_space<hbm>>
        %dma_start3A_261 = arith.constant 0 : i32
        %dma_start3A_262 = tpu.memref_slice %arg3[%add3A_33, %dma_start3A_261] : memref<2560x128xi32, #tpu.memory_space<hbm>> -> memref<8x128xi32, #tpu.memory_space<hbm>>
        tpu.enqueue_dma source(%dma_start3A_262 : memref<8x128xi32, #tpu.memory_space<hbm>>) target(%arg7 : memref<8x128xi32, #tpu.memory_space<vmem>>) target_semaphore(%run_scoped3A : memref<!tpu.dma_semaphore, #tpu.memory_space<semaphore_mem>>)
        %dma_wait3A_263 = arith.constant 0 : i32
        %dma_wait3A_264 = tpu.memref_slice %arg3[%add3A_33, %dma_wait3A_263] : memref<2560x128xi32, #tpu.memory_space<hbm>> -> memref<8x128xi32, #tpu.memory_space<hbm>>
        %dma_wait3A_265 = arith.constant 0 : i32
        %dma_wait3A_266 = tpu.memref_slice %arg3[%add3A_33, %dma_wait3A_265] : memref<2560x128xi32, #tpu.memory_space<hbm>> -> memref<8x128xi32, #tpu.memory_space<hbm>>
        tpu.wait_dma2 semaphore(%run_scoped3A : memref<!tpu.dma_semaphore, #tpu.memory_space<semaphore_mem>>) src(%dma_wait3A_266 : memref<8x128xi32, #tpu.memory_space<hbm>>) dst(%arg7 : memref<8x128xi32, #tpu.memory_space<vmem>>)
        tpu.yield
      }) : () -> ()
      %mul3A_34 = arith.constant 8 : i32
      %mul3A_35 = arith.muli %add3A_30, %mul3A_34 : i32
      %add3A_36 = arith.addi %select_n3A, %mul3A_35 : i32
      "tpu.region"() ({
        %run_scoped3A = tpu.sem_alloc : memref<!tpu.dma_semaphore, #tpu.memory_space<semaphore_mem>>
        %dma_start3A_259 = arith.constant 0 : i32
        %dma_start3A_260 = tpu.memref_slice %arg4[%add3A_36, %dma_start3A_259] : memref<2560x128xi32, #tpu.memory_space<hbm>> -> memref<8x128xi32, #tpu.memory_space<hbm>>
        %dma_start3A_261 = arith.constant 0 : i32
        %dma_start3A_262 = tpu.memref_slice %arg4[%add3A_36, %dma_start3A_261] : memref<2560x128xi32, #tpu.memory_space<hbm>> -> memref<8x128xi32, #tpu.memory_space<hbm>>
        tpu.enqueue_dma source(%dma_start3A_262 : memref<8x128xi32, #tpu.memory_space<hbm>>) target(%arg8 : memref<8x128xi32, #tpu.memory_space<vmem>>) target_semaphore(%run_scoped3A : memref<!tpu.dma_semaphore, #tpu.memory_space<semaphore_mem>>)
        %dma_wait3A_263 = arith.constant 0 : i32
        %dma_wait3A_264 = tpu.memref_slice %arg4[%add3A_36, %dma_wait3A_263] : memref<2560x128xi32, #tpu.memory_space<hbm>> -> memref<8x128xi32, #tpu.memory_space<hbm>>
        %dma_wait3A_265 = arith.constant 0 : i32
        %dma_wait3A_266 = tpu.memref_slice %arg4[%add3A_36, %dma_wait3A_265] : memref<2560x128xi32, #tpu.memory_space<hbm>> -> memref<8x128xi32, #tpu.memory_space<hbm>>
        tpu.wait_dma2 semaphore(%run_scoped3A : memref<!tpu.dma_semaphore, #tpu.memory_space<semaphore_mem>>) src(%dma_wait3A_266 : memref<8x128xi32, #tpu.memory_space<hbm>>) dst(%arg8 : memref<8x128xi32, #tpu.memory_space<vmem>>)
        tpu.yield
      }) : () -> ()
      %dma_start3A = arith.constant 0 : i32
      %dma_start3A_37 = arith.constant 0 : i32
      %dma_start3A_38 = tpu.memref_slice %arg7[%dma_start3A, %dma_start3A_37] : memref<8x128xi32, #tpu.memory_space<vmem>> -> memref<1x128xi32, #tpu.memory_space<vmem>>
      %dma_start3A_39 = tpu.memref_squeeze %dma_start3A_38 : memref<1x128xi32, #tpu.memory_space<vmem>> -> memref<128xi32, #tpu.memory_space<vmem>>
      %dma_start3A_40 = arith.constant 0 : i32
      %dma_start3A_41 = arith.constant 0 : i32
      %dma_start3A_42 = tpu.memref_slice %arg2[%dma_start3A_40, %dma_start3A_41] : memref<10112x128xf32, #tpu.memory_space<hbm>> -> memref<10112x128xf32, #tpu.memory_space<hbm>>
      tpu.enqueue_indirect_dma source(%dma_start3A_42 : memref<10112x128xf32, #tpu.memory_space<hbm>>) target(%arg9 : memref<128x128xf32, #tpu.memory_space<vmem>>) offsets(%dma_start3A_39 : memref<128xi32, #tpu.memory_space<vmem>>) semaphore(%arg12 : memref<!tpu.dma_semaphore, #tpu.memory_space<semaphore_mem>>)
      %dma_wait3A = arith.constant 0 : i32
      %dma_wait3A_43 = arith.constant 0 : i32
      %dma_wait3A_44 = tpu.memref_slice %arg7[%dma_wait3A, %dma_wait3A_43] : memref<8x128xi32, #tpu.memory_space<vmem>> -> memref<1x128xi32, #tpu.memory_space<vmem>>
      %dma_wait3A_45 = tpu.memref_squeeze %dma_wait3A_44 : memref<1x128xi32, #tpu.memory_space<vmem>> -> memref<128xi32, #tpu.memory_space<vmem>>
      %dma_wait3A_46 = arith.constant 0 : i32
      %dma_wait3A_47 = arith.constant 0 : i32
      %dma_wait3A_48 = tpu.memref_slice %arg2[%dma_wait3A_46, %dma_wait3A_47] : memref<10112x128xf32, #tpu.memory_space<hbm>> -> memref<10112x128xf32, #tpu.memory_space<hbm>>
      tpu.wait_indirect_dma semaphore(%arg12 : memref<!tpu.dma_semaphore, #tpu.memory_space<semaphore_mem>>) src(%dma_wait3A_48 : memref<10112x128xf32, #tpu.memory_space<hbm>>) dst(%arg9 : memref<128x128xf32, #tpu.memory_space<vmem>>)
      %dma_start3A_49 = arith.constant 0 : i32
      %dma_start3A_50 = arith.constant 0 : i32
      %dma_start3A_51 = tpu.memref_slice %arg8[%dma_start3A_49, %dma_start3A_50] : memref<8x128xi32, #tpu.memory_space<vmem>> -> memref<1x128xi32, #tpu.memory_space<vmem>>
      %dma_start3A_52 = tpu.memref_squeeze %dma_start3A_51 : memref<1x128xi32, #tpu.memory_space<vmem>> -> memref<128xi32, #tpu.memory_space<vmem>>
      %dma_start3A_53 = arith.constant 0 : i32
      %dma_start3A_54 = arith.constant 0 : i32
      %dma_start3A_55 = tpu.memref_slice %arg11[%dma_start3A_53, %dma_start3A_54] : memref<10112x128xf32, #tpu.memory_space<vmem_shared>> -> memref<10112x128xf32, #tpu.memory_space<vmem_shared>>
      tpu.enqueue_indirect_dma source(%arg9 : memref<128x128xf32, #tpu.memory_space<vmem>>) target(%dma_start3A_55 : memref<10112x128xf32, #tpu.memory_space<vmem_shared>>) offsets(%dma_start3A_52 : memref<128xi32, #tpu.memory_space<vmem>>) semaphore(%arg14 : memref<!tpu.dma_semaphore, #tpu.memory_space<semaphore_mem>>) {add = true}
      %dma_start3A_56 = arith.constant 1 : i32
      %dma_start3A_57 = arith.constant 0 : i32
      %dma_start3A_58 = tpu.memref_slice %arg7[%dma_start3A_56, %dma_start3A_57] : memref<8x128xi32, #tpu.memory_space<vmem>> -> memref<1x128xi32, #tpu.memory_space<vmem>>
      %dma_start3A_59 = tpu.memref_squeeze %dma_start3A_58 : memref<1x128xi32, #tpu.memory_space<vmem>> -> memref<128xi32, #tpu.memory_space<vmem>>
      %dma_start3A_60 = arith.constant 0 : i32
      %dma_start3A_61 = arith.constant 0 : i32
      %dma_start3A_62 = tpu.memref_slice %arg2[%dma_start3A_60, %dma_start3A_61] : memref<10112x128xf32, #tpu.memory_space<hbm>> -> memref<10112x128xf32, #tpu.memory_space<hbm>>
      tpu.enqueue_indirect_dma source(%dma_start3A_62 : memref<10112x128xf32, #tpu.memory_space<hbm>>) target(%arg10 : memref<128x128xf32, #tpu.memory_space<vmem>>) offsets(%dma_start3A_59 : memref<128xi32, #tpu.memory_space<vmem>>) semaphore(%arg13 : memref<!tpu.dma_semaphore, #tpu.memory_space<semaphore_mem>>)
      %dma_wait3A_63 = arith.constant 1 : i32
      %dma_wait3A_64 = arith.constant 0 : i32
      %dma_wait3A_65 = tpu.memref_slice %arg7[%dma_wait3A_63, %dma_wait3A_64] : memref<8x128xi32, #tpu.memory_space<vmem>> -> memref<1x128xi32, #tpu.memory_space<vmem>>
      %dma_wait3A_66 = tpu.memref_squeeze %dma_wait3A_65 : memref<1x128xi32, #tpu.memory_space<vmem>> -> memref<128xi32, #tpu.memory_space<vmem>>
      %dma_wait3A_67 = arith.constant 0 : i32
      %dma_wait3A_68 = arith.constant 0 : i32
      %dma_wait3A_69 = tpu.memref_slice %arg2[%dma_wait3A_67, %dma_wait3A_68] : memref<10112x128xf32, #tpu.memory_space<hbm>> -> memref<10112x128xf32, #tpu.memory_space<hbm>>
      tpu.wait_indirect_dma semaphore(%arg13 : memref<!tpu.dma_semaphore, #tpu.memory_space<semaphore_mem>>) src(%dma_wait3A_69 : memref<10112x128xf32, #tpu.memory_space<hbm>>) dst(%arg10 : memref<128x128xf32, #tpu.memory_space<vmem>>)
      %dma_start3A_70 = arith.constant 1 : i32
      %dma_start3A_71 = arith.constant 0 : i32
      %dma_start3A_72 = tpu.memref_slice %arg8[%dma_start3A_70, %dma_start3A_71] : memref<8x128xi32, #tpu.memory_space<vmem>> -> memref<1x128xi32, #tpu.memory_space<vmem>>
      %dma_start3A_73 = tpu.memref_squeeze %dma_start3A_72 : memref<1x128xi32, #tpu.memory_space<vmem>> -> memref<128xi32, #tpu.memory_space<vmem>>
      %dma_start3A_74 = arith.constant 0 : i32
      %dma_start3A_75 = arith.constant 0 : i32
      %dma_start3A_76 = tpu.memref_slice %arg11[%dma_start3A_74, %dma_start3A_75] : memref<10112x128xf32, #tpu.memory_space<vmem_shared>> -> memref<10112x128xf32, #tpu.memory_space<vmem_shared>>
      tpu.enqueue_indirect_dma source(%arg10 : memref<128x128xf32, #tpu.memory_space<vmem>>) target(%dma_start3A_76 : memref<10112x128xf32, #tpu.memory_space<vmem_shared>>) offsets(%dma_start3A_73 : memref<128xi32, #tpu.memory_space<vmem>>) semaphore(%arg15 : memref<!tpu.dma_semaphore, #tpu.memory_space<semaphore_mem>>) {add = true}
      %dma_wait3A_77 = arith.constant 0 : i32
      %dma_wait3A_78 = arith.constant 0 : i32
      %dma_wait3A_79 = tpu.memref_slice %arg8[%dma_wait3A_77, %dma_wait3A_78] : memref<8x128xi32, #tpu.memory_space<vmem>> -> memref<1x128xi32, #tpu.memory_space<vmem>>
      %dma_wait3A_80 = tpu.memref_squeeze %dma_wait3A_79 : memref<1x128xi32, #tpu.memory_space<vmem>> -> memref<128xi32, #tpu.memory_space<vmem>>
      %dma_wait3A_81 = arith.constant 0 : i32
      %dma_wait3A_82 = arith.constant 0 : i32
      %dma_wait3A_83 = tpu.memref_slice %arg11[%dma_wait3A_81, %dma_wait3A_82] : memref<10112x128xf32, #tpu.memory_space<vmem_shared>> -> memref<10112x128xf32, #tpu.memory_space<vmem_shared>>
      tpu.wait_indirect_dma semaphore(%arg14 : memref<!tpu.dma_semaphore, #tpu.memory_space<semaphore_mem>>) src(%arg9 : memref<128x128xf32, #tpu.memory_space<vmem>>) dst(%dma_wait3A_83 : memref<10112x128xf32, #tpu.memory_space<vmem_shared>>)
      %dma_start3A_84 = arith.constant 2 : i32
      %dma_start3A_85 = arith.constant 0 : i32
      %dma_start3A_86 = tpu.memref_slice %arg7[%dma_start3A_84, %dma_start3A_85] : memref<8x128xi32, #tpu.memory_space<vmem>> -> memref<1x128xi32, #tpu.memory_space<vmem>>
      %dma_start3A_87 = tpu.memref_squeeze %dma_start3A_86 : memref<1x128xi32, #tpu.memory_space<vmem>> -> memref<128xi32, #tpu.memory_space<vmem>>
      %dma_start3A_88 = arith.constant 0 : i32
      %dma_start3A_89 = arith.constant 0 : i32
      %dma_start3A_90 = tpu.memref_slice %arg2[%dma_start3A_88, %dma_start3A_89] : memref<10112x128xf32, #tpu.memory_space<hbm>> -> memref<10112x128xf32, #tpu.memory_space<hbm>>
      tpu.enqueue_indirect_dma source(%dma_start3A_90 : memref<10112x128xf32, #tpu.memory_space<hbm>>) target(%arg9 : memref<128x128xf32, #tpu.memory_space<vmem>>) offsets(%dma_start3A_87 : memref<128xi32, #tpu.memory_space<vmem>>) semaphore(%arg12 : memref<!tpu.dma_semaphore, #tpu.memory_space<semaphore_mem>>)
      %dma_wait3A_91 = arith.constant 2 : i32
      %dma_wait3A_92 = arith.constant 0 : i32
      %dma_wait3A_93 = tpu.memref_slice %arg7[%dma_wait3A_91, %dma_wait3A_92] : memref<8x128xi32, #tpu.memory_space<vmem>> -> memref<1x128xi32, #tpu.memory_space<vmem>>
      %dma_wait3A_94 = tpu.memref_squeeze %dma_wait3A_93 : memref<1x128xi32, #tpu.memory_space<vmem>> -> memref<128xi32, #tpu.memory_space<vmem>>
      %dma_wait3A_95 = arith.constant 0 : i32
      %dma_wait3A_96 = arith.constant 0 : i32
      %dma_wait3A_97 = tpu.memref_slice %arg2[%dma_wait3A_95, %dma_wait3A_96] : memref<10112x128xf32, #tpu.memory_space<hbm>> -> memref<10112x128xf32, #tpu.memory_space<hbm>>
      tpu.wait_indirect_dma semaphore(%arg12 : memref<!tpu.dma_semaphore, #tpu.memory_space<semaphore_mem>>) src(%dma_wait3A_97 : memref<10112x128xf32, #tpu.memory_space<hbm>>) dst(%arg9 : memref<128x128xf32, #tpu.memory_space<vmem>>)
      %dma_start3A_98 = arith.constant 2 : i32
      %dma_start3A_99 = arith.constant 0 : i32
      %dma_start3A_100 = tpu.memref_slice %arg8[%dma_start3A_98, %dma_start3A_99] : memref<8x128xi32, #tpu.memory_space<vmem>> -> memref<1x128xi32, #tpu.memory_space<vmem>>
      %dma_start3A_101 = tpu.memref_squeeze %dma_start3A_100 : memref<1x128xi32, #tpu.memory_space<vmem>> -> memref<128xi32, #tpu.memory_space<vmem>>
      %dma_start3A_102 = arith.constant 0 : i32
      %dma_start3A_103 = arith.constant 0 : i32
      %dma_start3A_104 = tpu.memref_slice %arg11[%dma_start3A_102, %dma_start3A_103] : memref<10112x128xf32, #tpu.memory_space<vmem_shared>> -> memref<10112x128xf32, #tpu.memory_space<vmem_shared>>
      tpu.enqueue_indirect_dma source(%arg9 : memref<128x128xf32, #tpu.memory_space<vmem>>) target(%dma_start3A_104 : memref<10112x128xf32, #tpu.memory_space<vmem_shared>>) offsets(%dma_start3A_101 : memref<128xi32, #tpu.memory_space<vmem>>) semaphore(%arg14 : memref<!tpu.dma_semaphore, #tpu.memory_space<semaphore_mem>>) {add = true}
      %dma_wait3A_105 = arith.constant 1 : i32
      %dma_wait3A_106 = arith.constant 0 : i32
      %dma_wait3A_107 = tpu.memref_slice %arg8[%dma_wait3A_105, %dma_wait3A_106] : memref<8x128xi32, #tpu.memory_space<vmem>> -> memref<1x128xi32, #tpu.memory_space<vmem>>
      %dma_wait3A_108 = tpu.memref_squeeze %dma_wait3A_107 : memref<1x128xi32, #tpu.memory_space<vmem>> -> memref<128xi32, #tpu.memory_space<vmem>>
      %dma_wait3A_109 = arith.constant 0 : i32
      %dma_wait3A_110 = arith.constant 0 : i32
      %dma_wait3A_111 = tpu.memref_slice %arg11[%dma_wait3A_109, %dma_wait3A_110] : memref<10112x128xf32, #tpu.memory_space<vmem_shared>> -> memref<10112x128xf32, #tpu.memory_space<vmem_shared>>
      tpu.wait_indirect_dma semaphore(%arg15 : memref<!tpu.dma_semaphore, #tpu.memory_space<semaphore_mem>>) src(%arg10 : memref<128x128xf32, #tpu.memory_space<vmem>>) dst(%dma_wait3A_111 : memref<10112x128xf32, #tpu.memory_space<vmem_shared>>)
      %dma_start3A_112 = arith.constant 3 : i32
      %dma_start3A_113 = arith.constant 0 : i32
      %dma_start3A_114 = tpu.memref_slice %arg7[%dma_start3A_112, %dma_start3A_113] : memref<8x128xi32, #tpu.memory_space<vmem>> -> memref<1x128xi32, #tpu.memory_space<vmem>>
      %dma_start3A_115 = tpu.memref_squeeze %dma_start3A_114 : memref<1x128xi32, #tpu.memory_space<vmem>> -> memref<128xi32, #tpu.memory_space<vmem>>
      %dma_start3A_116 = arith.constant 0 : i32
      %dma_start3A_117 = arith.constant 0 : i32
      %dma_start3A_118 = tpu.memref_slice %arg2[%dma_start3A_116, %dma_start3A_117] : memref<10112x128xf32, #tpu.memory_space<hbm>> -> memref<10112x128xf32, #tpu.memory_space<hbm>>
      tpu.enqueue_indirect_dma source(%dma_start3A_118 : memref<10112x128xf32, #tpu.memory_space<hbm>>) target(%arg10 : memref<128x128xf32, #tpu.memory_space<vmem>>) offsets(%dma_start3A_115 : memref<128xi32, #tpu.memory_space<vmem>>) semaphore(%arg13 : memref<!tpu.dma_semaphore, #tpu.memory_space<semaphore_mem>>)
      %dma_wait3A_119 = arith.constant 3 : i32
      %dma_wait3A_120 = arith.constant 0 : i32
      %dma_wait3A_121 = tpu.memref_slice %arg7[%dma_wait3A_119, %dma_wait3A_120] : memref<8x128xi32, #tpu.memory_space<vmem>> -> memref<1x128xi32, #tpu.memory_space<vmem>>
      %dma_wait3A_122 = tpu.memref_squeeze %dma_wait3A_121 : memref<1x128xi32, #tpu.memory_space<vmem>> -> memref<128xi32, #tpu.memory_space<vmem>>
      %dma_wait3A_123 = arith.constant 0 : i32
      %dma_wait3A_124 = arith.constant 0 : i32
      %dma_wait3A_125 = tpu.memref_slice %arg2[%dma_wait3A_123, %dma_wait3A_124] : memref<10112x128xf32, #tpu.memory_space<hbm>> -> memref<10112x128xf32, #tpu.memory_space<hbm>>
      tpu.wait_indirect_dma semaphore(%arg13 : memref<!tpu.dma_semaphore, #tpu.memory_space<semaphore_mem>>) src(%dma_wait3A_125 : memref<10112x128xf32, #tpu.memory_space<hbm>>) dst(%arg10 : memref<128x128xf32, #tpu.memory_space<vmem>>)
      %dma_start3A_126 = arith.constant 3 : i32
      %dma_start3A_127 = arith.constant 0 : i32
      %dma_start3A_128 = tpu.memref_slice %arg8[%dma_start3A_126, %dma_start3A_127] : memref<8x128xi32, #tpu.memory_space<vmem>> -> memref<1x128xi32, #tpu.memory_space<vmem>>
      %dma_start3A_129 = tpu.memref_squeeze %dma_start3A_128 : memref<1x128xi32, #tpu.memory_space<vmem>> -> memref<128xi32, #tpu.memory_space<vmem>>
      %dma_start3A_130 = arith.constant 0 : i32
      %dma_start3A_131 = arith.constant 0 : i32
      %dma_start3A_132 = tpu.memref_slice %arg11[%dma_start3A_130, %dma_start3A_131] : memref<10112x128xf32, #tpu.memory_space<vmem_shared>> -> memref<10112x128xf32, #tpu.memory_space<vmem_shared>>
      tpu.enqueue_indirect_dma source(%arg10 : memref<128x128xf32, #tpu.memory_space<vmem>>) target(%dma_start3A_132 : memref<10112x128xf32, #tpu.memory_space<vmem_shared>>) offsets(%dma_start3A_129 : memref<128xi32, #tpu.memory_space<vmem>>) semaphore(%arg15 : memref<!tpu.dma_semaphore, #tpu.memory_space<semaphore_mem>>) {add = true}
      %dma_wait3A_133 = arith.constant 2 : i32
      %dma_wait3A_134 = arith.constant 0 : i32
      %dma_wait3A_135 = tpu.memref_slice %arg8[%dma_wait3A_133, %dma_wait3A_134] : memref<8x128xi32, #tpu.memory_space<vmem>> -> memref<1x128xi32, #tpu.memory_space<vmem>>
      %dma_wait3A_136 = tpu.memref_squeeze %dma_wait3A_135 : memref<1x128xi32, #tpu.memory_space<vmem>> -> memref<128xi32, #tpu.memory_space<vmem>>
      %dma_wait3A_137 = arith.constant 0 : i32
      %dma_wait3A_138 = arith.constant 0 : i32
      %dma_wait3A_139 = tpu.memref_slice %arg11[%dma_wait3A_137, %dma_wait3A_138] : memref<10112x128xf32, #tpu.memory_space<vmem_shared>> -> memref<10112x128xf32, #tpu.memory_space<vmem_shared>>
      tpu.wait_indirect_dma semaphore(%arg14 : memref<!tpu.dma_semaphore, #tpu.memory_space<semaphore_mem>>) src(%arg9 : memref<128x128xf32, #tpu.memory_space<vmem>>) dst(%dma_wait3A_139 : memref<10112x128xf32, #tpu.memory_space<vmem_shared>>)
      %dma_start3A_140 = arith.constant 4 : i32
      %dma_start3A_141 = arith.constant 0 : i32
      %dma_start3A_142 = tpu.memref_slice %arg7[%dma_start3A_140, %dma_start3A_141] : memref<8x128xi32, #tpu.memory_space<vmem>> -> memref<1x128xi32, #tpu.memory_space<vmem>>
      %dma_start3A_143 = tpu.memref_squeeze %dma_start3A_142 : memref<1x128xi32, #tpu.memory_space<vmem>> -> memref<128xi32, #tpu.memory_space<vmem>>
      %dma_start3A_144 = arith.constant 0 : i32
      %dma_start3A_145 = arith.constant 0 : i32
      %dma_start3A_146 = tpu.memref_slice %arg2[%dma_start3A_144, %dma_start3A_145] : memref<10112x128xf32, #tpu.memory_space<hbm>> -> memref<10112x128xf32, #tpu.memory_space<hbm>>
      tpu.enqueue_indirect_dma source(%dma_start3A_146 : memref<10112x128xf32, #tpu.memory_space<hbm>>) target(%arg9 : memref<128x128xf32, #tpu.memory_space<vmem>>) offsets(%dma_start3A_143 : memref<128xi32, #tpu.memory_space<vmem>>) semaphore(%arg12 : memref<!tpu.dma_semaphore, #tpu.memory_space<semaphore_mem>>)
      %dma_wait3A_147 = arith.constant 4 : i32
      %dma_wait3A_148 = arith.constant 0 : i32
      %dma_wait3A_149 = tpu.memref_slice %arg7[%dma_wait3A_147, %dma_wait3A_148] : memref<8x128xi32, #tpu.memory_space<vmem>> -> memref<1x128xi32, #tpu.memory_space<vmem>>
      %dma_wait3A_150 = tpu.memref_squeeze %dma_wait3A_149 : memref<1x128xi32, #tpu.memory_space<vmem>> -> memref<128xi32, #tpu.memory_space<vmem>>
      %dma_wait3A_151 = arith.constant 0 : i32
      %dma_wait3A_152 = arith.constant 0 : i32
      %dma_wait3A_153 = tpu.memref_slice %arg2[%dma_wait3A_151, %dma_wait3A_152] : memref<10112x128xf32, #tpu.memory_space<hbm>> -> memref<10112x128xf32, #tpu.memory_space<hbm>>
      tpu.wait_indirect_dma semaphore(%arg12 : memref<!tpu.dma_semaphore, #tpu.memory_space<semaphore_mem>>) src(%dma_wait3A_153 : memref<10112x128xf32, #tpu.memory_space<hbm>>) dst(%arg9 : memref<128x128xf32, #tpu.memory_space<vmem>>)
      %dma_start3A_154 = arith.constant 4 : i32
      %dma_start3A_155 = arith.constant 0 : i32
      %dma_start3A_156 = tpu.memref_slice %arg8[%dma_start3A_154, %dma_start3A_155] : memref<8x128xi32, #tpu.memory_space<vmem>> -> memref<1x128xi32, #tpu.memory_space<vmem>>
      %dma_start3A_157 = tpu.memref_squeeze %dma_start3A_156 : memref<1x128xi32, #tpu.memory_space<vmem>> -> memref<128xi32, #tpu.memory_space<vmem>>
      %dma_start3A_158 = arith.constant 0 : i32
      %dma_start3A_159 = arith.constant 0 : i32
      %dma_start3A_160 = tpu.memref_slice %arg11[%dma_start3A_158, %dma_start3A_159] : memref<10112x128xf32, #tpu.memory_space<vmem_shared>> -> memref<10112x128xf32, #tpu.memory_space<vmem_shared>>
      tpu.enqueue_indirect_dma source(%arg9 : memref<128x128xf32, #tpu.memory_space<vmem>>) target(%dma_start3A_160 : memref<10112x128xf32, #tpu.memory_space<vmem_shared>>) offsets(%dma_start3A_157 : memref<128xi32, #tpu.memory_space<vmem>>) semaphore(%arg14 : memref<!tpu.dma_semaphore, #tpu.memory_space<semaphore_mem>>) {add = true}
      %dma_wait3A_161 = arith.constant 3 : i32
      %dma_wait3A_162 = arith.constant 0 : i32
      %dma_wait3A_163 = tpu.memref_slice %arg8[%dma_wait3A_161, %dma_wait3A_162] : memref<8x128xi32, #tpu.memory_space<vmem>> -> memref<1x128xi32, #tpu.memory_space<vmem>>
      %dma_wait3A_164 = tpu.memref_squeeze %dma_wait3A_163 : memref<1x128xi32, #tpu.memory_space<vmem>> -> memref<128xi32, #tpu.memory_space<vmem>>
      %dma_wait3A_165 = arith.constant 0 : i32
      %dma_wait3A_166 = arith.constant 0 : i32
      %dma_wait3A_167 = tpu.memref_slice %arg11[%dma_wait3A_165, %dma_wait3A_166] : memref<10112x128xf32, #tpu.memory_space<vmem_shared>> -> memref<10112x128xf32, #tpu.memory_space<vmem_shared>>
      tpu.wait_indirect_dma semaphore(%arg15 : memref<!tpu.dma_semaphore, #tpu.memory_space<semaphore_mem>>) src(%arg10 : memref<128x128xf32, #tpu.memory_space<vmem>>) dst(%dma_wait3A_167 : memref<10112x128xf32, #tpu.memory_space<vmem_shared>>)
      %dma_start3A_168 = arith.constant 5 : i32
      %dma_start3A_169 = arith.constant 0 : i32
      %dma_start3A_170 = tpu.memref_slice %arg7[%dma_start3A_168, %dma_start3A_169] : memref<8x128xi32, #tpu.memory_space<vmem>> -> memref<1x128xi32, #tpu.memory_space<vmem>>
      %dma_start3A_171 = tpu.memref_squeeze %dma_start3A_170 : memref<1x128xi32, #tpu.memory_space<vmem>> -> memref<128xi32, #tpu.memory_space<vmem>>
      %dma_start3A_172 = arith.constant 0 : i32
      %dma_start3A_173 = arith.constant 0 : i32
      %dma_start3A_174 = tpu.memref_slice %arg2[%dma_start3A_172, %dma_start3A_173] : memref<10112x128xf32, #tpu.memory_space<hbm>> -> memref<10112x128xf32, #tpu.memory_space<hbm>>
      tpu.enqueue_indirect_dma source(%dma_start3A_174 : memref<10112x128xf32, #tpu.memory_space<hbm>>) target(%arg10 : memref<128x128xf32, #tpu.memory_space<vmem>>) offsets(%dma_start3A_171 : memref<128xi32, #tpu.memory_space<vmem>>) semaphore(%arg13 : memref<!tpu.dma_semaphore, #tpu.memory_space<semaphore_mem>>)
      %dma_wait3A_175 = arith.constant 5 : i32
      %dma_wait3A_176 = arith.constant 0 : i32
      %dma_wait3A_177 = tpu.memref_slice %arg7[%dma_wait3A_175, %dma_wait3A_176] : memref<8x128xi32, #tpu.memory_space<vmem>> -> memref<1x128xi32, #tpu.memory_space<vmem>>
      %dma_wait3A_178 = tpu.memref_squeeze %dma_wait3A_177 : memref<1x128xi32, #tpu.memory_space<vmem>> -> memref<128xi32, #tpu.memory_space<vmem>>
      %dma_wait3A_179 = arith.constant 0 : i32
      %dma_wait3A_180 = arith.constant 0 : i32
      %dma_wait3A_181 = tpu.memref_slice %arg2[%dma_wait3A_179, %dma_wait3A_180] : memref<10112x128xf32, #tpu.memory_space<hbm>> -> memref<10112x128xf32, #tpu.memory_space<hbm>>
      tpu.wait_indirect_dma semaphore(%arg13 : memref<!tpu.dma_semaphore, #tpu.memory_space<semaphore_mem>>) src(%dma_wait3A_181 : memref<10112x128xf32, #tpu.memory_space<hbm>>) dst(%arg10 : memref<128x128xf32, #tpu.memory_space<vmem>>)
      %dma_start3A_182 = arith.constant 5 : i32
      %dma_start3A_183 = arith.constant 0 : i32
      %dma_start3A_184 = tpu.memref_slice %arg8[%dma_start3A_182, %dma_start3A_183] : memref<8x128xi32, #tpu.memory_space<vmem>> -> memref<1x128xi32, #tpu.memory_space<vmem>>
      %dma_start3A_185 = tpu.memref_squeeze %dma_start3A_184 : memref<1x128xi32, #tpu.memory_space<vmem>> -> memref<128xi32, #tpu.memory_space<vmem>>
      %dma_start3A_186 = arith.constant 0 : i32
      %dma_start3A_187 = arith.constant 0 : i32
      %dma_start3A_188 = tpu.memref_slice %arg11[%dma_start3A_186, %dma_start3A_187] : memref<10112x128xf32, #tpu.memory_space<vmem_shared>> -> memref<10112x128xf32, #tpu.memory_space<vmem_shared>>
      tpu.enqueue_indirect_dma source(%arg10 : memref<128x128xf32, #tpu.memory_space<vmem>>) target(%dma_start3A_188 : memref<10112x128xf32, #tpu.memory_space<vmem_shared>>) offsets(%dma_start3A_185 : memref<128xi32, #tpu.memory_space<vmem>>) semaphore(%arg15 : memref<!tpu.dma_semaphore, #tpu.memory_space<semaphore_mem>>) {add = true}
      %dma_wait3A_189 = arith.constant 4 : i32
      %dma_wait3A_190 = arith.constant 0 : i32
      %dma_wait3A_191 = tpu.memref_slice %arg8[%dma_wait3A_189, %dma_wait3A_190] : memref<8x128xi32, #tpu.memory_space<vmem>> -> memref<1x128xi32, #tpu.memory_space<vmem>>
      %dma_wait3A_192 = tpu.memref_squeeze %dma_wait3A_191 : memref<1x128xi32, #tpu.memory_space<vmem>> -> memref<128xi32, #tpu.memory_space<vmem>>
      %dma_wait3A_193 = arith.constant 0 : i32
      %dma_wait3A_194 = arith.constant 0 : i32
      %dma_wait3A_195 = tpu.memref_slice %arg11[%dma_wait3A_193, %dma_wait3A_194] : memref<10112x128xf32, #tpu.memory_space<vmem_shared>> -> memref<10112x128xf32, #tpu.memory_space<vmem_shared>>
      tpu.wait_indirect_dma semaphore(%arg14 : memref<!tpu.dma_semaphore, #tpu.memory_space<semaphore_mem>>) src(%arg9 : memref<128x128xf32, #tpu.memory_space<vmem>>) dst(%dma_wait3A_195 : memref<10112x128xf32, #tpu.memory_space<vmem_shared>>)
      %dma_start3A_196 = arith.constant 6 : i32
      %dma_start3A_197 = arith.constant 0 : i32
      %dma_start3A_198 = tpu.memref_slice %arg7[%dma_start3A_196, %dma_start3A_197] : memref<8x128xi32, #tpu.memory_space<vmem>> -> memref<1x128xi32, #tpu.memory_space<vmem>>
      %dma_start3A_199 = tpu.memref_squeeze %dma_start3A_198 : memref<1x128xi32, #tpu.memory_space<vmem>> -> memref<128xi32, #tpu.memory_space<vmem>>
      %dma_start3A_200 = arith.constant 0 : i32
      %dma_start3A_201 = arith.constant 0 : i32
      %dma_start3A_202 = tpu.memref_slice %arg2[%dma_start3A_200, %dma_start3A_201] : memref<10112x128xf32, #tpu.memory_space<hbm>> -> memref<10112x128xf32, #tpu.memory_space<hbm>>
      tpu.enqueue_indirect_dma source(%dma_start3A_202 : memref<10112x128xf32, #tpu.memory_space<hbm>>) target(%arg9 : memref<128x128xf32, #tpu.memory_space<vmem>>) offsets(%dma_start3A_199 : memref<128xi32, #tpu.memory_space<vmem>>) semaphore(%arg12 : memref<!tpu.dma_semaphore, #tpu.memory_space<semaphore_mem>>)
      %dma_wait3A_203 = arith.constant 6 : i32
      %dma_wait3A_204 = arith.constant 0 : i32
      %dma_wait3A_205 = tpu.memref_slice %arg7[%dma_wait3A_203, %dma_wait3A_204] : memref<8x128xi32, #tpu.memory_space<vmem>> -> memref<1x128xi32, #tpu.memory_space<vmem>>
      %dma_wait3A_206 = tpu.memref_squeeze %dma_wait3A_205 : memref<1x128xi32, #tpu.memory_space<vmem>> -> memref<128xi32, #tpu.memory_space<vmem>>
      %dma_wait3A_207 = arith.constant 0 : i32
      %dma_wait3A_208 = arith.constant 0 : i32
      %dma_wait3A_209 = tpu.memref_slice %arg2[%dma_wait3A_207, %dma_wait3A_208] : memref<10112x128xf32, #tpu.memory_space<hbm>> -> memref<10112x128xf32, #tpu.memory_space<hbm>>
      tpu.wait_indirect_dma semaphore(%arg12 : memref<!tpu.dma_semaphore, #tpu.memory_space<semaphore_mem>>) src(%dma_wait3A_209 : memref<10112x128xf32, #tpu.memory_space<hbm>>) dst(%arg9 : memref<128x128xf32, #tpu.memory_space<vmem>>)
      %dma_start3A_210 = arith.constant 6 : i32
      %dma_start3A_211 = arith.constant 0 : i32
      %dma_start3A_212 = tpu.memref_slice %arg8[%dma_start3A_210, %dma_start3A_211] : memref<8x128xi32, #tpu.memory_space<vmem>> -> memref<1x128xi32, #tpu.memory_space<vmem>>
      %dma_start3A_213 = tpu.memref_squeeze %dma_start3A_212 : memref<1x128xi32, #tpu.memory_space<vmem>> -> memref<128xi32, #tpu.memory_space<vmem>>
      %dma_start3A_214 = arith.constant 0 : i32
      %dma_start3A_215 = arith.constant 0 : i32
      %dma_start3A_216 = tpu.memref_slice %arg11[%dma_start3A_214, %dma_start3A_215] : memref<10112x128xf32, #tpu.memory_space<vmem_shared>> -> memref<10112x128xf32, #tpu.memory_space<vmem_shared>>
      tpu.enqueue_indirect_dma source(%arg9 : memref<128x128xf32, #tpu.memory_space<vmem>>) target(%dma_start3A_216 : memref<10112x128xf32, #tpu.memory_space<vmem_shared>>) offsets(%dma_start3A_213 : memref<128xi32, #tpu.memory_space<vmem>>) semaphore(%arg14 : memref<!tpu.dma_semaphore, #tpu.memory_space<semaphore_mem>>) {add = true}
      %dma_wait3A_217 = arith.constant 5 : i32
      %dma_wait3A_218 = arith.constant 0 : i32
      %dma_wait3A_219 = tpu.memref_slice %arg8[%dma_wait3A_217, %dma_wait3A_218] : memref<8x128xi32, #tpu.memory_space<vmem>> -> memref<1x128xi32, #tpu.memory_space<vmem>>
      %dma_wait3A_220 = tpu.memref_squeeze %dma_wait3A_219 : memref<1x128xi32, #tpu.memory_space<vmem>> -> memref<128xi32, #tpu.memory_space<vmem>>
      %dma_wait3A_221 = arith.constant 0 : i32
      %dma_wait3A_222 = arith.constant 0 : i32
      %dma_wait3A_223 = tpu.memref_slice %arg11[%dma_wait3A_221, %dma_wait3A_222] : memref<10112x128xf32, #tpu.memory_space<vmem_shared>> -> memref<10112x128xf32, #tpu.memory_space<vmem_shared>>
      tpu.wait_indirect_dma semaphore(%arg15 : memref<!tpu.dma_semaphore, #tpu.memory_space<semaphore_mem>>) src(%arg10 : memref<128x128xf32, #tpu.memory_space<vmem>>) dst(%dma_wait3A_223 : memref<10112x128xf32, #tpu.memory_space<vmem_shared>>)
      %dma_start3A_224 = arith.constant 7 : i32
      %dma_start3A_225 = arith.constant 0 : i32
      %dma_start3A_226 = tpu.memref_slice %arg7[%dma_start3A_224, %dma_start3A_225] : memref<8x128xi32, #tpu.memory_space<vmem>> -> memref<1x128xi32, #tpu.memory_space<vmem>>
      %dma_start3A_227 = tpu.memref_squeeze %dma_start3A_226 : memref<1x128xi32, #tpu.memory_space<vmem>> -> memref<128xi32, #tpu.memory_space<vmem>>
      %dma_start3A_228 = arith.constant 0 : i32
      %dma_start3A_229 = arith.constant 0 : i32
      %dma_start3A_230 = tpu.memref_slice %arg2[%dma_start3A_228, %dma_start3A_229] : memref<10112x128xf32, #tpu.memory_space<hbm>> -> memref<10112x128xf32, #tpu.memory_space<hbm>>
      tpu.enqueue_indirect_dma source(%dma_start3A_230 : memref<10112x128xf32, #tpu.memory_space<hbm>>) target(%arg10 : memref<128x128xf32, #tpu.memory_space<vmem>>) offsets(%dma_start3A_227 : memref<128xi32, #tpu.memory_space<vmem>>) semaphore(%arg13 : memref<!tpu.dma_semaphore, #tpu.memory_space<semaphore_mem>>)
      %dma_wait3A_231 = arith.constant 7 : i32
      %dma_wait3A_232 = arith.constant 0 : i32
      %dma_wait3A_233 = tpu.memref_slice %arg7[%dma_wait3A_231, %dma_wait3A_232] : memref<8x128xi32, #tpu.memory_space<vmem>> -> memref<1x128xi32, #tpu.memory_space<vmem>>
      %dma_wait3A_234 = tpu.memref_squeeze %dma_wait3A_233 : memref<1x128xi32, #tpu.memory_space<vmem>> -> memref<128xi32, #tpu.memory_space<vmem>>
      %dma_wait3A_235 = arith.constant 0 : i32
      %dma_wait3A_236 = arith.constant 0 : i32
      %dma_wait3A_237 = tpu.memref_slice %arg2[%dma_wait3A_235, %dma_wait3A_236] : memref<10112x128xf32, #tpu.memory_space<hbm>> -> memref<10112x128xf32, #tpu.memory_space<hbm>>
      tpu.wait_indirect_dma semaphore(%arg13 : memref<!tpu.dma_semaphore, #tpu.memory_space<semaphore_mem>>) src(%dma_wait3A_237 : memref<10112x128xf32, #tpu.memory_space<hbm>>) dst(%arg10 : memref<128x128xf32, #tpu.memory_space<vmem>>)
      %dma_start3A_238 = arith.constant 7 : i32
      %dma_start3A_239 = arith.constant 0 : i32
      %dma_start3A_240 = tpu.memref_slice %arg8[%dma_start3A_238, %dma_start3A_239] : memref<8x128xi32, #tpu.memory_space<vmem>> -> memref<1x128xi32, #tpu.memory_space<vmem>>
      %dma_start3A_241 = tpu.memref_squeeze %dma_start3A_240 : memref<1x128xi32, #tpu.memory_space<vmem>> -> memref<128xi32, #tpu.memory_space<vmem>>
      %dma_start3A_242 = arith.constant 0 : i32
      %dma_start3A_243 = arith.constant 0 : i32
      %dma_start3A_244 = tpu.memref_slice %arg11[%dma_start3A_242, %dma_start3A_243] : memref<10112x128xf32, #tpu.memory_space<vmem_shared>> -> memref<10112x128xf32, #tpu.memory_space<vmem_shared>>
      tpu.enqueue_indirect_dma source(%arg10 : memref<128x128xf32, #tpu.memory_space<vmem>>) target(%dma_start3A_244 : memref<10112x128xf32, #tpu.memory_space<vmem_shared>>) offsets(%dma_start3A_241 : memref<128xi32, #tpu.memory_space<vmem>>) semaphore(%arg15 : memref<!tpu.dma_semaphore, #tpu.memory_space<semaphore_mem>>) {add = true}
      %dma_wait3A_245 = arith.constant 6 : i32
      %dma_wait3A_246 = arith.constant 0 : i32
      %dma_wait3A_247 = tpu.memref_slice %arg8[%dma_wait3A_245, %dma_wait3A_246] : memref<8x128xi32, #tpu.memory_space<vmem>> -> memref<1x128xi32, #tpu.memory_space<vmem>>
      %dma_wait3A_248 = tpu.memref_squeeze %dma_wait3A_247 : memref<1x128xi32, #tpu.memory_space<vmem>> -> memref<128xi32, #tpu.memory_space<vmem>>
      %dma_wait3A_249 = arith.constant 0 : i32
      %dma_wait3A_250 = arith.constant 0 : i32
      %dma_wait3A_251 = tpu.memref_slice %arg11[%dma_wait3A_249, %dma_wait3A_250] : memref<10112x128xf32, #tpu.memory_space<vmem_shared>> -> memref<10112x128xf32, #tpu.memory_space<vmem_shared>>
      tpu.wait_indirect_dma semaphore(%arg14 : memref<!tpu.dma_semaphore, #tpu.memory_space<semaphore_mem>>) src(%arg9 : memref<128x128xf32, #tpu.memory_space<vmem>>) dst(%dma_wait3A_251 : memref<10112x128xf32, #tpu.memory_space<vmem_shared>>)
      %dma_wait3A_252 = arith.constant 7 : i32
      %dma_wait3A_253 = arith.constant 0 : i32
      %dma_wait3A_254 = tpu.memref_slice %arg8[%dma_wait3A_252, %dma_wait3A_253] : memref<8x128xi32, #tpu.memory_space<vmem>> -> memref<1x128xi32, #tpu.memory_space<vmem>>
      %dma_wait3A_255 = tpu.memref_squeeze %dma_wait3A_254 : memref<1x128xi32, #tpu.memory_space<vmem>> -> memref<128xi32, #tpu.memory_space<vmem>>
      %dma_wait3A_256 = arith.constant 0 : i32
      %dma_wait3A_257 = arith.constant 0 : i32
      %dma_wait3A_258 = tpu.memref_slice %arg11[%dma_wait3A_256, %dma_wait3A_257] : memref<10112x128xf32, #tpu.memory_space<vmem_shared>> -> memref<10112x128xf32, #tpu.memory_space<vmem_shared>>
      tpu.wait_indirect_dma semaphore(%arg15 : memref<!tpu.dma_semaphore, #tpu.memory_space<semaphore_mem>>) src(%arg10 : memref<128x128xf32, #tpu.memory_space<vmem>>) dst(%dma_wait3A_258 : memref<10112x128xf32, #tpu.memory_space<vmem_shared>>)
    }
    %while3A_26 = arith.constant 1 : i32
    scf.for %while3A_28 = %while3A_24 to %while3A_20 step %while3A_26  : i32 {
      %mul3A_29 = arith.muli %while3A_28, %while3A : i32
      %add3A_30 = arith.addi %while3A_17, %mul3A_29 : i32
      %mul3A_31 = arith.constant 8 : i32
      %mul3A_32 = arith.muli %add3A_30, %mul3A_31 : i32
      %add3A_33 = arith.addi %select_n3A, %mul3A_32 : i32
      "tpu.region"() ({
        %run_scoped3A = tpu.sem_alloc : memref<!tpu.dma_semaphore, #tpu.memory_space<semaphore_mem>>
        %dma_start3A_259 = arith.constant 0 : i32
        %dma_start3A_260 = tpu.memref_slice %arg3[%add3A_33, %dma_start3A_259] : memref<2560x128xi32, #tpu.memory_space<hbm>> -> memref<8x128xi32, #tpu.memory_space<hbm>>
        %dma_start3A_261 = arith.constant 0 : i32
        %dma_start3A_262 = tpu.memref_slice %arg3[%add3A_33, %dma_start3A_261] : memref<2560x128xi32, #tpu.memory_space<hbm>> -> memref<8x128xi32, #tpu.memory_space<hbm>>
        tpu.enqueue_dma source(%dma_start3A_262 : memref<8x128xi32, #tpu.memory_space<hbm>>) target(%arg7 : memref<8x128xi32, #tpu.memory_space<vmem>>) target_semaphore(%run_scoped3A : memref<!tpu.dma_semaphore, #tpu.memory_space<semaphore_mem>>)
        %dma_wait3A_263 = arith.constant 0 : i32
        %dma_wait3A_264 = tpu.memref_slice %arg3[%add3A_33, %dma_wait3A_263] : memref<2560x128xi32, #tpu.memory_space<hbm>> -> memref<8x128xi32, #tpu.memory_space<hbm>>
        %dma_wait3A_265 = arith.constant 0 : i32
        %dma_wait3A_266 = tpu.memref_slice %arg3[%add3A_33, %dma_wait3A_265] : memref<2560x128xi32, #tpu.memory_space<hbm>> -> memref<8x128xi32, #tpu.memory_space<hbm>>
        tpu.wait_dma2 semaphore(%run_scoped3A : memref<!tpu.dma_semaphore, #tpu.memory_space<semaphore_mem>>) src(%dma_wait3A_266 : memref<8x128xi32, #tpu.memory_space<hbm>>) dst(%arg7 : memref<8x128xi32, #tpu.memory_space<vmem>>)
        tpu.yield
      }) : () -> ()
      %mul3A_34 = arith.constant 8 : i32
      %mul3A_35 = arith.muli %add3A_30, %mul3A_34 : i32
      %add3A_36 = arith.addi %select_n3A, %mul3A_35 : i32
      "tpu.region"() ({
        %run_scoped3A = tpu.sem_alloc : memref<!tpu.dma_semaphore, #tpu.memory_space<semaphore_mem>>
        %dma_start3A_259 = arith.constant 0 : i32
        %dma_start3A_260 = tpu.memref_slice %arg4[%add3A_36, %dma_start3A_259] : memref<2560x128xi32, #tpu.memory_space<hbm>> -> memref<8x128xi32, #tpu.memory_space<hbm>>
        %dma_start3A_261 = arith.constant 0 : i32
        %dma_start3A_262 = tpu.memref_slice %arg4[%add3A_36, %dma_start3A_261] : memref<2560x128xi32, #tpu.memory_space<hbm>> -> memref<8x128xi32, #tpu.memory_space<hbm>>
        tpu.enqueue_dma source(%dma_start3A_262 : memref<8x128xi32, #tpu.memory_space<hbm>>) target(%arg8 : memref<8x128xi32, #tpu.memory_space<vmem>>) target_semaphore(%run_scoped3A : memref<!tpu.dma_semaphore, #tpu.memory_space<semaphore_mem>>)
        %dma_wait3A_263 = arith.constant 0 : i32
        %dma_wait3A_264 = tpu.memref_slice %arg4[%add3A_36, %dma_wait3A_263] : memref<2560x128xi32, #tpu.memory_space<hbm>> -> memref<8x128xi32, #tpu.memory_space<hbm>>
        %dma_wait3A_265 = arith.constant 0 : i32
        %dma_wait3A_266 = tpu.memref_slice %arg4[%add3A_36, %dma_wait3A_265] : memref<2560x128xi32, #tpu.memory_space<hbm>> -> memref<8x128xi32, #tpu.memory_space<hbm>>
        tpu.wait_dma2 semaphore(%run_scoped3A : memref<!tpu.dma_semaphore, #tpu.memory_space<semaphore_mem>>) src(%dma_wait3A_266 : memref<8x128xi32, #tpu.memory_space<hbm>>) dst(%arg8 : memref<8x128xi32, #tpu.memory_space<vmem>>)
        tpu.yield
      }) : () -> ()
      %dma_start3A = arith.constant 0 : i32
      %dma_start3A_37 = arith.constant 0 : i32
      %dma_start3A_38 = tpu.memref_slice %arg7[%dma_start3A, %dma_start3A_37] : memref<8x128xi32, #tpu.memory_space<vmem>> -> memref<1x128xi32, #tpu.memory_space<vmem>>
      %dma_start3A_39 = tpu.memref_squeeze %dma_start3A_38 : memref<1x128xi32, #tpu.memory_space<vmem>> -> memref<128xi32, #tpu.memory_space<vmem>>
      %dma_start3A_40 = arith.constant 0 : i32
      %dma_start3A_41 = arith.constant 0 : i32
      %dma_start3A_42 = tpu.memref_slice %arg2[%dma_start3A_40, %dma_start3A_41] : memref<10112x128xf32, #tpu.memory_space<hbm>> -> memref<10112x128xf32, #tpu.memory_space<hbm>>
      tpu.enqueue_indirect_dma source(%dma_start3A_42 : memref<10112x128xf32, #tpu.memory_space<hbm>>) target(%arg9 : memref<128x128xf32, #tpu.memory_space<vmem>>) offsets(%dma_start3A_39 : memref<128xi32, #tpu.memory_space<vmem>>) semaphore(%arg12 : memref<!tpu.dma_semaphore, #tpu.memory_space<semaphore_mem>>)
      %dma_wait3A = arith.constant 0 : i32
      %dma_wait3A_43 = arith.constant 0 : i32
      %dma_wait3A_44 = tpu.memref_slice %arg7[%dma_wait3A, %dma_wait3A_43] : memref<8x128xi32, #tpu.memory_space<vmem>> -> memref<1x128xi32, #tpu.memory_space<vmem>>
      %dma_wait3A_45 = tpu.memref_squeeze %dma_wait3A_44 : memref<1x128xi32, #tpu.memory_space<vmem>> -> memref<128xi32, #tpu.memory_space<vmem>>
      %dma_wait3A_46 = arith.constant 0 : i32
      %dma_wait3A_47 = arith.constant 0 : i32
      %dma_wait3A_48 = tpu.memref_slice %arg2[%dma_wait3A_46, %dma_wait3A_47] : memref<10112x128xf32, #tpu.memory_space<hbm>> -> memref<10112x128xf32, #tpu.memory_space<hbm>>
      tpu.wait_indirect_dma semaphore(%arg12 : memref<!tpu.dma_semaphore, #tpu.memory_space<semaphore_mem>>) src(%dma_wait3A_48 : memref<10112x128xf32, #tpu.memory_space<hbm>>) dst(%arg9 : memref<128x128xf32, #tpu.memory_space<vmem>>)
      %dma_start3A_49 = arith.constant 0 : i32
      %dma_start3A_50 = arith.constant 0 : i32
      %dma_start3A_51 = tpu.memref_slice %arg8[%dma_start3A_49, %dma_start3A_50] : memref<8x128xi32, #tpu.memory_space<vmem>> -> memref<1x128xi32, #tpu.memory_space<vmem>>
      %dma_start3A_52 = tpu.memref_squeeze %dma_start3A_51 : memref<1x128xi32, #tpu.memory_space<vmem>> -> memref<128xi32, #tpu.memory_space<vmem>>
      %dma_start3A_53 = arith.constant 0 : i32
      %dma_start3A_54 = arith.constant 0 : i32
      %dma_start3A_55 = tpu.memref_slice %arg11[%dma_start3A_53, %dma_start3A_54] : memref<10112x128xf32, #tpu.memory_space<vmem_shared>> -> memref<10112x128xf32, #tpu.memory_space<vmem_shared>>
      tpu.enqueue_indirect_dma source(%arg9 : memref<128x128xf32, #tpu.memory_space<vmem>>) target(%dma_start3A_55 : memref<10112x128xf32, #tpu.memory_space<vmem_shared>>) offsets(%dma_start3A_52 : memref<128xi32, #tpu.memory_space<vmem>>) semaphore(%arg14 : memref<!tpu.dma_semaphore, #tpu.memory_space<semaphore_mem>>) {add = true}
      %dma_start3A_56 = arith.constant 1 : i32
      %dma_start3A_57 = arith.constant 0 : i32
      %dma_start3A_58 = tpu.memref_slice %arg7[%dma_start3A_56, %dma_start3A_57] : memref<8x128xi32, #tpu.memory_space<vmem>> -> memref<1x128xi32, #tpu.memory_space<vmem>>
      %dma_start3A_59 = tpu.memref_squeeze %dma_start3A_58 : memref<1x128xi32, #tpu.memory_space<vmem>> -> memref<128xi32, #tpu.memory_space<vmem>>
      %dma_start3A_60 = arith.constant 0 : i32
      %dma_start3A_61 = arith.constant 0 : i32
      %dma_start3A_62 = tpu.memref_slice %arg2[%dma_start3A_60, %dma_start3A_61] : memref<10112x128xf32, #tpu.memory_space<hbm>> -> memref<10112x128xf32, #tpu.memory_space<hbm>>
      tpu.enqueue_indirect_dma source(%dma_start3A_62 : memref<10112x128xf32, #tpu.memory_space<hbm>>) target(%arg10 : memref<128x128xf32, #tpu.memory_space<vmem>>) offsets(%dma_start3A_59 : memref<128xi32, #tpu.memory_space<vmem>>) semaphore(%arg13 : memref<!tpu.dma_semaphore, #tpu.memory_space<semaphore_mem>>)
      %dma_wait3A_63 = arith.constant 1 : i32
      %dma_wait3A_64 = arith.constant 0 : i32
      %dma_wait3A_65 = tpu.memref_slice %arg7[%dma_wait3A_63, %dma_wait3A_64] : memref<8x128xi32, #tpu.memory_space<vmem>> -> memref<1x128xi32, #tpu.memory_space<vmem>>
      %dma_wait3A_66 = tpu.memref_squeeze %dma_wait3A_65 : memref<1x128xi32, #tpu.memory_space<vmem>> -> memref<128xi32, #tpu.memory_space<vmem>>
      %dma_wait3A_67 = arith.constant 0 : i32
      %dma_wait3A_68 = arith.constant 0 : i32
      %dma_wait3A_69 = tpu.memref_slice %arg2[%dma_wait3A_67, %dma_wait3A_68] : memref<10112x128xf32, #tpu.memory_space<hbm>> -> memref<10112x128xf32, #tpu.memory_space<hbm>>
      tpu.wait_indirect_dma semaphore(%arg13 : memref<!tpu.dma_semaphore, #tpu.memory_space<semaphore_mem>>) src(%dma_wait3A_69 : memref<10112x128xf32, #tpu.memory_space<hbm>>) dst(%arg10 : memref<128x128xf32, #tpu.memory_space<vmem>>)
      %dma_start3A_70 = arith.constant 1 : i32
      %dma_start3A_71 = arith.constant 0 : i32
      %dma_start3A_72 = tpu.memref_slice %arg8[%dma_start3A_70, %dma_start3A_71] : memref<8x128xi32, #tpu.memory_space<vmem>> -> memref<1x128xi32, #tpu.memory_space<vmem>>
      %dma_start3A_73 = tpu.memref_squeeze %dma_start3A_72 : memref<1x128xi32, #tpu.memory_space<vmem>> -> memref<128xi32, #tpu.memory_space<vmem>>
      %dma_start3A_74 = arith.constant 0 : i32
      %dma_start3A_75 = arith.constant 0 : i32
      %dma_start3A_76 = tpu.memref_slice %arg11[%dma_start3A_74, %dma_start3A_75] : memref<10112x128xf32, #tpu.memory_space<vmem_shared>> -> memref<10112x128xf32, #tpu.memory_space<vmem_shared>>
      tpu.enqueue_indirect_dma source(%arg10 : memref<128x128xf32, #tpu.memory_space<vmem>>) target(%dma_start3A_76 : memref<10112x128xf32, #tpu.memory_space<vmem_shared>>) offsets(%dma_start3A_73 : memref<128xi32, #tpu.memory_space<vmem>>) semaphore(%arg15 : memref<!tpu.dma_semaphore, #tpu.memory_space<semaphore_mem>>) {add = true}
      %dma_wait3A_77 = arith.constant 0 : i32
      %dma_wait3A_78 = arith.constant 0 : i32
      %dma_wait3A_79 = tpu.memref_slice %arg8[%dma_wait3A_77, %dma_wait3A_78] : memref<8x128xi32, #tpu.memory_space<vmem>> -> memref<1x128xi32, #tpu.memory_space<vmem>>
      %dma_wait3A_80 = tpu.memref_squeeze %dma_wait3A_79 : memref<1x128xi32, #tpu.memory_space<vmem>> -> memref<128xi32, #tpu.memory_space<vmem>>
      %dma_wait3A_81 = arith.constant 0 : i32
      %dma_wait3A_82 = arith.constant 0 : i32
      %dma_wait3A_83 = tpu.memref_slice %arg11[%dma_wait3A_81, %dma_wait3A_82] : memref<10112x128xf32, #tpu.memory_space<vmem_shared>> -> memref<10112x128xf32, #tpu.memory_space<vmem_shared>>
      tpu.wait_indirect_dma semaphore(%arg14 : memref<!tpu.dma_semaphore, #tpu.memory_space<semaphore_mem>>) src(%arg9 : memref<128x128xf32, #tpu.memory_space<vmem>>) dst(%dma_wait3A_83 : memref<10112x128xf32, #tpu.memory_space<vmem_shared>>)
      %dma_start3A_84 = arith.constant 2 : i32
      %dma_start3A_85 = arith.constant 0 : i32
      %dma_start3A_86 = tpu.memref_slice %arg7[%dma_start3A_84, %dma_start3A_85] : memref<8x128xi32, #tpu.memory_space<vmem>> -> memref<1x128xi32, #tpu.memory_space<vmem>>
      %dma_start3A_87 = tpu.memref_squeeze %dma_start3A_86 : memref<1x128xi32, #tpu.memory_space<vmem>> -> memref<128xi32, #tpu.memory_space<vmem>>
      %dma_start3A_88 = arith.constant 0 : i32
      %dma_start3A_89 = arith.constant 0 : i32
      %dma_start3A_90 = tpu.memref_slice %arg2[%dma_start3A_88, %dma_start3A_89] : memref<10112x128xf32, #tpu.memory_space<hbm>> -> memref<10112x128xf32, #tpu.memory_space<hbm>>
      tpu.enqueue_indirect_dma source(%dma_start3A_90 : memref<10112x128xf32, #tpu.memory_space<hbm>>) target(%arg9 : memref<128x128xf32, #tpu.memory_space<vmem>>) offsets(%dma_start3A_87 : memref<128xi32, #tpu.memory_space<vmem>>) semaphore(%arg12 : memref<!tpu.dma_semaphore, #tpu.memory_space<semaphore_mem>>)
      %dma_wait3A_91 = arith.constant 2 : i32
      %dma_wait3A_92 = arith.constant 0 : i32
      %dma_wait3A_93 = tpu.memref_slice %arg7[%dma_wait3A_91, %dma_wait3A_92] : memref<8x128xi32, #tpu.memory_space<vmem>> -> memref<1x128xi32, #tpu.memory_space<vmem>>
      %dma_wait3A_94 = tpu.memref_squeeze %dma_wait3A_93 : memref<1x128xi32, #tpu.memory_space<vmem>> -> memref<128xi32, #tpu.memory_space<vmem>>
      %dma_wait3A_95 = arith.constant 0 : i32
      %dma_wait3A_96 = arith.constant 0 : i32
      %dma_wait3A_97 = tpu.memref_slice %arg2[%dma_wait3A_95, %dma_wait3A_96] : memref<10112x128xf32, #tpu.memory_space<hbm>> -> memref<10112x128xf32, #tpu.memory_space<hbm>>
      tpu.wait_indirect_dma semaphore(%arg12 : memref<!tpu.dma_semaphore, #tpu.memory_space<semaphore_mem>>) src(%dma_wait3A_97 : memref<10112x128xf32, #tpu.memory_space<hbm>>) dst(%arg9 : memref<128x128xf32, #tpu.memory_space<vmem>>)
      %dma_start3A_98 = arith.constant 2 : i32
      %dma_start3A_99 = arith.constant 0 : i32
      %dma_start3A_100 = tpu.memref_slice %arg8[%dma_start3A_98, %dma_start3A_99] : memref<8x128xi32, #tpu.memory_space<vmem>> -> memref<1x128xi32, #tpu.memory_space<vmem>>
      %dma_start3A_101 = tpu.memref_squeeze %dma_start3A_100 : memref<1x128xi32, #tpu.memory_space<vmem>> -> memref<128xi32, #tpu.memory_space<vmem>>
      %dma_start3A_102 = arith.constant 0 : i32
      %dma_start3A_103 = arith.constant 0 : i32
      %dma_start3A_104 = tpu.memref_slice %arg11[%dma_start3A_102, %dma_start3A_103] : memref<10112x128xf32, #tpu.memory_space<vmem_shared>> -> memref<10112x128xf32, #tpu.memory_space<vmem_shared>>
      tpu.enqueue_indirect_dma source(%arg9 : memref<128x128xf32, #tpu.memory_space<vmem>>) target(%dma_start3A_104 : memref<10112x128xf32, #tpu.memory_space<vmem_shared>>) offsets(%dma_start3A_101 : memref<128xi32, #tpu.memory_space<vmem>>) semaphore(%arg14 : memref<!tpu.dma_semaphore, #tpu.memory_space<semaphore_mem>>) {add = true}
      %dma_wait3A_105 = arith.constant 1 : i32
      %dma_wait3A_106 = arith.constant 0 : i32
      %dma_wait3A_107 = tpu.memref_slice %arg8[%dma_wait3A_105, %dma_wait3A_106] : memref<8x128xi32, #tpu.memory_space<vmem>> -> memref<1x128xi32, #tpu.memory_space<vmem>>
      %dma_wait3A_108 = tpu.memref_squeeze %dma_wait3A_107 : memref<1x128xi32, #tpu.memory_space<vmem>> -> memref<128xi32, #tpu.memory_space<vmem>>
      %dma_wait3A_109 = arith.constant 0 : i32
      %dma_wait3A_110 = arith.constant 0 : i32
      %dma_wait3A_111 = tpu.memref_slice %arg11[%dma_wait3A_109, %dma_wait3A_110] : memref<10112x128xf32, #tpu.memory_space<vmem_shared>> -> memref<10112x128xf32, #tpu.memory_space<vmem_shared>>
      tpu.wait_indirect_dma semaphore(%arg15 : memref<!tpu.dma_semaphore, #tpu.memory_space<semaphore_mem>>) src(%arg10 : memref<128x128xf32, #tpu.memory_space<vmem>>) dst(%dma_wait3A_111 : memref<10112x128xf32, #tpu.memory_space<vmem_shared>>)
      %dma_start3A_112 = arith.constant 3 : i32
      %dma_start3A_113 = arith.constant 0 : i32
      %dma_start3A_114 = tpu.memref_slice %arg7[%dma_start3A_112, %dma_start3A_113] : memref<8x128xi32, #tpu.memory_space<vmem>> -> memref<1x128xi32, #tpu.memory_space<vmem>>
      %dma_start3A_115 = tpu.memref_squeeze %dma_start3A_114 : memref<1x128xi32, #tpu.memory_space<vmem>> -> memref<128xi32, #tpu.memory_space<vmem>>
      %dma_start3A_116 = arith.constant 0 : i32
      %dma_start3A_117 = arith.constant 0 : i32
      %dma_start3A_118 = tpu.memref_slice %arg2[%dma_start3A_116, %dma_start3A_117] : memref<10112x128xf32, #tpu.memory_space<hbm>> -> memref<10112x128xf32, #tpu.memory_space<hbm>>
      tpu.enqueue_indirect_dma source(%dma_start3A_118 : memref<10112x128xf32, #tpu.memory_space<hbm>>) target(%arg10 : memref<128x128xf32, #tpu.memory_space<vmem>>) offsets(%dma_start3A_115 : memref<128xi32, #tpu.memory_space<vmem>>) semaphore(%arg13 : memref<!tpu.dma_semaphore, #tpu.memory_space<semaphore_mem>>)
      %dma_wait3A_119 = arith.constant 3 : i32
      %dma_wait3A_120 = arith.constant 0 : i32
      %dma_wait3A_121 = tpu.memref_slice %arg7[%dma_wait3A_119, %dma_wait3A_120] : memref<8x128xi32, #tpu.memory_space<vmem>> -> memref<1x128xi32, #tpu.memory_space<vmem>>
      %dma_wait3A_122 = tpu.memref_squeeze %dma_wait3A_121 : memref<1x128xi32, #tpu.memory_space<vmem>> -> memref<128xi32, #tpu.memory_space<vmem>>
      %dma_wait3A_123 = arith.constant 0 : i32
      %dma_wait3A_124 = arith.constant 0 : i32
      %dma_wait3A_125 = tpu.memref_slice %arg2[%dma_wait3A_123, %dma_wait3A_124] : memref<10112x128xf32, #tpu.memory_space<hbm>> -> memref<10112x128xf32, #tpu.memory_space<hbm>>
      tpu.wait_indirect_dma semaphore(%arg13 : memref<!tpu.dma_semaphore, #tpu.memory_space<semaphore_mem>>) src(%dma_wait3A_125 : memref<10112x128xf32, #tpu.memory_space<hbm>>) dst(%arg10 : memref<128x128xf32, #tpu.memory_space<vmem>>)
      %dma_start3A_126 = arith.constant 3 : i32
      %dma_start3A_127 = arith.constant 0 : i32
      %dma_start3A_128 = tpu.memref_slice %arg8[%dma_start3A_126, %dma_start3A_127] : memref<8x128xi32, #tpu.memory_space<vmem>> -> memref<1x128xi32, #tpu.memory_space<vmem>>
      %dma_start3A_129 = tpu.memref_squeeze %dma_start3A_128 : memref<1x128xi32, #tpu.memory_space<vmem>> -> memref<128xi32, #tpu.memory_space<vmem>>
      %dma_start3A_130 = arith.constant 0 : i32
      %dma_start3A_131 = arith.constant 0 : i32
      %dma_start3A_132 = tpu.memref_slice %arg11[%dma_start3A_130, %dma_start3A_131] : memref<10112x128xf32, #tpu.memory_space<vmem_shared>> -> memref<10112x128xf32, #tpu.memory_space<vmem_shared>>
      tpu.enqueue_indirect_dma source(%arg10 : memref<128x128xf32, #tpu.memory_space<vmem>>) target(%dma_start3A_132 : memref<10112x128xf32, #tpu.memory_space<vmem_shared>>) offsets(%dma_start3A_129 : memref<128xi32, #tpu.memory_space<vmem>>) semaphore(%arg15 : memref<!tpu.dma_semaphore, #tpu.memory_space<semaphore_mem>>) {add = true}
      %dma_wait3A_133 = arith.constant 2 : i32
      %dma_wait3A_134 = arith.constant 0 : i32
      %dma_wait3A_135 = tpu.memref_slice %arg8[%dma_wait3A_133, %dma_wait3A_134] : memref<8x128xi32, #tpu.memory_space<vmem>> -> memref<1x128xi32, #tpu.memory_space<vmem>>
      %dma_wait3A_136 = tpu.memref_squeeze %dma_wait3A_135 : memref<1x128xi32, #tpu.memory_space<vmem>> -> memref<128xi32, #tpu.memory_space<vmem>>
      %dma_wait3A_137 = arith.constant 0 : i32
      %dma_wait3A_138 = arith.constant 0 : i32
      %dma_wait3A_139 = tpu.memref_slice %arg11[%dma_wait3A_137, %dma_wait3A_138] : memref<10112x128xf32, #tpu.memory_space<vmem_shared>> -> memref<10112x128xf32, #tpu.memory_space<vmem_shared>>
      tpu.wait_indirect_dma semaphore(%arg14 : memref<!tpu.dma_semaphore, #tpu.memory_space<semaphore_mem>>) src(%arg9 : memref<128x128xf32, #tpu.memory_space<vmem>>) dst(%dma_wait3A_139 : memref<10112x128xf32, #tpu.memory_space<vmem_shared>>)
      %dma_start3A_140 = arith.constant 4 : i32
      %dma_start3A_141 = arith.constant 0 : i32
      %dma_start3A_142 = tpu.memref_slice %arg7[%dma_start3A_140, %dma_start3A_141] : memref<8x128xi32, #tpu.memory_space<vmem>> -> memref<1x128xi32, #tpu.memory_space<vmem>>
      %dma_start3A_143 = tpu.memref_squeeze %dma_start3A_142 : memref<1x128xi32, #tpu.memory_space<vmem>> -> memref<128xi32, #tpu.memory_space<vmem>>
      %dma_start3A_144 = arith.constant 0 : i32
      %dma_start3A_145 = arith.constant 0 : i32
      %dma_start3A_146 = tpu.memref_slice %arg2[%dma_start3A_144, %dma_start3A_145] : memref<10112x128xf32, #tpu.memory_space<hbm>> -> memref<10112x128xf32, #tpu.memory_space<hbm>>
      tpu.enqueue_indirect_dma source(%dma_start3A_146 : memref<10112x128xf32, #tpu.memory_space<hbm>>) target(%arg9 : memref<128x128xf32, #tpu.memory_space<vmem>>) offsets(%dma_start3A_143 : memref<128xi32, #tpu.memory_space<vmem>>) semaphore(%arg12 : memref<!tpu.dma_semaphore, #tpu.memory_space<semaphore_mem>>)
      %dma_wait3A_147 = arith.constant 4 : i32
      %dma_wait3A_148 = arith.constant 0 : i32
      %dma_wait3A_149 = tpu.memref_slice %arg7[%dma_wait3A_147, %dma_wait3A_148] : memref<8x128xi32, #tpu.memory_space<vmem>> -> memref<1x128xi32, #tpu.memory_space<vmem>>
      %dma_wait3A_150 = tpu.memref_squeeze %dma_wait3A_149 : memref<1x128xi32, #tpu.memory_space<vmem>> -> memref<128xi32, #tpu.memory_space<vmem>>
      %dma_wait3A_151 = arith.constant 0 : i32
      %dma_wait3A_152 = arith.constant 0 : i32
      %dma_wait3A_153 = tpu.memref_slice %arg2[%dma_wait3A_151, %dma_wait3A_152] : memref<10112x128xf32, #tpu.memory_space<hbm>> -> memref<10112x128xf32, #tpu.memory_space<hbm>>
      tpu.wait_indirect_dma semaphore(%arg12 : memref<!tpu.dma_semaphore, #tpu.memory_space<semaphore_mem>>) src(%dma_wait3A_153 : memref<10112x128xf32, #tpu.memory_space<hbm>>) dst(%arg9 : memref<128x128xf32, #tpu.memory_space<vmem>>)
      %dma_start3A_154 = arith.constant 4 : i32
      %dma_start3A_155 = arith.constant 0 : i32
      %dma_start3A_156 = tpu.memref_slice %arg8[%dma_start3A_154, %dma_start3A_155] : memref<8x128xi32, #tpu.memory_space<vmem>> -> memref<1x128xi32, #tpu.memory_space<vmem>>
      %dma_start3A_157 = tpu.memref_squeeze %dma_start3A_156 : memref<1x128xi32, #tpu.memory_space<vmem>> -> memref<128xi32, #tpu.memory_space<vmem>>
      %dma_start3A_158 = arith.constant 0 : i32
      %dma_start3A_159 = arith.constant 0 : i32
      %dma_start3A_160 = tpu.memref_slice %arg11[%dma_start3A_158, %dma_start3A_159] : memref<10112x128xf32, #tpu.memory_space<vmem_shared>> -> memref<10112x128xf32, #tpu.memory_space<vmem_shared>>
      tpu.enqueue_indirect_dma source(%arg9 : memref<128x128xf32, #tpu.memory_space<vmem>>) target(%dma_start3A_160 : memref<10112x128xf32, #tpu.memory_space<vmem_shared>>) offsets(%dma_start3A_157 : memref<128xi32, #tpu.memory_space<vmem>>) semaphore(%arg14 : memref<!tpu.dma_semaphore, #tpu.memory_space<semaphore_mem>>) {add = true}
      %dma_wait3A_161 = arith.constant 3 : i32
      %dma_wait3A_162 = arith.constant 0 : i32
      %dma_wait3A_163 = tpu.memref_slice %arg8[%dma_wait3A_161, %dma_wait3A_162] : memref<8x128xi32, #tpu.memory_space<vmem>> -> memref<1x128xi32, #tpu.memory_space<vmem>>
      %dma_wait3A_164 = tpu.memref_squeeze %dma_wait3A_163 : memref<1x128xi32, #tpu.memory_space<vmem>> -> memref<128xi32, #tpu.memory_space<vmem>>
      %dma_wait3A_165 = arith.constant 0 : i32
      %dma_wait3A_166 = arith.constant 0 : i32
      %dma_wait3A_167 = tpu.memref_slice %arg11[%dma_wait3A_165, %dma_wait3A_166] : memref<10112x128xf32, #tpu.memory_space<vmem_shared>> -> memref<10112x128xf32, #tpu.memory_space<vmem_shared>>
      tpu.wait_indirect_dma semaphore(%arg15 : memref<!tpu.dma_semaphore, #tpu.memory_space<semaphore_mem>>) src(%arg10 : memref<128x128xf32, #tpu.memory_space<vmem>>) dst(%dma_wait3A_167 : memref<10112x128xf32, #tpu.memory_space<vmem_shared>>)
      %dma_start3A_168 = arith.constant 5 : i32
      %dma_start3A_169 = arith.constant 0 : i32
      %dma_start3A_170 = tpu.memref_slice %arg7[%dma_start3A_168, %dma_start3A_169] : memref<8x128xi32, #tpu.memory_space<vmem>> -> memref<1x128xi32, #tpu.memory_space<vmem>>
      %dma_start3A_171 = tpu.memref_squeeze %dma_start3A_170 : memref<1x128xi32, #tpu.memory_space<vmem>> -> memref<128xi32, #tpu.memory_space<vmem>>
      %dma_start3A_172 = arith.constant 0 : i32
      %dma_start3A_173 = arith.constant 0 : i32
      %dma_start3A_174 = tpu.memref_slice %arg2[%dma_start3A_172, %dma_start3A_173] : memref<10112x128xf32, #tpu.memory_space<hbm>> -> memref<10112x128xf32, #tpu.memory_space<hbm>>
      tpu.enqueue_indirect_dma source(%dma_start3A_174 : memref<10112x128xf32, #tpu.memory_space<hbm>>) target(%arg10 : memref<128x128xf32, #tpu.memory_space<vmem>>) offsets(%dma_start3A_171 : memref<128xi32, #tpu.memory_space<vmem>>) semaphore(%arg13 : memref<!tpu.dma_semaphore, #tpu.memory_space<semaphore_mem>>)
      %dma_wait3A_175 = arith.constant 5 : i32
      %dma_wait3A_176 = arith.constant 0 : i32
      %dma_wait3A_177 = tpu.memref_slice %arg7[%dma_wait3A_175, %dma_wait3A_176] : memref<8x128xi32, #tpu.memory_space<vmem>> -> memref<1x128xi32, #tpu.memory_space<vmem>>
      %dma_wait3A_178 = tpu.memref_squeeze %dma_wait3A_177 : memref<1x128xi32, #tpu.memory_space<vmem>> -> memref<128xi32, #tpu.memory_space<vmem>>
      %dma_wait3A_179 = arith.constant 0 : i32
      %dma_wait3A_180 = arith.constant 0 : i32
      %dma_wait3A_181 = tpu.memref_slice %arg2[%dma_wait3A_179, %dma_wait3A_180] : memref<10112x128xf32, #tpu.memory_space<hbm>> -> memref<10112x128xf32, #tpu.memory_space<hbm>>
      tpu.wait_indirect_dma semaphore(%arg13 : memref<!tpu.dma_semaphore, #tpu.memory_space<semaphore_mem>>) src(%dma_wait3A_181 : memref<10112x128xf32, #tpu.memory_space<hbm>>) dst(%arg10 : memref<128x128xf32, #tpu.memory_space<vmem>>)
      %dma_start3A_182 = arith.constant 5 : i32
      %dma_start3A_183 = arith.constant 0 : i32
      %dma_start3A_184 = tpu.memref_slice %arg8[%dma_start3A_182, %dma_start3A_183] : memref<8x128xi32, #tpu.memory_space<vmem>> -> memref<1x128xi32, #tpu.memory_space<vmem>>
      %dma_start3A_185 = tpu.memref_squeeze %dma_start3A_184 : memref<1x128xi32, #tpu.memory_space<vmem>> -> memref<128xi32, #tpu.memory_space<vmem>>
      %dma_start3A_186 = arith.constant 0 : i32
      %dma_start3A_187 = arith.constant 0 : i32
      %dma_start3A_188 = tpu.memref_slice %arg11[%dma_start3A_186, %dma_start3A_187] : memref<10112x128xf32, #tpu.memory_space<vmem_shared>> -> memref<10112x128xf32, #tpu.memory_space<vmem_shared>>
      tpu.enqueue_indirect_dma source(%arg10 : memref<128x128xf32, #tpu.memory_space<vmem>>) target(%dma_start3A_188 : memref<10112x128xf32, #tpu.memory_space<vmem_shared>>) offsets(%dma_start3A_185 : memref<128xi32, #tpu.memory_space<vmem>>) semaphore(%arg15 : memref<!tpu.dma_semaphore, #tpu.memory_space<semaphore_mem>>) {add = true}
      %dma_wait3A_189 = arith.constant 4 : i32
      %dma_wait3A_190 = arith.constant 0 : i32
      %dma_wait3A_191 = tpu.memref_slice %arg8[%dma_wait3A_189, %dma_wait3A_190] : memref<8x128xi32, #tpu.memory_space<vmem>> -> memref<1x128xi32, #tpu.memory_space<vmem>>
      %dma_wait3A_192 = tpu.memref_squeeze %dma_wait3A_191 : memref<1x128xi32, #tpu.memory_space<vmem>> -> memref<128xi32, #tpu.memory_space<vmem>>
      %dma_wait3A_193 = arith.constant 0 : i32
      %dma_wait3A_194 = arith.constant 0 : i32
      %dma_wait3A_195 = tpu.memref_slice %arg11[%dma_wait3A_193, %dma_wait3A_194] : memref<10112x128xf32, #tpu.memory_space<vmem_shared>> -> memref<10112x128xf32, #tpu.memory_space<vmem_shared>>
      tpu.wait_indirect_dma semaphore(%arg14 : memref<!tpu.dma_semaphore, #tpu.memory_space<semaphore_mem>>) src(%arg9 : memref<128x128xf32, #tpu.memory_space<vmem>>) dst(%dma_wait3A_195 : memref<10112x128xf32, #tpu.memory_space<vmem_shared>>)
      %dma_start3A_196 = arith.constant 6 : i32
      %dma_start3A_197 = arith.constant 0 : i32
      %dma_start3A_198 = tpu.memref_slice %arg7[%dma_start3A_196, %dma_start3A_197] : memref<8x128xi32, #tpu.memory_space<vmem>> -> memref<1x128xi32, #tpu.memory_space<vmem>>
      %dma_start3A_199 = tpu.memref_squeeze %dma_start3A_198 : memref<1x128xi32, #tpu.memory_space<vmem>> -> memref<128xi32, #tpu.memory_space<vmem>>
      %dma_start3A_200 = arith.constant 0 : i32
      %dma_start3A_201 = arith.constant 0 : i32
      %dma_start3A_202 = tpu.memref_slice %arg2[%dma_start3A_200, %dma_start3A_201] : memref<10112x128xf32, #tpu.memory_space<hbm>> -> memref<10112x128xf32, #tpu.memory_space<hbm>>
      tpu.enqueue_indirect_dma source(%dma_start3A_202 : memref<10112x128xf32, #tpu.memory_space<hbm>>) target(%arg9 : memref<128x128xf32, #tpu.memory_space<vmem>>) offsets(%dma_start3A_199 : memref<128xi32, #tpu.memory_space<vmem>>) semaphore(%arg12 : memref<!tpu.dma_semaphore, #tpu.memory_space<semaphore_mem>>)
      %dma_wait3A_203 = arith.constant 6 : i32
      %dma_wait3A_204 = arith.constant 0 : i32
      %dma_wait3A_205 = tpu.memref_slice %arg7[%dma_wait3A_203, %dma_wait3A_204] : memref<8x128xi32, #tpu.memory_space<vmem>> -> memref<1x128xi32, #tpu.memory_space<vmem>>
      %dma_wait3A_206 = tpu.memref_squeeze %dma_wait3A_205 : memref<1x128xi32, #tpu.memory_space<vmem>> -> memref<128xi32, #tpu.memory_space<vmem>>
      %dma_wait3A_207 = arith.constant 0 : i32
      %dma_wait3A_208 = arith.constant 0 : i32
      %dma_wait3A_209 = tpu.memref_slice %arg2[%dma_wait3A_207, %dma_wait3A_208] : memref<10112x128xf32, #tpu.memory_space<hbm>> -> memref<10112x128xf32, #tpu.memory_space<hbm>>
      tpu.wait_indirect_dma semaphore(%arg12 : memref<!tpu.dma_semaphore, #tpu.memory_space<semaphore_mem>>) src(%dma_wait3A_209 : memref<10112x128xf32, #tpu.memory_space<hbm>>) dst(%arg9 : memref<128x128xf32, #tpu.memory_space<vmem>>)
      %dma_start3A_210 = arith.constant 6 : i32
      %dma_start3A_211 = arith.constant 0 : i32
      %dma_start3A_212 = tpu.memref_slice %arg8[%dma_start3A_210, %dma_start3A_211] : memref<8x128xi32, #tpu.memory_space<vmem>> -> memref<1x128xi32, #tpu.memory_space<vmem>>
      %dma_start3A_213 = tpu.memref_squeeze %dma_start3A_212 : memref<1x128xi32, #tpu.memory_space<vmem>> -> memref<128xi32, #tpu.memory_space<vmem>>
      %dma_start3A_214 = arith.constant 0 : i32
      %dma_start3A_215 = arith.constant 0 : i32
      %dma_start3A_216 = tpu.memref_slice %arg11[%dma_start3A_214, %dma_start3A_215] : memref<10112x128xf32, #tpu.memory_space<vmem_shared>> -> memref<10112x128xf32, #tpu.memory_space<vmem_shared>>
      tpu.enqueue_indirect_dma source(%arg9 : memref<128x128xf32, #tpu.memory_space<vmem>>) target(%dma_start3A_216 : memref<10112x128xf32, #tpu.memory_space<vmem_shared>>) offsets(%dma_start3A_213 : memref<128xi32, #tpu.memory_space<vmem>>) semaphore(%arg14 : memref<!tpu.dma_semaphore, #tpu.memory_space<semaphore_mem>>) {add = true}
      %dma_wait3A_217 = arith.constant 5 : i32
      %dma_wait3A_218 = arith.constant 0 : i32
      %dma_wait3A_219 = tpu.memref_slice %arg8[%dma_wait3A_217, %dma_wait3A_218] : memref<8x128xi32, #tpu.memory_space<vmem>> -> memref<1x128xi32, #tpu.memory_space<vmem>>
      %dma_wait3A_220 = tpu.memref_squeeze %dma_wait3A_219 : memref<1x128xi32, #tpu.memory_space<vmem>> -> memref<128xi32, #tpu.memory_space<vmem>>
      %dma_wait3A_221 = arith.constant 0 : i32
      %dma_wait3A_222 = arith.constant 0 : i32
      %dma_wait3A_223 = tpu.memref_slice %arg11[%dma_wait3A_221, %dma_wait3A_222] : memref<10112x128xf32, #tpu.memory_space<vmem_shared>> -> memref<10112x128xf32, #tpu.memory_space<vmem_shared>>
      tpu.wait_indirect_dma semaphore(%arg15 : memref<!tpu.dma_semaphore, #tpu.memory_space<semaphore_mem>>) src(%arg10 : memref<128x128xf32, #tpu.memory_space<vmem>>) dst(%dma_wait3A_223 : memref<10112x128xf32, #tpu.memory_space<vmem_shared>>)
      %dma_start3A_224 = arith.constant 7 : i32
      %dma_start3A_225 = arith.constant 0 : i32
      %dma_start3A_226 = tpu.memref_slice %arg7[%dma_start3A_224, %dma_start3A_225] : memref<8x128xi32, #tpu.memory_space<vmem>> -> memref<1x128xi32, #tpu.memory_space<vmem>>
      %dma_start3A_227 = tpu.memref_squeeze %dma_start3A_226 : memref<1x128xi32, #tpu.memory_space<vmem>> -> memref<128xi32, #tpu.memory_space<vmem>>
      %dma_start3A_228 = arith.constant 0 : i32
      %dma_start3A_229 = arith.constant 0 : i32
      %dma_start3A_230 = tpu.memref_slice %arg2[%dma_start3A_228, %dma_start3A_229] : memref<10112x128xf32, #tpu.memory_space<hbm>> -> memref<10112x128xf32, #tpu.memory_space<hbm>>
      tpu.enqueue_indirect_dma source(%dma_start3A_230 : memref<10112x128xf32, #tpu.memory_space<hbm>>) target(%arg10 : memref<128x128xf32, #tpu.memory_space<vmem>>) offsets(%dma_start3A_227 : memref<128xi32, #tpu.memory_space<vmem>>) semaphore(%arg13 : memref<!tpu.dma_semaphore, #tpu.memory_space<semaphore_mem>>)
      %dma_wait3A_231 = arith.constant 7 : i32
      %dma_wait3A_232 = arith.constant 0 : i32
      %dma_wait3A_233 = tpu.memref_slice %arg7[%dma_wait3A_231, %dma_wait3A_232] : memref<8x128xi32, #tpu.memory_space<vmem>> -> memref<1x128xi32, #tpu.memory_space<vmem>>
      %dma_wait3A_234 = tpu.memref_squeeze %dma_wait3A_233 : memref<1x128xi32, #tpu.memory_space<vmem>> -> memref<128xi32, #tpu.memory_space<vmem>>
      %dma_wait3A_235 = arith.constant 0 : i32
      %dma_wait3A_236 = arith.constant 0 : i32
      %dma_wait3A_237 = tpu.memref_slice %arg2[%dma_wait3A_235, %dma_wait3A_236] : memref<10112x128xf32, #tpu.memory_space<hbm>> -> memref<10112x128xf32, #tpu.memory_space<hbm>>
      tpu.wait_indirect_dma semaphore(%arg13 : memref<!tpu.dma_semaphore, #tpu.memory_space<semaphore_mem>>) src(%dma_wait3A_237 : memref<10112x128xf32, #tpu.memory_space<hbm>>) dst(%arg10 : memref<128x128xf32, #tpu.memory_space<vmem>>)
      %dma_start3A_238 = arith.constant 7 : i32
      %dma_start3A_239 = arith.constant 0 : i32
      %dma_start3A_240 = tpu.memref_slice %arg8[%dma_start3A_238, %dma_start3A_239] : memref<8x128xi32, #tpu.memory_space<vmem>> -> memref<1x128xi32, #tpu.memory_space<vmem>>
      %dma_start3A_241 = tpu.memref_squeeze %dma_start3A_240 : memref<1x128xi32, #tpu.memory_space<vmem>> -> memref<128xi32, #tpu.memory_space<vmem>>
      %dma_start3A_242 = arith.constant 0 : i32
      %dma_start3A_243 = arith.constant 0 : i32
      %dma_start3A_244 = tpu.memref_slice %arg11[%dma_start3A_242, %dma_start3A_243] : memref<10112x128xf32, #tpu.memory_space<vmem_shared>> -> memref<10112x128xf32, #tpu.memory_space<vmem_shared>>
      tpu.enqueue_indirect_dma source(%arg10 : memref<128x128xf32, #tpu.memory_space<vmem>>) target(%dma_start3A_244 : memref<10112x128xf32, #tpu.memory_space<vmem_shared>>) offsets(%dma_start3A_241 : memref<128xi32, #tpu.memory_space<vmem>>) semaphore(%arg15 : memref<!tpu.dma_semaphore, #tpu.memory_space<semaphore_mem>>) {add = true}
      %dma_wait3A_245 = arith.constant 6 : i32
      %dma_wait3A_246 = arith.constant 0 : i32
      %dma_wait3A_247 = tpu.memref_slice %arg8[%dma_wait3A_245, %dma_wait3A_246] : memref<8x128xi32, #tpu.memory_space<vmem>> -> memref<1x128xi32, #tpu.memory_space<vmem>>
      %dma_wait3A_248 = tpu.memref_squeeze %dma_wait3A_247 : memref<1x128xi32, #tpu.memory_space<vmem>> -> memref<128xi32, #tpu.memory_space<vmem>>
      %dma_wait3A_249 = arith.constant 0 : i32
      %dma_wait3A_250 = arith.constant 0 : i32
      %dma_wait3A_251 = tpu.memref_slice %arg11[%dma_wait3A_249, %dma_wait3A_250] : memref<10112x128xf32, #tpu.memory_space<vmem_shared>> -> memref<10112x128xf32, #tpu.memory_space<vmem_shared>>
      tpu.wait_indirect_dma semaphore(%arg14 : memref<!tpu.dma_semaphore, #tpu.memory_space<semaphore_mem>>) src(%arg9 : memref<128x128xf32, #tpu.memory_space<vmem>>) dst(%dma_wait3A_251 : memref<10112x128xf32, #tpu.memory_space<vmem_shared>>)
      %dma_wait3A_252 = arith.constant 7 : i32
      %dma_wait3A_253 = arith.constant 0 : i32
      %dma_wait3A_254 = tpu.memref_slice %arg8[%dma_wait3A_252, %dma_wait3A_253] : memref<8x128xi32, #tpu.memory_space<vmem>> -> memref<1x128xi32, #tpu.memory_space<vmem>>
      %dma_wait3A_255 = tpu.memref_squeeze %dma_wait3A_254 : memref<1x128xi32, #tpu.memory_space<vmem>> -> memref<128xi32, #tpu.memory_space<vmem>>
      %dma_wait3A_256 = arith.constant 0 : i32
      %dma_wait3A_257 = arith.constant 0 : i32
      %dma_wait3A_258 = tpu.memref_slice %arg11[%dma_wait3A_256, %dma_wait3A_257] : memref<10112x128xf32, #tpu.memory_space<vmem_shared>> -> memref<10112x128xf32, #tpu.memory_space<vmem_shared>>
      tpu.wait_indirect_dma semaphore(%arg15 : memref<!tpu.dma_semaphore, #tpu.memory_space<semaphore_mem>>) src(%arg10 : memref<128x128xf32, #tpu.memory_space<vmem>>) dst(%dma_wait3A_258 : memref<10112x128xf32, #tpu.memory_space<vmem_shared>>)
    }
    %barrier3A_27 = arith.constant 0 : index
    tpu.barrier barrier_id(%barrier3A_27)
    "tpu.region"() ({
      %run_scoped3A = tpu.sem_alloc : memref<!tpu.dma_semaphore, #tpu.memory_space<semaphore_mem>>
      %dma_start3A = arith.constant 0 : i32
      %dma_start3A_28 = tpu.memref_slice %arg6[%arg0, %mul3A_10, %dma_start3A] : memref<2x10112x128xf32, #tpu.memory_space<hbm>> -> memref<1x632x128xf32, #tpu.memory_space<hbm>>
      %dma_start3A_29 = tpu.memref_squeeze %dma_start3A_28 : memref<1x632x128xf32, #tpu.memory_space<hbm>> -> memref<632x128xf32, #tpu.memory_space<hbm>>
      %dma_start3A_30 = arith.constant 0 : i32
      %dma_start3A_31 = tpu.memref_slice %arg11[%mul3A_10, %dma_start3A_30] : memref<10112x128xf32, #tpu.memory_space<vmem_shared>> -> memref<632x128xf32, #tpu.memory_space<vmem_shared>>
      tpu.enqueue_dma source(%dma_start3A_31 : memref<632x128xf32, #tpu.memory_space<vmem_shared>>) target(%dma_start3A_29 : memref<632x128xf32, #tpu.memory_space<hbm>>) target_semaphore(%run_scoped3A : memref<!tpu.dma_semaphore, #tpu.memory_space<semaphore_mem>>)
      %dma_wait3A = arith.constant 0 : i32
      %dma_wait3A_32 = tpu.memref_slice %arg6[%arg0, %mul3A_10, %dma_wait3A] : memref<2x10112x128xf32, #tpu.memory_space<hbm>> -> memref<1x632x128xf32, #tpu.memory_space<hbm>>
      %dma_wait3A_33 = tpu.memref_squeeze %dma_wait3A_32 : memref<1x632x128xf32, #tpu.memory_space<hbm>> -> memref<632x128xf32, #tpu.memory_space<hbm>>
      %dma_wait3A_34 = arith.constant 0 : i32
      %dma_wait3A_35 = tpu.memref_slice %arg11[%mul3A_10, %dma_wait3A_34] : memref<10112x128xf32, #tpu.memory_space<vmem_shared>> -> memref<632x128xf32, #tpu.memory_space<vmem_shared>>
      tpu.wait_dma2 semaphore(%run_scoped3A : memref<!tpu.dma_semaphore, #tpu.memory_space<semaphore_mem>>) src(%dma_wait3A_35 : memref<632x128xf32, #tpu.memory_space<vmem_shared>>) dst(%dma_wait3A_33 : memref<632x128xf32, #tpu.memory_space<hbm>>)
      tpu.yield
    }) : () -> ()
    return
  }
}

module attributes {stable_mosaic.version = 14 : i64} {
  func.func @_stage_mid_body(%arg0: i32, %arg1: memref<2x1264x128xf32, #tpu.memory_space<vmem>>, %arg2: memref<2x1264x128xf32, #tpu.memory_space<vmem>>, %arg3: memref<1x128xf32, #tpu.memory_space<vmem>>, %arg4: memref<128x128xf32, #tpu.memory_space<vmem>>, %arg5: memref<1264x128xf32, #tpu.memory_space<vmem>>) attributes {dimension_semantics = [#tpu.dimension_semantics<arbitrary>], iteration_bounds = array<i64: 8>, scalar_prefetch = 0 : i64, scratch_operands = 0 : i64, tpu.core_type = #tpu.core_type<tc>, window_params = [{transform_indices = @transform_0, window_bounds = array<i64: 2, 1264, 128>}, {transform_indices = @transform_1, window_bounds = array<i64: 2, 1264, 128>}, {pipeline_mode = #tpu.pipeline_mode<synchronous>, transform_indices = @transform_2, window_bounds = array<i64: 1, 128>}, {pipeline_mode = #tpu.pipeline_mode<synchronous>, transform_indices = @transform_3, window_bounds = array<i64: 128, 128>}, {transform_indices = @transform_4, window_bounds = array<i64: 1264, 128>}]} {
    %get3A = arith.constant 0 : index
    %get3A_0 = arith.constant 0 : index
    %get3A_1 = arith.constant 0 : index
    %get3A_2 = vector.load %arg2[%get3A, %get3A_0, %get3A_1] : memref<2x1264x128xf32, #tpu.memory_space<vmem>>, vector<2x1264x128xf32>
    %slice3A = vector.extract_strided_slice %get3A_2 {offsets = [0, 0, 0], sizes = [1, 1264, 128], strides = [1, 1, 1]} : vector<2x1264x128xf32> to vector<1x1264x128xf32>
    %squeeze3A = vector.shape_cast %slice3A : vector<1x1264x128xf32> to vector<1264x128xf32>
    %slice3A_3 = vector.extract_strided_slice %get3A_2 {offsets = [1, 0, 0], sizes = [1, 1264, 128], strides = [1, 1, 1]} : vector<2x1264x128xf32> to vector<1x1264x128xf32>
    %squeeze3A_4 = vector.shape_cast %slice3A_3 : vector<1x1264x128xf32> to vector<1264x128xf32>
    %add3A = arith.addf %squeeze3A, %squeeze3A_4 : vector<1264x128xf32>
    %slice3A_5 = vector.extract_strided_slice %add3A {offsets = [0, 1], sizes = [1264, 1], strides = [1, 1]} : vector<1264x128xf32> to vector<1264x1xf32>
    %gt3A = arith.constant 0.000000e+00 : f32
    %gt3A_6 = vector.broadcast %gt3A : f32 to vector<1264x1xf32>
    %gt3A_7 = arith.cmpf ogt, %slice3A_5, %gt3A_6 : vector<1264x1xf32>
    %max3A = arith.constant 1.000000e+00 : f32
    %max3A_8 = vector.broadcast %max3A : f32 to vector<1264x1xf32>
    %max3A_9 = arith.maximumf %slice3A_5, %max3A_8 : vector<1264x1xf32>
    %rsqrt3A = math.rsqrt %max3A_9 : vector<1264x1xf32>
    %jit3A = arith.constant 0.000000e+00 : f32
    %broadcast_in_dim3A = vector.broadcast %jit3A : f32 to vector<1264x1xf32>
    %select_n3A = arith.select %gt3A_7, %rsqrt3A, %broadcast_in_dim3A : vector<1264x1xi1>, vector<1264x1xf32>
    %slice3A_10 = vector.extract_strided_slice %get3A_2 {offsets = [0, 0, 0], sizes = [1, 1264, 128], strides = [1, 1, 1]} : vector<2x1264x128xf32> to vector<1x1264x128xf32>
    %squeeze3A_11 = vector.shape_cast %slice3A_10 : vector<1x1264x128xf32> to vector<1264x128xf32>
    %slice3A_12 = vector.extract_strided_slice %get3A_2 {offsets = [1, 0, 0], sizes = [1, 1264, 128], strides = [1, 1, 1]} : vector<2x1264x128xf32> to vector<1x1264x128xf32>
    %squeeze3A_13 = vector.shape_cast %slice3A_12 : vector<1x1264x128xf32> to vector<1264x128xf32>
    %add3A_14 = arith.addf %squeeze3A_11, %squeeze3A_13 : vector<1264x128xf32>
    %slice3A_15 = vector.extract_strided_slice %add3A_14 {offsets = [0, 0], sizes = [1264, 1], strides = [1, 1]} : vector<1264x128xf32> to vector<1264x1xf32>
    %gt3A_16 = arith.constant 0.000000e+00 : f32
    %gt3A_17 = vector.broadcast %gt3A_16 : f32 to vector<1264x1xf32>
    %gt3A_18 = arith.cmpf ogt, %slice3A_15, %gt3A_17 : vector<1264x1xf32>
    %max3A_19 = arith.constant 1.000000e+00 : f32
    %max3A_20 = vector.broadcast %max3A_19 : f32 to vector<1264x1xf32>
    %max3A_21 = arith.maximumf %slice3A_15, %max3A_20 : vector<1264x1xf32>
    %rsqrt3A_22 = math.rsqrt %max3A_21 : vector<1264x1xf32>
    %jit3A_23 = arith.constant 0.000000e+00 : f32
    %broadcast_in_dim3A_24 = vector.broadcast %jit3A_23 : f32 to vector<1264x1xf32>
    %select_n3A_25 = arith.select %gt3A_18, %rsqrt3A_22, %broadcast_in_dim3A_24 : vector<1264x1xi1>, vector<1264x1xf32>
    %get3A_26 = arith.constant 0 : index
    %get3A_27 = arith.constant 0 : index
    %get3A_28 = arith.constant 0 : index
    %get3A_29 = vector.load %arg1[%get3A_26, %get3A_27, %get3A_28] : memref<2x1264x128xf32, #tpu.memory_space<vmem>>, vector<1x1264x128xf32>
    %get3A_30 = vector.shape_cast %get3A_29 : vector<1x1264x128xf32> to vector<1264x128xf32>
    %get3A_31 = arith.constant 1 : index
    %get3A_32 = arith.constant 0 : index
    %get3A_33 = arith.constant 0 : index
    %get3A_34 = vector.load %arg1[%get3A_31, %get3A_32, %get3A_33] : memref<2x1264x128xf32, #tpu.memory_space<vmem>>, vector<1x1264x128xf32>
    %get3A_35 = vector.shape_cast %get3A_34 : vector<1x1264x128xf32> to vector<1264x128xf32>
    %add3A_36 = arith.addf %get3A_30, %get3A_35 : vector<1264x128xf32>
    %mul3A = vector.broadcast %select_n3A : vector<1264x1xf32> to vector<1264x128xf32>
    %mul3A_37 = arith.mulf %add3A_36, %mul3A : vector<1264x128xf32>
    %get3A_38 = arith.constant 0 : index
    %get3A_39 = arith.constant 0 : index
    %get3A_40 = vector.load %arg3[%get3A_38, %get3A_39] : memref<1x128xf32, #tpu.memory_space<vmem>>, vector<1x128xf32>
    %add3A_41 = vector.broadcast %get3A_40 : vector<1x128xf32> to vector<1264x128xf32>
    %add3A_42 = arith.addf %mul3A_37, %add3A_41 : vector<1264x128xf32>
    %max3A_43 = arith.constant 0.000000e+00 : f32
    %max3A_44 = vector.broadcast %max3A_43 : f32 to vector<1264x128xf32>
    %max3A_45 = arith.maximumf %add3A_42, %max3A_44 : vector<1264x128xf32>
    %get3A_46 = arith.constant 0 : index
    %get3A_47 = arith.constant 0 : index
    %get3A_48 = vector.load %arg4[%get3A_46, %get3A_47] : memref<128x128xf32, #tpu.memory_space<vmem>>, vector<128x128xf32>
    %dot_general3A = arith.constant dense<0.000000e+00> : vector<1264x128xf32>
    %dot_general3A_49 = tpu.matmul %max3A_45, %get3A_48, %dot_general3A {dimension_numbers = #tpu.dot_dimension_numbers<[1], [0], [0], [1], [0, 0, 1, 1], [], []>, precision = #tpu.contract_precision<fp32>, transpose_lhs_hint = false} : vector<1264x128xf32>, vector<128x128xf32>, vector<1264x128xf32> -> vector<1264x128xf32>
    %mul3A_50 = vector.broadcast %select_n3A_25 : vector<1264x1xf32> to vector<1264x128xf32>
    %mul3A_51 = arith.mulf %dot_general3A_49, %mul3A_50 : vector<1264x128xf32>
    %swap3A = arith.constant 0 : index
    %swap3A_52 = arith.constant 0 : index
    %swap3A_53 = vector.load %arg5[%swap3A, %swap3A_52] : memref<1264x128xf32, #tpu.memory_space<vmem>>, vector<1264x128xf32>
    tpu.vector_store %arg5[%swap3A, %swap3A_52], %mul3A_51 {strides = array<i32>} : memref<1264x128xf32, #tpu.memory_space<vmem>>, vector<1264x128xf32>,
    return
  }
  func.func @transform_0(%arg0: i32) -> (i32, i32, i32) {
    %c0_i32 = arith.constant 0 : i32
    %c0_i32_0 = arith.constant 0 : i32
    %c0_i32_1 = arith.constant 0 : i32
    return %c0_i32, %arg0, %c0_i32_0 : i32, i32, i32
  }
  func.func @transform_1(%arg0: i32) -> (i32, i32, i32) {
    %c0_i32 = arith.constant 0 : i32
    %c0_i32_0 = arith.constant 0 : i32
    %c0_i32_1 = arith.constant 0 : i32
    return %c0_i32, %arg0, %c0_i32_0 : i32, i32, i32
  }
  func.func @transform_2(%arg0: i32) -> (i32, i32) {
    %c0_i32 = arith.constant 0 : i32
    %c0_i32_0 = arith.constant 0 : i32
    %c0_i32_1 = arith.constant 0 : i32
    return %c0_i32, %c0_i32_0 : i32, i32
  }
  func.func @transform_3(%arg0: i32) -> (i32, i32) {
    %c0_i32 = arith.constant 0 : i32
    %c0_i32_0 = arith.constant 0 : i32
    %c0_i32_1 = arith.constant 0 : i32
    return %c0_i32, %c0_i32_0 : i32, i32
  }
  func.func @transform_4(%arg0: i32) -> (i32, i32) {
    %c0_i32 = arith.constant 0 : i32
    %c0_i32_0 = arith.constant 0 : i32
    return %arg0, %c0_i32 : i32, i32
  }
}

module attributes {stable_mosaic.version = 14 : i64} {
  func.func @_stage_first_body(%arg0: i32, %arg1: memref<1264x128xf32, #tpu.memory_space<vmem>>, %arg2: memref<128x128xf32, #tpu.memory_space<vmem>>, %arg3: memref<2x1264x128xf32, #tpu.memory_space<vmem>>, %arg4: memref<1264x128xf32, #tpu.memory_space<vmem>>) attributes {dimension_semantics = [#tpu.dimension_semantics<arbitrary>], iteration_bounds = array<i64: 8>, scalar_prefetch = 0 : i64, scratch_operands = 0 : i64, tpu.core_type = #tpu.core_type<tc>, window_params = [{transform_indices = @transform_0, window_bounds = array<i64: 1264, 128>}, {pipeline_mode = #tpu.pipeline_mode<synchronous>, transform_indices = @transform_1, window_bounds = array<i64: 128, 128>}, {transform_indices = @transform_2, window_bounds = array<i64: 2, 1264, 128>}, {transform_indices = @transform_3, window_bounds = array<i64: 1264, 128>}]} {
    %get3A = arith.constant 0 : index
    %get3A_0 = arith.constant 0 : index
    %get3A_1 = arith.constant 0 : index
    %get3A_2 = vector.load %arg3[%get3A, %get3A_0, %get3A_1] : memref<2x1264x128xf32, #tpu.memory_space<vmem>>, vector<2x1264x128xf32>
    %slice3A = vector.extract_strided_slice %get3A_2 {offsets = [0, 0, 0], sizes = [1, 1264, 128], strides = [1, 1, 1]} : vector<2x1264x128xf32> to vector<1x1264x128xf32>
    %squeeze3A = vector.shape_cast %slice3A : vector<1x1264x128xf32> to vector<1264x128xf32>
    %slice3A_3 = vector.extract_strided_slice %get3A_2 {offsets = [1, 0, 0], sizes = [1, 1264, 128], strides = [1, 1, 1]} : vector<2x1264x128xf32> to vector<1x1264x128xf32>
    %squeeze3A_4 = vector.shape_cast %slice3A_3 : vector<1x1264x128xf32> to vector<1264x128xf32>
    %add3A = arith.addf %squeeze3A, %squeeze3A_4 : vector<1264x128xf32>
    %slice3A_5 = vector.extract_strided_slice %add3A {offsets = [0, 0], sizes = [1264, 1], strides = [1, 1]} : vector<1264x128xf32> to vector<1264x1xf32>
    %gt3A = arith.constant 0.000000e+00 : f32
    %gt3A_6 = vector.broadcast %gt3A : f32 to vector<1264x1xf32>
    %gt3A_7 = arith.cmpf ogt, %slice3A_5, %gt3A_6 : vector<1264x1xf32>
    %max3A = arith.constant 1.000000e+00 : f32
    %max3A_8 = vector.broadcast %max3A : f32 to vector<1264x1xf32>
    %max3A_9 = arith.maximumf %slice3A_5, %max3A_8 : vector<1264x1xf32>
    %rsqrt3A = math.rsqrt %max3A_9 : vector<1264x1xf32>
    %jit3A = arith.constant 0.000000e+00 : f32
    %broadcast_in_dim3A = vector.broadcast %jit3A : f32 to vector<1264x1xf32>
    %select_n3A = arith.select %gt3A_7, %rsqrt3A, %broadcast_in_dim3A : vector<1264x1xi1>, vector<1264x1xf32>
    %get3A_10 = arith.constant 0 : index
    %get3A_11 = arith.constant 0 : index
    %get3A_12 = vector.load %arg1[%get3A_10, %get3A_11] : memref<1264x128xf32, #tpu.memory_space<vmem>>, vector<1264x128xf32>
    %get3A_13 = arith.constant 0 : index
    %get3A_14 = arith.constant 0 : index
    %get3A_15 = vector.load %arg2[%get3A_13, %get3A_14] : memref<128x128xf32, #tpu.memory_space<vmem>>, vector<128x128xf32>
    %dot_general3A = arith.constant dense<0.000000e+00> : vector<1264x128xf32>
    %dot_general3A_16 = tpu.matmul %get3A_12, %get3A_15, %dot_general3A {dimension_numbers = #tpu.dot_dimension_numbers<[1], [0], [0], [1], [0, 0, 1, 1], [], []>, precision = #tpu.contract_precision<fp32>, transpose_lhs_hint = false} : vector<1264x128xf32>, vector<128x128xf32>, vector<1264x128xf32> -> vector<1264x128xf32>
    %mul3A = vector.broadcast %select_n3A : vector<1264x1xf32> to vector<1264x128xf32>
    %mul3A_17 = arith.mulf %dot_general3A_16, %mul3A : vector<1264x128xf32>
    %swap3A = arith.constant 0 : index
    %swap3A_18 = arith.constant 0 : index
    %swap3A_19 = vector.load %arg4[%swap3A, %swap3A_18] : memref<1264x128xf32, #tpu.memory_space<vmem>>, vector<1264x128xf32>
    tpu.vector_store %arg4[%swap3A, %swap3A_18], %mul3A_17 {strides = array<i32>} : memref<1264x128xf32, #tpu.memory_space<vmem>>, vector<1264x128xf32>,
    return
  }
  func.func @transform_0(%arg0: i32) -> (i32, i32) {
    %c0_i32 = arith.constant 0 : i32
    %c0_i32_0 = arith.constant 0 : i32
    return %arg0, %c0_i32 : i32, i32
  }
  func.func @transform_1(%arg0: i32) -> (i32, i32) {
    %c0_i32 = arith.constant 0 : i32
    %c0_i32_0 = arith.constant 0 : i32
    %c0_i32_1 = arith.constant 0 : i32
    return %c0_i32, %c0_i32_0 : i32, i32
  }
  func.func @transform_2(%arg0: i32) -> (i32, i32, i32) {
    %c0_i32 = arith.constant 0 : i32
    %c0_i32_0 = arith.constant 0 : i32
    %c0_i32_1 = arith.constant 0 : i32
    return %c0_i32, %arg0, %c0_i32_0 : i32, i32, i32
  }
  func.func @transform_3(%arg0: i32) -> (i32, i32) {
    %c0_i32 = arith.constant 0 : i32
    %c0_i32_0 = arith.constant 0 : i32
    return %arg0, %c0_i32 : i32, i32
  }
}

module attributes {stable_mosaic.version = 14 : i64} {
  func.func @_stage_final_body(%arg0: i32, %arg1: memref<2x1264x128xf32, #tpu.memory_space<vmem>>, %arg2: memref<2x1264x128xf32, #tpu.memory_space<vmem>>, %arg3: memref<1x128xf32, #tpu.memory_space<vmem>>, %arg4: memref<1264x128xf32, #tpu.memory_space<vmem>>) attributes {dimension_semantics = [#tpu.dimension_semantics<arbitrary>], iteration_bounds = array<i64: 8>, scalar_prefetch = 0 : i64, scratch_operands = 0 : i64, tpu.core_type = #tpu.core_type<tc>, window_params = [{transform_indices = @transform_0, window_bounds = array<i64: 2, 1264, 128>}, {transform_indices = @transform_1, window_bounds = array<i64: 2, 1264, 128>}, {pipeline_mode = #tpu.pipeline_mode<synchronous>, transform_indices = @transform_2, window_bounds = array<i64: 1, 128>}, {transform_indices = @transform_3, window_bounds = array<i64: 1264, 128>}]} {
    %get3A = arith.constant 0 : index
    %get3A_0 = arith.constant 0 : index
    %get3A_1 = arith.constant 0 : index
    %get3A_2 = vector.load %arg2[%get3A, %get3A_0, %get3A_1] : memref<2x1264x128xf32, #tpu.memory_space<vmem>>, vector<2x1264x128xf32>
    %slice3A = vector.extract_strided_slice %get3A_2 {offsets = [0, 0, 0], sizes = [1, 1264, 128], strides = [1, 1, 1]} : vector<2x1264x128xf32> to vector<1x1264x128xf32>
    %squeeze3A = vector.shape_cast %slice3A : vector<1x1264x128xf32> to vector<1264x128xf32>
    %slice3A_3 = vector.extract_strided_slice %get3A_2 {offsets = [1, 0, 0], sizes = [1, 1264, 128], strides = [1, 1, 1]} : vector<2x1264x128xf32> to vector<1x1264x128xf32>
    %squeeze3A_4 = vector.shape_cast %slice3A_3 : vector<1x1264x128xf32> to vector<1264x128xf32>
    %add3A = arith.addf %squeeze3A, %squeeze3A_4 : vector<1264x128xf32>
    %slice3A_5 = vector.extract_strided_slice %add3A {offsets = [0, 1], sizes = [1264, 1], strides = [1, 1]} : vector<1264x128xf32> to vector<1264x1xf32>
    %gt3A = arith.constant 0.000000e+00 : f32
    %gt3A_6 = vector.broadcast %gt3A : f32 to vector<1264x1xf32>
    %gt3A_7 = arith.cmpf ogt, %slice3A_5, %gt3A_6 : vector<1264x1xf32>
    %max3A = arith.constant 1.000000e+00 : f32
    %max3A_8 = vector.broadcast %max3A : f32 to vector<1264x1xf32>
    %max3A_9 = arith.maximumf %slice3A_5, %max3A_8 : vector<1264x1xf32>
    %rsqrt3A = math.rsqrt %max3A_9 : vector<1264x1xf32>
    %jit3A = arith.constant 0.000000e+00 : f32
    %broadcast_in_dim3A = vector.broadcast %jit3A : f32 to vector<1264x1xf32>
    %select_n3A = arith.select %gt3A_7, %rsqrt3A, %broadcast_in_dim3A : vector<1264x1xi1>, vector<1264x1xf32>
    %get3A_10 = arith.constant 0 : index
    %get3A_11 = arith.constant 0 : index
    %get3A_12 = arith.constant 0 : index
    %get3A_13 = vector.load %arg1[%get3A_10, %get3A_11, %get3A_12] : memref<2x1264x128xf32, #tpu.memory_space<vmem>>, vector<1x1264x128xf32>
    %get3A_14 = vector.shape_cast %get3A_13 : vector<1x1264x128xf32> to vector<1264x128xf32>
    %get3A_15 = arith.constant 1 : index
    %get3A_16 = arith.constant 0 : index
    %get3A_17 = arith.constant 0 : index
    %get3A_18 = vector.load %arg1[%get3A_15, %get3A_16, %get3A_17] : memref<2x1264x128xf32, #tpu.memory_space<vmem>>, vector<1x1264x128xf32>
    %get3A_19 = vector.shape_cast %get3A_18 : vector<1x1264x128xf32> to vector<1264x128xf32>
    %add3A_20 = arith.addf %get3A_14, %get3A_19 : vector<1264x128xf32>
    %mul3A = vector.broadcast %select_n3A : vector<1264x1xf32> to vector<1264x128xf32>
    %mul3A_21 = arith.mulf %add3A_20, %mul3A : vector<1264x128xf32>
    %get3A_22 = arith.constant 0 : index
    %get3A_23 = arith.constant 0 : index
    %get3A_24 = vector.load %arg3[%get3A_22, %get3A_23] : memref<1x128xf32, #tpu.memory_space<vmem>>, vector<1x128xf32>
    %add3A_25 = vector.broadcast %get3A_24 : vector<1x128xf32> to vector<1264x128xf32>
    %add3A_26 = arith.addf %mul3A_21, %add3A_25 : vector<1264x128xf32>
    %swap3A = arith.constant 0 : index
    %swap3A_27 = arith.constant 0 : index
    %swap3A_28 = vector.load %arg4[%swap3A, %swap3A_27] : memref<1264x128xf32, #tpu.memory_space<vmem>>, vector<1264x128xf32>
    tpu.vector_store %arg4[%swap3A, %swap3A_27], %add3A_26 {strides = array<i32>} : memref<1264x128xf32, #tpu.memory_space<vmem>>, vector<1264x128xf32>,
    return
  }
  func.func @transform_0(%arg0: i32) -> (i32, i32, i32) {
    %c0_i32 = arith.constant 0 : i32
    %c0_i32_0 = arith.constant 0 : i32
    %c0_i32_1 = arith.constant 0 : i32
    return %c0_i32, %arg0, %c0_i32_0 : i32, i32, i32
  }
  func.func @transform_1(%arg0: i32) -> (i32, i32, i32) {
    %c0_i32 = arith.constant 0 : i32
    %c0_i32_0 = arith.constant 0 : i32
    %c0_i32_1 = arith.constant 0 : i32
    return %c0_i32, %arg0, %c0_i32_0 : i32, i32, i32
  }
  func.func @transform_2(%arg0: i32) -> (i32, i32) {
    %c0_i32 = arith.constant 0 : i32
    %c0_i32_0 = arith.constant 0 : i32
    %c0_i32_1 = arith.constant 0 : i32
    return %c0_i32, %c0_i32_0 : i32, i32
  }
  func.func @transform_3(%arg0: i32) -> (i32, i32) {
    %c0_i32 = arith.constant 0 : i32
    %c0_i32_0 = arith.constant 0 : i32
    return %arg0, %c0_i32 : i32, i32
  }
}

</mosaic_0001>

<sc_bundles>
// kernel: kernel.10.cloned.1.call-start
scs
__scs_entry_jumppad:
0x0: {  	(pc) =	sbr.rel $0x88, $3  }
0x1: {  	(tag) =	ssettag $0x0;
	lr =	simm.s32 $0x1  }
0x2: {  	[smem:$0x3F99] =	sst lr;
	_ =	strace $0xD0000000  }
0x3: {  	_ = 	snop  }
0x4: {  	_ = 	snop  }
0x5: {  	_ = 	snop  }
0x6: {  	_ = 	snop  }
0x7: {  	_ = 	snop  }
__scs_overlays_trampoline_lowered:
0x8: {  	[smem:$0x3FA8] =	sst s0  }
0x9: {  	[smem:$0x3FA9] =	sst s1  }
0xa: {  	[smem:$0x3FAA] =	sst s2  }
0xb: {  	[smem:$0x3FAB] =	sst s3  }
0xc: {  	[smem:$0x3FAC] =	sst s4  }
0xd: {  	[smem:$0x3FAD] =	sst s5  }
0xe: {  	[smem:$0x3FAE] =	sst s6  }
0xf: {  	[smem:$0x3FAF] =	sst s7  }
0x10: {  	[smem:$0x3FB0] =	sst s8  }
0x11: {  	[smem:$0x3FB1] =	sst s9;
	s0 =	simm.s32 @!p0 $0x0  }
0x12: {  	s1 =	sld [smem:$0x3F97];
	s0 =	simm.s32 @p0 $0x1  }
0x13: {  	[smem:$0x3FB2] =	sst s0;
	s0 =	simm.s32 @!p1 $0x0  }
0x14: {  	s2 =	sld [smem:$0x3F96];
	s0 =	simm.s32 @p1 $0x1  }
0x15: {  	[smem:$0x3FB3] =	sst s0;
	s0 =	simm.s32 @!p2 $0x0  }
0x16: {  	s3 =	sld [smem:$0x3FDB];
	s0 =	simm.s32 @p2 $0x1  }
0x17: {  	s4 =	simm.s32 $0x1BF5;
	[smem:$0x3FB5] =	sst s0  }
0x18: {  	s0 =	sld [smem:$0x3F98];
	_ =	swait.ge [sflag:s4], $0x0  }
0x19: {  	s7 =	sld [smem:$0x3F99]  }
0x1a: {  	s8 =	sadd.s32 $0xFFFFE003, lr  }
0x1b: {  	s9 =	sadd.s32 $0xFFFFFEF7, lr;
	s5 =	simm.s32 $0xFFFFFFFF;
	p2 =	slt.u32 s8, $0xFFFFF086  }
0x1c: {  	p1 =	slt.u32 s9, $0xF7A;
	s5 =	simm.s32 @!p2 $0x0  }
0x1d: {  	s5 =	simm.s32 @p1 $0x1;
	p0 =	seq.s32 s7, s2  }
0x1e: {  	s7 =	smul.u32 @!p0 $0xF7A, s2;
	p2 =	seq.s32 @!p0 s5, $0x0  }
0x1f: {  	s9 =	smul.u32 $0xF7A, s1;
	s8 =	simm.s32 @!p0 $0x1BF5;
	p2 =	por !p2, p0  }
0x20: {  	[sflag:s8] =	ssyncset.s32 @!p0 $0xFFFFF086;
	s6 =	sadd.s32 @!p0 s3, s7;
	s7 =	simm.s32 @!p0 $0x108  }
0x21: {  	s3 =	sadd.s32 s3, s9;
	s6 =	sadd.s32 @!p0 $0x88, s6;
	s7 =	simm.s32 @p2 $0x1082  }
0x22: {  	[simem:s7], [sflag:s8] =	dma.local @!p0 [hbm:s6], $0xF7A  }
0x23: {  	s9 =	sor.u32 $0xD0000000, s2;
	s6 =	simm.s32 $0x108;
	_ =	swait.ge @!p0 [sflag:s8], $0x0  }
0x24: {  	s3 =	sadd.s32 $0x88, s3;
	s6 =	simm.s32 @!p1 $0x1082;
	[sflag:s4] =	ssyncset.s32 $0xFFFFF086  }
0x25: {  	[simem:s6], [sflag:s4] =	dma.local [hbm:s3], $0xF7A  }
0x26: {  	[smem:$0x3F99] =	sst s1;
	(tag) =	ssettag s2;
	_ =	strace s9  }
0x27: {  	s1 =	sld [smem:$0x3FA9]  }
0x28: {  	s2 =	sld [smem:$0x3FAA]  }
0x29: {  	s4 =	sld [smem:$0x3FAC]  }
0x2a: {  	p0 =	seq.s32 s5, $0x0;
	s5 =	sld [smem:$0x3FAD]  }
0x2b: {  	s6 =	sld [smem:$0x3FAE]  }
0x2c: {  	s7 =	sld [smem:$0x3FAF]  }
0x2d: {  	s3 =	simm.s32 $0x108;
	s8 =	sld [smem:$0x3FB0]  }
0x2e: {  	s3 =	simm.s32 @!p0 $0x1082;
	s9 =	sld [smem:$0x3FB1]  }
0x2f: {  	lr =	sadd.s32 s0, s3;
	s0 =	sld [smem:$0x3FA8]  }
0x30: {  	s3 =	sld [smem:$0x3FAB]  }
0x31: {  	[smem:$0x3FB4] =	sst s10  }
0x32: {  	s10 =	sld [smem:$0x3FB2];
	_ =	sdelay $0x3  }
0x33: {  	p0 =	seq.s32 s10, $0x1;
	s10 =	sld [smem:$0x3FB4];
	_ =	sdelay $0x3  }
0x34: {  	[smem:$0x3FB4] =	sst s10  }
0x35: {  	s10 =	sld [smem:$0x3FB3];
	_ =	sdelay $0x3  }
0x36: {  	p1 =	seq.s32 s10, $0x1;
	s10 =	sld [smem:$0x3FB4];
	_ =	sdelay $0x3  }
0x37: {  	[smem:$0x3FB4] =	sst s10  }
0x38: {  	s10 =	sld [smem:$0x3FB5]  }
0x39: {  	_ = 	snop;
	(pc) =	sbr.ind lr, $3  }
0x3a: {  	_ = 	snop  }
0x3b: {  	_ = 	snop  }
0x3c: {  	p2 =	seq.s32 s10, $0x1;
	s10 =	sld [smem:$0x3FB4]  }
0x3d: {  	_ =	shalt  }
0x3e: {  	_ =	shalt  }
0x3f: {  	_ =	shalt  }
0x40: {  	_ =	shalt  }
0x41: {  	_ =	shalt  }
0x42: {  	_ =	shalt  }
0x43: {  	_ =	shalt  }
0x44: {  	_ =	shalt  }
0x45: {  	_ =	shalt  }
0x46: {  	_ =	shalt  }
0x47: {  	_ =	shalt  }
0x48: {  	_ =	shalt  }
0x49: {  	_ =	shalt  }
0x4a: {  	_ =	shalt  }
0x4b: {  	_ =	shalt  }
0x4c: {  	_ =	shalt  }
0x4d: {  	_ =	shalt  }
0x4e: {  	_ =	shalt  }
0x4f: {  	_ =	shalt  }
0x50: {  	_ =	shalt  }
0x51: {  	_ =	shalt  }
0x52: {  	_ =	shalt  }
0x53: {  	_ =	shalt  }
0x54: {  	_ =	shalt  }
0x55: {  	_ =	shalt  }
0x56: {  	_ =	shalt  }
0x57: {  	_ =	shalt  }
0x58: {  	_ =	shalt  }
0x59: {  	_ =	shalt  }
0x5a: {  	_ =	shalt  }
0x5b: {  	_ =	shalt  }
0x5c: {  	_ =	shalt  }
0x5d: {  	_ =	shalt  }
0x5e: {  	_ =	shalt  }
0x5f: {  	_ =	shalt  }
0x60: {  	_ =	shalt  }
0x61: {  	_ =	shalt  }
0x62: {  	_ =	shalt  }
0x63: {  	_ =	shalt  }
0x64: {  	_ =	shalt  }
0x65: {  	_ =	shalt  }
0x66: {  	_ =	shalt  }
0x67: {  	_ =	shalt  }
0x68: {  	_ =	shalt  }
0x69: {  	_ =	shalt  }
0x6a: {  	_ =	shalt  }
0x6b: {  	_ =	shalt  }
0x6c: {  	_ =	shalt  }
0x6d: {  	_ =	shalt  }
0x6e: {  	_ =	shalt  }
0x6f: {  	_ =	shalt  }
0x70: {  	_ =	shalt  }
0x71: {  	_ =	shalt  }
0x72: {  	_ =	shalt  }
0x73: {  	_ =	shalt  }
0x74: {  	_ =	shalt  }
0x75: {  	_ =	shalt  }
0x76: {  	_ =	shalt  }
0x77: {  	_ =	shalt  }
0x78: {  	_ =	shalt  }
0x79: {  	_ =	shalt  }
0x7a: {  	_ =	shalt  }
0x7b: {  	_ =	shalt  }
0x7c: {  	_ =	shalt  }
0x7d: {  	_ =	shalt  }
0x7e: {  	_ =	shalt  }
0x7f: {  	_ =	shalt  }
0x80: {  	_ =	shalt  }
0x81: {  	_ =	shalt  }
0x82: {  	_ =	shalt  }
0x83: {  	_ =	shalt  }
0x84: {  	_ =	shalt  }
0x85: {  	_ =	shalt  }
0x86: {  	_ =	shalt  }
0x87: {  	_ =	shalt  }
.Lfunc_end0:
.L_simem_size_0:
called_computation_lowered:
.L_overlay_start_0:
0x88: {  	s2 =	sld [smem:$0x3FD9]  }
0x89: {  	s3 =	sld [smem:$0x3FFE];
	_ =	sdelay $0x1  }
0x8a: {  	s1 =	srdreg.scid  }
0x8b: {  	s0 =	sand.u32 $0x1, s1  }
0x8c: {  	s17 =	sshll.u32 s0, $0xA;
	s2 =	sadd.s32 s3, s2  }
0x8d: {  	s2 =	sadd.s32 s2, s17  }
0x8e: {  	[smem:$0x3FC0] =	sst s2  }
0x8f: {  	_ = 	snop  }
0x90: {  	s2 =	sld [smem:$0x3FD0];
	(tm) =	ssettm $0x1  }
0x91: {  	s18 =	sld [smem:$0x3FFB];
	_ =	sdelay $0x3  }
0x92: {  	_ =	strace s18  }
0x93: {  	s3 =	sld [smem:$0x3FFC];
	_ =	sdelay $0x3  }
0x94: {  	_ =	strace s3  }
0x95: {  	s3 =	sld [smem:$0x3FFD];
	_ =	sdelay $0x3  }
0x96: {  	_ =	strace s3  }
0x97: {  	_ =	strace $0x8FFFFFFF  }
0x98: {  	s19 =	sld [smem:$0x3FDB];
	_ =	sdelay $0x1  }
0x99: {  	s4 =	simm.s32 $_scs_section_size  }
0x9a: {  	s5 =	simm.s32 $_size__tile_overlayer_lowered;
	s6 =	simm.s32 $_tile_overlayer_lowered  }
0x9b: {  	s22 =	simm.s32 $0x1BFF;
	s21 =	sshll.u32 s6, $0x1;
	s3 =	sadd.s32 s4, s19  }
0x9c: {  	s7 =	simm.s32 $0x0;
	s20 =	sshll.u32 s5, $0x1;
	s5 =	sadd.s32 s21, s3  }
0x9d: {  	[timem:s7], [sflag:s22] =	dma.local [hbm:s5], s20  }
0x9e: {  	_ =	swait.ge [sflag:s22], s20  }
0x9f: {  	s4 =	ssub.s32 $0x0, s20;
	[sflag:s22] =	ssyncset.done $0x0  }
0xa0: {  	[sflag:s22] =	ssyncadd.s32 s4;
	_ =	sdelay $0x1  }
0xa1: {  	s23 =	simm.s32 $0x1B8B  }
0xa2: {  	_ =	swait.ge [sflag:s23], $0x1  }
0xa3: {  	[sflag:s23] =	ssyncset.done $0x0  }
0xa4: {  	s25 =	simm.s32 $0x1B8E;
	s24 =	sld [smem:$0x3FFE];
	[sflag:s23] =	ssyncadd.s32 $0xFFFFFFFF  }
0xa5: {  	s26 =	simm.s32 $execute0_lowered;
	[smem:$0x3FD2] =	sst s25  }
0xa6: {  	s5 =	sshll.u32 s26, $0x1;
	_ =	strace $0x80000046;
	[dreg:$0x1] =	wrdreg $0xFFFFFFFF  }
0xa7: {  	s28 =	simm.s32 $_size_execute0_lowered;
	s3 =	sadd.s32 s3, s5;
	[dreg:$0x0] =	wrdreg $0x0  }
0xa8: {  	s5 =	sshll.u32 s28, $0x1;
	[dreg:$0x2] =	wrdreg s3  }
0xa9: {  	[dreg:$0x3] =	wrdreg s5  }
0xaa: {  	[dreg:$0x4] =	wrdreg $0xC0  }
0xab: {  	_ =	task [dreg:s7], $0x5FFFF  }
0xac: {  	[dreg:$0x1] =	wrdreg $0xFFFFFFFF  }
0xad: {  	[dreg:$0x0] =	wrdreg $0x60  }
0xae: {  	[dreg:$0x2] =	wrdreg s24  }
0xaf: {  	[dreg:$0x3] =	wrdreg s2  }
0xb0: {  	[dreg:$0x4] =	wrdreg $0x88000  }
0xb1: {  	[dreg:$0x5] =	wrdreg $0x9  }
0xb2: {  	_ =	task.clear_ibuf [dreg:s7], $0x6FFFF;
	_ =	strace $0x90000046  }
0xb3: {  	s29 =	simm.s32 $0x9;
	_ =	strace $0x80000048  }
0xb4: {  	_ =	swait.ge [sflag:s29], $0x1  }
0xb5: {  	[sflag:s29] =	ssyncadd.s32 $0xFFFFFFFF  }
0xb6: {  	_ =	strace $0x90000048  }
0xb7: {  	_ =	sfence  }
0xb8: {  	s30 =	sld [smem:$0x0];
	_ =	sdelay $0x2  }
0xb9: {  	s31 =	sshll.u32 s1, $0xD;
	s1 =	sshrl.u32 s1, $0x2  }
0xba: {  	s3 =	sand.u32 $0x4000, s31;
	s1 =	sadd.s32 s1, s30  }
0xbb: {  	s0 =	sor.u32 s3, s0;
	s1 =	sshll.u32 s1, $0x11  }
0xbc: {  	s0 =	sor.u32 s1, s0  }
0xbd: {  	s0 =	sadd.s32 $0x8F2B, s0  }
0xbe: {  	[sflag:s0] =	ssyncadd.remote.s32 $0x1  }
0xbf: {  	_ =	sfence.sel $0xFFFF  }
0xc0: {  	[dreg:$0x0] =	wrdreg $0xFFFFFFFF;
	(pc) =	sbr.abs _section_cstart, $3  }
0xc1: {  	[dreg:$0x1] =	wrdreg $0xFFFFFFFF  }
0xc2: {  	_ =	task.clear_ibuf [dreg:s7], $0x2FFFF;
	_ =	strace $0x9FFFFFFF  }
0xc3: {  	(tm) =	ssettm $0x7FFFFFFF  }
tec
execute0_lowered:
.L_overlay_start_1:
0x0: {  	(tag) =	ssettag $0x1  }
0x1: {  	s0 =	rddreg [dreg:$0x0]  }
0x2: {  	s2 =	rddreg [dreg:$0x1]  }
0x3: {  	s1 =	rddreg [dreg:$0x2]  }
0x4: {  	s3 =	srdreg.scid;
	s12 =	stileid.u32  }
0x5: {  	s13 =	simm.s32 $0x4800;
	s16 =	simm.s32 $0x400;
	s28 =	simm.s32 $0x300  }
0x6: {  	s29 =	simm.s32 $0x700;
	s30 =	simm.s32 $0x380;
	s6 =	smul.u32 $0x13C00, s12  }
0x7: {  	s31 =	simm.s32 $0x780;
	s4 =	sand.u32 $0x1, s3;
	s19 =	smul.u32 $0x4F000, s12  }
0x8: {  	s3 =	simm.s32 $0x0;
	s8 =	sadd.s32 $0xCE00, s0;
	s11 =	smul.u32 $0x500, s12  }
0x9: {  	s17 =	sadd.s32 $0xC600, s0;
	s26 =	sshll.u32 s12, $0x6;
	s5 =	smul.u32 $0x5000, s4  }
0xa: {  	s12 =	simm.s32 $0x2;
	[smem:$0x7FF] =	sst s3;
	s7 =	smul.u32 $0x13C000, s4  }
0xb: {  	s4 =	ssub.s32 $0x2, s4;
	_ =	strace $0x80000047;
	[dreg:$0x4] =	wrdreg s8  }
0xc: {  	s14 =	sor.u32 $0x1C02, s26;
	s26 =	simm.s32 $0x680;
	[dreg:$0x5] =	wrdreg s17  }
0xd: {  	s18 =	sshrl.u32 s6, $0x3;
	s20 =	sshrl.u32 s4, $0x1;
	s17 =	simm.s32 $0x80  }
0xe: {  	s10 =	sadd.s32 s5, s0;
	s6 =	sadd.s32 s6, s7;
	s8 =	sadd.s32 s18, s0  }
0xf: {  	s7 =	sshrl.u32 s19, $0x2;
	s4 =	ssub.s32 s4, s20;
	s23 =	sadd.s32 s5, s2  }
0x10: {  	s18 =	simm.s32 $0x480;
	s19 =	simm.s32 $0x100;
	s20 =	simm.s32 $0x500  }
0x11: {  	s2 =	simm.s32 $0x0;
	s6 =	sshrl.u32 s6, $0x3;
	s21 =	sadd.s32 s7, s1  }
0x12: {  	s22 =	sadd.s32 $0xD600, s8;
	s24 =	smax.u32 s4, $0x1;
	s9 =	sadd.s32 s11, s23  }
0x13: {  	s25 =	sadd.s32 s11, s10;
	s11 =	simm.s32 $0x800;
	[dreg:$0x6] =	wrdreg s22  }
0x14: {  	s23 =	simm.s32 $0x200;
	s0 =	sadd.s32 s6, s0;
	[dreg:$0x8] =	wrdreg s24  }
0x15: {  	s10 =	sadd.s32 $0x2600, s25;
	s15 =	sshrl.u32 s21, $0x3;
	s21 =	simm.s32 $0x180  }
0x16: {  	s22 =	simm.s32 $0x580;
	s24 =	simm.s32 $0x600;
	s0 =	sadd.s32 $0x34E00, s0  }
0x17: {  	s25 =	simm.s32 $0x280;
	[dreg:$0x7] =	wrdreg s0;
	s0 =	simm.s32 $0x1  }
.LBB2_1:
0x18: {  	s4 =	rddreg [dreg:$0x4]  }
0x19: {  	[tilespmem:s11], [sflag:$0x2] =	stream.linear.gather [hbm4b:s4+s3], $0x4000, $0x38;
	[tilespmem:$0x1C400] =	vst v63  }
0x1a: {  	_ =	swait.ge [sflag:s12], $0x4000  }
0x1b: {  	[sflag:s12] =	ssyncset.done $0x0  }
0x1c: {  	s5 =	rddreg [dreg:$0x5];
	[sflag:s12] =	ssyncadd.s32 $0xFFFFC000  }
0x1d: {  	[tilespmem:s13], [sflag:$0x2] =	stream.linear.gather [hbm4b:s5+s3], $0x4000, $0x38;
	[tilespmem:$0x1C400] =	vst v63  }
0x1e: {  	_ =	swait.ge [sflag:s12], $0x4000  }
0x1f: {  	[sflag:s12] =	ssyncset.done $0x0  }
0x20: {  	s6 =	rddreg [dreg:$0x6];
	[sflag:s12] =	ssyncadd.s32 $0xFFFFC000  }
0x21: {  	[spmem:s15], [sflag:s14] =	dma.local [hbm:s6], $0x2780  }
0x22: {  	_ =	swait.ge [sflag:s12], $0x2780  }
0x23: {  	[sflag:s12] =	ssyncset.done $0x0  }
0x24: {  	[sflag:s12] =	ssyncadd.s32 $0xFFFFD880  }
0x25: {  	s7 =	sadd.s32 $0x0, s10;
	[bflag:$0x0] =	sbarrier.arrive $0xFFFF  }
0x26: {  	[tilespmem:s3], [sflag:$0x2] =	stream.linear.gather [hbm4b:s7+s3], $0x400, $0x38;
	[tilespmem:$0x1C400] =	vst v63  }
0x27: {  	_ =	swait.ge [sflag:s12], $0x400  }
0x28: {  	[sflag:s12] =	ssyncset.done $0x0  }
0x29: {  	s8 =	sadd.s32 $0x0, s9;
	[sflag:s12] =	ssyncadd.s32 $0xFFFFFC00  }
0x2a: {  	[tilespmem:s16], [sflag:$0x2] =	stream.linear.gather [hbm4b:s8+s3], $0x400, $0x38;
	[tilespmem:$0x1C400] =	vst v63  }
0x2b: {  	_ =	swait.ge [sflag:s12], $0x400  }
0x2c: {  	[sflag:s12] =	ssyncset.done $0x0  }
0x2d: {  	[sflag:s12] =	ssyncadd.s32 $0xFFFFFC00  }
0x2e: {  	[spmem:s1] =	stream.indirect.scatter.add.f32 [tilespmem:s11], [sflag:$0x1], $0x80, s3, s17, $0xb8;
	[tilespmem:$0x1C400] =	vst v63  }
0x2f: {  	_ = 	snop  }
0x30: {  	[spmem:s1] =	stream.indirect.scatter.add.f32 [tilespmem:s13], [sflag:$0x1], $0x80, s16, s17, $0xb8;
	[tilespmem:$0x1C400] =	vst v63  }
0x31: {  	_ = 	snop  }
0x32: {  	[spmem:s1] =	stream.indirect.scatter.add.f32 [tilespmem:s11], [sflag:$0x1], $0x80, s17, s17, $0xb8;
	[tilespmem:$0x1C400] =	vst v63  }
0x33: {  	_ = 	snop  }
0x34: {  	[spmem:s1] =	stream.indirect.scatter.add.f32 [tilespmem:s13], [sflag:$0x1], $0x80, s18, s17, $0xb8;
	[tilespmem:$0x1C400] =	vst v63  }
0x35: {  	_ = 	snop  }
0x36: {  	[spmem:s1] =	stream.indirect.scatter.add.f32 [tilespmem:s11], [sflag:$0x1], $0x80, s19, s17, $0xb8;
	[tilespmem:$0x1C400] =	vst v63  }
0x37: {  	_ = 	snop  }
0x38: {  	[spmem:s1] =	stream.indirect.scatter.add.f32 [tilespmem:s13], [sflag:$0x1], $0x80, s20, s17, $0xb8;
	[tilespmem:$0x1C400] =	vst v63  }
0x39: {  	_ = 	snop  }
0x3a: {  	[spmem:s1] =	stream.indirect.scatter.add.f32 [tilespmem:s11], [sflag:$0x1], $0x80, s21, s17, $0xb8;
	[tilespmem:$0x1C400] =	vst v63  }
0x3b: {  	_ = 	snop  }
0x3c: {  	[spmem:s1] =	stream.indirect.scatter.add.f32 [tilespmem:s13], [sflag:$0x1], $0x80, s22, s17, $0xb8;
	[tilespmem:$0x1C400] =	vst v63  }
0x3d: {  	_ = 	snop  }
0x3e: {  	[spmem:s1] =	stream.indirect.scatter.add.f32 [tilespmem:s11], [sflag:$0x1], $0x80, s23, s17, $0xb8;
	[tilespmem:$0x1C400] =	vst v63  }
0x3f: {  	_ = 	snop  }
0x40: {  	[spmem:s1] =	stream.indirect.scatter.add.f32 [tilespmem:s13], [sflag:$0x1], $0x80, s24, s17, $0xb8;
	[tilespmem:$0x1C400] =	vst v63  }
0x41: {  	_ = 	snop  }
0x42: {  	[spmem:s1] =	stream.indirect.scatter.add.f32 [tilespmem:s11], [sflag:$0x1], $0x80, s25, s17, $0xb8;
	[tilespmem:$0x1C400] =	vst v63  }
0x43: {  	_ = 	snop  }
0x44: {  	[spmem:s1] =	stream.indirect.scatter.add.f32 [tilespmem:s13], [sflag:$0x1], $0x80, s26, s17, $0xb8;
	[tilespmem:$0x1C400] =	vst v63  }
0x45: {  	_ = 	snop  }
0x46: {  	[spmem:s1] =	stream.indirect.scatter.add.f32 [tilespmem:s11], [sflag:$0x1], $0x80, s28, s17, $0xb8;
	[tilespmem:$0x1C400] =	vst v63  }
0x47: {  	_ = 	snop  }
0x48: {  	[spmem:s1] =	stream.indirect.scatter.add.f32 [tilespmem:s13], [sflag:$0x1], $0x80, s29, s17, $0xb8;
	[tilespmem:$0x1C400] =	vst v63  }
0x49: {  	_ = 	snop  }
0x4a: {  	[spmem:s1] =	stream.indirect.scatter.add.f32 [tilespmem:s11], [sflag:$0x1], $0x80, s30, s17, $0xb8;
	[tilespmem:$0x1C400] =	vst v63  }
0x4b: {  	_ = 	snop  }
0x4c: {  	[spmem:s1] =	stream.indirect.scatter.add.f32 [tilespmem:s13], [sflag:$0x1], $0x80, s31, s17, $0xb8;
	[tilespmem:$0x1C400] =	vst v63  }
0x4d: {  	_ =	swait.ge [sflag:s0], $0x4000  }
0x4e: {  	[sflag:s0] =	ssyncset.done $0x0  }
0x4f: {  	[sflag:s0] =	ssyncadd.s32 $0xFFFFC000  }
0x50: {  	_ =	swait.ge [sflag:s0], $0x4000  }
0x51: {  	[sflag:s0] =	ssyncset.done $0x0  }
0x52: {  	[sflag:s0] =	ssyncadd.s32 $0xFFFFC000  }
0x53: {  	_ =	swait.ge [sflag:s0], $0x4000  }
0x54: {  	[sflag:s0] =	ssyncset.done $0x0  }
0x55: {  	[sflag:s0] =	ssyncadd.s32 $0xFFFFC000  }
0x56: {  	_ =	swait.ge [sflag:s0], $0x4000  }
0x57: {  	[sflag:s0] =	ssyncset.done $0x0  }
0x58: {  	[sflag:s0] =	ssyncadd.s32 $0xFFFFC000  }
0x59: {  	_ =	swait.ge [sflag:s0], $0x4000  }
0x5a: {  	[sflag:s0] =	ssyncset.done $0x0  }
0x5b: {  	[sflag:s0] =	ssyncadd.s32 $0xFFFFC000  }
0x5c: {  	_ =	swait.ge [sflag:s0], $0x4000  }
0x5d: {  	[sflag:s0] =	ssyncset.done $0x0  }
0x5e: {  	[sflag:s0] =	ssyncadd.s32 $0xFFFFC000  }
0x5f: {  	_ =	swait.ge [sflag:s0], $0x4000  }
0x60: {  	[sflag:s0] =	ssyncset.done $0x0  }
0x61: {  	[sflag:s0] =	ssyncadd.s32 $0xFFFFC000  }
0x62: {  	_ =	swait.ge [sflag:s0], $0x4000  }
0x63: {  	[sflag:s0] =	ssyncset.done $0x0  }
0x64: {  	[sflag:s0] =	ssyncadd.s32 $0xFFFFC000  }
0x65: {  	_ =	swait.ge [sflag:s0], $0x4000  }
0x66: {  	[sflag:s0] =	ssyncset.done $0x0  }
0x67: {  	[sflag:s0] =	ssyncadd.s32 $0xFFFFC000  }
0x68: {  	_ =	swait.ge [sflag:s0], $0x4000  }
0x69: {  	[sflag:s0] =	ssyncset.done $0x0  }
0x6a: {  	[sflag:s0] =	ssyncadd.s32 $0xFFFFC000  }
0x6b: {  	_ =	swait.ge [sflag:s0], $0x4000  }
0x6c: {  	[sflag:s0] =	ssyncset.done $0x0  }
0x6d: {  	[sflag:s0] =	ssyncadd.s32 $0xFFFFC000  }
0x6e: {  	_ =	swait.ge [sflag:s0], $0x4000  }
0x6f: {  	[sflag:s0] =	ssyncset.done $0x0  }
0x70: {  	[sflag:s0] =	ssyncadd.s32 $0xFFFFC000  }
0x71: {  	_ =	swait.ge [sflag:s0], $0x4000  }
0x72: {  	[sflag:s0] =	ssyncset.done $0x0  }
0x73: {  	[sflag:s0] =	ssyncadd.s32 $0xFFFFC000  }
0x74: {  	_ =	swait.ge [sflag:s0], $0x4000  }
0x75: {  	[sflag:s0] =	ssyncset.done $0x0  }
0x76: {  	[sflag:s0] =	ssyncadd.s32 $0xFFFFC000  }
0x77: {  	_ =	swait.ge [sflag:s0], $0x4000  }
0x78: {  	[sflag:s0] =	ssyncset.done $0x0  }
0x79: {  	[sflag:s0] =	ssyncadd.s32 $0xFFFFC000  }
0x7a: {  	_ =	swait.ge [sflag:s0], $0x4000  }
0x7b: {  	s4 =	simm.s32 $0x80;
	s5 =	simm.s32 $0x100;
	[sflag:s0] =	ssyncset.done $0x0  }
.LBB2_2:
0x7c: {  	s7 =	sadd.s32 s4, s10  }
0x7d: {  	[sflag:s0] =	ssyncadd.s32 $0xFFFFC000;
	s8 =	smov.u32 s5;
	s6 =	sadd.s32 $0x80, s5  }
0x7e: {  	[tilespmem:s3], [sflag:$0x2] =	stream.linear.gather [hbm4b:s7+s3], $0x400, $0x38;
	[tilespmem:$0x1C400] =	vst v63  }
0x7f: {  	p0 =	sne.s32 s5, $0x480;
	_ =	swait.ge [sflag:s12], $0x400  }
0x80: {  	[sflag:s12] =	ssyncset.done $0x0  }
0x81: {  	s5 =	sadd.s32 s4, s9;
	s4 =	smov.u32 s8;
	[sflag:s12] =	ssyncadd.s32 $0xFFFFFC00  }
0x82: {  	[tilespmem:s16], [sflag:$0x2] =	stream.linear.gather [hbm4b:s5+s3], $0x400, $0x38;
	[tilespmem:$0x1C400] =	vst v63  }
0x83: {  	_ =	swait.ge [sflag:s12], $0x400  }
0x84: {  	[sflag:s12] =	ssyncset.done $0x0  }
0x85: {  	[sflag:s12] =	ssyncadd.s32 $0xFFFFFC00  }
0x86: {  	[spmem:s1] =	stream.indirect.scatter.add.f32 [tilespmem:s11], [sflag:$0x1], $0x80, s3, s17, $0xb8;
	[tilespmem:$0x1C400] =	vst v63  }
0x87: {  	_ = 	snop  }
0x88: {  	[spmem:s1] =	stream.indirect.scatter.add.f32 [tilespmem:s13], [sflag:$0x1], $0x80, s16, s17, $0xb8;
	[tilespmem:$0x1C400] =	vst v63  }
0x89: {  	_ = 	snop  }
0x8a: {  	[spmem:s1] =	stream.indirect.scatter.add.f32 [tilespmem:s11], [sflag:$0x1], $0x80, s17, s17, $0xb8;
	[tilespmem:$0x1C400] =	vst v63  }
0x8b: {  	_ = 	snop  }
0x8c: {  	[spmem:s1] =	stream.indirect.scatter.add.f32 [tilespmem:s13], [sflag:$0x1], $0x80, s18, s17, $0xb8;
	[tilespmem:$0x1C400] =	vst v63  }
0x8d: {  	_ = 	snop  }
0x8e: {  	[spmem:s1] =	stream.indirect.scatter.add.f32 [tilespmem:s11], [sflag:$0x1], $0x80, s19, s17, $0xb8;
	[tilespmem:$0x1C400] =	vst v63  }
0x8f: {  	_ = 	snop  }
0x90: {  	[spmem:s1] =	stream.indirect.scatter.add.f32 [tilespmem:s13], [sflag:$0x1], $0x80, s20, s17, $0xb8;
	[tilespmem:$0x1C400] =	vst v63  }
0x91: {  	_ = 	snop  }
0x92: {  	[spmem:s1] =	stream.indirect.scatter.add.f32 [tilespmem:s11], [sflag:$0x1], $0x80, s21, s17, $0xb8;
	[tilespmem:$0x1C400] =	vst v63  }
0x93: {  	_ = 	snop  }
0x94: {  	[spmem:s1] =	stream.indirect.scatter.add.f32 [tilespmem:s13], [sflag:$0x1], $0x80, s22, s17, $0xb8;
	[tilespmem:$0x1C400] =	vst v63  }
0x95: {  	_ = 	snop  }
0x96: {  	[spmem:s1] =	stream.indirect.scatter.add.f32 [tilespmem:s11], [sflag:$0x1], $0x80, s23, s17, $0xb8;
	[tilespmem:$0x1C400] =	vst v63  }
0x97: {  	_ = 	snop  }
0x98: {  	[spmem:s1] =	stream.indirect.scatter.add.f32 [tilespmem:s13], [sflag:$0x1], $0x80, s24, s17, $0xb8;
	[tilespmem:$0x1C400] =	vst v63  }
0x99: {  	_ = 	snop  }
0x9a: {  	[spmem:s1] =	stream.indirect.scatter.add.f32 [tilespmem:s11], [sflag:$0x1], $0x80, s25, s17, $0xb8;
	[tilespmem:$0x1C400] =	vst v63  }
0x9b: {  	_ = 	snop  }
0x9c: {  	[spmem:s1] =	stream.indirect.scatter.add.f32 [tilespmem:s13], [sflag:$0x1], $0x80, s26, s17, $0xb8;
	[tilespmem:$0x1C400] =	vst v63  }
0x9d: {  	_ = 	snop  }
0x9e: {  	[spmem:s1] =	stream.indirect.scatter.add.f32 [tilespmem:s11], [sflag:$0x1], $0x80, s28, s17, $0xb8;
	[tilespmem:$0x1C400] =	vst v63  }
0x9f: {  	_ = 	snop  }
0xa0: {  	[spmem:s1] =	stream.indirect.scatter.add.f32 [tilespmem:s13], [sflag:$0x1], $0x80, s29, s17, $0xb8;
	[tilespmem:$0x1C400] =	vst v63  }
0xa1: {  	_ = 	snop  }
0xa2: {  	[spmem:s1] =	stream.indirect.scatter.add.f32 [tilespmem:s11], [sflag:$0x1], $0x80, s30, s17, $0xb8;
	[tilespmem:$0x1C400] =	vst v63  }
0xa3: {  	_ = 	snop  }
0xa4: {  	[spmem:s1] =	stream.indirect.scatter.add.f32 [tilespmem:s13], [sflag:$0x1], $0x80, s31, s17, $0xb8;
	[tilespmem:$0x1C400] =	vst v63  }
0xa5: {  	_ =	swait.ge [sflag:s0], $0x4000  }
0xa6: {  	[sflag:s0] =	ssyncset.done $0x0  }
0xa7: {  	[sflag:s0] =	ssyncadd.s32 $0xFFFFC000  }
0xa8: {  	_ =	swait.ge [sflag:s0], $0x4000  }
0xa9: {  	[sflag:s0] =	ssyncset.done $0x0  }
0xaa: {  	[sflag:s0] =	ssyncadd.s32 $0xFFFFC000  }
0xab: {  	_ =	swait.ge [sflag:s0], $0x4000  }
0xac: {  	[sflag:s0] =	ssyncset.done $0x0  }
0xad: {  	[sflag:s0] =	ssyncadd.s32 $0xFFFFC000  }
0xae: {  	_ =	swait.ge [sflag:s0], $0x4000  }
0xaf: {  	[sflag:s0] =	ssyncset.done $0x0  }
0xb0: {  	[sflag:s0] =	ssyncadd.s32 $0xFFFFC000  }
0xb1: {  	_ =	swait.ge [sflag:s0], $0x4000  }
0xb2: {  	[sflag:s0] =	ssyncset.done $0x0  }
0xb3: {  	[sflag:s0] =	ssyncadd.s32 $0xFFFFC000  }
0xb4: {  	_ =	swait.ge [sflag:s0], $0x4000  }
0xb5: {  	[sflag:s0] =	ssyncset.done $0x0  }
0xb6: {  	[sflag:s0] =	ssyncadd.s32 $0xFFFFC000  }
0xb7: {  	_ =	swait.ge [sflag:s0], $0x4000  }
0xb8: {  	[sflag:s0] =	ssyncset.done $0x0  }
0xb9: {  	[sflag:s0] =	ssyncadd.s32 $0xFFFFC000  }
0xba: {  	_ =	swait.ge [sflag:s0], $0x4000  }
0xbb: {  	[sflag:s0] =	ssyncset.done $0x0  }
0xbc: {  	[sflag:s0] =	ssyncadd.s32 $0xFFFFC000  }
0xbd: {  	_ =	swait.ge [sflag:s0], $0x4000  }
0xbe: {  	[sflag:s0] =	ssyncset.done $0x0  }
0xbf: {  	[sflag:s0] =	ssyncadd.s32 $0xFFFFC000  }
0xc0: {  	_ =	swait.ge [sflag:s0], $0x4000  }
0xc1: {  	[sflag:s0] =	ssyncset.done $0x0  }
0xc2: {  	[sflag:s0] =	ssyncadd.s32 $0xFFFFC000  }
0xc3: {  	_ =	swait.ge [sflag:s0], $0x4000  }
0xc4: {  	[sflag:s0] =	ssyncset.done $0x0  }
0xc5: {  	[sflag:s0] =	ssyncadd.s32 $0xFFFFC000  }
0xc6: {  	_ =	swait.ge [sflag:s0], $0x4000  }
0xc7: {  	[sflag:s0] =	ssyncset.done $0x0  }
0xc8: {  	[sflag:s0] =	ssyncadd.s32 $0xFFFFC000  }
0xc9: {  	_ =	swait.ge [sflag:s0], $0x4000  }
0xca: {  	[sflag:s0] =	ssyncset.done $0x0  }
0xcb: {  	[sflag:s0] =	ssyncadd.s32 $0xFFFFC000  }
0xcc: {  	_ =	swait.ge [sflag:s0], $0x4000  }
0xcd: {  	[sflag:s0] =	ssyncset.done $0x0  }
0xce: {  	[sflag:s0] =	ssyncadd.s32 $0xFFFFC000  }
.Ltmp0:
0xcf: {  	_ =	swait.ge [sflag:s0], $0x4000;
	(pc) =	sbr.rel @p0 .LBB2_2-.Ltmp0, $4  }
0xd0: {  	[sflag:s0] =	ssyncset.done $0x0  }
0xd1: {  	[sflag:s0] =	ssyncadd.s32 $0xFFFFC000  }
0xd2: {  	_ =	swait.ge [sflag:s0], $0x4000  }
0xd3: {  	s5 =	smov.u32 s6;
	[sflag:s0] =	ssyncset.done $0x0  }
0xd4: {  	s5 =	sadd.s32 s4, s10;
	[sflag:s0] =	ssyncadd.s32 $0xFFFFC000  }
0xd5: {  	[tilespmem:s3], [sflag:$0x2] =	stream.linear.gather [hbm4b:s5+s3], $0x400, $0x38;
	[tilespmem:$0x1C400] =	vst v63  }
0xd6: {  	_ =	swait.ge [sflag:s12], $0x400  }
0xd7: {  	[sflag:s12] =	ssyncset.done $0x0  }
0xd8: {  	s6 =	sadd.s32 s4, s9;
	[sflag:s12] =	ssyncadd.s32 $0xFFFFFC00  }
0xd9: {  	[tilespmem:s16], [sflag:$0x2] =	stream.linear.gather [hbm4b:s6+s3], $0x400, $0x38;
	[tilespmem:$0x1C400] =	vst v63  }
0xda: {  	_ =	swait.ge [sflag:s12], $0x400  }
0xdb: {  	[sflag:s12] =	ssyncset.done $0x0  }
0xdc: {  	[sflag:s12] =	ssyncadd.s32 $0xFFFFFC00  }
0xdd: {  	[spmem:s1] =	stream.indirect.scatter.add.f32 [tilespmem:s11], [sflag:$0x1], $0x80, s3, s17, $0xb8;
	[tilespmem:$0x1C400] =	vst v63  }
0xde: {  	_ = 	snop  }
0xdf: {  	[spmem:s1] =	stream.indirect.scatter.add.f32 [tilespmem:s13], [sflag:$0x1], $0x80, s16, s17, $0xb8;
	[tilespmem:$0x1C400] =	vst v63  }
0xe0: {  	_ = 	snop  }
0xe1: {  	[spmem:s1] =	stream.indirect.scatter.add.f32 [tilespmem:s11], [sflag:$0x1], $0x80, s17, s17, $0xb8;
	[tilespmem:$0x1C400] =	vst v63  }
0xe2: {  	_ = 	snop  }
0xe3: {  	[spmem:s1] =	stream.indirect.scatter.add.f32 [tilespmem:s13], [sflag:$0x1], $0x80, s18, s17, $0xb8;
	[tilespmem:$0x1C400] =	vst v63  }
0xe4: {  	_ = 	snop  }
0xe5: {  	[spmem:s1] =	stream.indirect.scatter.add.f32 [tilespmem:s11], [sflag:$0x1], $0x80, s19, s17, $0xb8;
	[tilespmem:$0x1C400] =	vst v63  }
0xe6: {  	_ = 	snop  }
0xe7: {  	[spmem:s1] =	stream.indirect.scatter.add.f32 [tilespmem:s13], [sflag:$0x1], $0x80, s20, s17, $0xb8;
	[tilespmem:$0x1C400] =	vst v63  }
0xe8: {  	_ = 	snop  }
0xe9: {  	[spmem:s1] =	stream.indirect.scatter.add.f32 [tilespmem:s11], [sflag:$0x1], $0x80, s21, s17, $0xb8;
	[tilespmem:$0x1C400] =	vst v63  }
0xea: {  	_ = 	snop  }
0xeb: {  	[spmem:s1] =	stream.indirect.scatter.add.f32 [tilespmem:s13], [sflag:$0x1], $0x80, s22, s17, $0xb8;
	[tilespmem:$0x1C400] =	vst v63  }
0xec: {  	_ = 	snop  }
0xed: {  	[spmem:s1] =	stream.indirect.scatter.add.f32 [tilespmem:s11], [sflag:$0x1], $0x80, s23, s17, $0xb8;
	[tilespmem:$0x1C400] =	vst v63  }
0xee: {  	_ = 	snop  }
0xef: {  	[spmem:s1] =	stream.indirect.scatter.add.f32 [tilespmem:s13], [sflag:$0x1], $0x80, s24, s17, $0xb8;
	[tilespmem:$0x1C400] =	vst v63  }
0xf0: {  	_ = 	snop  }
0xf1: {  	[spmem:s1] =	stream.indirect.scatter.add.f32 [tilespmem:s11], [sflag:$0x1], $0x80, s25, s17, $0xb8;
	[tilespmem:$0x1C400] =	vst v63  }
0xf2: {  	_ = 	snop  }
0xf3: {  	[spmem:s1] =	stream.indirect.scatter.add.f32 [tilespmem:s13], [sflag:$0x1], $0x80, s26, s17, $0xb8;
	[tilespmem:$0x1C400] =	vst v63  }
0xf4: {  	_ = 	snop  }
0xf5: {  	[spmem:s1] =	stream.indirect.scatter.add.f32 [tilespmem:s11], [sflag:$0x1], $0x80, s28, s17, $0xb8;
	[tilespmem:$0x1C400] =	vst v63  }
0xf6: {  	_ = 	snop  }
0xf7: {  	[spmem:s1] =	stream.indirect.scatter.add.f32 [tilespmem:s13], [sflag:$0x1], $0x80, s29, s17, $0xb8;
	[tilespmem:$0x1C400] =	vst v63  }
0xf8: {  	_ = 	snop  }
0xf9: {  	[spmem:s1] =	stream.indirect.scatter.add.f32 [tilespmem:s11], [sflag:$0x1], $0x80, s30, s17, $0xb8;
	[tilespmem:$0x1C400] =	vst v63  }
0xfa: {  	_ = 	snop  }
0xfb: {  	[spmem:s1] =	stream.indirect.scatter.add.f32 [tilespmem:s13], [sflag:$0x1], $0x80, s31, s17, $0xb8;
	[tilespmem:$0x1C400] =	vst v63  }
0xfc: {  	_ =	swait.ge [sflag:s0], $0x4000  }
0xfd: {  	[sflag:s0] =	ssyncset.done $0x0  }
0xfe: {  	[sflag:s0] =	ssyncadd.s32 $0xFFFFC000  }
0xff: {  	_ =	swait.ge [sflag:s0], $0x4000  }
0x100: {  	[sflag:s0] =	ssyncset.done $0x0  }
0x101: {  	[sflag:s0] =	ssyncadd.s32 $0xFFFFC000  }
0x102: {  	_ =	swait.ge [sflag:s0], $0x4000  }
0x103: {  	[sflag:s0] =	ssyncset.done $0x0  }
0x104: {  	[sflag:s0] =	ssyncadd.s32 $0xFFFFC000  }
0x105: {  	_ =	swait.ge [sflag:s0], $0x4000  }
0x106: {  	[sflag:s0] =	ssyncset.done $0x0  }
0x107: {  	[sflag:s0] =	ssyncadd.s32 $0xFFFFC000  }
0x108: {  	_ =	swait.ge [sflag:s0], $0x4000  }
0x109: {  	[sflag:s0] =	ssyncset.done $0x0  }
0x10a: {  	[sflag:s0] =	ssyncadd.s32 $0xFFFFC000  }
0x10b: {  	_ =	swait.ge [sflag:s0], $0x4000  }
0x10c: {  	[sflag:s0] =	ssyncset.done $0x0  }
0x10d: {  	[sflag:s0] =	ssyncadd.s32 $0xFFFFC000  }
0x10e: {  	_ =	swait.ge [sflag:s0], $0x4000  }
0x10f: {  	[sflag:s0] =	ssyncset.done $0x0  }
0x110: {  	[sflag:s0] =	ssyncadd.s32 $0xFFFFC000  }
0x111: {  	_ =	swait.ge [sflag:s0], $0x4000  }
0x112: {  	[sflag:s0] =	ssyncset.done $0x0  }
0x113: {  	[sflag:s0] =	ssyncadd.s32 $0xFFFFC000  }
0x114: {  	_ =	swait.ge [sflag:s0], $0x4000  }
0x115: {  	[sflag:s0] =	ssyncset.done $0x0  }
0x116: {  	[sflag:s0] =	ssyncadd.s32 $0xFFFFC000  }
0x117: {  	_ =	swait.ge [sflag:s0], $0x4000  }
0x118: {  	[sflag:s0] =	ssyncset.done $0x0  }
0x119: {  	[sflag:s0] =	ssyncadd.s32 $0xFFFFC000  }
0x11a: {  	_ =	swait.ge [sflag:s0], $0x4000  }
0x11b: {  	[sflag:s0] =	ssyncset.done $0x0  }
0x11c: {  	[sflag:s0] =	ssyncadd.s32 $0xFFFFC000  }
0x11d: {  	_ =	swait.ge [sflag:s0], $0x4000  }
0x11e: {  	[sflag:s0] =	ssyncset.done $0x0  }
0x11f: {  	[sflag:s0] =	ssyncadd.s32 $0xFFFFC000  }
0x120: {  	_ =	swait.ge [sflag:s0], $0x4000  }
0x121: {  	[sflag:s0] =	ssyncset.done $0x0  }
0x122: {  	[sflag:s0] =	ssyncadd.s32 $0xFFFFC000  }
0x123: {  	_ =	swait.ge [sflag:s0], $0x4000  }
0x124: {  	[sflag:s0] =	ssyncset.done $0x0  }
0x125: {  	[sflag:s0] =	ssyncadd.s32 $0xFFFFC000  }
0x126: {  	_ =	swait.ge [sflag:s0], $0x4000  }
0x127: {  	[sflag:s0] =	ssyncset.done $0x0  }
0x128: {  	[sflag:s0] =	ssyncadd.s32 $0xFFFFC000  }
0x129: {  	_ =	swait.ge [sflag:s0], $0x4000  }
0x12a: {  	[sflag:s0] =	ssyncset.done $0x0  }
0x12b: {  	[sflag:s0] =	ssyncadd.s32 $0xFFFFC000  }
0x12c: {  	[bflag:$0x0] =	sbarrier.arrive $0xFFFF  }
0x12d: {  	s7 =	rddreg [dreg:$0x7]  }
0x12e: {  	[hbm:s7], [sflag:s14] =	dma.local [spmem:s15], $0x2780  }
0x12f: {  	_ =	swait.ge [sflag:s12], $0x2780  }
0x130: {  	s2 =	sadd.s32 $0x1, s2;
	s8 =	rddreg [dreg:$0x8]  }
0x131: {  	p0 =	sne.s32 s2, s8  }
.Ltmp1:
0x132: {  	_ = 	snop;
	(pc) =	sbr.rel @p0 .LBB2_1-.Ltmp1, $3  }
0x133: {  	_ =	sdelay $0x1  }
0x134: {  	[sflag:s12] =	ssyncset.done $0x0  }
0x135: {  	[sflag:s12] =	ssyncadd.s32 $0xFFFFD880  }
0x136: {  	_ =	sfence.sel $0x180000  }
0x137: {  	[bflag:$0x0] =	sbarrier.arrive $0xFFFF  }
0x138: {  	_ =	strace $0x90000047  }
0x139: {  	s0 =	stileid.u32;
	[bflag:$0x2] =	sbarrier.arrive $0xFFFF  }
0x13a: {  	p0 =	sne.s32 s0, $0x0;
	s0 =	rddreg [dreg:$0x3]  }
0x13b: {  	s0 =	sadd.s32 @!p0 $0x100000, s0  }
0x13c: {  	[sflag:s0] =	ssyncadd.tile.s32 @!p0 $0x1;
	_ =	shalt  }
.Lfunc_end2:
_tile_overlayer_lowered:
.L_overlay_start_2:
0x13d: {  	(tag) =	ssettag $0x2  }
0x13e: {  	s0 =	rddreg [dreg:$0x0];
	s2 =	stileid.u32  }
0x13f: {  	s1 =	rddreg [dreg:$0x1];
	p0 =	sne.s32 s2, $0x0  }
0x140: {  	s3 =	rddreg [dreg:$0x2];
	[bflag:$0x3] =	sbarrier.arrive $0xFFFF;
	s2 =	simm.s32 @!p0 $0x1C02  }
0x141: {  	[timem:s3], [sflag:s2] =	dma.local @!p0 [hbm:s0], s1  }
0x142: {  	s0 =	simm.s32 @!p0 $0x2  }
0x143: {  	_ =	swait.ge @!p0 [sflag:s0], s1  }
0x144: {  	s1 =	ssub.s32 @!p0 $0x0, s1;
	[sflag:s0] =	ssyncset.done @!p0 $0x0  }
0x145: {  	[sflag:s0] =	ssyncadd.s32 @!p0 s1  }
0x146: {  	[bflag:$0x3] =	sbarrier.arrive $0xFFFF  }
0x147: {  	_ =	shalt  }

// kernel: kernel.13.cloned.1.call-start
scs
__scs_entry_jumppad:
0x0: {  	(pc) =	sbr.rel $0x88, $3  }
0x1: {  	(tag) =	ssettag $0x0;
	lr =	simm.s32 $0x1  }
0x2: {  	[smem:$0x3F99] =	sst lr;
	_ =	strace $0xD0000000  }
0x3: {  	_ = 	snop  }
0x4: {  	_ = 	snop  }
0x5: {  	_ = 	snop  }
0x6: {  	_ = 	snop  }
0x7: {  	_ = 	snop  }
__scs_overlays_trampoline_lowered:
0x8: {  	[smem:$0x3FA8] =	sst s0  }
0x9: {  	[smem:$0x3FA9] =	sst s1  }
0xa: {  	[smem:$0x3FAA] =	sst s2  }
0xb: {  	[smem:$0x3FAB] =	sst s3  }
0xc: {  	[smem:$0x3FAC] =	sst s4  }
0xd: {  	[smem:$0x3FAD] =	sst s5  }
0xe: {  	[smem:$0x3FAE] =	sst s6  }
0xf: {  	[smem:$0x3FAF] =	sst s7  }
0x10: {  	[smem:$0x3FB0] =	sst s8  }
0x11: {  	[smem:$0x3FB1] =	sst s9;
	s0 =	simm.s32 @!p0 $0x0  }
0x12: {  	s1 =	sld [smem:$0x3F97];
	s0 =	simm.s32 @p0 $0x1  }
0x13: {  	[smem:$0x3FB2] =	sst s0;
	s0 =	simm.s32 @!p1 $0x0  }
0x14: {  	s2 =	sld [smem:$0x3F96];
	s0 =	simm.s32 @p1 $0x1  }
0x15: {  	[smem:$0x3FB3] =	sst s0;
	s0 =	simm.s32 @!p2 $0x0  }
0x16: {  	s3 =	sld [smem:$0x3FDB];
	s0 =	simm.s32 @p2 $0x1  }
0x17: {  	s4 =	simm.s32 $0x1BF5;
	[smem:$0x3FB5] =	sst s0  }
0x18: {  	s0 =	sld [smem:$0x3F98];
	_ =	swait.ge [sflag:s4], $0x0  }
0x19: {  	s7 =	sld [smem:$0x3F99]  }
0x1a: {  	s8 =	sadd.s32 $0xFFFFE003, lr  }
0x1b: {  	s9 =	sadd.s32 $0xFFFFFEF7, lr;
	s5 =	simm.s32 $0xFFFFFFFF;
	p2 =	slt.u32 s8, $0xFFFFF086  }
0x1c: {  	p1 =	slt.u32 s9, $0xF7A;
	s5 =	simm.s32 @!p2 $0x0  }
0x1d: {  	s5 =	simm.s32 @p1 $0x1;
	p0 =	seq.s32 s7, s2  }
0x1e: {  	s7 =	smul.u32 @!p0 $0xF7A, s2;
	p2 =	seq.s32 @!p0 s5, $0x0  }
0x1f: {  	s9 =	smul.u32 $0xF7A, s1;
	s8 =	simm.s32 @!p0 $0x1BF5;
	p2 =	por !p2, p0  }
0x20: {  	[sflag:s8] =	ssyncset.s32 @!p0 $0xFFFFF086;
	s6 =	sadd.s32 @!p0 s3, s7;
	s7 =	simm.s32 @!p0 $0x108  }
0x21: {  	s3 =	sadd.s32 s3, s9;
	s6 =	sadd.s32 @!p0 $0x88, s6;
	s7 =	simm.s32 @p2 $0x1082  }
0x22: {  	[simem:s7], [sflag:s8] =	dma.local @!p0 [hbm:s6], $0xF7A  }
0x23: {  	s9 =	sor.u32 $0xD0000000, s2;
	s6 =	simm.s32 $0x108;
	_ =	swait.ge @!p0 [sflag:s8], $0x0  }
0x24: {  	s3 =	sadd.s32 $0x88, s3;
	s6 =	simm.s32 @!p1 $0x1082;
	[sflag:s4] =	ssyncset.s32 $0xFFFFF086  }
0x25: {  	[simem:s6], [sflag:s4] =	dma.local [hbm:s3], $0xF7A  }
0x26: {  	[smem:$0x3F99] =	sst s1;
	(tag) =	ssettag s2;
	_ =	strace s9  }
0x27: {  	s1 =	sld [smem:$0x3FA9]  }
0x28: {  	s2 =	sld [smem:$0x3FAA]  }
0x29: {  	s4 =	sld [smem:$0x3FAC]  }
0x2a: {  	p0 =	seq.s32 s5, $0x0;
	s5 =	sld [smem:$0x3FAD]  }
0x2b: {  	s6 =	sld [smem:$0x3FAE]  }
0x2c: {  	s7 =	sld [smem:$0x3FAF]  }
0x2d: {  	s3 =	simm.s32 $0x108;
	s8 =	sld [smem:$0x3FB0]  }
0x2e: {  	s3 =	simm.s32 @!p0 $0x1082;
	s9 =	sld [smem:$0x3FB1]  }
0x2f: {  	lr =	sadd.s32 s0, s3;
	s0 =	sld [smem:$0x3FA8]  }
0x30: {  	s3 =	sld [smem:$0x3FAB]  }
0x31: {  	[smem:$0x3FB4] =	sst s10  }
0x32: {  	s10 =	sld [smem:$0x3FB2];
	_ =	sdelay $0x3  }
0x33: {  	p0 =	seq.s32 s10, $0x1;
	s10 =	sld [smem:$0x3FB4];
	_ =	sdelay $0x3  }
0x34: {  	[smem:$0x3FB4] =	sst s10  }
0x35: {  	s10 =	sld [smem:$0x3FB3];
	_ =	sdelay $0x3  }
0x36: {  	p1 =	seq.s32 s10, $0x1;
	s10 =	sld [smem:$0x3FB4];
	_ =	sdelay $0x3  }
0x37: {  	[smem:$0x3FB4] =	sst s10  }
0x38: {  	s10 =	sld [smem:$0x3FB5]  }
0x39: {  	_ = 	snop;
	(pc) =	sbr.ind lr, $3  }
0x3a: {  	_ = 	snop  }
0x3b: {  	_ = 	snop  }
0x3c: {  	p2 =	seq.s32 s10, $0x1;
	s10 =	sld [smem:$0x3FB4]  }
0x3d: {  	_ =	shalt  }
0x3e: {  	_ =	shalt  }
0x3f: {  	_ =	shalt  }
0x40: {  	_ =	shalt  }
0x41: {  	_ =	shalt  }
0x42: {  	_ =	shalt  }
0x43: {  	_ =	shalt  }
0x44: {  	_ =	shalt  }
0x45: {  	_ =	shalt  }
0x46: {  	_ =	shalt  }
0x47: {  	_ =	shalt  }
0x48: {  	_ =	shalt  }
0x49: {  	_ =	shalt  }
0x4a: {  	_ =	shalt  }
0x4b: {  	_ =	shalt  }
0x4c: {  	_ =	shalt  }
0x4d: {  	_ =	shalt  }
0x4e: {  	_ =	shalt  }
0x4f: {  	_ =	shalt  }
0x50: {  	_ =	shalt  }
0x51: {  	_ =	shalt  }
0x52: {  	_ =	shalt  }
0x53: {  	_ =	shalt  }
0x54: {  	_ =	shalt  }
0x55: {  	_ =	shalt  }
0x56: {  	_ =	shalt  }
0x57: {  	_ =	shalt  }
0x58: {  	_ =	shalt  }
0x59: {  	_ =	shalt  }
0x5a: {  	_ =	shalt  }
0x5b: {  	_ =	shalt  }
0x5c: {  	_ =	shalt  }
0x5d: {  	_ =	shalt  }
0x5e: {  	_ =	shalt  }
0x5f: {  	_ =	shalt  }
0x60: {  	_ =	shalt  }
0x61: {  	_ =	shalt  }
0x62: {  	_ =	shalt  }
0x63: {  	_ =	shalt  }
0x64: {  	_ =	shalt  }
0x65: {  	_ =	shalt  }
0x66: {  	_ =	shalt  }
0x67: {  	_ =	shalt  }
0x68: {  	_ =	shalt  }
0x69: {  	_ =	shalt  }
0x6a: {  	_ =	shalt  }
0x6b: {  	_ =	shalt  }
0x6c: {  	_ =	shalt  }
0x6d: {  	_ =	shalt  }
0x6e: {  	_ =	shalt  }
0x6f: {  	_ =	shalt  }
0x70: {  	_ =	shalt  }
0x71: {  	_ =	shalt  }
0x72: {  	_ =	shalt  }
0x73: {  	_ =	shalt  }
0x74: {  	_ =	shalt  }
0x75: {  	_ =	shalt  }
0x76: {  	_ =	shalt  }
0x77: {  	_ =	shalt  }
0x78: {  	_ =	shalt  }
0x79: {  	_ =	shalt  }
0x7a: {  	_ =	shalt  }
0x7b: {  	_ =	shalt  }
0x7c: {  	_ =	shalt  }
0x7d: {  	_ =	shalt  }
0x7e: {  	_ =	shalt  }
0x7f: {  	_ =	shalt  }
0x80: {  	_ =	shalt  }
0x81: {  	_ =	shalt  }
0x82: {  	_ =	shalt  }
0x83: {  	_ =	shalt  }
0x84: {  	_ =	shalt  }
0x85: {  	_ =	shalt  }
0x86: {  	_ =	shalt  }
0x87: {  	_ =	shalt  }
.Lfunc_end0:
.L_simem_size_0:
called_computation.1_lowered:
.L_overlay_start_0:
0x88: {  	s2 =	sld [smem:$0x3FD9]  }
0x89: {  	s3 =	sld [smem:$0x3FFE];
	_ =	sdelay $0x1  }
0x8a: {  	s1 =	srdreg.scid  }
0x8b: {  	s0 =	sand.u32 $0x1, s1  }
0x8c: {  	s17 =	sshll.u32 s0, $0xA;
	s2 =	sadd.s32 s3, s2  }
0x8d: {  	s2 =	sadd.s32 s2, s17  }
0x8e: {  	[smem:$0x3FC0] =	sst s2  }
0x8f: {  	_ = 	snop  }
0x90: {  	s2 =	sld [smem:$0x3FD0];
	(tm) =	ssettm $0x1  }
0x91: {  	s18 =	sld [smem:$0x3FFB];
	_ =	sdelay $0x3  }
0x92: {  	_ =	strace s18  }
0x93: {  	s3 =	sld [smem:$0x3FFC];
	_ =	sdelay $0x3  }
0x94: {  	_ =	strace s3  }
0x95: {  	s3 =	sld [smem:$0x3FFD];
	_ =	sdelay $0x3  }
0x96: {  	_ =	strace s3  }
0x97: {  	_ =	strace $0x8FFFFFFF  }
0x98: {  	s19 =	sld [smem:$0x3FDB];
	_ =	sdelay $0x1  }
0x99: {  	s4 =	simm.s32 $_scs_section_size  }
0x9a: {  	s5 =	simm.s32 $_size__tile_overlayer_lowered;
	s6 =	simm.s32 $_tile_overlayer_lowered  }
0x9b: {  	s22 =	simm.s32 $0x1BFF;
	s21 =	sshll.u32 s6, $0x1;
	s3 =	sadd.s32 s4, s19  }
0x9c: {  	s7 =	simm.s32 $0x0;
	s20 =	sshll.u32 s5, $0x1;
	s5 =	sadd.s32 s21, s3  }
0x9d: {  	[timem:s7], [sflag:s22] =	dma.local [hbm:s5], s20  }
0x9e: {  	_ =	swait.ge [sflag:s22], s20  }
0x9f: {  	s4 =	ssub.s32 $0x0, s20;
	[sflag:s22] =	ssyncset.done $0x0  }
0xa0: {  	[sflag:s22] =	ssyncadd.s32 s4;
	_ =	sdelay $0x1  }
0xa1: {  	s23 =	simm.s32 $0x1B8B  }
0xa2: {  	_ =	swait.ge [sflag:s23], $0x1  }
0xa3: {  	[sflag:s23] =	ssyncset.done $0x0  }
0xa4: {  	s25 =	simm.s32 $0x1B8E;
	s24 =	sld [smem:$0x3FFE];
	[sflag:s23] =	ssyncadd.s32 $0xFFFFFFFF  }
0xa5: {  	s26 =	simm.s32 $execute0_lowered;
	[smem:$0x3FD2] =	sst s25  }
0xa6: {  	s5 =	sshll.u32 s26, $0x1;
	_ =	strace $0x80000049;
	[dreg:$0x1] =	wrdreg $0xFFFFFFFF  }
0xa7: {  	s28 =	simm.s32 $_size_execute0_lowered;
	s3 =	sadd.s32 s3, s5;
	[dreg:$0x0] =	wrdreg $0x0  }
0xa8: {  	s5 =	sshll.u32 s28, $0x1;
	[dreg:$0x2] =	wrdreg s3  }
0xa9: {  	[dreg:$0x3] =	wrdreg s5  }
0xaa: {  	[dreg:$0x4] =	wrdreg $0xC0  }
0xab: {  	_ =	task [dreg:s7], $0x5FFFF  }
0xac: {  	[dreg:$0x1] =	wrdreg $0xFFFFFFFF  }
0xad: {  	[dreg:$0x0] =	wrdreg $0x60  }
0xae: {  	[dreg:$0x2] =	wrdreg s24  }
0xaf: {  	[dreg:$0x3] =	wrdreg s2  }
0xb0: {  	[dreg:$0x4] =	wrdreg $0x88000  }
0xb1: {  	[dreg:$0x5] =	wrdreg $0x9  }
0xb2: {  	_ =	task.clear_ibuf [dreg:s7], $0x6FFFF;
	_ =	strace $0x90000049  }
0xb3: {  	s29 =	simm.s32 $0x9;
	_ =	strace $0x8000004B  }
0xb4: {  	_ =	swait.ge [sflag:s29], $0x1  }
0xb5: {  	[sflag:s29] =	ssyncadd.s32 $0xFFFFFFFF  }
0xb6: {  	_ =	strace $0x9000004B  }
0xb7: {  	_ =	sfence  }
0xb8: {  	s30 =	sld [smem:$0x0];
	_ =	sdelay $0x2  }
0xb9: {  	s31 =	sshll.u32 s1, $0xD;
	s1 =	sshrl.u32 s1, $0x2  }
0xba: {  	s3 =	sand.u32 $0x4000, s31;
	s1 =	sadd.s32 s1, s30  }
0xbb: {  	s0 =	sor.u32 s3, s0;
	s1 =	sshll.u32 s1, $0x11  }
0xbc: {  	s0 =	sor.u32 s1, s0  }
0xbd: {  	s0 =	sadd.s32 $0x8F2B, s0  }
0xbe: {  	[sflag:s0] =	ssyncadd.remote.s32 $0x1  }
0xbf: {  	_ =	sfence.sel $0xFFFF  }
0xc0: {  	[dreg:$0x0] =	wrdreg $0xFFFFFFFF;
	(pc) =	sbr.abs _section_cstart, $3  }
0xc1: {  	[dreg:$0x1] =	wrdreg $0xFFFFFFFF  }
0xc2: {  	_ =	task.clear_ibuf [dreg:s7], $0x2FFFF;
	_ =	strace $0x9FFFFFFF  }
0xc3: {  	(tm) =	ssettm $0x7FFFFFFF  }
tec
execute0_lowered:
.L_overlay_start_1:
0x0: {  	(tag) =	ssettag $0x1  }
0x1: {  	s0 =	rddreg [dreg:$0x0]  }
0x2: {  	s1 =	rddreg [dreg:$0x1]  }
0x3: {  	s2 =	rddreg [dreg:$0x2];
	s11 =	stileid.u32  }
0x4: {  	s3 =	simm.s32 $0x0;
	s4 =	srdreg.scid;
	s12 =	simm.s32 $0x11  }
0x5: {  	s13 =	simm.s32 $0x5;
	s14 =	simm.s32 $0x400;
	s15 =	simm.s32 $0x80  }
0x6: {  	s16 =	simm.s32 $0x800;
	s17 =	simm.s32 $0x1;
	s26 =	simm.s32 $0x480  }
0x7: {  	s28 =	simm.s32 $0x600;
	s29 =	simm.s32 $0x280;
	s5 =	smul.u32 $0x18, s11  }
0x8: {  	s30 =	simm.s32 $0x680;
	s6 =	sand.u32 $0x1, s4;
	s4 =	smul.u32 $0x88, s11  }
0x9: {  	s31 =	simm.s32 $0x300;
	[smem:$0x7FF] =	sst s3;
	s7 =	smul.u32 $0x13C00, s11  }
0xa: {  	s18 =	smul.u32 $0x4F000, s11;
	s22 =	sshll.u32 s11, $0x6;
	p0 =	seq.s32 s6, $0x0  }
0xb: {  	_ =	strace $0x8000004A;
	s8 =	smul.u32 $0x13C000, s6;
	s6 =	ssub.s32 $0x2, s6  }
0xc: {  	s11 =	sor.u32 $0x1C05, s22;
	[dreg:$0x4] =	wrdreg s26;
	s22 =	simm.s32 $0x500  }
0xd: {  	s26 =	simm.s32 $0x200;
	s5 =	sadd.s32 $0x880, s5;
	s9 =	sshrl.u32 s7, $0x3  }
0xe: {  	s19 =	sshrl.u32 s6, $0x1;
	s12 =	simm.s32 @!p0 $0x3;
	s20 =	sshrl.u32 s18, $0x2  }
0xf: {  	s18 =	simm.s32 $0x4800;
	s5 =	smov.u32 @p0 s4;
	s4 =	sadd.s32 $0x83E00, s0  }
0x10: {  	s9 =	sadd.s32 s9, s0;
	s7 =	sadd.s32 s7, s8;
	s6 =	ssub.s32 s6, s19  }
0x11: {  	[dreg:$0x5] =	wrdreg s12;
	s8 =	sadd.s32 s20, s2;
	s19 =	simm.s32 $0x2  }
0x12: {  	s20 =	simm.s32 $0x3;
	s5 =	sshll.u32 s5, $0x4;
	s7 =	sshrl.u32 s7, $0x3  }
0x13: {  	s21 =	sadd.s32 $0xD600, s9;
	s23 =	smax.u32 s6, $0x1;
	s6 =	simm.s32 $0x780  }
0x14: {  	s10 =	sadd.s32 s5, s0;
	s0 =	sadd.s32 s7, s0;
	[dreg:$0x6] =	wrdreg s21  }
0x15: {  	[dreg:$0x8] =	wrdreg s23;
	s24 =	sadd.s32 s5, s1;
	s21 =	simm.s32 $0x100  }
0x16: {  	s23 =	simm.s32 $0x4;
	s1 =	simm.s32 $0x380;
	s0 =	sadd.s32 $0xAB600, s0  }
0x17: {  	[dreg:$0x9] =	wrdreg s24;
	s25 =	sadd.s32 $0x2600, s10;
	s10 =	sshrl.u32 s8, $0x3  }
0x18: {  	s24 =	simm.s32 $0x180;
	s8 =	simm.s32 $0x0;
	[dreg:$0x7] =	wrdreg s0  }
0x19: {  	[dreg:$0xa] =	wrdreg s25;
	s25 =	simm.s32 $0x580;
	s0 =	simm.s32 $0x700  }
.LBB2_1:
0x1a: {  	s9 =	rddreg [dreg:$0x6]  }
0x1b: {  	[spmem:s10], [sflag:s11] =	dma.local [hbm:s9], $0x2780  }
0x1c: {  	_ =	swait.ge [sflag:s13], $0x2780  }
0x1d: {  	[sflag:s13] =	ssyncset.done $0x0  }
0x1e: {  	[sflag:s13] =	ssyncadd.s32 $0xFFFFD880  }
0x1f: {  	[bflag:$0x0] =	sbarrier.arrive $0xFFFF  }
0x20: {  	s7 =	smov.u32 s11;
	s11 =	rddreg [dreg:$0xa]  }
0x21: {  	[tilespmem:s3], [sflag:$0x5] =	stream.linear.gather [hbm4b:s11+s3], $0x400, $0x38;
	[tilespmem:$0x1C400] =	vst v63  }
0x22: {  	_ =	swait.ge [sflag:s13], $0x400  }
0x23: {  	[sflag:s13] =	ssyncset.done $0x0  }
0x24: {  	s5 =	smov.u32 s10;
	s10 =	rddreg [dreg:$0x9];
	[sflag:s13] =	ssyncadd.s32 $0xFFFFFC00  }
0x25: {  	[tilespmem:s14], [sflag:$0x5] =	stream.linear.gather [hbm4b:s10+s3], $0x400, $0x38;
	[tilespmem:$0x1C400] =	vst v63  }
0x26: {  	_ =	swait.ge [sflag:s13], $0x400  }
0x27: {  	[sflag:s13] =	ssyncset.done $0x0  }
0x28: {  	[sflag:s13] =	ssyncadd.s32 $0xFFFFFC00  }
0x29: {  	[tilespmem:s16], [sflag:$0x1] =	stream.indirect.gather [hbm4b:s4+s15], $0x80, s3, s15, $0xb8;
	[tilespmem:$0x1C400] =	vst v63  }
0x2a: {  	_ =	swait.ge [sflag:s17], $0x4000  }
0x2b: {  	[sflag:s17] =	ssyncset.done $0x0  }
0x2c: {  	[sflag:s17] =	ssyncadd.s32 $0xFFFFC000  }
0x2d: {  	[spmem:s2] =	stream.indirect.scatter.add.f32 [tilespmem:s16], [sflag:$0x3], $0x80, s14, s15, $0xb8;
	[tilespmem:$0x1C400] =	vst v63  }
0x2e: {  	_ = 	snop  }
0x2f: {  	[tilespmem:s18], [sflag:$0x2] =	stream.indirect.gather [hbm4b:s4+s15], $0x80, s15, s15, $0xb8;
	[tilespmem:$0x1C400] =	vst v63  }
0x30: {  	_ =	swait.ge [sflag:s19], $0x4000  }
0x31: {  	[sflag:s19] =	ssyncset.done $0x0  }
0x32: {  	s12 =	rddreg [dreg:$0x4];
	[sflag:s19] =	ssyncadd.s32 $0xFFFFC000  }
0x33: {  	[spmem:s2] =	stream.indirect.scatter.add.f32 [tilespmem:s18], [sflag:$0x4], $0x80, s12, s15, $0xb8;
	[tilespmem:$0x1C400] =	vst v63  }
0x34: {  	_ =	swait.ge [sflag:s20], $0x4000  }
0x35: {  	[sflag:s20] =	ssyncset.done $0x0  }
0x36: {  	[sflag:s20] =	ssyncadd.s32 $0xFFFFC000  }
0x37: {  	[tilespmem:s16], [sflag:$0x1] =	stream.indirect.gather [hbm4b:s4+s15], $0x80, s21, s15, $0xb8;
	[tilespmem:$0x1C400] =	vst v63  }
0x38: {  	_ =	swait.ge [sflag:s17], $0x4000  }
0x39: {  	[sflag:s17] =	ssyncset.done $0x0  }
0x3a: {  	[sflag:s17] =	ssyncadd.s32 $0xFFFFC000  }
0x3b: {  	[spmem:s2] =	stream.indirect.scatter.add.f32 [tilespmem:s16], [sflag:$0x3], $0x80, s22, s15, $0xb8;
	[tilespmem:$0x1C400] =	vst v63  }
0x3c: {  	_ =	swait.ge [sflag:s23], $0x4000  }
0x3d: {  	[sflag:s23] =	ssyncset.done $0x0  }
0x3e: {  	[sflag:s23] =	ssyncadd.s32 $0xFFFFC000  }
0x3f: {  	[tilespmem:s18], [sflag:$0x2] =	stream.indirect.gather [hbm4b:s4+s15], $0x80, s24, s15, $0xb8;
	[tilespmem:$0x1C400] =	vst v63  }
0x40: {  	_ =	swait.ge [sflag:s19], $0x4000  }
0x41: {  	[sflag:s19] =	ssyncset.done $0x0  }
0x42: {  	[sflag:s19] =	ssyncadd.s32 $0xFFFFC000  }
0x43: {  	[spmem:s2] =	stream.indirect.scatter.add.f32 [tilespmem:s18], [sflag:$0x4], $0x80, s25, s15, $0xb8;
	[tilespmem:$0x1C400] =	vst v63  }
0x44: {  	_ =	swait.ge [sflag:s20], $0x4000  }
0x45: {  	[sflag:s20] =	ssyncset.done $0x0  }
0x46: {  	[sflag:s20] =	ssyncadd.s32 $0xFFFFC000  }
0x47: {  	[tilespmem:s16], [sflag:$0x1] =	stream.indirect.gather [hbm4b:s4+s15], $0x80, s26, s15, $0xb8;
	[tilespmem:$0x1C400] =	vst v63  }
0x48: {  	_ =	swait.ge [sflag:s17], $0x4000  }
0x49: {  	[sflag:s17] =	ssyncset.done $0x0  }
0x4a: {  	[sflag:s17] =	ssyncadd.s32 $0xFFFFC000  }
0x4b: {  	[spmem:s2] =	stream.indirect.scatter.add.f32 [tilespmem:s16], [sflag:$0x3], $0x80, s28, s15, $0xb8;
	[tilespmem:$0x1C400] =	vst v63  }
0x4c: {  	_ =	swait.ge [sflag:s23], $0x4000  }
0x4d: {  	[sflag:s23] =	ssyncset.done $0x0  }
0x4e: {  	[sflag:s23] =	ssyncadd.s32 $0xFFFFC000  }
0x4f: {  	[tilespmem:s18], [sflag:$0x2] =	stream.indirect.gather [hbm4b:s4+s15], $0x80, s29, s15, $0xb8;
	[tilespmem:$0x1C400] =	vst v63  }
0x50: {  	_ =	swait.ge [sflag:s19], $0x4000  }
0x51: {  	[sflag:s19] =	ssyncset.done $0x0  }
0x52: {  	[sflag:s19] =	ssyncadd.s32 $0xFFFFC000  }
0x53: {  	[spmem:s2] =	stream.indirect.scatter.add.f32 [tilespmem:s18], [sflag:$0x4], $0x80, s30, s15, $0xb8;
	[tilespmem:$0x1C400] =	vst v63  }
0x54: {  	_ =	swait.ge [sflag:s20], $0x4000  }
0x55: {  	[sflag:s20] =	ssyncset.done $0x0  }
0x56: {  	[sflag:s20] =	ssyncadd.s32 $0xFFFFC000  }
0x57: {  	[tilespmem:s16], [sflag:$0x1] =	stream.indirect.gather [hbm4b:s4+s15], $0x80, s31, s15, $0xb8;
	[tilespmem:$0x1C400] =	vst v63  }
0x58: {  	_ =	swait.ge [sflag:s17], $0x4000  }
0x59: {  	[sflag:s17] =	ssyncset.done $0x0  }
0x5a: {  	[sflag:s17] =	ssyncadd.s32 $0xFFFFC000  }
0x5b: {  	[spmem:s2] =	stream.indirect.scatter.add.f32 [tilespmem:s16], [sflag:$0x3], $0x80, s0, s15, $0xb8;
	[tilespmem:$0x1C400] =	vst v63  }
0x5c: {  	_ =	swait.ge [sflag:s23], $0x4000  }
0x5d: {  	[sflag:s23] =	ssyncset.done $0x0  }
0x5e: {  	[sflag:s23] =	ssyncadd.s32 $0xFFFFC000  }
0x5f: {  	[tilespmem:s18], [sflag:$0x2] =	stream.indirect.gather [hbm4b:s4+s15], $0x80, s1, s15, $0xb8;
	[tilespmem:$0x1C400] =	vst v63  }
0x60: {  	_ =	swait.ge [sflag:s19], $0x4000  }
0x61: {  	[sflag:s19] =	ssyncset.done $0x0  }
0x62: {  	[sflag:s19] =	ssyncadd.s32 $0xFFFFC000  }
0x63: {  	[spmem:s2] =	stream.indirect.scatter.add.f32 [tilespmem:s18], [sflag:$0x4], $0x80, s6, s15, $0xb8;
	[tilespmem:$0x1C400] =	vst v63  }
0x64: {  	_ =	swait.ge [sflag:s20], $0x4000  }
0x65: {  	s12 =	rddreg [dreg:$0x5]  }
0x66: {  	p0 =	sne.s32 s12, $0x1  }
.Ltmp0:
0x67: {  	_ = 	snop;
	(pc) =	sbr.rel @!p0 .LBB2_3-.Ltmp0, $4  }
0x68: {  	[sflag:s20] =	ssyncset.done $0x0  }
0x69: {  	[sflag:s20] =	ssyncadd.s32 $0xFFFFC000  }
0x6a: {  	_ =	swait.ge [sflag:s23], $0x4000  }
0x6b: {  	s9 =	sadd.s32 $0xFFFFFFFF, s12;
	[sflag:s23] =	ssyncset.done $0x0  }
.LBB2_2:
0x6c: {  	[sflag:s23] =	ssyncadd.s32 $0xFFFFC000;
	s11 =	sadd.s32 $0x80, s11  }
0x6d: {  	[tilespmem:s3], [sflag:$0x5] =	stream.linear.gather [hbm4b:s11+s3], $0x400, $0x38;
	[tilespmem:$0x1C400] =	vst v63  }
0x6e: {  	_ =	swait.ge [sflag:s13], $0x400  }
0x6f: {  	[sflag:s13] =	ssyncset.done $0x0  }
0x70: {  	s10 =	sadd.s32 $0x80, s10;
	[sflag:s13] =	ssyncadd.s32 $0xFFFFFC00  }
0x71: {  	[tilespmem:s14], [sflag:$0x5] =	stream.linear.gather [hbm4b:s10+s3], $0x400, $0x38;
	[tilespmem:$0x1C400] =	vst v63  }
0x72: {  	_ =	swait.ge [sflag:s13], $0x400  }
0x73: {  	[sflag:s13] =	ssyncset.done $0x0  }
0x74: {  	[sflag:s13] =	ssyncadd.s32 $0xFFFFFC00  }
0x75: {  	[tilespmem:s16], [sflag:$0x1] =	stream.indirect.gather [hbm4b:s4+s15], $0x80, s3, s15, $0xb8;
	[tilespmem:$0x1C400] =	vst v63  }
0x76: {  	_ =	swait.ge [sflag:s17], $0x4000  }
0x77: {  	[sflag:s17] =	ssyncset.done $0x0  }
0x78: {  	[sflag:s17] =	ssyncadd.s32 $0xFFFFC000  }
0x79: {  	[spmem:s2] =	stream.indirect.scatter.add.f32 [tilespmem:s16], [sflag:$0x3], $0x80, s14, s15, $0xb8;
	[tilespmem:$0x1C400] =	vst v63  }
0x7a: {  	_ = 	snop  }
0x7b: {  	[tilespmem:s18], [sflag:$0x2] =	stream.indirect.gather [hbm4b:s4+s15], $0x80, s15, s15, $0xb8;
	[tilespmem:$0x1C400] =	vst v63  }
0x7c: {  	_ =	swait.ge [sflag:s19], $0x4000  }
0x7d: {  	[sflag:s19] =	ssyncset.done $0x0  }
0x7e: {  	s12 =	rddreg [dreg:$0x4];
	[sflag:s19] =	ssyncadd.s32 $0xFFFFC000  }
0x7f: {  	[spmem:s2] =	stream.indirect.scatter.add.f32 [tilespmem:s18], [sflag:$0x4], $0x80, s12, s15, $0xb8;
	[tilespmem:$0x1C400] =	vst v63  }
0x80: {  	_ =	swait.ge [sflag:s20], $0x4000  }
0x81: {  	[sflag:s20] =	ssyncset.done $0x0  }
0x82: {  	[sflag:s20] =	ssyncadd.s32 $0xFFFFC000  }
0x83: {  	[tilespmem:s16], [sflag:$0x1] =	stream.indirect.gather [hbm4b:s4+s15], $0x80, s21, s15, $0xb8;
	[tilespmem:$0x1C400] =	vst v63  }
0x84: {  	_ =	swait.ge [sflag:s17], $0x4000  }
0x85: {  	[sflag:s17] =	ssyncset.done $0x0  }
0x86: {  	[sflag:s17] =	ssyncadd.s32 $0xFFFFC000  }
0x87: {  	[spmem:s2] =	stream.indirect.scatter.add.f32 [tilespmem:s16], [sflag:$0x3], $0x80, s22, s15, $0xb8;
	[tilespmem:$0x1C400] =	vst v63  }
0x88: {  	_ =	swait.ge [sflag:s23], $0x4000  }
0x89: {  	[sflag:s23] =	ssyncset.done $0x0  }
0x8a: {  	[sflag:s23] =	ssyncadd.s32 $0xFFFFC000  }
0x8b: {  	[tilespmem:s18], [sflag:$0x2] =	stream.indirect.gather [hbm4b:s4+s15], $0x80, s24, s15, $0xb8;
	[tilespmem:$0x1C400] =	vst v63  }
0x8c: {  	_ =	swait.ge [sflag:s19], $0x4000  }
0x8d: {  	[sflag:s19] =	ssyncset.done $0x0  }
0x8e: {  	[sflag:s19] =	ssyncadd.s32 $0xFFFFC000  }
0x8f: {  	[spmem:s2] =	stream.indirect.scatter.add.f32 [tilespmem:s18], [sflag:$0x4], $0x80, s25, s15, $0xb8;
	[tilespmem:$0x1C400] =	vst v63  }
0x90: {  	_ =	swait.ge [sflag:s20], $0x4000  }
0x91: {  	[sflag:s20] =	ssyncset.done $0x0  }
0x92: {  	[sflag:s20] =	ssyncadd.s32 $0xFFFFC000  }
0x93: {  	[tilespmem:s16], [sflag:$0x1] =	stream.indirect.gather [hbm4b:s4+s15], $0x80, s26, s15, $0xb8;
	[tilespmem:$0x1C400] =	vst v63  }
0x94: {  	_ =	swait.ge [sflag:s17], $0x4000  }
0x95: {  	[sflag:s17] =	ssyncset.done $0x0  }
0x96: {  	[sflag:s17] =	ssyncadd.s32 $0xFFFFC000  }
0x97: {  	[spmem:s2] =	stream.indirect.scatter.add.f32 [tilespmem:s16], [sflag:$0x3], $0x80, s28, s15, $0xb8;
	[tilespmem:$0x1C400] =	vst v63  }
0x98: {  	_ =	swait.ge [sflag:s23], $0x4000  }
0x99: {  	[sflag:s23] =	ssyncset.done $0x0  }
0x9a: {  	[sflag:s23] =	ssyncadd.s32 $0xFFFFC000  }
0x9b: {  	[tilespmem:s18], [sflag:$0x2] =	stream.indirect.gather [hbm4b:s4+s15], $0x80, s29, s15, $0xb8;
	[tilespmem:$0x1C400] =	vst v63  }
0x9c: {  	_ =	swait.ge [sflag:s19], $0x4000  }
0x9d: {  	[sflag:s19] =	ssyncset.done $0x0  }
0x9e: {  	[sflag:s19] =	ssyncadd.s32 $0xFFFFC000  }
0x9f: {  	[spmem:s2] =	stream.indirect.scatter.add.f32 [tilespmem:s18], [sflag:$0x4], $0x80, s30, s15, $0xb8;
	[tilespmem:$0x1C400] =	vst v63  }
0xa0: {  	_ =	swait.ge [sflag:s20], $0x4000  }
0xa1: {  	[sflag:s20] =	ssyncset.done $0x0  }
0xa2: {  	[sflag:s20] =	ssyncadd.s32 $0xFFFFC000  }
0xa3: {  	[tilespmem:s16], [sflag:$0x1] =	stream.indirect.gather [hbm4b:s4+s15], $0x80, s31, s15, $0xb8;
	[tilespmem:$0x1C400] =	vst v63  }
0xa4: {  	_ =	swait.ge [sflag:s17], $0x4000  }
0xa5: {  	[sflag:s17] =	ssyncset.done $0x0  }
0xa6: {  	[sflag:s17] =	ssyncadd.s32 $0xFFFFC000  }
0xa7: {  	[spmem:s2] =	stream.indirect.scatter.add.f32 [tilespmem:s16], [sflag:$0x3], $0x80, s0, s15, $0xb8;
	[tilespmem:$0x1C400] =	vst v63  }
0xa8: {  	_ =	swait.ge [sflag:s23], $0x4000  }
0xa9: {  	[sflag:s23] =	ssyncset.done $0x0  }
0xaa: {  	[sflag:s23] =	ssyncadd.s32 $0xFFFFC000  }
0xab: {  	[tilespmem:s18], [sflag:$0x2] =	stream.indirect.gather [hbm4b:s4+s15], $0x80, s1, s15, $0xb8;
	[tilespmem:$0x1C400] =	vst v63  }
0xac: {  	_ =	swait.ge [sflag:s19], $0x4000  }
0xad: {  	[sflag:s19] =	ssyncset.done $0x0  }
0xae: {  	p0 =	sne.s32 s9, $0x1;
	[sflag:s19] =	ssyncadd.s32 $0xFFFFC000  }
0xaf: {  	[spmem:s2] =	stream.indirect.scatter.add.f32 [tilespmem:s18], [sflag:$0x4], $0x80, s6, s15, $0xb8;
	[tilespmem:$0x1C400] =	vst v63  }
.Ltmp1:
0xb0: {  	_ =	swait.ge [sflag:s20], $0x4000;
	(pc) =	sbr.rel @p0 .LBB2_2-.Ltmp1, $4  }
0xb1: {  	[sflag:s20] =	ssyncset.done $0x0  }
0xb2: {  	[sflag:s20] =	ssyncadd.s32 $0xFFFFC000  }
0xb3: {  	_ =	swait.ge [sflag:s23], $0x4000  }
0xb4: {  	s9 =	sadd.s32 $0xFFFFFFFF, s9;
	[sflag:s23] =	ssyncset.done $0x0  }
.LBB2_3:
0xb5: {  	[sflag:s23] =	ssyncadd.s32 $0xFFFFC000  }
0xb6: {  	[bflag:$0x0] =	sbarrier.arrive $0xFFFF  }
0xb7: {  	s11 =	smov.u32 s7;
	s9 =	rddreg [dreg:$0x7]  }
0xb8: {  	[hbm:s9], [sflag:s11] =	dma.local [spmem:s5], $0x2780  }
0xb9: {  	_ =	swait.ge [sflag:s13], $0x2780  }
0xba: {  	s8 =	sadd.s32 $0x1, s8;
	s12 =	rddreg [dreg:$0x8]  }
0xbb: {  	p0 =	sne.s32 s8, s12  }
.Ltmp2:
0xbc: {  	_ = 	snop;
	(pc) =	sbr.rel @p0 .LBB2_1-.Ltmp2, $3  }
0xbd: {  	_ =	sdelay $0x1  }
0xbe: {  	[sflag:s13] =	ssyncset.done $0x0  }
0xbf: {  	s10 =	smov.u32 s5;
	[sflag:s13] =	ssyncadd.s32 $0xFFFFD880  }
0xc0: {  	_ =	sfence.sel $0x180000  }
0xc1: {  	[bflag:$0x0] =	sbarrier.arrive $0xFFFF  }
0xc2: {  	_ =	strace $0x9000004A  }
0xc3: {  	s0 =	stileid.u32;
	[bflag:$0x2] =	sbarrier.arrive $0xFFFF  }
0xc4: {  	p0 =	sne.s32 s0, $0x0;
	s0 =	rddreg [dreg:$0x3]  }
0xc5: {  	s0 =	sadd.s32 @!p0 $0x100000, s0  }
0xc6: {  	[sflag:s0] =	ssyncadd.tile.s32 @!p0 $0x1;
	_ =	shalt  }
.Lfunc_end2:
_tile_overlayer_lowered:
.L_overlay_start_2:
0xc7: {  	(tag) =	ssettag $0x2  }
0xc8: {  	s0 =	rddreg [dreg:$0x0];
	s2 =	stileid.u32  }
0xc9: {  	s1 =	rddreg [dreg:$0x1];
	p0 =	sne.s32 s2, $0x0  }
0xca: {  	s3 =	rddreg [dreg:$0x2];
	[bflag:$0x3] =	sbarrier.arrive $0xFFFF;
	s2 =	simm.s32 @!p0 $0x1C05  }
0xcb: {  	[timem:s3], [sflag:s2] =	dma.local @!p0 [hbm:s0], s1  }
0xcc: {  	s0 =	simm.s32 @!p0 $0x5  }
0xcd: {  	_ =	swait.ge @!p0 [sflag:s0], s1  }
0xce: {  	s1 =	ssub.s32 @!p0 $0x0, s1;
	[sflag:s0] =	ssyncset.done @!p0 $0x0  }
0xcf: {  	[sflag:s0] =	ssyncadd.s32 @!p0 s1  }
0xd0: {  	[bflag:$0x3] =	sbarrier.arrive $0xFFFF  }
0xd1: {  	_ =	shalt  }

// kernel: kernel.16.cloned.1.call-start
scs
__scs_entry_jumppad:
0x0: {  	(pc) =	sbr.rel $0x88, $3  }
0x1: {  	(tag) =	ssettag $0x0;
	lr =	simm.s32 $0x1  }
0x2: {  	[smem:$0x3F99] =	sst lr;
	_ =	strace $0xD0000000  }
0x3: {  	_ = 	snop  }
0x4: {  	_ = 	snop  }
0x5: {  	_ = 	snop  }
0x6: {  	_ = 	snop  }
0x7: {  	_ = 	snop  }
__scs_overlays_trampoline_lowered:
0x8: {  	[smem:$0x3FA8] =	sst s0  }
0x9: {  	[smem:$0x3FA9] =	sst s1  }
0xa: {  	[smem:$0x3FAA] =	sst s2  }
0xb: {  	[smem:$0x3FAB] =	sst s3  }
0xc: {  	[smem:$0x3FAC] =	sst s4  }
0xd: {  	[smem:$0x3FAD] =	sst s5  }
0xe: {  	[smem:$0x3FAE] =	sst s6  }
0xf: {  	[smem:$0x3FAF] =	sst s7  }
0x10: {  	[smem:$0x3FB0] =	sst s8  }
0x11: {  	[smem:$0x3FB1] =	sst s9;
	s0 =	simm.s32 @!p0 $0x0  }
0x12: {  	s1 =	sld [smem:$0x3F97];
	s0 =	simm.s32 @p0 $0x1  }
0x13: {  	[smem:$0x3FB2] =	sst s0;
	s0 =	simm.s32 @!p1 $0x0  }
0x14: {  	s2 =	sld [smem:$0x3F96];
	s0 =	simm.s32 @p1 $0x1  }
0x15: {  	[smem:$0x3FB3] =	sst s0;
	s0 =	simm.s32 @!p2 $0x0  }
0x16: {  	s3 =	sld [smem:$0x3FDB];
	s0 =	simm.s32 @p2 $0x1  }
0x17: {  	s4 =	simm.s32 $0x1BF5;
	[smem:$0x3FB5] =	sst s0  }
0x18: {  	s0 =	sld [smem:$0x3F98];
	_ =	swait.ge [sflag:s4], $0x0  }
0x19: {  	s7 =	sld [smem:$0x3F99]  }
0x1a: {  	s8 =	sadd.s32 $0xFFFFE003, lr  }
0x1b: {  	s9 =	sadd.s32 $0xFFFFFEF7, lr;
	s5 =	simm.s32 $0xFFFFFFFF;
	p2 =	slt.u32 s8, $0xFFFFF086  }
0x1c: {  	p1 =	slt.u32 s9, $0xF7A;
	s5 =	simm.s32 @!p2 $0x0  }
0x1d: {  	s5 =	simm.s32 @p1 $0x1;
	p0 =	seq.s32 s7, s2  }
0x1e: {  	s7 =	smul.u32 @!p0 $0xF7A, s2;
	p2 =	seq.s32 @!p0 s5, $0x0  }
0x1f: {  	s9 =	smul.u32 $0xF7A, s1;
	s8 =	simm.s32 @!p0 $0x1BF5;
	p2 =	por !p2, p0  }
0x20: {  	[sflag:s8] =	ssyncset.s32 @!p0 $0xFFFFF086;
	s6 =	sadd.s32 @!p0 s3, s7;
	s7 =	simm.s32 @!p0 $0x108  }
0x21: {  	s3 =	sadd.s32 s3, s9;
	s6 =	sadd.s32 @!p0 $0x88, s6;
	s7 =	simm.s32 @p2 $0x1082  }
0x22: {  	[simem:s7], [sflag:s8] =	dma.local @!p0 [hbm:s6], $0xF7A  }
0x23: {  	s9 =	sor.u32 $0xD0000000, s2;
	s6 =	simm.s32 $0x108;
	_ =	swait.ge @!p0 [sflag:s8], $0x0  }
0x24: {  	s3 =	sadd.s32 $0x88, s3;
	s6 =	simm.s32 @!p1 $0x1082;
	[sflag:s4] =	ssyncset.s32 $0xFFFFF086  }
0x25: {  	[simem:s6], [sflag:s4] =	dma.local [hbm:s3], $0xF7A  }
0x26: {  	[smem:$0x3F99] =	sst s1;
	(tag) =	ssettag s2;
	_ =	strace s9  }
0x27: {  	s1 =	sld [smem:$0x3FA9]  }
0x28: {  	s2 =	sld [smem:$0x3FAA]  }
0x29: {  	s4 =	sld [smem:$0x3FAC]  }
0x2a: {  	p0 =	seq.s32 s5, $0x0;
	s5 =	sld [smem:$0x3FAD]  }
0x2b: {  	s6 =	sld [smem:$0x3FAE]  }
0x2c: {  	s7 =	sld [smem:$0x3FAF]  }
0x2d: {  	s3 =	simm.s32 $0x108;
	s8 =	sld [smem:$0x3FB0]  }
0x2e: {  	s3 =	simm.s32 @!p0 $0x1082;
	s9 =	sld [smem:$0x3FB1]  }
0x2f: {  	lr =	sadd.s32 s0, s3;
	s0 =	sld [smem:$0x3FA8]  }
0x30: {  	s3 =	sld [smem:$0x3FAB]  }
0x31: {  	[smem:$0x3FB4] =	sst s10  }
0x32: {  	s10 =	sld [smem:$0x3FB2];
	_ =	sdelay $0x3  }
0x33: {  	p0 =	seq.s32 s10, $0x1;
	s10 =	sld [smem:$0x3FB4];
	_ =	sdelay $0x3  }
0x34: {  	[smem:$0x3FB4] =	sst s10  }
0x35: {  	s10 =	sld [smem:$0x3FB3];
	_ =	sdelay $0x3  }
0x36: {  	p1 =	seq.s32 s10, $0x1;
	s10 =	sld [smem:$0x3FB4];
	_ =	sdelay $0x3  }
0x37: {  	[smem:$0x3FB4] =	sst s10  }
0x38: {  	s10 =	sld [smem:$0x3FB5]  }
0x39: {  	_ = 	snop;
	(pc) =	sbr.ind lr, $3  }
0x3a: {  	_ = 	snop  }
0x3b: {  	_ = 	snop  }
0x3c: {  	p2 =	seq.s32 s10, $0x1;
	s10 =	sld [smem:$0x3FB4]  }
0x3d: {  	_ =	shalt  }
0x3e: {  	_ =	shalt  }
0x3f: {  	_ =	shalt  }
0x40: {  	_ =	shalt  }
0x41: {  	_ =	shalt  }
0x42: {  	_ =	shalt  }
0x43: {  	_ =	shalt  }
0x44: {  	_ =	shalt  }
0x45: {  	_ =	shalt  }
0x46: {  	_ =	shalt  }
0x47: {  	_ =	shalt  }
0x48: {  	_ =	shalt  }
0x49: {  	_ =	shalt  }
0x4a: {  	_ =	shalt  }
0x4b: {  	_ =	shalt  }
0x4c: {  	_ =	shalt  }
0x4d: {  	_ =	shalt  }
0x4e: {  	_ =	shalt  }
0x4f: {  	_ =	shalt  }
0x50: {  	_ =	shalt  }
0x51: {  	_ =	shalt  }
0x52: {  	_ =	shalt  }
0x53: {  	_ =	shalt  }
0x54: {  	_ =	shalt  }
0x55: {  	_ =	shalt  }
0x56: {  	_ =	shalt  }
0x57: {  	_ =	shalt  }
0x58: {  	_ =	shalt  }
0x59: {  	_ =	shalt  }
0x5a: {  	_ =	shalt  }
0x5b: {  	_ =	shalt  }
0x5c: {  	_ =	shalt  }
0x5d: {  	_ =	shalt  }
0x5e: {  	_ =	shalt  }
0x5f: {  	_ =	shalt  }
0x60: {  	_ =	shalt  }
0x61: {  	_ =	shalt  }
0x62: {  	_ =	shalt  }
0x63: {  	_ =	shalt  }
0x64: {  	_ =	shalt  }
0x65: {  	_ =	shalt  }
0x66: {  	_ =	shalt  }
0x67: {  	_ =	shalt  }
0x68: {  	_ =	shalt  }
0x69: {  	_ =	shalt  }
0x6a: {  	_ =	shalt  }
0x6b: {  	_ =	shalt  }
0x6c: {  	_ =	shalt  }
0x6d: {  	_ =	shalt  }
0x6e: {  	_ =	shalt  }
0x6f: {  	_ =	shalt  }
0x70: {  	_ =	shalt  }
0x71: {  	_ =	shalt  }
0x72: {  	_ =	shalt  }
0x73: {  	_ =	shalt  }
0x74: {  	_ =	shalt  }
0x75: {  	_ =	shalt  }
0x76: {  	_ =	shalt  }
0x77: {  	_ =	shalt  }
0x78: {  	_ =	shalt  }
0x79: {  	_ =	shalt  }
0x7a: {  	_ =	shalt  }
0x7b: {  	_ =	shalt  }
0x7c: {  	_ =	shalt  }
0x7d: {  	_ =	shalt  }
0x7e: {  	_ =	shalt  }
0x7f: {  	_ =	shalt  }
0x80: {  	_ =	shalt  }
0x81: {  	_ =	shalt  }
0x82: {  	_ =	shalt  }
0x83: {  	_ =	shalt  }
0x84: {  	_ =	shalt  }
0x85: {  	_ =	shalt  }
0x86: {  	_ =	shalt  }
0x87: {  	_ =	shalt  }
.Lfunc_end0:
.L_simem_size_0:
called_computation.2_lowered:
.L_overlay_start_0:
0x88: {  	s2 =	sld [smem:$0x3FD9]  }
0x89: {  	s3 =	sld [smem:$0x3FFE];
	_ =	sdelay $0x1  }
0x8a: {  	s1 =	srdreg.scid  }
0x8b: {  	s0 =	sand.u32 $0x1, s1  }
0x8c: {  	s17 =	sshll.u32 s0, $0xA;
	s2 =	sadd.s32 s3, s2  }
0x8d: {  	s2 =	sadd.s32 s2, s17  }
0x8e: {  	[smem:$0x3FC0] =	sst s2  }
0x8f: {  	_ = 	snop  }
0x90: {  	s2 =	sld [smem:$0x3FD0];
	(tm) =	ssettm $0x1  }
0x91: {  	s18 =	sld [smem:$0x3FFB];
	_ =	sdelay $0x3  }
0x92: {  	_ =	strace s18  }
0x93: {  	s3 =	sld [smem:$0x3FFC];
	_ =	sdelay $0x3  }
0x94: {  	_ =	strace s3  }
0x95: {  	s3 =	sld [smem:$0x3FFD];
	_ =	sdelay $0x3  }
0x96: {  	_ =	strace s3  }
0x97: {  	_ =	strace $0x8FFFFFFF  }
0x98: {  	s19 =	sld [smem:$0x3FDB];
	_ =	sdelay $0x1  }
0x99: {  	s4 =	simm.s32 $_scs_section_size  }
0x9a: {  	s5 =	simm.s32 $_size__tile_overlayer_lowered;
	s6 =	simm.s32 $_tile_overlayer_lowered  }
0x9b: {  	s22 =	simm.s32 $0x1BFF;
	s21 =	sshll.u32 s6, $0x1;
	s3 =	sadd.s32 s4, s19  }
0x9c: {  	s7 =	simm.s32 $0x0;
	s20 =	sshll.u32 s5, $0x1;
	s5 =	sadd.s32 s21, s3  }
0x9d: {  	[timem:s7], [sflag:s22] =	dma.local [hbm:s5], s20  }
0x9e: {  	_ =	swait.ge [sflag:s22], s20  }
0x9f: {  	s4 =	ssub.s32 $0x0, s20;
	[sflag:s22] =	ssyncset.done $0x0  }
0xa0: {  	[sflag:s22] =	ssyncadd.s32 s4;
	_ =	sdelay $0x1  }
0xa1: {  	s23 =	simm.s32 $0x1B8B  }
0xa2: {  	_ =	swait.ge [sflag:s23], $0x1  }
0xa3: {  	[sflag:s23] =	ssyncset.done $0x0  }
0xa4: {  	s25 =	simm.s32 $0x1B8E;
	s24 =	sld [smem:$0x3FFE];
	[sflag:s23] =	ssyncadd.s32 $0xFFFFFFFF  }
0xa5: {  	s26 =	simm.s32 $execute0_lowered;
	[smem:$0x3FD2] =	sst s25  }
0xa6: {  	s5 =	sshll.u32 s26, $0x1;
	_ =	strace $0x8000004C;
	[dreg:$0x1] =	wrdreg $0xFFFFFFFF  }
0xa7: {  	s28 =	simm.s32 $_size_execute0_lowered;
	s3 =	sadd.s32 s3, s5;
	[dreg:$0x0] =	wrdreg $0x0  }
0xa8: {  	s5 =	sshll.u32 s28, $0x1;
	[dreg:$0x2] =	wrdreg s3  }
0xa9: {  	[dreg:$0x3] =	wrdreg s5  }
0xaa: {  	[dreg:$0x4] =	wrdreg $0xC0  }
0xab: {  	_ =	task [dreg:s7], $0x5FFFF  }
0xac: {  	[dreg:$0x1] =	wrdreg $0xFFFFFFFF  }
0xad: {  	[dreg:$0x0] =	wrdreg $0x60  }
0xae: {  	[dreg:$0x2] =	wrdreg s24  }
0xaf: {  	[dreg:$0x3] =	wrdreg s2  }
0xb0: {  	[dreg:$0x4] =	wrdreg $0x88000  }
0xb1: {  	[dreg:$0x5] =	wrdreg $0x9  }
0xb2: {  	_ =	task.clear_ibuf [dreg:s7], $0x6FFFF;
	_ =	strace $0x9000004C  }
0xb3: {  	s29 =	simm.s32 $0x9;
	_ =	strace $0x8000004E  }
0xb4: {  	_ =	swait.ge [sflag:s29], $0x1  }
0xb5: {  	[sflag:s29] =	ssyncadd.s32 $0xFFFFFFFF  }
0xb6: {  	_ =	strace $0x9000004E  }
0xb7: {  	_ =	sfence  }
0xb8: {  	s30 =	sld [smem:$0x0];
	_ =	sdelay $0x2  }
0xb9: {  	s31 =	sshll.u32 s1, $0xD;
	s1 =	sshrl.u32 s1, $0x2  }
0xba: {  	s3 =	sand.u32 $0x4000, s31;
	s1 =	sadd.s32 s1, s30  }
0xbb: {  	s0 =	sor.u32 s3, s0;
	s1 =	sshll.u32 s1, $0x11  }
0xbc: {  	s0 =	sor.u32 s1, s0  }
0xbd: {  	s0 =	sadd.s32 $0x8F2B, s0  }
0xbe: {  	[sflag:s0] =	ssyncadd.remote.s32 $0x1  }
0xbf: {  	_ =	sfence.sel $0xFFFF  }
0xc0: {  	[dreg:$0x0] =	wrdreg $0xFFFFFFFF;
	(pc) =	sbr.abs _section_cstart, $3  }
0xc1: {  	[dreg:$0x1] =	wrdreg $0xFFFFFFFF  }
0xc2: {  	_ =	task.clear_ibuf [dreg:s7], $0x2FFFF;
	_ =	strace $0x9FFFFFFF  }
0xc3: {  	(tm) =	ssettm $0x7FFFFFFF  }
tec
execute0_lowered:
.L_overlay_start_1:
0x0: {  	(tag) =	ssettag $0x1  }
0x1: {  	s0 =	rddreg [dreg:$0x0]  }
0x2: {  	s1 =	rddreg [dreg:$0x1]  }
0x3: {  	s2 =	rddreg [dreg:$0x2];
	s11 =	stileid.u32  }
0x4: {  	s3 =	simm.s32 $0x0;
	s4 =	srdreg.scid;
	s12 =	simm.s32 $0x11  }
0x5: {  	s13 =	simm.s32 $0x5;
	s14 =	simm.s32 $0x400;
	s15 =	simm.s32 $0x80  }
0x6: {  	s16 =	simm.s32 $0x800;
	s17 =	simm.s32 $0x1;
	s26 =	simm.s32 $0x480  }
0x7: {  	s28 =	simm.s32 $0x600;
	s29 =	simm.s32 $0x280;
	s5 =	smul.u32 $0x18, s11  }
0x8: {  	s30 =	simm.s32 $0x680;
	s6 =	sand.u32 $0x1, s4;
	s4 =	smul.u32 $0x88, s11  }
0x9: {  	s31 =	simm.s32 $0x300;
	[smem:$0x7FF] =	sst s3;
	s7 =	smul.u32 $0x13C00, s11  }
0xa: {  	s18 =	smul.u32 $0x4F000, s11;
	s22 =	sshll.u32 s11, $0x6;
	p0 =	seq.s32 s6, $0x0  }
0xb: {  	_ =	strace $0x8000004D;
	s8 =	smul.u32 $0x13C000, s6;
	s6 =	ssub.s32 $0x2, s6  }
0xc: {  	s11 =	sor.u32 $0x1C05, s22;
	[dreg:$0x4] =	wrdreg s26;
	s22 =	simm.s32 $0x500  }
0xd: {  	s26 =	simm.s32 $0x200;
	s5 =	sadd.s32 $0x880, s5;
	s9 =	sshrl.u32 s7, $0x3  }
0xe: {  	s19 =	sshrl.u32 s6, $0x1;
	s12 =	simm.s32 @!p0 $0x3;
	s20 =	sshrl.u32 s18, $0x2  }
0xf: {  	s18 =	simm.s32 $0x4800;
	s5 =	smov.u32 @p0 s4;
	s4 =	sadd.s32 $0x83E00, s0  }
0x10: {  	s9 =	sadd.s32 s9, s0;
	s7 =	sadd.s32 s7, s8;
	s6 =	ssub.s32 s6, s19  }
0x11: {  	[dreg:$0x5] =	wrdreg s12;
	s8 =	sadd.s32 s20, s2;
	s19 =	simm.s32 $0x2  }
0x12: {  	s20 =	simm.s32 $0x3;
	s5 =	sshll.u32 s5, $0x4;
	s7 =	sshrl.u32 s7, $0x3  }
0x13: {  	s21 =	sadd.s32 $0xD600, s9;
	s23 =	smax.u32 s6, $0x1;
	s6 =	simm.s32 $0x780  }
0x14: {  	s10 =	sadd.s32 s5, s0;
	s0 =	sadd.s32 s7, s0;
	[dreg:$0x6] =	wrdreg s21  }
0x15: {  	[dreg:$0x8] =	wrdreg s23;
	s24 =	sadd.s32 s5, s1;
	s21 =	simm.s32 $0x100  }
0x16: {  	s23 =	simm.s32 $0x4;
	s1 =	simm.s32 $0x380;
	s0 =	sadd.s32 $0xAB600, s0  }
0x17: {  	[dreg:$0x9] =	wrdreg s24;
	s25 =	sadd.s32 $0x2600, s10;
	s10 =	sshrl.u32 s8, $0x3  }
0x18: {  	s24 =	simm.s32 $0x180;
	s8 =	simm.s32 $0x0;
	[dreg:$0x7] =	wrdreg s0  }
0x19: {  	[dreg:$0xa] =	wrdreg s25;
	s25 =	simm.s32 $0x580;
	s0 =	simm.s32 $0x700  }
.LBB2_1:
0x1a: {  	s9 =	rddreg [dreg:$0x6]  }
0x1b: {  	[spmem:s10], [sflag:s11] =	dma.local [hbm:s9], $0x2780  }
0x1c: {  	_ =	swait.ge [sflag:s13], $0x2780  }
0x1d: {  	[sflag:s13] =	ssyncset.done $0x0  }
0x1e: {  	[sflag:s13] =	ssyncadd.s32 $0xFFFFD880  }
0x1f: {  	[bflag:$0x0] =	sbarrier.arrive $0xFFFF  }
0x20: {  	s7 =	smov.u32 s11;
	s11 =	rddreg [dreg:$0xa]  }
0x21: {  	[tilespmem:s3], [sflag:$0x5] =	stream.linear.gather [hbm4b:s11+s3], $0x400, $0x38;
	[tilespmem:$0x1C400] =	vst v63  }
0x22: {  	_ =	swait.ge [sflag:s13], $0x400  }
0x23: {  	[sflag:s13] =	ssyncset.done $0x0  }
0x24: {  	s5 =	smov.u32 s10;
	s10 =	rddreg [dreg:$0x9];
	[sflag:s13] =	ssyncadd.s32 $0xFFFFFC00  }
0x25: {  	[tilespmem:s14], [sflag:$0x5] =	stream.linear.gather [hbm4b:s10+s3], $0x400, $0x38;
	[tilespmem:$0x1C400] =	vst v63  }
0x26: {  	_ =	swait.ge [sflag:s13], $0x400  }
0x27: {  	[sflag:s13] =	ssyncset.done $0x0  }
0x28: {  	[sflag:s13] =	ssyncadd.s32 $0xFFFFFC00  }
0x29: {  	[tilespmem:s16], [sflag:$0x1] =	stream.indirect.gather [hbm4b:s4+s15], $0x80, s3, s15, $0xb8;
	[tilespmem:$0x1C400] =	vst v63  }
0x2a: {  	_ =	swait.ge [sflag:s17], $0x4000  }
0x2b: {  	[sflag:s17] =	ssyncset.done $0x0  }
0x2c: {  	[sflag:s17] =	ssyncadd.s32 $0xFFFFC000  }
0x2d: {  	[spmem:s2] =	stream.indirect.scatter.add.f32 [tilespmem:s16], [sflag:$0x3], $0x80, s14, s15, $0xb8;
	[tilespmem:$0x1C400] =	vst v63  }
0x2e: {  	_ = 	snop  }
0x2f: {  	[tilespmem:s18], [sflag:$0x2] =	stream.indirect.gather [hbm4b:s4+s15], $0x80, s15, s15, $0xb8;
	[tilespmem:$0x1C400] =	vst v63  }
0x30: {  	_ =	swait.ge [sflag:s19], $0x4000  }
0x31: {  	[sflag:s19] =	ssyncset.done $0x0  }
0x32: {  	s12 =	rddreg [dreg:$0x4];
	[sflag:s19] =	ssyncadd.s32 $0xFFFFC000  }
0x33: {  	[spmem:s2] =	stream.indirect.scatter.add.f32 [tilespmem:s18], [sflag:$0x4], $0x80, s12, s15, $0xb8;
	[tilespmem:$0x1C400] =	vst v63  }
0x34: {  	_ =	swait.ge [sflag:s20], $0x4000  }
0x35: {  	[sflag:s20] =	ssyncset.done $0x0  }
0x36: {  	[sflag:s20] =	ssyncadd.s32 $0xFFFFC000  }
0x37: {  	[tilespmem:s16], [sflag:$0x1] =	stream.indirect.gather [hbm4b:s4+s15], $0x80, s21, s15, $0xb8;
	[tilespmem:$0x1C400] =	vst v63  }
0x38: {  	_ =	swait.ge [sflag:s17], $0x4000  }
0x39: {  	[sflag:s17] =	ssyncset.done $0x0  }
0x3a: {  	[sflag:s17] =	ssyncadd.s32 $0xFFFFC000  }
0x3b: {  	[spmem:s2] =	stream.indirect.scatter.add.f32 [tilespmem:s16], [sflag:$0x3], $0x80, s22, s15, $0xb8;
	[tilespmem:$0x1C400] =	vst v63  }
0x3c: {  	_ =	swait.ge [sflag:s23], $0x4000  }
0x3d: {  	[sflag:s23] =	ssyncset.done $0x0  }
0x3e: {  	[sflag:s23] =	ssyncadd.s32 $0xFFFFC000  }
0x3f: {  	[tilespmem:s18], [sflag:$0x2] =	stream.indirect.gather [hbm4b:s4+s15], $0x80, s24, s15, $0xb8;
	[tilespmem:$0x1C400] =	vst v63  }
0x40: {  	_ =	swait.ge [sflag:s19], $0x4000  }
0x41: {  	[sflag:s19] =	ssyncset.done $0x0  }
0x42: {  	[sflag:s19] =	ssyncadd.s32 $0xFFFFC000  }
0x43: {  	[spmem:s2] =	stream.indirect.scatter.add.f32 [tilespmem:s18], [sflag:$0x4], $0x80, s25, s15, $0xb8;
	[tilespmem:$0x1C400] =	vst v63  }
0x44: {  	_ =	swait.ge [sflag:s20], $0x4000  }
0x45: {  	[sflag:s20] =	ssyncset.done $0x0  }
0x46: {  	[sflag:s20] =	ssyncadd.s32 $0xFFFFC000  }
0x47: {  	[tilespmem:s16], [sflag:$0x1] =	stream.indirect.gather [hbm4b:s4+s15], $0x80, s26, s15, $0xb8;
	[tilespmem:$0x1C400] =	vst v63  }
0x48: {  	_ =	swait.ge [sflag:s17], $0x4000  }
0x49: {  	[sflag:s17] =	ssyncset.done $0x0  }
0x4a: {  	[sflag:s17] =	ssyncadd.s32 $0xFFFFC000  }
0x4b: {  	[spmem:s2] =	stream.indirect.scatter.add.f32 [tilespmem:s16], [sflag:$0x3], $0x80, s28, s15, $0xb8;
	[tilespmem:$0x1C400] =	vst v63  }
0x4c: {  	_ =	swait.ge [sflag:s23], $0x4000  }
0x4d: {  	[sflag:s23] =	ssyncset.done $0x0  }
0x4e: {  	[sflag:s23] =	ssyncadd.s32 $0xFFFFC000  }
0x4f: {  	[tilespmem:s18], [sflag:$0x2] =	stream.indirect.gather [hbm4b:s4+s15], $0x80, s29, s15, $0xb8;
	[tilespmem:$0x1C400] =	vst v63  }
0x50: {  	_ =	swait.ge [sflag:s19], $0x4000  }
0x51: {  	[sflag:s19] =	ssyncset.done $0x0  }
0x52: {  	[sflag:s19] =	ssyncadd.s32 $0xFFFFC000  }
0x53: {  	[spmem:s2] =	stream.indirect.scatter.add.f32 [tilespmem:s18], [sflag:$0x4], $0x80, s30, s15, $0xb8;
	[tilespmem:$0x1C400] =	vst v63  }
0x54: {  	_ =	swait.ge [sflag:s20], $0x4000  }
0x55: {  	[sflag:s20] =	ssyncset.done $0x0  }
0x56: {  	[sflag:s20] =	ssyncadd.s32 $0xFFFFC000  }
0x57: {  	[tilespmem:s16], [sflag:$0x1] =	stream.indirect.gather [hbm4b:s4+s15], $0x80, s31, s15, $0xb8;
	[tilespmem:$0x1C400] =	vst v63  }
0x58: {  	_ =	swait.ge [sflag:s17], $0x4000  }
0x59: {  	[sflag:s17] =	ssyncset.done $0x0  }
0x5a: {  	[sflag:s17] =	ssyncadd.s32 $0xFFFFC000  }
0x5b: {  	[spmem:s2] =	stream.indirect.scatter.add.f32 [tilespmem:s16], [sflag:$0x3], $0x80, s0, s15, $0xb8;
	[tilespmem:$0x1C400] =	vst v63  }
0x5c: {  	_ =	swait.ge [sflag:s23], $0x4000  }
0x5d: {  	[sflag:s23] =	ssyncset.done $0x0  }
0x5e: {  	[sflag:s23] =	ssyncadd.s32 $0xFFFFC000  }
0x5f: {  	[tilespmem:s18], [sflag:$0x2] =	stream.indirect.gather [hbm4b:s4+s15], $0x80, s1, s15, $0xb8;
	[tilespmem:$0x1C400] =	vst v63  }
0x60: {  	_ =	swait.ge [sflag:s19], $0x4000  }
0x61: {  	[sflag:s19] =	ssyncset.done $0x0  }
0x62: {  	[sflag:s19] =	ssyncadd.s32 $0xFFFFC000  }
0x63: {  	[spmem:s2] =	stream.indirect.scatter.add.f32 [tilespmem:s18], [sflag:$0x4], $0x80, s6, s15, $0xb8;
	[tilespmem:$0x1C400] =	vst v63  }
0x64: {  	_ =	swait.ge [sflag:s20], $0x4000  }
0x65: {  	s12 =	rddreg [dreg:$0x5]  }
0x66: {  	p0 =	sne.s32 s12, $0x1  }
.Ltmp0:
0x67: {  	_ = 	snop;
	(pc) =	sbr.rel @!p0 .LBB2_3-.Ltmp0, $4  }
0x68: {  	[sflag:s20] =	ssyncset.done $0x0  }
0x69: {  	[sflag:s20] =	ssyncadd.s32 $0xFFFFC000  }
0x6a: {  	_ =	swait.ge [sflag:s23], $0x4000  }
0x6b: {  	s9 =	sadd.s32 $0xFFFFFFFF, s12;
	[sflag:s23] =	ssyncset.done $0x0  }
.LBB2_2:
0x6c: {  	[sflag:s23] =	ssyncadd.s32 $0xFFFFC000;
	s11 =	sadd.s32 $0x80, s11  }
0x6d: {  	[tilespmem:s3], [sflag:$0x5] =	stream.linear.gather [hbm4b:s11+s3], $0x400, $0x38;
	[tilespmem:$0x1C400] =	vst v63  }
0x6e: {  	_ =	swait.ge [sflag:s13], $0x400  }
0x6f: {  	[sflag:s13] =	ssyncset.done $0x0  }
0x70: {  	s10 =	sadd.s32 $0x80, s10;
	[sflag:s13] =	ssyncadd.s32 $0xFFFFFC00  }
0x71: {  	[tilespmem:s14], [sflag:$0x5] =	stream.linear.gather [hbm4b:s10+s3], $0x400, $0x38;
	[tilespmem:$0x1C400] =	vst v63  }
0x72: {  	_ =	swait.ge [sflag:s13], $0x400  }
0x73: {  	[sflag:s13] =	ssyncset.done $0x0  }
0x74: {  	[sflag:s13] =	ssyncadd.s32 $0xFFFFFC00  }
0x75: {  	[tilespmem:s16], [sflag:$0x1] =	stream.indirect.gather [hbm4b:s4+s15], $0x80, s3, s15, $0xb8;
	[tilespmem:$0x1C400] =	vst v63  }
0x76: {  	_ =	swait.ge [sflag:s17], $0x4000  }
0x77: {  	[sflag:s17] =	ssyncset.done $0x0  }
0x78: {  	[sflag:s17] =	ssyncadd.s32 $0xFFFFC000  }
0x79: {  	[spmem:s2] =	stream.indirect.scatter.add.f32 [tilespmem:s16], [sflag:$0x3], $0x80, s14, s15, $0xb8;
	[tilespmem:$0x1C400] =	vst v63  }
0x7a: {  	_ = 	snop  }
0x7b: {  	[tilespmem:s18], [sflag:$0x2] =	stream.indirect.gather [hbm4b:s4+s15], $0x80, s15, s15, $0xb8;
	[tilespmem:$0x1C400] =	vst v63  }
0x7c: {  	_ =	swait.ge [sflag:s19], $0x4000  }
0x7d: {  	[sflag:s19] =	ssyncset.done $0x0  }
0x7e: {  	s12 =	rddreg [dreg:$0x4];
	[sflag:s19] =	ssyncadd.s32 $0xFFFFC000  }
0x7f: {  	[spmem:s2] =	stream.indirect.scatter.add.f32 [tilespmem:s18], [sflag:$0x4], $0x80, s12, s15, $0xb8;
	[tilespmem:$0x1C400] =	vst v63  }
0x80: {  	_ =	swait.ge [sflag:s20], $0x4000  }
0x81: {  	[sflag:s20] =	ssyncset.done $0x0  }
0x82: {  	[sflag:s20] =	ssyncadd.s32 $0xFFFFC000  }
0x83: {  	[tilespmem:s16], [sflag:$0x1] =	stream.indirect.gather [hbm4b:s4+s15], $0x80, s21, s15, $0xb8;
	[tilespmem:$0x1C400] =	vst v63  }
0x84: {  	_ =	swait.ge [sflag:s17], $0x4000  }
0x85: {  	[sflag:s17] =	ssyncset.done $0x0  }
0x86: {  	[sflag:s17] =	ssyncadd.s32 $0xFFFFC000  }
0x87: {  	[spmem:s2] =	stream.indirect.scatter.add.f32 [tilespmem:s16], [sflag:$0x3], $0x80, s22, s15, $0xb8;
	[tilespmem:$0x1C400] =	vst v63  }
0x88: {  	_ =	swait.ge [sflag:s23], $0x4000  }
0x89: {  	[sflag:s23] =	ssyncset.done $0x0  }
0x8a: {  	[sflag:s23] =	ssyncadd.s32 $0xFFFFC000  }
0x8b: {  	[tilespmem:s18], [sflag:$0x2] =	stream.indirect.gather [hbm4b:s4+s15], $0x80, s24, s15, $0xb8;
	[tilespmem:$0x1C400] =	vst v63  }
0x8c: {  	_ =	swait.ge [sflag:s19], $0x4000  }
0x8d: {  	[sflag:s19] =	ssyncset.done $0x0  }
0x8e: {  	[sflag:s19] =	ssyncadd.s32 $0xFFFFC000  }
0x8f: {  	[spmem:s2] =	stream.indirect.scatter.add.f32 [tilespmem:s18], [sflag:$0x4], $0x80, s25, s15, $0xb8;
	[tilespmem:$0x1C400] =	vst v63  }
0x90: {  	_ =	swait.ge [sflag:s20], $0x4000  }
0x91: {  	[sflag:s20] =	ssyncset.done $0x0  }
0x92: {  	[sflag:s20] =	ssyncadd.s32 $0xFFFFC000  }
0x93: {  	[tilespmem:s16], [sflag:$0x1] =	stream.indirect.gather [hbm4b:s4+s15], $0x80, s26, s15, $0xb8;
	[tilespmem:$0x1C400] =	vst v63  }
0x94: {  	_ =	swait.ge [sflag:s17], $0x4000  }
0x95: {  	[sflag:s17] =	ssyncset.done $0x0  }
0x96: {  	[sflag:s17] =	ssyncadd.s32 $0xFFFFC000  }
0x97: {  	[spmem:s2] =	stream.indirect.scatter.add.f32 [tilespmem:s16], [sflag:$0x3], $0x80, s28, s15, $0xb8;
	[tilespmem:$0x1C400] =	vst v63  }
0x98: {  	_ =	swait.ge [sflag:s23], $0x4000  }
0x99: {  	[sflag:s23] =	ssyncset.done $0x0  }
0x9a: {  	[sflag:s23] =	ssyncadd.s32 $0xFFFFC000  }
0x9b: {  	[tilespmem:s18], [sflag:$0x2] =	stream.indirect.gather [hbm4b:s4+s15], $0x80, s29, s15, $0xb8;
	[tilespmem:$0x1C400] =	vst v63  }
0x9c: {  	_ =	swait.ge [sflag:s19], $0x4000  }
0x9d: {  	[sflag:s19] =	ssyncset.done $0x0  }
0x9e: {  	[sflag:s19] =	ssyncadd.s32 $0xFFFFC000  }
0x9f: {  	[spmem:s2] =	stream.indirect.scatter.add.f32 [tilespmem:s18], [sflag:$0x4], $0x80, s30, s15, $0xb8;
	[tilespmem:$0x1C400] =	vst v63  }
0xa0: {  	_ =	swait.ge [sflag:s20], $0x4000  }
0xa1: {  	[sflag:s20] =	ssyncset.done $0x0  }
0xa2: {  	[sflag:s20] =	ssyncadd.s32 $0xFFFFC000  }
0xa3: {  	[tilespmem:s16], [sflag:$0x1] =	stream.indirect.gather [hbm4b:s4+s15], $0x80, s31, s15, $0xb8;
	[tilespmem:$0x1C400] =	vst v63  }
0xa4: {  	_ =	swait.ge [sflag:s17], $0x4000  }
0xa5: {  	[sflag:s17] =	ssyncset.done $0x0  }
0xa6: {  	[sflag:s17] =	ssyncadd.s32 $0xFFFFC000  }
0xa7: {  	[spmem:s2] =	stream.indirect.scatter.add.f32 [tilespmem:s16], [sflag:$0x3], $0x80, s0, s15, $0xb8;
	[tilespmem:$0x1C400] =	vst v63  }
0xa8: {  	_ =	swait.ge [sflag:s23], $0x4000  }
0xa9: {  	[sflag:s23] =	ssyncset.done $0x0  }
0xaa: {  	[sflag:s23] =	ssyncadd.s32 $0xFFFFC000  }
0xab: {  	[tilespmem:s18], [sflag:$0x2] =	stream.indirect.gather [hbm4b:s4+s15], $0x80, s1, s15, $0xb8;
	[tilespmem:$0x1C400] =	vst v63  }
0xac: {  	_ =	swait.ge [sflag:s19], $0x4000  }
0xad: {  	[sflag:s19] =	ssyncset.done $0x0  }
0xae: {  	p0 =	sne.s32 s9, $0x1;
	[sflag:s19] =	ssyncadd.s32 $0xFFFFC000  }
0xaf: {  	[spmem:s2] =	stream.indirect.scatter.add.f32 [tilespmem:s18], [sflag:$0x4], $0x80, s6, s15, $0xb8;
	[tilespmem:$0x1C400] =	vst v63  }
.Ltmp1:
0xb0: {  	_ =	swait.ge [sflag:s20], $0x4000;
	(pc) =	sbr.rel @p0 .LBB2_2-.Ltmp1, $4  }
0xb1: {  	[sflag:s20] =	ssyncset.done $0x0  }
0xb2: {  	[sflag:s20] =	ssyncadd.s32 $0xFFFFC000  }
0xb3: {  	_ =	swait.ge [sflag:s23], $0x4000  }
0xb4: {  	s9 =	sadd.s32 $0xFFFFFFFF, s9;
	[sflag:s23] =	ssyncset.done $0x0  }
.LBB2_3:
0xb5: {  	[sflag:s23] =	ssyncadd.s32 $0xFFFFC000  }
0xb6: {  	[bflag:$0x0] =	sbarrier.arrive $0xFFFF  }
0xb7: {  	s11 =	smov.u32 s7;
	s9 =	rddreg [dreg:$0x7]  }
0xb8: {  	[hbm:s9], [sflag:s11] =	dma.local [spmem:s5], $0x2780  }
0xb9: {  	_ =	swait.ge [sflag:s13], $0x2780  }
0xba: {  	s8 =	sadd.s32 $0x1, s8;
	s12 =	rddreg [dreg:$0x8]  }
0xbb: {  	p0 =	sne.s32 s8, s12  }
.Ltmp2:
0xbc: {  	_ = 	snop;
	(pc) =	sbr.rel @p0 .LBB2_1-.Ltmp2, $3  }
0xbd: {  	_ =	sdelay $0x1  }
0xbe: {  	[sflag:s13] =	ssyncset.done $0x0  }
0xbf: {  	s10 =	smov.u32 s5;
	[sflag:s13] =	ssyncadd.s32 $0xFFFFD880  }
0xc0: {  	_ =	sfence.sel $0x180000  }
0xc1: {  	[bflag:$0x0] =	sbarrier.arrive $0xFFFF  }
0xc2: {  	_ =	strace $0x9000004D  }
0xc3: {  	s0 =	stileid.u32;
	[bflag:$0x2] =	sbarrier.arrive $0xFFFF  }
0xc4: {  	p0 =	sne.s32 s0, $0x0;
	s0 =	rddreg [dreg:$0x3]  }
0xc5: {  	s0 =	sadd.s32 @!p0 $0x100000, s0  }
0xc6: {  	[sflag:s0] =	ssyncadd.tile.s32 @!p0 $0x1;
	_ =	shalt  }
.Lfunc_end2:
_tile_overlayer_lowered:
.L_overlay_start_2:
0xc7: {  	(tag) =	ssettag $0x2  }
0xc8: {  	s0 =	rddreg [dreg:$0x0];
	s2 =	stileid.u32  }
0xc9: {  	s1 =	rddreg [dreg:$0x1];
	p0 =	sne.s32 s2, $0x0  }
0xca: {  	s3 =	rddreg [dreg:$0x2];
	[bflag:$0x3] =	sbarrier.arrive $0xFFFF;
	s2 =	simm.s32 @!p0 $0x1C05  }
0xcb: {  	[timem:s3], [sflag:s2] =	dma.local @!p0 [hbm:s0], s1  }
0xcc: {  	s0 =	simm.s32 @!p0 $0x5  }
0xcd: {  	_ =	swait.ge @!p0 [sflag:s0], s1  }
0xce: {  	s1 =	ssub.s32 @!p0 $0x0, s1;
	[sflag:s0] =	ssyncset.done @!p0 $0x0  }
0xcf: {  	[sflag:s0] =	ssyncadd.s32 @!p0 s1  }
0xd0: {  	[bflag:$0x3] =	sbarrier.arrive $0xFFFF  }
0xd1: {  	_ =	shalt  }

// kernel: kernel.19.cloned.1.call-start
scs
__scs_entry_jumppad:
0x0: {  	(pc) =	sbr.rel $0x88, $3  }
0x1: {  	(tag) =	ssettag $0x0;
	lr =	simm.s32 $0x1  }
0x2: {  	[smem:$0x3F99] =	sst lr;
	_ =	strace $0xD0000000  }
0x3: {  	_ = 	snop  }
0x4: {  	_ = 	snop  }
0x5: {  	_ = 	snop  }
0x6: {  	_ = 	snop  }
0x7: {  	_ = 	snop  }
__scs_overlays_trampoline_lowered:
0x8: {  	[smem:$0x3FA8] =	sst s0  }
0x9: {  	[smem:$0x3FA9] =	sst s1  }
0xa: {  	[smem:$0x3FAA] =	sst s2  }
0xb: {  	[smem:$0x3FAB] =	sst s3  }
0xc: {  	[smem:$0x3FAC] =	sst s4  }
0xd: {  	[smem:$0x3FAD] =	sst s5  }
0xe: {  	[smem:$0x3FAE] =	sst s6  }
0xf: {  	[smem:$0x3FAF] =	sst s7  }
0x10: {  	[smem:$0x3FB0] =	sst s8  }
0x11: {  	[smem:$0x3FB1] =	sst s9;
	s0 =	simm.s32 @!p0 $0x0  }
0x12: {  	s1 =	sld [smem:$0x3F97];
	s0 =	simm.s32 @p0 $0x1  }
0x13: {  	[smem:$0x3FB2] =	sst s0;
	s0 =	simm.s32 @!p1 $0x0  }
0x14: {  	s2 =	sld [smem:$0x3F96];
	s0 =	simm.s32 @p1 $0x1  }
0x15: {  	[smem:$0x3FB3] =	sst s0;
	s0 =	simm.s32 @!p2 $0x0  }
0x16: {  	s3 =	sld [smem:$0x3FDB];
	s0 =	simm.s32 @p2 $0x1  }
0x17: {  	s4 =	simm.s32 $0x1BF5;
	[smem:$0x3FB5] =	sst s0  }
0x18: {  	s0 =	sld [smem:$0x3F98];
	_ =	swait.ge [sflag:s4], $0x0  }
0x19: {  	s7 =	sld [smem:$0x3F99]  }
0x1a: {  	s8 =	sadd.s32 $0xFFFFE003, lr  }
0x1b: {  	s9 =	sadd.s32 $0xFFFFFEF7, lr;
	s5 =	simm.s32 $0xFFFFFFFF;
	p2 =	slt.u32 s8, $0xFFFFF086  }
0x1c: {  	p1 =	slt.u32 s9, $0xF7A;
	s5 =	simm.s32 @!p2 $0x0  }
0x1d: {  	s5 =	simm.s32 @p1 $0x1;
	p0 =	seq.s32 s7, s2  }
0x1e: {  	s7 =	smul.u32 @!p0 $0xF7A, s2;
	p2 =	seq.s32 @!p0 s5, $0x0  }
0x1f: {  	s9 =	smul.u32 $0xF7A, s1;
	s8 =	simm.s32 @!p0 $0x1BF5;
	p2 =	por !p2, p0  }
0x20: {  	[sflag:s8] =	ssyncset.s32 @!p0 $0xFFFFF086;
	s6 =	sadd.s32 @!p0 s3, s7;
	s7 =	simm.s32 @!p0 $0x108  }
0x21: {  	s3 =	sadd.s32 s3, s9;
	s6 =	sadd.s32 @!p0 $0x88, s6;
	s7 =	simm.s32 @p2 $0x1082  }
0x22: {  	[simem:s7], [sflag:s8] =	dma.local @!p0 [hbm:s6], $0xF7A  }
0x23: {  	s9 =	sor.u32 $0xD0000000, s2;
	s6 =	simm.s32 $0x108;
	_ =	swait.ge @!p0 [sflag:s8], $0x0  }
0x24: {  	s3 =	sadd.s32 $0x88, s3;
	s6 =	simm.s32 @!p1 $0x1082;
	[sflag:s4] =	ssyncset.s32 $0xFFFFF086  }
0x25: {  	[simem:s6], [sflag:s4] =	dma.local [hbm:s3], $0xF7A  }
0x26: {  	[smem:$0x3F99] =	sst s1;
	(tag) =	ssettag s2;
	_ =	strace s9  }
0x27: {  	s1 =	sld [smem:$0x3FA9]  }
0x28: {  	s2 =	sld [smem:$0x3FAA]  }
0x29: {  	s4 =	sld [smem:$0x3FAC]  }
0x2a: {  	p0 =	seq.s32 s5, $0x0;
	s5 =	sld [smem:$0x3FAD]  }
0x2b: {  	s6 =	sld [smem:$0x3FAE]  }
0x2c: {  	s7 =	sld [smem:$0x3FAF]  }
0x2d: {  	s3 =	simm.s32 $0x108;
	s8 =	sld [smem:$0x3FB0]  }
0x2e: {  	s3 =	simm.s32 @!p0 $0x1082;
	s9 =	sld [smem:$0x3FB1]  }
0x2f: {  	lr =	sadd.s32 s0, s3;
	s0 =	sld [smem:$0x3FA8]  }
0x30: {  	s3 =	sld [smem:$0x3FAB]  }
0x31: {  	[smem:$0x3FB4] =	sst s10  }
0x32: {  	s10 =	sld [smem:$0x3FB2];
	_ =	sdelay $0x3  }
0x33: {  	p0 =	seq.s32 s10, $0x1;
	s10 =	sld [smem:$0x3FB4];
	_ =	sdelay $0x3  }
0x34: {  	[smem:$0x3FB4] =	sst s10  }
0x35: {  	s10 =	sld [smem:$0x3FB3];
	_ =	sdelay $0x3  }
0x36: {  	p1 =	seq.s32 s10, $0x1;
	s10 =	sld [smem:$0x3FB4];
	_ =	sdelay $0x3  }
0x37: {  	[smem:$0x3FB4] =	sst s10  }
0x38: {  	s10 =	sld [smem:$0x3FB5]  }
0x39: {  	_ = 	snop;
	(pc) =	sbr.ind lr, $3  }
0x3a: {  	_ = 	snop  }
0x3b: {  	_ = 	snop  }
0x3c: {  	p2 =	seq.s32 s10, $0x1;
	s10 =	sld [smem:$0x3FB4]  }
0x3d: {  	_ =	shalt  }
0x3e: {  	_ =	shalt  }
0x3f: {  	_ =	shalt  }
0x40: {  	_ =	shalt  }
0x41: {  	_ =	shalt  }
0x42: {  	_ =	shalt  }
0x43: {  	_ =	shalt  }
0x44: {  	_ =	shalt  }
0x45: {  	_ =	shalt  }
0x46: {  	_ =	shalt  }
0x47: {  	_ =	shalt  }
0x48: {  	_ =	shalt  }
0x49: {  	_ =	shalt  }
0x4a: {  	_ =	shalt  }
0x4b: {  	_ =	shalt  }
0x4c: {  	_ =	shalt  }
0x4d: {  	_ =	shalt  }
0x4e: {  	_ =	shalt  }
0x4f: {  	_ =	shalt  }
0x50: {  	_ =	shalt  }
0x51: {  	_ =	shalt  }
0x52: {  	_ =	shalt  }
0x53: {  	_ =	shalt  }
0x54: {  	_ =	shalt  }
0x55: {  	_ =	shalt  }
0x56: {  	_ =	shalt  }
0x57: {  	_ =	shalt  }
0x58: {  	_ =	shalt  }
0x59: {  	_ =	shalt  }
0x5a: {  	_ =	shalt  }
0x5b: {  	_ =	shalt  }
0x5c: {  	_ =	shalt  }
0x5d: {  	_ =	shalt  }
0x5e: {  	_ =	shalt  }
0x5f: {  	_ =	shalt  }
0x60: {  	_ =	shalt  }
0x61: {  	_ =	shalt  }
0x62: {  	_ =	shalt  }
0x63: {  	_ =	shalt  }
0x64: {  	_ =	shalt  }
0x65: {  	_ =	shalt  }
0x66: {  	_ =	shalt  }
0x67: {  	_ =	shalt  }
0x68: {  	_ =	shalt  }
0x69: {  	_ =	shalt  }
0x6a: {  	_ =	shalt  }
0x6b: {  	_ =	shalt  }
0x6c: {  	_ =	shalt  }
0x6d: {  	_ =	shalt  }
0x6e: {  	_ =	shalt  }
0x6f: {  	_ =	shalt  }
0x70: {  	_ =	shalt  }
0x71: {  	_ =	shalt  }
0x72: {  	_ =	shalt  }
0x73: {  	_ =	shalt  }
0x74: {  	_ =	shalt  }
0x75: {  	_ =	shalt  }
0x76: {  	_ =	shalt  }
0x77: {  	_ =	shalt  }
0x78: {  	_ =	shalt  }
0x79: {  	_ =	shalt  }
0x7a: {  	_ =	shalt  }
0x7b: {  	_ =	shalt  }
0x7c: {  	_ =	shalt  }
0x7d: {  	_ =	shalt  }
0x7e: {  	_ =	shalt  }
0x7f: {  	_ =	shalt  }
0x80: {  	_ =	shalt  }
0x81: {  	_ =	shalt  }
0x82: {  	_ =	shalt  }
0x83: {  	_ =	shalt  }
0x84: {  	_ =	shalt  }
0x85: {  	_ =	shalt  }
0x86: {  	_ =	shalt  }
0x87: {  	_ =	shalt  }
.Lfunc_end0:
.L_simem_size_0:
called_computation.3_lowered:
.L_overlay_start_0:
0x88: {  	s2 =	sld [smem:$0x3FD9]  }
0x89: {  	s3 =	sld [smem:$0x3FFE];
	_ =	sdelay $0x1  }
0x8a: {  	s1 =	srdreg.scid  }
0x8b: {  	s0 =	sand.u32 $0x1, s1  }
0x8c: {  	s17 =	sshll.u32 s0, $0xA;
	s2 =	sadd.s32 s3, s2  }
0x8d: {  	s2 =	sadd.s32 s2, s17  }
0x8e: {  	[smem:$0x3FC0] =	sst s2  }
0x8f: {  	_ = 	snop  }
0x90: {  	s2 =	sld [smem:$0x3FD0];
	(tm) =	ssettm $0x1  }
0x91: {  	s18 =	sld [smem:$0x3FFB];
	_ =	sdelay $0x3  }
0x92: {  	_ =	strace s18  }
0x93: {  	s3 =	sld [smem:$0x3FFC];
	_ =	sdelay $0x3  }
0x94: {  	_ =	strace s3  }
0x95: {  	s3 =	sld [smem:$0x3FFD];
	_ =	sdelay $0x3  }
0x96: {  	_ =	strace s3  }
0x97: {  	_ =	strace $0x8FFFFFFF  }
0x98: {  	s19 =	sld [smem:$0x3FDB];
	_ =	sdelay $0x1  }
0x99: {  	s4 =	simm.s32 $_scs_section_size  }
0x9a: {  	s5 =	simm.s32 $_size__tile_overlayer_lowered;
	s6 =	simm.s32 $_tile_overlayer_lowered  }
0x9b: {  	s22 =	simm.s32 $0x1BFF;
	s21 =	sshll.u32 s6, $0x1;
	s3 =	sadd.s32 s4, s19  }
0x9c: {  	s7 =	simm.s32 $0x0;
	s20 =	sshll.u32 s5, $0x1;
	s5 =	sadd.s32 s21, s3  }
0x9d: {  	[timem:s7], [sflag:s22] =	dma.local [hbm:s5], s20  }
0x9e: {  	_ =	swait.ge [sflag:s22], s20  }
0x9f: {  	s4 =	ssub.s32 $0x0, s20;
	[sflag:s22] =	ssyncset.done $0x0  }
0xa0: {  	[sflag:s22] =	ssyncadd.s32 s4;
	_ =	sdelay $0x1  }
0xa1: {  	s23 =	simm.s32 $0x1B8B  }
0xa2: {  	_ =	swait.ge [sflag:s23], $0x1  }
0xa3: {  	[sflag:s23] =	ssyncset.done $0x0  }
0xa4: {  	s25 =	simm.s32 $0x1B8E;
	s24 =	sld [smem:$0x3FFE];
	[sflag:s23] =	ssyncadd.s32 $0xFFFFFFFF  }
0xa5: {  	s26 =	simm.s32 $execute0_lowered;
	[smem:$0x3FD2] =	sst s25  }
0xa6: {  	s5 =	sshll.u32 s26, $0x1;
	_ =	strace $0x8000004F;
	[dreg:$0x1] =	wrdreg $0xFFFFFFFF  }
0xa7: {  	s28 =	simm.s32 $_size_execute0_lowered;
	s3 =	sadd.s32 s3, s5;
	[dreg:$0x0] =	wrdreg $0x0  }
0xa8: {  	s5 =	sshll.u32 s28, $0x1;
	[dreg:$0x2] =	wrdreg s3  }
0xa9: {  	[dreg:$0x3] =	wrdreg s5  }
0xaa: {  	[dreg:$0x4] =	wrdreg $0xC0  }
0xab: {  	_ =	task [dreg:s7], $0x5FFFF  }
0xac: {  	[dreg:$0x1] =	wrdreg $0xFFFFFFFF  }
0xad: {  	[dreg:$0x0] =	wrdreg $0x60  }
0xae: {  	[dreg:$0x2] =	wrdreg s24  }
0xaf: {  	[dreg:$0x3] =	wrdreg s2  }
0xb0: {  	[dreg:$0x4] =	wrdreg $0x88000  }
0xb1: {  	[dreg:$0x5] =	wrdreg $0x9  }
0xb2: {  	_ =	task.clear_ibuf [dreg:s7], $0x6FFFF;
	_ =	strace $0x9000004F  }
0xb3: {  	s29 =	simm.s32 $0x9;
	_ =	strace $0x80000051  }
0xb4: {  	_ =	swait.ge [sflag:s29], $0x1  }
0xb5: {  	[sflag:s29] =	ssyncadd.s32 $0xFFFFFFFF  }
0xb6: {  	_ =	strace $0x90000051  }
0xb7: {  	_ =	sfence  }
0xb8: {  	s30 =	sld [smem:$0x0];
	_ =	sdelay $0x2  }
0xb9: {  	s31 =	sshll.u32 s1, $0xD;
	s1 =	sshrl.u32 s1, $0x2  }
0xba: {  	s3 =	sand.u32 $0x4000, s31;
	s1 =	sadd.s32 s1, s30  }
0xbb: {  	s0 =	sor.u32 s3, s0;
	s1 =	sshll.u32 s1, $0x11  }
0xbc: {  	s0 =	sor.u32 s1, s0  }
0xbd: {  	s0 =	sadd.s32 $0x8F2B, s0  }
0xbe: {  	[sflag:s0] =	ssyncadd.remote.s32 $0x1  }
0xbf: {  	_ =	sfence.sel $0xFFFF  }
0xc0: {  	[dreg:$0x0] =	wrdreg $0xFFFFFFFF;
	(pc) =	sbr.abs _section_cstart, $3  }
0xc1: {  	[dreg:$0x1] =	wrdreg $0xFFFFFFFF  }
0xc2: {  	_ =	task.clear_ibuf [dreg:s7], $0x2FFFF;
	_ =	strace $0x9FFFFFFF  }
0xc3: {  	(tm) =	ssettm $0x7FFFFFFF  }
tec
execute0_lowered:
.L_overlay_start_1:
0x0: {  	(tag) =	ssettag $0x1  }
0x1: {  	s0 =	rddreg [dreg:$0x0]  }
0x2: {  	s1 =	rddreg [dreg:$0x1]  }
0x3: {  	s2 =	rddreg [dreg:$0x2];
	s11 =	stileid.u32  }
0x4: {  	s3 =	simm.s32 $0x0;
	s4 =	srdreg.scid;
	s12 =	simm.s32 $0x11  }
0x5: {  	s13 =	simm.s32 $0x5;
	s14 =	simm.s32 $0x400;
	s15 =	simm.s32 $0x80  }
0x6: {  	s16 =	simm.s32 $0x800;
	s17 =	simm.s32 $0x1;
	s26 =	simm.s32 $0x480  }
0x7: {  	s28 =	simm.s32 $0x600;
	s29 =	simm.s32 $0x280;
	s5 =	smul.u32 $0x18, s11  }
0x8: {  	s30 =	simm.s32 $0x680;
	s6 =	sand.u32 $0x1, s4;
	s4 =	smul.u32 $0x88, s11  }
0x9: {  	s31 =	simm.s32 $0x300;
	[smem:$0x7FF] =	sst s3;
	s7 =	smul.u32 $0x13C00, s11  }
0xa: {  	s18 =	smul.u32 $0x4F000, s11;
	s22 =	sshll.u32 s11, $0x6;
	p0 =	seq.s32 s6, $0x0  }
0xb: {  	_ =	strace $0x80000050;
	s8 =	smul.u32 $0x13C000, s6;
	s6 =	ssub.s32 $0x2, s6  }
0xc: {  	s11 =	sor.u32 $0x1C05, s22;
	[dreg:$0x4] =	wrdreg s26;
	s22 =	simm.s32 $0x500  }
0xd: {  	s26 =	simm.s32 $0x200;
	s5 =	sadd.s32 $0x880, s5;
	s9 =	sshrl.u32 s7, $0x3  }
0xe: {  	s19 =	sshrl.u32 s6, $0x1;
	s12 =	simm.s32 @!p0 $0x3;
	s20 =	sshrl.u32 s18, $0x2  }
0xf: {  	s18 =	simm.s32 $0x4800;
	s5 =	smov.u32 @p0 s4;
	s4 =	sadd.s32 $0x83E00, s0  }
0x10: {  	s9 =	sadd.s32 s9, s0;
	s7 =	sadd.s32 s7, s8;
	s6 =	ssub.s32 s6, s19  }
0x11: {  	[dreg:$0x5] =	wrdreg s12;
	s8 =	sadd.s32 s20, s2;
	s19 =	simm.s32 $0x2  }
0x12: {  	s20 =	simm.s32 $0x3;
	s5 =	sshll.u32 s5, $0x4;
	s7 =	sshrl.u32 s7, $0x3  }
0x13: {  	s21 =	sadd.s32 $0xD600, s9;
	s23 =	smax.u32 s6, $0x1;
	s6 =	simm.s32 $0x780  }
0x14: {  	s10 =	sadd.s32 s5, s0;
	s0 =	sadd.s32 s7, s0;
	[dreg:$0x6] =	wrdreg s21  }
0x15: {  	[dreg:$0x8] =	wrdreg s23;
	s24 =	sadd.s32 s5, s1;
	s21 =	simm.s32 $0x100  }
0x16: {  	s23 =	simm.s32 $0x4;
	s1 =	simm.s32 $0x380;
	s0 =	sadd.s32 $0xAB600, s0  }
0x17: {  	[dreg:$0x9] =	wrdreg s24;
	s25 =	sadd.s32 $0x2600, s10;
	s10 =	sshrl.u32 s8, $0x3  }
0x18: {  	s24 =	simm.s32 $0x180;
	s8 =	simm.s32 $0x0;
	[dreg:$0x7] =	wrdreg s0  }
0x19: {  	[dreg:$0xa] =	wrdreg s25;
	s25 =	simm.s32 $0x580;
	s0 =	simm.s32 $0x700  }
.LBB2_1:
0x1a: {  	s9 =	rddreg [dreg:$0x6]  }
0x1b: {  	[spmem:s10], [sflag:s11] =	dma.local [hbm:s9], $0x2780  }
0x1c: {  	_ =	swait.ge [sflag:s13], $0x2780  }
0x1d: {  	[sflag:s13] =	ssyncset.done $0x0  }
0x1e: {  	[sflag:s13] =	ssyncadd.s32 $0xFFFFD880  }
0x1f: {  	[bflag:$0x0] =	sbarrier.arrive $0xFFFF  }
0x20: {  	s7 =	smov.u32 s11;
	s11 =	rddreg [dreg:$0xa]  }
0x21: {  	[tilespmem:s3], [sflag:$0x5] =	stream.linear.gather [hbm4b:s11+s3], $0x400, $0x38;
	[tilespmem:$0x1C400] =	vst v63  }
0x22: {  	_ =	swait.ge [sflag:s13], $0x400  }
0x23: {  	[sflag:s13] =	ssyncset.done $0x0  }
0x24: {  	s5 =	smov.u32 s10;
	s10 =	rddreg [dreg:$0x9];
	[sflag:s13] =	ssyncadd.s32 $0xFFFFFC00  }
0x25: {  	[tilespmem:s14], [sflag:$0x5] =	stream.linear.gather [hbm4b:s10+s3], $0x400, $0x38;
	[tilespmem:$0x1C400] =	vst v63  }
0x26: {  	_ =	swait.ge [sflag:s13], $0x400  }
0x27: {  	[sflag:s13] =	ssyncset.done $0x0  }
0x28: {  	[sflag:s13] =	ssyncadd.s32 $0xFFFFFC00  }
0x29: {  	[tilespmem:s16], [sflag:$0x1] =	stream.indirect.gather [hbm4b:s4+s15], $0x80, s3, s15, $0xb8;
	[tilespmem:$0x1C400] =	vst v63  }
0x2a: {  	_ =	swait.ge [sflag:s17], $0x4000  }
0x2b: {  	[sflag:s17] =	ssyncset.done $0x0  }
0x2c: {  	[sflag:s17] =	ssyncadd.s32 $0xFFFFC000  }
0x2d: {  	[spmem:s2] =	stream.indirect.scatter.add.f32 [tilespmem:s16], [sflag:$0x3], $0x80, s14, s15, $0xb8;
	[tilespmem:$0x1C400] =	vst v63  }
0x2e: {  	_ = 	snop  }
0x2f: {  	[tilespmem:s18], [sflag:$0x2] =	stream.indirect.gather [hbm4b:s4+s15], $0x80, s15, s15, $0xb8;
	[tilespmem:$0x1C400] =	vst v63  }
0x30: {  	_ =	swait.ge [sflag:s19], $0x4000  }
0x31: {  	[sflag:s19] =	ssyncset.done $0x0  }
0x32: {  	s12 =	rddreg [dreg:$0x4];
	[sflag:s19] =	ssyncadd.s32 $0xFFFFC000  }
0x33: {  	[spmem:s2] =	stream.indirect.scatter.add.f32 [tilespmem:s18], [sflag:$0x4], $0x80, s12, s15, $0xb8;
	[tilespmem:$0x1C400] =	vst v63  }
0x34: {  	_ =	swait.ge [sflag:s20], $0x4000  }
0x35: {  	[sflag:s20] =	ssyncset.done $0x0  }
0x36: {  	[sflag:s20] =	ssyncadd.s32 $0xFFFFC000  }
0x37: {  	[tilespmem:s16], [sflag:$0x1] =	stream.indirect.gather [hbm4b:s4+s15], $0x80, s21, s15, $0xb8;
	[tilespmem:$0x1C400] =	vst v63  }
0x38: {  	_ =	swait.ge [sflag:s17], $0x4000  }
0x39: {  	[sflag:s17] =	ssyncset.done $0x0  }
0x3a: {  	[sflag:s17] =	ssyncadd.s32 $0xFFFFC000  }
0x3b: {  	[spmem:s2] =	stream.indirect.scatter.add.f32 [tilespmem:s16], [sflag:$0x3], $0x80, s22, s15, $0xb8;
	[tilespmem:$0x1C400] =	vst v63  }
0x3c: {  	_ =	swait.ge [sflag:s23], $0x4000  }
0x3d: {  	[sflag:s23] =	ssyncset.done $0x0  }
0x3e: {  	[sflag:s23] =	ssyncadd.s32 $0xFFFFC000  }
0x3f: {  	[tilespmem:s18], [sflag:$0x2] =	stream.indirect.gather [hbm4b:s4+s15], $0x80, s24, s15, $0xb8;
	[tilespmem:$0x1C400] =	vst v63  }
0x40: {  	_ =	swait.ge [sflag:s19], $0x4000  }
0x41: {  	[sflag:s19] =	ssyncset.done $0x0  }
0x42: {  	[sflag:s19] =	ssyncadd.s32 $0xFFFFC000  }
0x43: {  	[spmem:s2] =	stream.indirect.scatter.add.f32 [tilespmem:s18], [sflag:$0x4], $0x80, s25, s15, $0xb8;
	[tilespmem:$0x1C400] =	vst v63  }
0x44: {  	_ =	swait.ge [sflag:s20], $0x4000  }
0x45: {  	[sflag:s20] =	ssyncset.done $0x0  }
0x46: {  	[sflag:s20] =	ssyncadd.s32 $0xFFFFC000  }
0x47: {  	[tilespmem:s16], [sflag:$0x1] =	stream.indirect.gather [hbm4b:s4+s15], $0x80, s26, s15, $0xb8;
	[tilespmem:$0x1C400] =	vst v63  }
0x48: {  	_ =	swait.ge [sflag:s17], $0x4000  }
0x49: {  	[sflag:s17] =	ssyncset.done $0x0  }
0x4a: {  	[sflag:s17] =	ssyncadd.s32 $0xFFFFC000  }
0x4b: {  	[spmem:s2] =	stream.indirect.scatter.add.f32 [tilespmem:s16], [sflag:$0x3], $0x80, s28, s15, $0xb8;
	[tilespmem:$0x1C400] =	vst v63  }
0x4c: {  	_ =	swait.ge [sflag:s23], $0x4000  }
0x4d: {  	[sflag:s23] =	ssyncset.done $0x0  }
0x4e: {  	[sflag:s23] =	ssyncadd.s32 $0xFFFFC000  }
0x4f: {  	[tilespmem:s18], [sflag:$0x2] =	stream.indirect.gather [hbm4b:s4+s15], $0x80, s29, s15, $0xb8;
	[tilespmem:$0x1C400] =	vst v63  }
0x50: {  	_ =	swait.ge [sflag:s19], $0x4000  }
0x51: {  	[sflag:s19] =	ssyncset.done $0x0  }
0x52: {  	[sflag:s19] =	ssyncadd.s32 $0xFFFFC000  }
0x53: {  	[spmem:s2] =	stream.indirect.scatter.add.f32 [tilespmem:s18], [sflag:$0x4], $0x80, s30, s15, $0xb8;
	[tilespmem:$0x1C400] =	vst v63  }
0x54: {  	_ =	swait.ge [sflag:s20], $0x4000  }
0x55: {  	[sflag:s20] =	ssyncset.done $0x0  }
0x56: {  	[sflag:s20] =	ssyncadd.s32 $0xFFFFC000  }
0x57: {  	[tilespmem:s16], [sflag:$0x1] =	stream.indirect.gather [hbm4b:s4+s15], $0x80, s31, s15, $0xb8;
	[tilespmem:$0x1C400] =	vst v63  }
0x58: {  	_ =	swait.ge [sflag:s17], $0x4000  }
0x59: {  	[sflag:s17] =	ssyncset.done $0x0  }
0x5a: {  	[sflag:s17] =	ssyncadd.s32 $0xFFFFC000  }
0x5b: {  	[spmem:s2] =	stream.indirect.scatter.add.f32 [tilespmem:s16], [sflag:$0x3], $0x80, s0, s15, $0xb8;
	[tilespmem:$0x1C400] =	vst v63  }
0x5c: {  	_ =	swait.ge [sflag:s23], $0x4000  }
0x5d: {  	[sflag:s23] =	ssyncset.done $0x0  }
0x5e: {  	[sflag:s23] =	ssyncadd.s32 $0xFFFFC000  }
0x5f: {  	[tilespmem:s18], [sflag:$0x2] =	stream.indirect.gather [hbm4b:s4+s15], $0x80, s1, s15, $0xb8;
	[tilespmem:$0x1C400] =	vst v63  }
0x60: {  	_ =	swait.ge [sflag:s19], $0x4000  }
0x61: {  	[sflag:s19] =	ssyncset.done $0x0  }
0x62: {  	[sflag:s19] =	ssyncadd.s32 $0xFFFFC000  }
0x63: {  	[spmem:s2] =	stream.indirect.scatter.add.f32 [tilespmem:s18], [sflag:$0x4], $0x80, s6, s15, $0xb8;
	[tilespmem:$0x1C400] =	vst v63  }
0x64: {  	_ =	swait.ge [sflag:s20], $0x4000  }
0x65: {  	s12 =	rddreg [dreg:$0x5]  }
0x66: {  	p0 =	sne.s32 s12, $0x1  }
.Ltmp0:
0x67: {  	_ = 	snop;
	(pc) =	sbr.rel @!p0 .LBB2_3-.Ltmp0, $4  }
0x68: {  	[sflag:s20] =	ssyncset.done $0x0  }
0x69: {  	[sflag:s20] =	ssyncadd.s32 $0xFFFFC000  }
0x6a: {  	_ =	swait.ge [sflag:s23], $0x4000  }
0x6b: {  	s9 =	sadd.s32 $0xFFFFFFFF, s12;
	[sflag:s23] =	ssyncset.done $0x0  }
.LBB2_2:
0x6c: {  	[sflag:s23] =	ssyncadd.s32 $0xFFFFC000;
	s11 =	sadd.s32 $0x80, s11  }
0x6d: {  	[tilespmem:s3], [sflag:$0x5] =	stream.linear.gather [hbm4b:s11+s3], $0x400, $0x38;
	[tilespmem:$0x1C400] =	vst v63  }
0x6e: {  	_ =	swait.ge [sflag:s13], $0x400  }
0x6f: {  	[sflag:s13] =	ssyncset.done $0x0  }
0x70: {  	s10 =	sadd.s32 $0x80, s10;
	[sflag:s13] =	ssyncadd.s32 $0xFFFFFC00  }
0x71: {  	[tilespmem:s14], [sflag:$0x5] =	stream.linear.gather [hbm4b:s10+s3], $0x400, $0x38;
	[tilespmem:$0x1C400] =	vst v63  }
0x72: {  	_ =	swait.ge [sflag:s13], $0x400  }
0x73: {  	[sflag:s13] =	ssyncset.done $0x0  }
0x74: {  	[sflag:s13] =	ssyncadd.s32 $0xFFFFFC00  }
0x75: {  	[tilespmem:s16], [sflag:$0x1] =	stream.indirect.gather [hbm4b:s4+s15], $0x80, s3, s15, $0xb8;
	[tilespmem:$0x1C400] =	vst v63  }
0x76: {  	_ =	swait.ge [sflag:s17], $0x4000  }
0x77: {  	[sflag:s17] =	ssyncset.done $0x0  }
0x78: {  	[sflag:s17] =	ssyncadd.s32 $0xFFFFC000  }
0x79: {  	[spmem:s2] =	stream.indirect.scatter.add.f32 [tilespmem:s16], [sflag:$0x3], $0x80, s14, s15, $0xb8;
	[tilespmem:$0x1C400] =	vst v63  }
0x7a: {  	_ = 	snop  }
0x7b: {  	[tilespmem:s18], [sflag:$0x2] =	stream.indirect.gather [hbm4b:s4+s15], $0x80, s15, s15, $0xb8;
	[tilespmem:$0x1C400] =	vst v63  }
0x7c: {  	_ =	swait.ge [sflag:s19], $0x4000  }
0x7d: {  	[sflag:s19] =	ssyncset.done $0x0  }
0x7e: {  	s12 =	rddreg [dreg:$0x4];
	[sflag:s19] =	ssyncadd.s32 $0xFFFFC000  }
0x7f: {  	[spmem:s2] =	stream.indirect.scatter.add.f32 [tilespmem:s18], [sflag:$0x4], $0x80, s12, s15, $0xb8;
	[tilespmem:$0x1C400] =	vst v63  }
0x80: {  	_ =	swait.ge [sflag:s20], $0x4000  }
0x81: {  	[sflag:s20] =	ssyncset.done $0x0  }
0x82: {  	[sflag:s20] =	ssyncadd.s32 $0xFFFFC000  }
0x83: {  	[tilespmem:s16], [sflag:$0x1] =	stream.indirect.gather [hbm4b:s4+s15], $0x80, s21, s15, $0xb8;
	[tilespmem:$0x1C400] =	vst v63  }
0x84: {  	_ =	swait.ge [sflag:s17], $0x4000  }
0x85: {  	[sflag:s17] =	ssyncset.done $0x0  }
0x86: {  	[sflag:s17] =	ssyncadd.s32 $0xFFFFC000  }
0x87: {  	[spmem:s2] =	stream.indirect.scatter.add.f32 [tilespmem:s16], [sflag:$0x3], $0x80, s22, s15, $0xb8;
	[tilespmem:$0x1C400] =	vst v63  }
0x88: {  	_ =	swait.ge [sflag:s23], $0x4000  }
0x89: {  	[sflag:s23] =	ssyncset.done $0x0  }
0x8a: {  	[sflag:s23] =	ssyncadd.s32 $0xFFFFC000  }
0x8b: {  	[tilespmem:s18], [sflag:$0x2] =	stream.indirect.gather [hbm4b:s4+s15], $0x80, s24, s15, $0xb8;
	[tilespmem:$0x1C400] =	vst v63  }
0x8c: {  	_ =	swait.ge [sflag:s19], $0x4000  }
0x8d: {  	[sflag:s19] =	ssyncset.done $0x0  }
0x8e: {  	[sflag:s19] =	ssyncadd.s32 $0xFFFFC000  }
0x8f: {  	[spmem:s2] =	stream.indirect.scatter.add.f32 [tilespmem:s18], [sflag:$0x4], $0x80, s25, s15, $0xb8;
	[tilespmem:$0x1C400] =	vst v63  }
0x90: {  	_ =	swait.ge [sflag:s20], $0x4000  }
0x91: {  	[sflag:s20] =	ssyncset.done $0x0  }
0x92: {  	[sflag:s20] =	ssyncadd.s32 $0xFFFFC000  }
0x93: {  	[tilespmem:s16], [sflag:$0x1] =	stream.indirect.gather [hbm4b:s4+s15], $0x80, s26, s15, $0xb8;
	[tilespmem:$0x1C400] =	vst v63  }
0x94: {  	_ =	swait.ge [sflag:s17], $0x4000  }
0x95: {  	[sflag:s17] =	ssyncset.done $0x0  }
0x96: {  	[sflag:s17] =	ssyncadd.s32 $0xFFFFC000  }
0x97: {  	[spmem:s2] =	stream.indirect.scatter.add.f32 [tilespmem:s16], [sflag:$0x3], $0x80, s28, s15, $0xb8;
	[tilespmem:$0x1C400] =	vst v63  }
0x98: {  	_ =	swait.ge [sflag:s23], $0x4000  }
0x99: {  	[sflag:s23] =	ssyncset.done $0x0  }
0x9a: {  	[sflag:s23] =	ssyncadd.s32 $0xFFFFC000  }
0x9b: {  	[tilespmem:s18], [sflag:$0x2] =	stream.indirect.gather [hbm4b:s4+s15], $0x80, s29, s15, $0xb8;
	[tilespmem:$0x1C400] =	vst v63  }
0x9c: {  	_ =	swait.ge [sflag:s19], $0x4000  }
0x9d: {  	[sflag:s19] =	ssyncset.done $0x0  }
0x9e: {  	[sflag:s19] =	ssyncadd.s32 $0xFFFFC000  }
0x9f: {  	[spmem:s2] =	stream.indirect.scatter.add.f32 [tilespmem:s18], [sflag:$0x4], $0x80, s30, s15, $0xb8;
	[tilespmem:$0x1C400] =	vst v63  }
0xa0: {  	_ =	swait.ge [sflag:s20], $0x4000  }
0xa1: {  	[sflag:s20] =	ssyncset.done $0x0  }
0xa2: {  	[sflag:s20] =	ssyncadd.s32 $0xFFFFC000  }
0xa3: {  	[tilespmem:s16], [sflag:$0x1] =	stream.indirect.gather [hbm4b:s4+s15], $0x80, s31, s15, $0xb8;
	[tilespmem:$0x1C400] =	vst v63  }
0xa4: {  	_ =	swait.ge [sflag:s17], $0x4000  }
0xa5: {  	[sflag:s17] =	ssyncset.done $0x0  }
0xa6: {  	[sflag:s17] =	ssyncadd.s32 $0xFFFFC000  }
0xa7: {  	[spmem:s2] =	stream.indirect.scatter.add.f32 [tilespmem:s16], [sflag:$0x3], $0x80, s0, s15, $0xb8;
	[tilespmem:$0x1C400] =	vst v63  }
0xa8: {  	_ =	swait.ge [sflag:s23], $0x4000  }
0xa9: {  	[sflag:s23] =	ssyncset.done $0x0  }
0xaa: {  	[sflag:s23] =	ssyncadd.s32 $0xFFFFC000  }
0xab: {  	[tilespmem:s18], [sflag:$0x2] =	stream.indirect.gather [hbm4b:s4+s15], $0x80, s1, s15, $0xb8;
	[tilespmem:$0x1C400] =	vst v63  }
0xac: {  	_ =	swait.ge [sflag:s19], $0x4000  }
0xad: {  	[sflag:s19] =	ssyncset.done $0x0  }
0xae: {  	p0 =	sne.s32 s9, $0x1;
	[sflag:s19] =	ssyncadd.s32 $0xFFFFC000  }
0xaf: {  	[spmem:s2] =	stream.indirect.scatter.add.f32 [tilespmem:s18], [sflag:$0x4], $0x80, s6, s15, $0xb8;
	[tilespmem:$0x1C400] =	vst v63  }
.Ltmp1:
0xb0: {  	_ =	swait.ge [sflag:s20], $0x4000;
	(pc) =	sbr.rel @p0 .LBB2_2-.Ltmp1, $4  }
0xb1: {  	[sflag:s20] =	ssyncset.done $0x0  }
0xb2: {  	[sflag:s20] =	ssyncadd.s32 $0xFFFFC000  }
0xb3: {  	_ =	swait.ge [sflag:s23], $0x4000  }
0xb4: {  	s9 =	sadd.s32 $0xFFFFFFFF, s9;
	[sflag:s23] =	ssyncset.done $0x0  }
.LBB2_3:
0xb5: {  	[sflag:s23] =	ssyncadd.s32 $0xFFFFC000  }
0xb6: {  	[bflag:$0x0] =	sbarrier.arrive $0xFFFF  }
0xb7: {  	s11 =	smov.u32 s7;
	s9 =	rddreg [dreg:$0x7]  }
0xb8: {  	[hbm:s9], [sflag:s11] =	dma.local [spmem:s5], $0x2780  }
0xb9: {  	_ =	swait.ge [sflag:s13], $0x2780  }
0xba: {  	s8 =	sadd.s32 $0x1, s8;
	s12 =	rddreg [dreg:$0x8]  }
0xbb: {  	p0 =	sne.s32 s8, s12  }
.Ltmp2:
0xbc: {  	_ = 	snop;
	(pc) =	sbr.rel @p0 .LBB2_1-.Ltmp2, $3  }
0xbd: {  	_ =	sdelay $0x1  }
0xbe: {  	[sflag:s13] =	ssyncset.done $0x0  }
0xbf: {  	s10 =	smov.u32 s5;
	[sflag:s13] =	ssyncadd.s32 $0xFFFFD880  }
0xc0: {  	_ =	sfence.sel $0x180000  }
0xc1: {  	[bflag:$0x0] =	sbarrier.arrive $0xFFFF  }
0xc2: {  	_ =	strace $0x90000050  }
0xc3: {  	s0 =	stileid.u32;
	[bflag:$0x2] =	sbarrier.arrive $0xFFFF  }
0xc4: {  	p0 =	sne.s32 s0, $0x0;
	s0 =	rddreg [dreg:$0x3]  }
0xc5: {  	s0 =	sadd.s32 @!p0 $0x100000, s0  }
0xc6: {  	[sflag:s0] =	ssyncadd.tile.s32 @!p0 $0x1;
	_ =	shalt  }
.Lfunc_end2:
_tile_overlayer_lowered:
.L_overlay_start_2:
0xc7: {  	(tag) =	ssettag $0x2  }
0xc8: {  	s0 =	rddreg [dreg:$0x0];
	s2 =	stileid.u32  }
0xc9: {  	s1 =	rddreg [dreg:$0x1];
	p0 =	sne.s32 s2, $0x0  }
0xca: {  	s3 =	rddreg [dreg:$0x2];
	[bflag:$0x3] =	sbarrier.arrive $0xFFFF;
	s2 =	simm.s32 @!p0 $0x1C05  }
0xcb: {  	[timem:s3], [sflag:s2] =	dma.local @!p0 [hbm:s0], s1  }
0xcc: {  	s0 =	simm.s32 @!p0 $0x5  }
0xcd: {  	_ =	swait.ge @!p0 [sflag:s0], s1  }
0xce: {  	s1 =	ssub.s32 @!p0 $0x0, s1;
	[sflag:s0] =	ssyncset.done @!p0 $0x0  }
0xcf: {  	[sflag:s0] =	ssyncadd.s32 @!p0 s1  }
0xd0: {  	[bflag:$0x3] =	sbarrier.arrive $0xFFFF  }
0xd1: {  	_ =	shalt  }

</sc_bundles>
